<compile_context>
chip_gen: v7x
topology: tpu7x:2x2x1
jax: 0.10.2.dev20260603
libtpu: 0.0.44.dev20260713+nightly
codegen_flags: <defaults>
</compile_context>

<pallas_src>
import functools

import jax
import jax.numpy as jnp
from jax import lax
from jax.experimental import pallas as pl
from jax.experimental.pallas import tpu as pltpu
from jax.experimental.pallas import tpu_sc as plsc

_IDXW = 128
_BLK = 512
_SLOT_IDS = 1280
_STAGE = 2560


def _sc_gather(table, idx_n, n_idx, d_sub, c_dim):
    info = plsc.get_sparse_core_info()
    nc = info.num_cores
    nw = nc * info.num_subcores
    per_w = n_idx // nw
    n_stage = per_w // _STAGE
    blk_per_stage = _STAGE // _BLK
    slot_ch = _SLOT_IDS // _IDXW
    outer = per_w // _SLOT_IDS
    assert n_idx % (nw * _BLK) == 0 and per_w % _SLOT_IDS == 0 and outer % 2 == 0
    bb_per_c = _BLK // c_dim

    mesh = plsc.VectorSubcoreMesh(core_axis_name="c", subcore_axis_name="s")

    @functools.partial(
        pl.kernel,
        out_type=jax.ShapeDtypeStruct((n_idx, d_sub), jnp.float32),
        mesh=mesh,
        scratch_types=[
            pltpu.VMEM((_STAGE,), jnp.int32),
            pltpu.VMEM((per_w,), jnp.int32),
            pltpu.VMEM((2, _SLOT_IDS, d_sub), jnp.float32),
            pltpu.SemaphoreType.DMA,
            pltpu.SemaphoreType.DMA,
            pltpu.SemaphoreType.DMA,
            pltpu.SemaphoreType.DMA,
        ],
        compiler_params=pltpu.CompilerParams(
            use_tc_tiling_on_sc=False, needs_layout_passes=False
        ),
    )
    def gather_kernel(
        table_hbm, idx_hbm, out_hbm, idx_v, idx_p, rows_v, g0, g1, o0, o1
    ):
        wid = lax.axis_index("s") * nc + lax.axis_index("c")
        base = wid * per_w

        lanes = lax.iota(jnp.int32, 16)
        tgt0 = lanes * c_dim

        def stage_chunk(ch, carry):
            pltpu.sync_copy(idx_hbm.at[pl.ds(base + ch * _STAGE, _STAGE)], idx_v)
            for kk in range(blk_per_stage):
                for c in range(c_dim):
                    for v in range(bb_per_c // 16):
                        src = lanes + (kk * _BLK + c * bb_per_c + v * 16)
                        vals = plsc.load_gather(idx_v, [src])
                        tgt = tgt0 + (
                            ch * _STAGE + kk * _BLK + (v * 16) * c_dim + c
                        )
                        plsc.store_scatter(idx_p, [tgt], vals)
            return carry

        lax.fori_loop(0, n_stage, stage_chunk, 0)

        def fire_gathers(i, s, gsem):
            for j in range(slot_ch):
                pltpu.async_copy(
                    table_hbm.at[idx_p.at[pl.ds((i * slot_ch + j) * _IDXW, _IDXW)]],
                    rows_v.at[s, pl.ds(j * _IDXW, _IDXW)],
                    gsem,
                )

        def drain_gathers(s, gsem):
            for _ in range(slot_ch):
                pltpu.make_async_copy(
                    table_hbm.at[idx_p.at[pl.ds(0, _IDXW)]],
                    rows_v.at[s, pl.ds(0, _IDXW)],
                    gsem,
                ).wait()

        def fire_out(i, s, osem):
            pltpu.async_copy(
                rows_v.at[s],
                out_hbm.at[pl.ds(base + i * _SLOT_IDS, _SLOT_IDS)],
                osem,
            )

        def wait_out(osem):
            pltpu.make_async_copy(
                rows_v.at[0], out_hbm.at[pl.ds(0, _SLOT_IDS)], osem
            ).wait()

        def retire_refill(i, s, gsem, osem, refill):
            drain_gathers(s, gsem)
            fire_out(i, s, osem)
            if refill:
                wait_out(osem)
                fire_gathers(i + 2, s, gsem)

        fire_gathers(0, 0, g0)
        fire_gathers(1, 1, g1)

        def pair_body(j, carry):
            i = j * 2
            retire_refill(i, 0, g0, o0, True)
            retire_refill(i + 1, 1, g1, o1, True)
            return carry

        lax.fori_loop(0, outer // 2 - 1, pair_body, 0)
        retire_refill(outer - 2, 0, g0, o0, False)
        retire_refill(outer - 1, 1, g1, o1, False)
        wait_out(o0)
        wait_out(o1)

    return gather_kernel(table, idx_n)


def _tc_project(x, w_t, b):
    n, k = x.shape
    m = w_t.shape[1]
    block = 4096
    assert n % block == 0

    def body(x_ref, w_ref, b_ref, o_ref):
        o_ref[...] = (
            jnp.dot(x_ref[...], w_ref[...], preferred_element_type=jnp.float32)
            + b_ref[...]
        )

    return pl.pallas_call(
        body,
        grid=(n // block,),
        in_specs=[
            pl.BlockSpec((block, k), lambda i: (i, 0)),
            pl.BlockSpec((k, m), lambda i: (0, 0)),
            pl.BlockSpec((1, m), lambda i: (0, 0)),
        ],
        out_specs=pl.BlockSpec((block, m), lambda i: (i, 0)),
        out_shape=jax.ShapeDtypeStruct((n, m), jnp.float32),
    )(x, w_t, b.reshape(1, m))


def kernel(input_ids, subembed_table, tf_w, tf_b):
    b, l, c = input_ids.shape
    vocab, d_sub = subembed_table.shape
    d_embed = tf_w.shape[0]
    n_idx = b * l * c
    tb = b // _IDXW

    ids = input_ids.astype(jnp.int32)
    idx_n = ids.reshape(tb, _IDXW, l, c).transpose(2, 0, 3, 1).reshape(n_idx)
    rows = _sc_gather(subembed_table, idx_n, n_idx, d_sub, c)
    feats = rows.reshape(l * b, c * d_sub)
    y = _tc_project(feats, tf_w.T, tf_b)
    return y.reshape(l, b, d_embed).transpose(1, 0, 2)

# --- scband reference (transcript-rebuilt; emitter-appended) ---
"""Pipeline reference for scband-cpembedding-81423989997751 (READ-ONLY COPY).

The authoritative reference and input builder live on the scoring server;
editing this copy changes nothing except your own understanding.
"""

import jax, jax.numpy as jnp
import numpy as np

VOCAB = 1000000
D_SUB = 32
D_EMBED = 128
C = 4
B, L = 4096, 50

def setup_inputs(seed: int = 0) -> dict:
    key = jax.random.key(seed)
    k1, k2, k3, k4 = jax.random.split(key, 4)
    input_ids = jax.random.randint(k1, (B, L, C), 0, VOCAB, dtype=jnp.int32).astype(jnp.int64)
    subembed_table = jax.random.normal(k2, (VOCAB, D_SUB), dtype=jnp.float32)
    # trans_forward: nn.Linear(C*D_SUB, D_EMBED): weight (D_EMBED, C*D_SUB), bias (D_EMBED,)
    tf_w = jax.random.normal(k3, (D_EMBED, C * D_SUB), dtype=jnp.float32) * 0.02
    tf_b = jnp.zeros((D_EMBED,), dtype=jnp.float32)
    return {"input_ids": input_ids, "subembed_table": subembed_table, "tf_w": tf_w, "tf_b": tf_b}

def reference(input_ids, subembed_table, tf_w, tf_b):
    # out = self.subembed(input_ids) -> (B, L, C, d_subembed)
    out = jnp.take(subembed_table, input_ids, axis=0)
    # out.view(B, L, C * d_subembed)
    out = out.reshape(B, L, C * D_SUB)
    # dropout is identity in eval mode; trans_forward linear
    out = out @ tf_w.T + tf_b
    return out

if __name__ == "__main__":
    import jax
    _d = setup_inputs()
    print(jax.jit(kernel)(*tuple(_d.values())))

</pallas_src>

<mosaic_0001>
#map = affine_map<(d0, d1) -> (0, 0)>
#map1 = affine_map<(d0, d1) -> (0)>
module attributes {stable_mosaic.version = 14 : i64} {
  func.func @gather_kernel(%arg0: i32, %arg1: i32, %arg2: memref<1000000x32xf32, #tpu.memory_space<hbm>>, %arg3: memref<819200xi32, #tpu.memory_space<hbm>>, %arg4: memref<819200x32xf32, #tpu.memory_space<hbm>>, %arg5: memref<2560xi32, #tpu.memory_space<vmem>>, %arg6: memref<25600xi32, #tpu.memory_space<vmem>>, %arg7: memref<2x1280x32xf32, #tpu.memory_space<vmem>>, %arg8: memref<!tpu.dma_semaphore, #tpu.memory_space<semaphore_mem>>, %arg9: memref<!tpu.dma_semaphore, #tpu.memory_space<semaphore_mem>>, %arg10: memref<!tpu.dma_semaphore, #tpu.memory_space<semaphore_mem>>, %arg11: memref<!tpu.dma_semaphore, #tpu.memory_space<semaphore_mem>>) attributes {dimension_semantics = [#tpu.dimension_semantics<core_parallel>, #tpu.dimension_semantics<subcore_parallel>], iteration_bounds = array<i64: 2, 16>, scalar_prefetch = 0 : i64, scratch_operands = 7 : i64, tpu.core_type = #tpu.core_type<sc_vector_subcore>, window_params = [{transform_indices = #map}, {transform_indices = #map1}, {transform_indices = #map}]} {
    %mul3A = arith.constant 2 : i32
    %mul3A_0 = arith.muli %arg1, %mul3A : i32
    %add3A = arith.addi %mul3A_0, %arg0 : i32
    %mul3A_1 = arith.constant 25600 : i32
    %mul3A_2 = arith.muli %add3A, %mul3A_1 : i32
    %iota3A = tpu.iota {dimensions = array<i32: 0>} : vector<16xi32>
    %mul3A_3 = arith.constant 4 : i32
    %mul3A_4 = vector.broadcast %mul3A_3 : i32 to vector<16xi32>
    %mul3A_5 = arith.muli %iota3A, %mul3A_4 : vector<16xi32>
    %scan3A = arith.constant 0 : i32
    %scan3A_6 = arith.constant 0 : i32
    %scan3A_7 = arith.constant 10 : i32
    %scan3A_8 = arith.addi %scan3A_6, %scan3A_7 : i32
    %scan3A_9 = arith.constant 1 : i32
    scf.for %scan3A_475 = %scan3A_6 to %scan3A_8 step %scan3A_9  : i32 {
      %mul3A_476 = arith.constant 2560 : i32
      %mul3A_477 = arith.muli %scan3A_475, %mul3A_476 : i32
      %add3A_478 = arith.addi %mul3A_2, %mul3A_477 : i32
      "tpu.region"() ({
        %run_scoped3A = tpu.sem_alloc : memref<!tpu.dma_semaphore, #tpu.memory_space<semaphore_mem>>
        %dma_start3A_2718 = tpu.memref_slice %arg3[%add3A_478] : memref<819200xi32, #tpu.memory_space<hbm>> -> memref<2560xi32, #tpu.memory_space<hbm>>
        %dma_start3A_2719 = tpu.memref_slice %arg3[%add3A_478] : memref<819200xi32, #tpu.memory_space<hbm>> -> memref<2560xi32, #tpu.memory_space<hbm>>
        tpu.enqueue_dma source(%dma_start3A_2719 : memref<2560xi32, #tpu.memory_space<hbm>>) target(%arg5 : memref<2560xi32, #tpu.memory_space<vmem>>) target_semaphore(%run_scoped3A : memref<!tpu.dma_semaphore, #tpu.memory_space<semaphore_mem>>)
        %dma_wait3A_2720 = tpu.memref_slice %arg3[%add3A_478] : memref<819200xi32, #tpu.memory_space<hbm>> -> memref<2560xi32, #tpu.memory_space<hbm>>
        %dma_wait3A_2721 = tpu.memref_slice %arg3[%add3A_478] : memref<819200xi32, #tpu.memory_space<hbm>> -> memref<2560xi32, #tpu.memory_space<hbm>>
        tpu.wait_dma2 semaphore(%run_scoped3A : memref<!tpu.dma_semaphore, #tpu.memory_space<semaphore_mem>>) src(%dma_wait3A_2721 : memref<2560xi32, #tpu.memory_space<hbm>>) dst(%arg5 : memref<2560xi32, #tpu.memory_space<vmem>>)
        tpu.yield
      }) : () -> ()
      %add3A_479 = arith.constant 0 : i32
      %add3A_480 = vector.broadcast %add3A_479 : i32 to vector<16xi32>
      %add3A_481 = arith.addi %iota3A, %add3A_480 : vector<16xi32>
      %gather3A = tpu.vector_load_idx %arg5[%add3A_481] : memref<2560xi32, #tpu.memory_space<vmem>>[vector<16xi32>], vector<16xi32>,
      %mul3A_482 = arith.constant 2560 : i32
      %mul3A_483 = arith.muli %scan3A_475, %mul3A_482 : i32
      %add3A_484 = arith.constant 0 : i32
      %add3A_485 = arith.addi %mul3A_483, %add3A_484 : i32
      %add3A_486 = arith.constant 0 : i32
      %add3A_487 = arith.addi %add3A_485, %add3A_486 : i32
      %add3A_488 = arith.constant 0 : i32
      %add3A_489 = arith.addi %add3A_487, %add3A_488 : i32
      %add3A_490 = vector.broadcast %add3A_489 : i32 to vector<16xi32>
      %add3A_491 = arith.addi %mul3A_5, %add3A_490 : vector<16xi32>
      tpu.vector_store_idx %arg6[%add3A_491], %gather3A : memref<25600xi32, #tpu.memory_space<vmem>>[vector<16xi32>], vector<16xi32>,
      %add3A_492 = arith.constant 16 : i32
      %add3A_493 = vector.broadcast %add3A_492 : i32 to vector<16xi32>
      %add3A_494 = arith.addi %iota3A, %add3A_493 : vector<16xi32>
      %gather3A_495 = tpu.vector_load_idx %arg5[%add3A_494] : memref<2560xi32, #tpu.memory_space<vmem>>[vector<16xi32>], vector<16xi32>,
      %mul3A_496 = arith.constant 2560 : i32
      %mul3A_497 = arith.muli %scan3A_475, %mul3A_496 : i32
      %add3A_498 = arith.constant 0 : i32
      %add3A_499 = arith.addi %mul3A_497, %add3A_498 : i32
      %add3A_500 = arith.constant 64 : i32
      %add3A_501 = arith.addi %add3A_499, %add3A_500 : i32
      %add3A_502 = arith.constant 0 : i32
      %add3A_503 = arith.addi %add3A_501, %add3A_502 : i32
      %add3A_504 = vector.broadcast %add3A_503 : i32 to vector<16xi32>
      %add3A_505 = arith.addi %mul3A_5, %add3A_504 : vector<16xi32>
      tpu.vector_store_idx %arg6[%add3A_505], %gather3A_495 : memref<25600xi32, #tpu.memory_space<vmem>>[vector<16xi32>], vector<16xi32>,
      %add3A_506 = arith.constant 32 : i32
      %add3A_507 = vector.broadcast %add3A_506 : i32 to vector<16xi32>
      %add3A_508 = arith.addi %iota3A, %add3A_507 : vector<16xi32>
      %gather3A_509 = tpu.vector_load_idx %arg5[%add3A_508] : memref<2560xi32, #tpu.memory_space<vmem>>[vector<16xi32>], vector<16xi32>,
      %mul3A_510 = arith.constant 2560 : i32
      %mul3A_511 = arith.muli %scan3A_475, %mul3A_510 : i32
      %add3A_512 = arith.constant 0 : i32
      %add3A_513 = arith.addi %mul3A_511, %add3A_512 : i32
      %add3A_514 = arith.constant 128 : i32
      %add3A_515 = arith.addi %add3A_513, %add3A_514 : i32
      %add3A_516 = arith.constant 0 : i32
      %add3A_517 = arith.addi %add3A_515, %add3A_516 : i32
      %add3A_518 = vector.broadcast %add3A_517 : i32 to vector<16xi32>
      %add3A_519 = arith.addi %mul3A_5, %add3A_518 : vector<16xi32>
      tpu.vector_store_idx %arg6[%add3A_519], %gather3A_509 : memref<25600xi32, #tpu.memory_space<vmem>>[vector<16xi32>], vector<16xi32>,
      %add3A_520 = arith.constant 48 : i32
      %add3A_521 = vector.broadcast %add3A_520 : i32 to vector<16xi32>
      %add3A_522 = arith.addi %iota3A, %add3A_521 : vector<16xi32>
      %gather3A_523 = tpu.vector_load_idx %arg5[%add3A_522] : memref<2560xi32, #tpu.memory_space<vmem>>[vector<16xi32>], vector<16xi32>,
      %mul3A_524 = arith.constant 2560 : i32
      %mul3A_525 = arith.muli %scan3A_475, %mul3A_524 : i32
      %add3A_526 = arith.constant 0 : i32
      %add3A_527 = arith.addi %mul3A_525, %add3A_526 : i32
      %add3A_528 = arith.constant 192 : i32
      %add3A_529 = arith.addi %add3A_527, %add3A_528 : i32
      %add3A_530 = arith.constant 0 : i32
      %add3A_531 = arith.addi %add3A_529, %add3A_530 : i32
      %add3A_532 = vector.broadcast %add3A_531 : i32 to vector<16xi32>
      %add3A_533 = arith.addi %mul3A_5, %add3A_532 : vector<16xi32>
      tpu.vector_store_idx %arg6[%add3A_533], %gather3A_523 : memref<25600xi32, #tpu.memory_space<vmem>>[vector<16xi32>], vector<16xi32>,
      %add3A_534 = arith.constant 64 : i32
      %add3A_535 = vector.broadcast %add3A_534 : i32 to vector<16xi32>
      %add3A_536 = arith.addi %iota3A, %add3A_535 : vector<16xi32>
      %gather3A_537 = tpu.vector_load_idx %arg5[%add3A_536] : memref<2560xi32, #tpu.memory_space<vmem>>[vector<16xi32>], vector<16xi32>,
      %mul3A_538 = arith.constant 2560 : i32
      %mul3A_539 = arith.muli %scan3A_475, %mul3A_538 : i32
      %add3A_540 = arith.constant 0 : i32
      %add3A_541 = arith.addi %mul3A_539, %add3A_540 : i32
      %add3A_542 = arith.constant 256 : i32
      %add3A_543 = arith.addi %add3A_541, %add3A_542 : i32
      %add3A_544 = arith.constant 0 : i32
      %add3A_545 = arith.addi %add3A_543, %add3A_544 : i32
      %add3A_546 = vector.broadcast %add3A_545 : i32 to vector<16xi32>
      %add3A_547 = arith.addi %mul3A_5, %add3A_546 : vector<16xi32>
      tpu.vector_store_idx %arg6[%add3A_547], %gather3A_537 : memref<25600xi32, #tpu.memory_space<vmem>>[vector<16xi32>], vector<16xi32>,
      %add3A_548 = arith.constant 80 : i32
      %add3A_549 = vector.broadcast %add3A_548 : i32 to vector<16xi32>
      %add3A_550 = arith.addi %iota3A, %add3A_549 : vector<16xi32>
      %gather3A_551 = tpu.vector_load_idx %arg5[%add3A_550] : memref<2560xi32, #tpu.memory_space<vmem>>[vector<16xi32>], vector<16xi32>,
      %mul3A_552 = arith.constant 2560 : i32
      %mul3A_553 = arith.muli %scan3A_475, %mul3A_552 : i32
      %add3A_554 = arith.constant 0 : i32
      %add3A_555 = arith.addi %mul3A_553, %add3A_554 : i32
      %add3A_556 = arith.constant 320 : i32
      %add3A_557 = arith.addi %add3A_555, %add3A_556 : i32
      %add3A_558 = arith.constant 0 : i32
      %add3A_559 = arith.addi %add3A_557, %add3A_558 : i32
      %add3A_560 = vector.broadcast %add3A_559 : i32 to vector<16xi32>
      %add3A_561 = arith.addi %mul3A_5, %add3A_560 : vector<16xi32>
      tpu.vector_store_idx %arg6[%add3A_561], %gather3A_551 : memref<25600xi32, #tpu.memory_space<vmem>>[vector<16xi32>], vector<16xi32>,
      %add3A_562 = arith.constant 96 : i32
      %add3A_563 = vector.broadcast %add3A_562 : i32 to vector<16xi32>
      %add3A_564 = arith.addi %iota3A, %add3A_563 : vector<16xi32>
      %gather3A_565 = tpu.vector_load_idx %arg5[%add3A_564] : memref<2560xi32, #tpu.memory_space<vmem>>[vector<16xi32>], vector<16xi32>,
      %mul3A_566 = arith.constant 2560 : i32
      %mul3A_567 = arith.muli %scan3A_475, %mul3A_566 : i32
      %add3A_568 = arith.constant 0 : i32
      %add3A_569 = arith.addi %mul3A_567, %add3A_568 : i32
      %add3A_570 = arith.constant 384 : i32
      %add3A_571 = arith.addi %add3A_569, %add3A_570 : i32
      %add3A_572 = arith.constant 0 : i32
      %add3A_573 = arith.addi %add3A_571, %add3A_572 : i32
      %add3A_574 = vector.broadcast %add3A_573 : i32 to vector<16xi32>
      %add3A_575 = arith.addi %mul3A_5, %add3A_574 : vector<16xi32>
      tpu.vector_store_idx %arg6[%add3A_575], %gather3A_565 : memref<25600xi32, #tpu.memory_space<vmem>>[vector<16xi32>], vector<16xi32>,
      %add3A_576 = arith.constant 112 : i32
      %add3A_577 = vector.broadcast %add3A_576 : i32 to vector<16xi32>
      %add3A_578 = arith.addi %iota3A, %add3A_577 : vector<16xi32>
      %gather3A_579 = tpu.vector_load_idx %arg5[%add3A_578] : memref<2560xi32, #tpu.memory_space<vmem>>[vector<16xi32>], vector<16xi32>,
      %mul3A_580 = arith.constant 2560 : i32
      %mul3A_581 = arith.muli %scan3A_475, %mul3A_580 : i32
      %add3A_582 = arith.constant 0 : i32
      %add3A_583 = arith.addi %mul3A_581, %add3A_582 : i32
      %add3A_584 = arith.constant 448 : i32
      %add3A_585 = arith.addi %add3A_583, %add3A_584 : i32
      %add3A_586 = arith.constant 0 : i32
      %add3A_587 = arith.addi %add3A_585, %add3A_586 : i32
      %add3A_588 = vector.broadcast %add3A_587 : i32 to vector<16xi32>
      %add3A_589 = arith.addi %mul3A_5, %add3A_588 : vector<16xi32>
      tpu.vector_store_idx %arg6[%add3A_589], %gather3A_579 : memref<25600xi32, #tpu.memory_space<vmem>>[vector<16xi32>], vector<16xi32>,
      %add3A_590 = arith.constant 128 : i32
      %add3A_591 = vector.broadcast %add3A_590 : i32 to vector<16xi32>
      %add3A_592 = arith.addi %iota3A, %add3A_591 : vector<16xi32>
      %gather3A_593 = tpu.vector_load_idx %arg5[%add3A_592] : memref<2560xi32, #tpu.memory_space<vmem>>[vector<16xi32>], vector<16xi32>,
      %mul3A_594 = arith.constant 2560 : i32
      %mul3A_595 = arith.muli %scan3A_475, %mul3A_594 : i32
      %add3A_596 = arith.constant 0 : i32
      %add3A_597 = arith.addi %mul3A_595, %add3A_596 : i32
      %add3A_598 = arith.constant 0 : i32
      %add3A_599 = arith.addi %add3A_597, %add3A_598 : i32
      %add3A_600 = arith.constant 1 : i32
      %add3A_601 = arith.addi %add3A_599, %add3A_600 : i32
      %add3A_602 = vector.broadcast %add3A_601 : i32 to vector<16xi32>
      %add3A_603 = arith.addi %mul3A_5, %add3A_602 : vector<16xi32>
      tpu.vector_store_idx %arg6[%add3A_603], %gather3A_593 : memref<25600xi32, #tpu.memory_space<vmem>>[vector<16xi32>], vector<16xi32>,
      %add3A_604 = arith.constant 144 : i32
      %add3A_605 = vector.broadcast %add3A_604 : i32 to vector<16xi32>
      %add3A_606 = arith.addi %iota3A, %add3A_605 : vector<16xi32>
      %gather3A_607 = tpu.vector_load_idx %arg5[%add3A_606] : memref<2560xi32, #tpu.memory_space<vmem>>[vector<16xi32>], vector<16xi32>,
      %mul3A_608 = arith.constant 2560 : i32
      %mul3A_609 = arith.muli %scan3A_475, %mul3A_608 : i32
      %add3A_610 = arith.constant 0 : i32
      %add3A_611 = arith.addi %mul3A_609, %add3A_610 : i32
      %add3A_612 = arith.constant 64 : i32
      %add3A_613 = arith.addi %add3A_611, %add3A_612 : i32
      %add3A_614 = arith.constant 1 : i32
      %add3A_615 = arith.addi %add3A_613, %add3A_614 : i32
      %add3A_616 = vector.broadcast %add3A_615 : i32 to vector<16xi32>
      %add3A_617 = arith.addi %mul3A_5, %add3A_616 : vector<16xi32>
      tpu.vector_store_idx %arg6[%add3A_617], %gather3A_607 : memref<25600xi32, #tpu.memory_space<vmem>>[vector<16xi32>], vector<16xi32>,
      %add3A_618 = arith.constant 160 : i32
      %add3A_619 = vector.broadcast %add3A_618 : i32 to vector<16xi32>
      %add3A_620 = arith.addi %iota3A, %add3A_619 : vector<16xi32>
      %gather3A_621 = tpu.vector_load_idx %arg5[%add3A_620] : memref<2560xi32, #tpu.memory_space<vmem>>[vector<16xi32>], vector<16xi32>,
      %mul3A_622 = arith.constant 2560 : i32
      %mul3A_623 = arith.muli %scan3A_475, %mul3A_622 : i32
      %add3A_624 = arith.constant 0 : i32
      %add3A_625 = arith.addi %mul3A_623, %add3A_624 : i32
      %add3A_626 = arith.constant 128 : i32
      %add3A_627 = arith.addi %add3A_625, %add3A_626 : i32
      %add3A_628 = arith.constant 1 : i32
      %add3A_629 = arith.addi %add3A_627, %add3A_628 : i32
      %add3A_630 = vector.broadcast %add3A_629 : i32 to vector<16xi32>
      %add3A_631 = arith.addi %mul3A_5, %add3A_630 : vector<16xi32>
      tpu.vector_store_idx %arg6[%add3A_631], %gather3A_621 : memref<25600xi32, #tpu.memory_space<vmem>>[vector<16xi32>], vector<16xi32>,
      %add3A_632 = arith.constant 176 : i32
      %add3A_633 = vector.broadcast %add3A_632 : i32 to vector<16xi32>
      %add3A_634 = arith.addi %iota3A, %add3A_633 : vector<16xi32>
      %gather3A_635 = tpu.vector_load_idx %arg5[%add3A_634] : memref<2560xi32, #tpu.memory_space<vmem>>[vector<16xi32>], vector<16xi32>,
      %mul3A_636 = arith.constant 2560 : i32
      %mul3A_637 = arith.muli %scan3A_475, %mul3A_636 : i32
      %add3A_638 = arith.constant 0 : i32
      %add3A_639 = arith.addi %mul3A_637, %add3A_638 : i32
      %add3A_640 = arith.constant 192 : i32
      %add3A_641 = arith.addi %add3A_639, %add3A_640 : i32
      %add3A_642 = arith.constant 1 : i32
      %add3A_643 = arith.addi %add3A_641, %add3A_642 : i32
      %add3A_644 = vector.broadcast %add3A_643 : i32 to vector<16xi32>
      %add3A_645 = arith.addi %mul3A_5, %add3A_644 : vector<16xi32>
      tpu.vector_store_idx %arg6[%add3A_645], %gather3A_635 : memref<25600xi32, #tpu.memory_space<vmem>>[vector<16xi32>], vector<16xi32>,
      %add3A_646 = arith.constant 192 : i32
      %add3A_647 = vector.broadcast %add3A_646 : i32 to vector<16xi32>
      %add3A_648 = arith.addi %iota3A, %add3A_647 : vector<16xi32>
      %gather3A_649 = tpu.vector_load_idx %arg5[%add3A_648] : memref<2560xi32, #tpu.memory_space<vmem>>[vector<16xi32>], vector<16xi32>,
      %mul3A_650 = arith.constant 2560 : i32
      %mul3A_651 = arith.muli %scan3A_475, %mul3A_650 : i32
      %add3A_652 = arith.constant 0 : i32
      %add3A_653 = arith.addi %mul3A_651, %add3A_652 : i32
      %add3A_654 = arith.constant 256 : i32
      %add3A_655 = arith.addi %add3A_653, %add3A_654 : i32
      %add3A_656 = arith.constant 1 : i32
      %add3A_657 = arith.addi %add3A_655, %add3A_656 : i32
      %add3A_658 = vector.broadcast %add3A_657 : i32 to vector<16xi32>
      %add3A_659 = arith.addi %mul3A_5, %add3A_658 : vector<16xi32>
      tpu.vector_store_idx %arg6[%add3A_659], %gather3A_649 : memref<25600xi32, #tpu.memory_space<vmem>>[vector<16xi32>], vector<16xi32>,
      %add3A_660 = arith.constant 208 : i32
      %add3A_661 = vector.broadcast %add3A_660 : i32 to vector<16xi32>
      %add3A_662 = arith.addi %iota3A, %add3A_661 : vector<16xi32>
      %gather3A_663 = tpu.vector_load_idx %arg5[%add3A_662] : memref<2560xi32, #tpu.memory_space<vmem>>[vector<16xi32>], vector<16xi32>,
      %mul3A_664 = arith.constant 2560 : i32
      %mul3A_665 = arith.muli %scan3A_475, %mul3A_664 : i32
      %add3A_666 = arith.constant 0 : i32
      %add3A_667 = arith.addi %mul3A_665, %add3A_666 : i32
      %add3A_668 = arith.constant 320 : i32
      %add3A_669 = arith.addi %add3A_667, %add3A_668 : i32
      %add3A_670 = arith.constant 1 : i32
      %add3A_671 = arith.addi %add3A_669, %add3A_670 : i32
      %add3A_672 = vector.broadcast %add3A_671 : i32 to vector<16xi32>
      %add3A_673 = arith.addi %mul3A_5, %add3A_672 : vector<16xi32>
      tpu.vector_store_idx %arg6[%add3A_673], %gather3A_663 : memref<25600xi32, #tpu.memory_space<vmem>>[vector<16xi32>], vector<16xi32>,
      %add3A_674 = arith.constant 224 : i32
      %add3A_675 = vector.broadcast %add3A_674 : i32 to vector<16xi32>
      %add3A_676 = arith.addi %iota3A, %add3A_675 : vector<16xi32>
      %gather3A_677 = tpu.vector_load_idx %arg5[%add3A_676] : memref<2560xi32, #tpu.memory_space<vmem>>[vector<16xi32>], vector<16xi32>,
      %mul3A_678 = arith.constant 2560 : i32
      %mul3A_679 = arith.muli %scan3A_475, %mul3A_678 : i32
      %add3A_680 = arith.constant 0 : i32
      %add3A_681 = arith.addi %mul3A_679, %add3A_680 : i32
      %add3A_682 = arith.constant 384 : i32
      %add3A_683 = arith.addi %add3A_681, %add3A_682 : i32
      %add3A_684 = arith.constant 1 : i32
      %add3A_685 = arith.addi %add3A_683, %add3A_684 : i32
      %add3A_686 = vector.broadcast %add3A_685 : i32 to vector<16xi32>
      %add3A_687 = arith.addi %mul3A_5, %add3A_686 : vector<16xi32>
      tpu.vector_store_idx %arg6[%add3A_687], %gather3A_677 : memref<25600xi32, #tpu.memory_space<vmem>>[vector<16xi32>], vector<16xi32>,
      %add3A_688 = arith.constant 240 : i32
      %add3A_689 = vector.broadcast %add3A_688 : i32 to vector<16xi32>
      %add3A_690 = arith.addi %iota3A, %add3A_689 : vector<16xi32>
      %gather3A_691 = tpu.vector_load_idx %arg5[%add3A_690] : memref<2560xi32, #tpu.memory_space<vmem>>[vector<16xi32>], vector<16xi32>,
      %mul3A_692 = arith.constant 2560 : i32
      %mul3A_693 = arith.muli %scan3A_475, %mul3A_692 : i32
      %add3A_694 = arith.constant 0 : i32
      %add3A_695 = arith.addi %mul3A_693, %add3A_694 : i32
      %add3A_696 = arith.constant 448 : i32
      %add3A_697 = arith.addi %add3A_695, %add3A_696 : i32
      %add3A_698 = arith.constant 1 : i32
      %add3A_699 = arith.addi %add3A_697, %add3A_698 : i32
      %add3A_700 = vector.broadcast %add3A_699 : i32 to vector<16xi32>
      %add3A_701 = arith.addi %mul3A_5, %add3A_700 : vector<16xi32>
      tpu.vector_store_idx %arg6[%add3A_701], %gather3A_691 : memref<25600xi32, #tpu.memory_space<vmem>>[vector<16xi32>], vector<16xi32>,
      %add3A_702 = arith.constant 256 : i32
      %add3A_703 = vector.broadcast %add3A_702 : i32 to vector<16xi32>
      %add3A_704 = arith.addi %iota3A, %add3A_703 : vector<16xi32>
      %gather3A_705 = tpu.vector_load_idx %arg5[%add3A_704] : memref<2560xi32, #tpu.memory_space<vmem>>[vector<16xi32>], vector<16xi32>,
      %mul3A_706 = arith.constant 2560 : i32
      %mul3A_707 = arith.muli %scan3A_475, %mul3A_706 : i32
      %add3A_708 = arith.constant 0 : i32
      %add3A_709 = arith.addi %mul3A_707, %add3A_708 : i32
      %add3A_710 = arith.constant 0 : i32
      %add3A_711 = arith.addi %add3A_709, %add3A_710 : i32
      %add3A_712 = arith.constant 2 : i32
      %add3A_713 = arith.addi %add3A_711, %add3A_712 : i32
      %add3A_714 = vector.broadcast %add3A_713 : i32 to vector<16xi32>
      %add3A_715 = arith.addi %mul3A_5, %add3A_714 : vector<16xi32>
      tpu.vector_store_idx %arg6[%add3A_715], %gather3A_705 : memref<25600xi32, #tpu.memory_space<vmem>>[vector<16xi32>], vector<16xi32>,
      %add3A_716 = arith.constant 272 : i32
      %add3A_717 = vector.broadcast %add3A_716 : i32 to vector<16xi32>
      %add3A_718 = arith.addi %iota3A, %add3A_717 : vector<16xi32>
      %gather3A_719 = tpu.vector_load_idx %arg5[%add3A_718] : memref<2560xi32, #tpu.memory_space<vmem>>[vector<16xi32>], vector<16xi32>,
      %mul3A_720 = arith.constant 2560 : i32
      %mul3A_721 = arith.muli %scan3A_475, %mul3A_720 : i32
      %add3A_722 = arith.constant 0 : i32
      %add3A_723 = arith.addi %mul3A_721, %add3A_722 : i32
      %add3A_724 = arith.constant 64 : i32
      %add3A_725 = arith.addi %add3A_723, %add3A_724 : i32
      %add3A_726 = arith.constant 2 : i32
      %add3A_727 = arith.addi %add3A_725, %add3A_726 : i32
      %add3A_728 = vector.broadcast %add3A_727 : i32 to vector<16xi32>
      %add3A_729 = arith.addi %mul3A_5, %add3A_728 : vector<16xi32>
      tpu.vector_store_idx %arg6[%add3A_729], %gather3A_719 : memref<25600xi32, #tpu.memory_space<vmem>>[vector<16xi32>], vector<16xi32>,
      %add3A_730 = arith.constant 288 : i32
      %add3A_731 = vector.broadcast %add3A_730 : i32 to vector<16xi32>
      %add3A_732 = arith.addi %iota3A, %add3A_731 : vector<16xi32>
      %gather3A_733 = tpu.vector_load_idx %arg5[%add3A_732] : memref<2560xi32, #tpu.memory_space<vmem>>[vector<16xi32>], vector<16xi32>,
      %mul3A_734 = arith.constant 2560 : i32
      %mul3A_735 = arith.muli %scan3A_475, %mul3A_734 : i32
      %add3A_736 = arith.constant 0 : i32
      %add3A_737 = arith.addi %mul3A_735, %add3A_736 : i32
      %add3A_738 = arith.constant 128 : i32
      %add3A_739 = arith.addi %add3A_737, %add3A_738 : i32
      %add3A_740 = arith.constant 2 : i32
      %add3A_741 = arith.addi %add3A_739, %add3A_740 : i32
      %add3A_742 = vector.broadcast %add3A_741 : i32 to vector<16xi32>
      %add3A_743 = arith.addi %mul3A_5, %add3A_742 : vector<16xi32>
      tpu.vector_store_idx %arg6[%add3A_743], %gather3A_733 : memref<25600xi32, #tpu.memory_space<vmem>>[vector<16xi32>], vector<16xi32>,
      %add3A_744 = arith.constant 304 : i32
      %add3A_745 = vector.broadcast %add3A_744 : i32 to vector<16xi32>
      %add3A_746 = arith.addi %iota3A, %add3A_745 : vector<16xi32>
      %gather3A_747 = tpu.vector_load_idx %arg5[%add3A_746] : memref<2560xi32, #tpu.memory_space<vmem>>[vector<16xi32>], vector<16xi32>,
      %mul3A_748 = arith.constant 2560 : i32
      %mul3A_749 = arith.muli %scan3A_475, %mul3A_748 : i32
      %add3A_750 = arith.constant 0 : i32
      %add3A_751 = arith.addi %mul3A_749, %add3A_750 : i32
      %add3A_752 = arith.constant 192 : i32
      %add3A_753 = arith.addi %add3A_751, %add3A_752 : i32
      %add3A_754 = arith.constant 2 : i32
      %add3A_755 = arith.addi %add3A_753, %add3A_754 : i32
      %add3A_756 = vector.broadcast %add3A_755 : i32 to vector<16xi32>
      %add3A_757 = arith.addi %mul3A_5, %add3A_756 : vector<16xi32>
      tpu.vector_store_idx %arg6[%add3A_757], %gather3A_747 : memref<25600xi32, #tpu.memory_space<vmem>>[vector<16xi32>], vector<16xi32>,
      %add3A_758 = arith.constant 320 : i32
      %add3A_759 = vector.broadcast %add3A_758 : i32 to vector<16xi32>
      %add3A_760 = arith.addi %iota3A, %add3A_759 : vector<16xi32>
      %gather3A_761 = tpu.vector_load_idx %arg5[%add3A_760] : memref<2560xi32, #tpu.memory_space<vmem>>[vector<16xi32>], vector<16xi32>,
      %mul3A_762 = arith.constant 2560 : i32
      %mul3A_763 = arith.muli %scan3A_475, %mul3A_762 : i32
      %add3A_764 = arith.constant 0 : i32
      %add3A_765 = arith.addi %mul3A_763, %add3A_764 : i32
      %add3A_766 = arith.constant 256 : i32
      %add3A_767 = arith.addi %add3A_765, %add3A_766 : i32
      %add3A_768 = arith.constant 2 : i32
      %add3A_769 = arith.addi %add3A_767, %add3A_768 : i32
      %add3A_770 = vector.broadcast %add3A_769 : i32 to vector<16xi32>
      %add3A_771 = arith.addi %mul3A_5, %add3A_770 : vector<16xi32>
      tpu.vector_store_idx %arg6[%add3A_771], %gather3A_761 : memref<25600xi32, #tpu.memory_space<vmem>>[vector<16xi32>], vector<16xi32>,
      %add3A_772 = arith.constant 336 : i32
      %add3A_773 = vector.broadcast %add3A_772 : i32 to vector<16xi32>
      %add3A_774 = arith.addi %iota3A, %add3A_773 : vector<16xi32>
      %gather3A_775 = tpu.vector_load_idx %arg5[%add3A_774] : memref<2560xi32, #tpu.memory_space<vmem>>[vector<16xi32>], vector<16xi32>,
      %mul3A_776 = arith.constant 2560 : i32
      %mul3A_777 = arith.muli %scan3A_475, %mul3A_776 : i32
      %add3A_778 = arith.constant 0 : i32
      %add3A_779 = arith.addi %mul3A_777, %add3A_778 : i32
      %add3A_780 = arith.constant 320 : i32
      %add3A_781 = arith.addi %add3A_779, %add3A_780 : i32
      %add3A_782 = arith.constant 2 : i32
      %add3A_783 = arith.addi %add3A_781, %add3A_782 : i32
      %add3A_784 = vector.broadcast %add3A_783 : i32 to vector<16xi32>
      %add3A_785 = arith.addi %mul3A_5, %add3A_784 : vector<16xi32>
      tpu.vector_store_idx %arg6[%add3A_785], %gather3A_775 : memref<25600xi32, #tpu.memory_space<vmem>>[vector<16xi32>], vector<16xi32>,
      %add3A_786 = arith.constant 352 : i32
      %add3A_787 = vector.broadcast %add3A_786 : i32 to vector<16xi32>
      %add3A_788 = arith.addi %iota3A, %add3A_787 : vector<16xi32>
      %gather3A_789 = tpu.vector_load_idx %arg5[%add3A_788] : memref<2560xi32, #tpu.memory_space<vmem>>[vector<16xi32>], vector<16xi32>,
      %mul3A_790 = arith.constant 2560 : i32
      %mul3A_791 = arith.muli %scan3A_475, %mul3A_790 : i32
      %add3A_792 = arith.constant 0 : i32
      %add3A_793 = arith.addi %mul3A_791, %add3A_792 : i32
      %add3A_794 = arith.constant 384 : i32
      %add3A_795 = arith.addi %add3A_793, %add3A_794 : i32
      %add3A_796 = arith.constant 2 : i32
      %add3A_797 = arith.addi %add3A_795, %add3A_796 : i32
      %add3A_798 = vector.broadcast %add3A_797 : i32 to vector<16xi32>
      %add3A_799 = arith.addi %mul3A_5, %add3A_798 : vector<16xi32>
      tpu.vector_store_idx %arg6[%add3A_799], %gather3A_789 : memref<25600xi32, #tpu.memory_space<vmem>>[vector<16xi32>], vector<16xi32>,
      %add3A_800 = arith.constant 368 : i32
      %add3A_801 = vector.broadcast %add3A_800 : i32 to vector<16xi32>
      %add3A_802 = arith.addi %iota3A, %add3A_801 : vector<16xi32>
      %gather3A_803 = tpu.vector_load_idx %arg5[%add3A_802] : memref<2560xi32, #tpu.memory_space<vmem>>[vector<16xi32>], vector<16xi32>,
      %mul3A_804 = arith.constant 2560 : i32
      %mul3A_805 = arith.muli %scan3A_475, %mul3A_804 : i32
      %add3A_806 = arith.constant 0 : i32
      %add3A_807 = arith.addi %mul3A_805, %add3A_806 : i32
      %add3A_808 = arith.constant 448 : i32
      %add3A_809 = arith.addi %add3A_807, %add3A_808 : i32
      %add3A_810 = arith.constant 2 : i32
      %add3A_811 = arith.addi %add3A_809, %add3A_810 : i32
      %add3A_812 = vector.broadcast %add3A_811 : i32 to vector<16xi32>
      %add3A_813 = arith.addi %mul3A_5, %add3A_812 : vector<16xi32>
      tpu.vector_store_idx %arg6[%add3A_813], %gather3A_803 : memref<25600xi32, #tpu.memory_space<vmem>>[vector<16xi32>], vector<16xi32>,
      %add3A_814 = arith.constant 384 : i32
      %add3A_815 = vector.broadcast %add3A_814 : i32 to vector<16xi32>
      %add3A_816 = arith.addi %iota3A, %add3A_815 : vector<16xi32>
      %gather3A_817 = tpu.vector_load_idx %arg5[%add3A_816] : memref<2560xi32, #tpu.memory_space<vmem>>[vector<16xi32>], vector<16xi32>,
      %mul3A_818 = arith.constant 2560 : i32
      %mul3A_819 = arith.muli %scan3A_475, %mul3A_818 : i32
      %add3A_820 = arith.constant 0 : i32
      %add3A_821 = arith.addi %mul3A_819, %add3A_820 : i32
      %add3A_822 = arith.constant 0 : i32
      %add3A_823 = arith.addi %add3A_821, %add3A_822 : i32
      %add3A_824 = arith.constant 3 : i32
      %add3A_825 = arith.addi %add3A_823, %add3A_824 : i32
      %add3A_826 = vector.broadcast %add3A_825 : i32 to vector<16xi32>
      %add3A_827 = arith.addi %mul3A_5, %add3A_826 : vector<16xi32>
      tpu.vector_store_idx %arg6[%add3A_827], %gather3A_817 : memref<25600xi32, #tpu.memory_space<vmem>>[vector<16xi32>], vector<16xi32>,
      %add3A_828 = arith.constant 400 : i32
      %add3A_829 = vector.broadcast %add3A_828 : i32 to vector<16xi32>
      %add3A_830 = arith.addi %iota3A, %add3A_829 : vector<16xi32>
      %gather3A_831 = tpu.vector_load_idx %arg5[%add3A_830] : memref<2560xi32, #tpu.memory_space<vmem>>[vector<16xi32>], vector<16xi32>,
      %mul3A_832 = arith.constant 2560 : i32
      %mul3A_833 = arith.muli %scan3A_475, %mul3A_832 : i32
      %add3A_834 = arith.constant 0 : i32
      %add3A_835 = arith.addi %mul3A_833, %add3A_834 : i32
      %add3A_836 = arith.constant 64 : i32
      %add3A_837 = arith.addi %add3A_835, %add3A_836 : i32
      %add3A_838 = arith.constant 3 : i32
      %add3A_839 = arith.addi %add3A_837, %add3A_838 : i32
      %add3A_840 = vector.broadcast %add3A_839 : i32 to vector<16xi32>
      %add3A_841 = arith.addi %mul3A_5, %add3A_840 : vector<16xi32>
      tpu.vector_store_idx %arg6[%add3A_841], %gather3A_831 : memref<25600xi32, #tpu.memory_space<vmem>>[vector<16xi32>], vector<16xi32>,
      %add3A_842 = arith.constant 416 : i32
      %add3A_843 = vector.broadcast %add3A_842 : i32 to vector<16xi32>
      %add3A_844 = arith.addi %iota3A, %add3A_843 : vector<16xi32>
      %gather3A_845 = tpu.vector_load_idx %arg5[%add3A_844] : memref<2560xi32, #tpu.memory_space<vmem>>[vector<16xi32>], vector<16xi32>,
      %mul3A_846 = arith.constant 2560 : i32
      %mul3A_847 = arith.muli %scan3A_475, %mul3A_846 : i32
      %add3A_848 = arith.constant 0 : i32
      %add3A_849 = arith.addi %mul3A_847, %add3A_848 : i32
      %add3A_850 = arith.constant 128 : i32
      %add3A_851 = arith.addi %add3A_849, %add3A_850 : i32
      %add3A_852 = arith.constant 3 : i32
      %add3A_853 = arith.addi %add3A_851, %add3A_852 : i32
      %add3A_854 = vector.broadcast %add3A_853 : i32 to vector<16xi32>
      %add3A_855 = arith.addi %mul3A_5, %add3A_854 : vector<16xi32>
      tpu.vector_store_idx %arg6[%add3A_855], %gather3A_845 : memref<25600xi32, #tpu.memory_space<vmem>>[vector<16xi32>], vector<16xi32>,
      %add3A_856 = arith.constant 432 : i32
      %add3A_857 = vector.broadcast %add3A_856 : i32 to vector<16xi32>
      %add3A_858 = arith.addi %iota3A, %add3A_857 : vector<16xi32>
      %gather3A_859 = tpu.vector_load_idx %arg5[%add3A_858] : memref<2560xi32, #tpu.memory_space<vmem>>[vector<16xi32>], vector<16xi32>,
      %mul3A_860 = arith.constant 2560 : i32
      %mul3A_861 = arith.muli %scan3A_475, %mul3A_860 : i32
      %add3A_862 = arith.constant 0 : i32
      %add3A_863 = arith.addi %mul3A_861, %add3A_862 : i32
      %add3A_864 = arith.constant 192 : i32
      %add3A_865 = arith.addi %add3A_863, %add3A_864 : i32
      %add3A_866 = arith.constant 3 : i32
      %add3A_867 = arith.addi %add3A_865, %add3A_866 : i32
      %add3A_868 = vector.broadcast %add3A_867 : i32 to vector<16xi32>
      %add3A_869 = arith.addi %mul3A_5, %add3A_868 : vector<16xi32>
      tpu.vector_store_idx %arg6[%add3A_869], %gather3A_859 : memref<25600xi32, #tpu.memory_space<vmem>>[vector<16xi32>], vector<16xi32>,
      %add3A_870 = arith.constant 448 : i32
      %add3A_871 = vector.broadcast %add3A_870 : i32 to vector<16xi32>
      %add3A_872 = arith.addi %iota3A, %add3A_871 : vector<16xi32>
      %gather3A_873 = tpu.vector_load_idx %arg5[%add3A_872] : memref<2560xi32, #tpu.memory_space<vmem>>[vector<16xi32>], vector<16xi32>,
      %mul3A_874 = arith.constant 2560 : i32
      %mul3A_875 = arith.muli %scan3A_475, %mul3A_874 : i32
      %add3A_876 = arith.constant 0 : i32
      %add3A_877 = arith.addi %mul3A_875, %add3A_876 : i32
      %add3A_878 = arith.constant 256 : i32
      %add3A_879 = arith.addi %add3A_877, %add3A_878 : i32
      %add3A_880 = arith.constant 3 : i32
      %add3A_881 = arith.addi %add3A_879, %add3A_880 : i32
      %add3A_882 = vector.broadcast %add3A_881 : i32 to vector<16xi32>
      %add3A_883 = arith.addi %mul3A_5, %add3A_882 : vector<16xi32>
      tpu.vector_store_idx %arg6[%add3A_883], %gather3A_873 : memref<25600xi32, #tpu.memory_space<vmem>>[vector<16xi32>], vector<16xi32>,
      %add3A_884 = arith.constant 464 : i32
      %add3A_885 = vector.broadcast %add3A_884 : i32 to vector<16xi32>
      %add3A_886 = arith.addi %iota3A, %add3A_885 : vector<16xi32>
      %gather3A_887 = tpu.vector_load_idx %arg5[%add3A_886] : memref<2560xi32, #tpu.memory_space<vmem>>[vector<16xi32>], vector<16xi32>,
      %mul3A_888 = arith.constant 2560 : i32
      %mul3A_889 = arith.muli %scan3A_475, %mul3A_888 : i32
      %add3A_890 = arith.constant 0 : i32
      %add3A_891 = arith.addi %mul3A_889, %add3A_890 : i32
      %add3A_892 = arith.constant 320 : i32
      %add3A_893 = arith.addi %add3A_891, %add3A_892 : i32
      %add3A_894 = arith.constant 3 : i32
      %add3A_895 = arith.addi %add3A_893, %add3A_894 : i32
      %add3A_896 = vector.broadcast %add3A_895 : i32 to vector<16xi32>
      %add3A_897 = arith.addi %mul3A_5, %add3A_896 : vector<16xi32>
      tpu.vector_store_idx %arg6[%add3A_897], %gather3A_887 : memref<25600xi32, #tpu.memory_space<vmem>>[vector<16xi32>], vector<16xi32>,
      %add3A_898 = arith.constant 480 : i32
      %add3A_899 = vector.broadcast %add3A_898 : i32 to vector<16xi32>
      %add3A_900 = arith.addi %iota3A, %add3A_899 : vector<16xi32>
      %gather3A_901 = tpu.vector_load_idx %arg5[%add3A_900] : memref<2560xi32, #tpu.memory_space<vmem>>[vector<16xi32>], vector<16xi32>,
      %mul3A_902 = arith.constant 2560 : i32
      %mul3A_903 = arith.muli %scan3A_475, %mul3A_902 : i32
      %add3A_904 = arith.constant 0 : i32
      %add3A_905 = arith.addi %mul3A_903, %add3A_904 : i32
      %add3A_906 = arith.constant 384 : i32
      %add3A_907 = arith.addi %add3A_905, %add3A_906 : i32
      %add3A_908 = arith.constant 3 : i32
      %add3A_909 = arith.addi %add3A_907, %add3A_908 : i32
      %add3A_910 = vector.broadcast %add3A_909 : i32 to vector<16xi32>
      %add3A_911 = arith.addi %mul3A_5, %add3A_910 : vector<16xi32>
      tpu.vector_store_idx %arg6[%add3A_911], %gather3A_901 : memref<25600xi32, #tpu.memory_space<vmem>>[vector<16xi32>], vector<16xi32>,
      %add3A_912 = arith.constant 496 : i32
      %add3A_913 = vector.broadcast %add3A_912 : i32 to vector<16xi32>
      %add3A_914 = arith.addi %iota3A, %add3A_913 : vector<16xi32>
      %gather3A_915 = tpu.vector_load_idx %arg5[%add3A_914] : memref<2560xi32, #tpu.memory_space<vmem>>[vector<16xi32>], vector<16xi32>,
      %mul3A_916 = arith.constant 2560 : i32
      %mul3A_917 = arith.muli %scan3A_475, %mul3A_916 : i32
      %add3A_918 = arith.constant 0 : i32
      %add3A_919 = arith.addi %mul3A_917, %add3A_918 : i32
      %add3A_920 = arith.constant 448 : i32
      %add3A_921 = arith.addi %add3A_919, %add3A_920 : i32
      %add3A_922 = arith.constant 3 : i32
      %add3A_923 = arith.addi %add3A_921, %add3A_922 : i32
      %add3A_924 = vector.broadcast %add3A_923 : i32 to vector<16xi32>
      %add3A_925 = arith.addi %mul3A_5, %add3A_924 : vector<16xi32>
      tpu.vector_store_idx %arg6[%add3A_925], %gather3A_915 : memref<25600xi32, #tpu.memory_space<vmem>>[vector<16xi32>], vector<16xi32>,
      %add3A_926 = arith.constant 512 : i32
      %add3A_927 = vector.broadcast %add3A_926 : i32 to vector<16xi32>
      %add3A_928 = arith.addi %iota3A, %add3A_927 : vector<16xi32>
      %gather3A_929 = tpu.vector_load_idx %arg5[%add3A_928] : memref<2560xi32, #tpu.memory_space<vmem>>[vector<16xi32>], vector<16xi32>,
      %mul3A_930 = arith.constant 2560 : i32
      %mul3A_931 = arith.muli %scan3A_475, %mul3A_930 : i32
      %add3A_932 = arith.constant 512 : i32
      %add3A_933 = arith.addi %mul3A_931, %add3A_932 : i32
      %add3A_934 = arith.constant 0 : i32
      %add3A_935 = arith.addi %add3A_933, %add3A_934 : i32
      %add3A_936 = arith.constant 0 : i32
      %add3A_937 = arith.addi %add3A_935, %add3A_936 : i32
      %add3A_938 = vector.broadcast %add3A_937 : i32 to vector<16xi32>
      %add3A_939 = arith.addi %mul3A_5, %add3A_938 : vector<16xi32>
      tpu.vector_store_idx %arg6[%add3A_939], %gather3A_929 : memref<25600xi32, #tpu.memory_space<vmem>>[vector<16xi32>], vector<16xi32>,
      %add3A_940 = arith.constant 528 : i32
      %add3A_941 = vector.broadcast %add3A_940 : i32 to vector<16xi32>
      %add3A_942 = arith.addi %iota3A, %add3A_941 : vector<16xi32>
      %gather3A_943 = tpu.vector_load_idx %arg5[%add3A_942] : memref<2560xi32, #tpu.memory_space<vmem>>[vector<16xi32>], vector<16xi32>,
      %mul3A_944 = arith.constant 2560 : i32
      %mul3A_945 = arith.muli %scan3A_475, %mul3A_944 : i32
      %add3A_946 = arith.constant 512 : i32
      %add3A_947 = arith.addi %mul3A_945, %add3A_946 : i32
      %add3A_948 = arith.constant 64 : i32
      %add3A_949 = arith.addi %add3A_947, %add3A_948 : i32
      %add3A_950 = arith.constant 0 : i32
      %add3A_951 = arith.addi %add3A_949, %add3A_950 : i32
      %add3A_952 = vector.broadcast %add3A_951 : i32 to vector<16xi32>
      %add3A_953 = arith.addi %mul3A_5, %add3A_952 : vector<16xi32>
      tpu.vector_store_idx %arg6[%add3A_953], %gather3A_943 : memref<25600xi32, #tpu.memory_space<vmem>>[vector<16xi32>], vector<16xi32>,
      %add3A_954 = arith.constant 544 : i32
      %add3A_955 = vector.broadcast %add3A_954 : i32 to vector<16xi32>
      %add3A_956 = arith.addi %iota3A, %add3A_955 : vector<16xi32>
      %gather3A_957 = tpu.vector_load_idx %arg5[%add3A_956] : memref<2560xi32, #tpu.memory_space<vmem>>[vector<16xi32>], vector<16xi32>,
      %mul3A_958 = arith.constant 2560 : i32
      %mul3A_959 = arith.muli %scan3A_475, %mul3A_958 : i32
      %add3A_960 = arith.constant 512 : i32
      %add3A_961 = arith.addi %mul3A_959, %add3A_960 : i32
      %add3A_962 = arith.constant 128 : i32
      %add3A_963 = arith.addi %add3A_961, %add3A_962 : i32
      %add3A_964 = arith.constant 0 : i32
      %add3A_965 = arith.addi %add3A_963, %add3A_964 : i32
      %add3A_966 = vector.broadcast %add3A_965 : i32 to vector<16xi32>
      %add3A_967 = arith.addi %mul3A_5, %add3A_966 : vector<16xi32>
      tpu.vector_store_idx %arg6[%add3A_967], %gather3A_957 : memref<25600xi32, #tpu.memory_space<vmem>>[vector<16xi32>], vector<16xi32>,
      %add3A_968 = arith.constant 560 : i32
      %add3A_969 = vector.broadcast %add3A_968 : i32 to vector<16xi32>
      %add3A_970 = arith.addi %iota3A, %add3A_969 : vector<16xi32>
      %gather3A_971 = tpu.vector_load_idx %arg5[%add3A_970] : memref<2560xi32, #tpu.memory_space<vmem>>[vector<16xi32>], vector<16xi32>,
      %mul3A_972 = arith.constant 2560 : i32
      %mul3A_973 = arith.muli %scan3A_475, %mul3A_972 : i32
      %add3A_974 = arith.constant 512 : i32
      %add3A_975 = arith.addi %mul3A_973, %add3A_974 : i32
      %add3A_976 = arith.constant 192 : i32
      %add3A_977 = arith.addi %add3A_975, %add3A_976 : i32
      %add3A_978 = arith.constant 0 : i32
      %add3A_979 = arith.addi %add3A_977, %add3A_978 : i32
      %add3A_980 = vector.broadcast %add3A_979 : i32 to vector<16xi32>
      %add3A_981 = arith.addi %mul3A_5, %add3A_980 : vector<16xi32>
      tpu.vector_store_idx %arg6[%add3A_981], %gather3A_971 : memref<25600xi32, #tpu.memory_space<vmem>>[vector<16xi32>], vector<16xi32>,
      %add3A_982 = arith.constant 576 : i32
      %add3A_983 = vector.broadcast %add3A_982 : i32 to vector<16xi32>
      %add3A_984 = arith.addi %iota3A, %add3A_983 : vector<16xi32>
      %gather3A_985 = tpu.vector_load_idx %arg5[%add3A_984] : memref<2560xi32, #tpu.memory_space<vmem>>[vector<16xi32>], vector<16xi32>,
      %mul3A_986 = arith.constant 2560 : i32
      %mul3A_987 = arith.muli %scan3A_475, %mul3A_986 : i32
      %add3A_988 = arith.constant 512 : i32
      %add3A_989 = arith.addi %mul3A_987, %add3A_988 : i32
      %add3A_990 = arith.constant 256 : i32
      %add3A_991 = arith.addi %add3A_989, %add3A_990 : i32
      %add3A_992 = arith.constant 0 : i32
      %add3A_993 = arith.addi %add3A_991, %add3A_992 : i32
      %add3A_994 = vector.broadcast %add3A_993 : i32 to vector<16xi32>
      %add3A_995 = arith.addi %mul3A_5, %add3A_994 : vector<16xi32>
      tpu.vector_store_idx %arg6[%add3A_995], %gather3A_985 : memref<25600xi32, #tpu.memory_space<vmem>>[vector<16xi32>], vector<16xi32>,
      %add3A_996 = arith.constant 592 : i32
      %add3A_997 = vector.broadcast %add3A_996 : i32 to vector<16xi32>
      %add3A_998 = arith.addi %iota3A, %add3A_997 : vector<16xi32>
      %gather3A_999 = tpu.vector_load_idx %arg5[%add3A_998] : memref<2560xi32, #tpu.memory_space<vmem>>[vector<16xi32>], vector<16xi32>,
      %mul3A_1000 = arith.constant 2560 : i32
      %mul3A_1001 = arith.muli %scan3A_475, %mul3A_1000 : i32
      %add3A_1002 = arith.constant 512 : i32
      %add3A_1003 = arith.addi %mul3A_1001, %add3A_1002 : i32
      %add3A_1004 = arith.constant 320 : i32
      %add3A_1005 = arith.addi %add3A_1003, %add3A_1004 : i32
      %add3A_1006 = arith.constant 0 : i32
      %add3A_1007 = arith.addi %add3A_1005, %add3A_1006 : i32
      %add3A_1008 = vector.broadcast %add3A_1007 : i32 to vector<16xi32>
      %add3A_1009 = arith.addi %mul3A_5, %add3A_1008 : vector<16xi32>
      tpu.vector_store_idx %arg6[%add3A_1009], %gather3A_999 : memref<25600xi32, #tpu.memory_space<vmem>>[vector<16xi32>], vector<16xi32>,
      %add3A_1010 = arith.constant 608 : i32
      %add3A_1011 = vector.broadcast %add3A_1010 : i32 to vector<16xi32>
      %add3A_1012 = arith.addi %iota3A, %add3A_1011 : vector<16xi32>
      %gather3A_1013 = tpu.vector_load_idx %arg5[%add3A_1012] : memref<2560xi32, #tpu.memory_space<vmem>>[vector<16xi32>], vector<16xi32>,
      %mul3A_1014 = arith.constant 2560 : i32
      %mul3A_1015 = arith.muli %scan3A_475, %mul3A_1014 : i32
      %add3A_1016 = arith.constant 512 : i32
      %add3A_1017 = arith.addi %mul3A_1015, %add3A_1016 : i32
      %add3A_1018 = arith.constant 384 : i32
      %add3A_1019 = arith.addi %add3A_1017, %add3A_1018 : i32
      %add3A_1020 = arith.constant 0 : i32
      %add3A_1021 = arith.addi %add3A_1019, %add3A_1020 : i32
      %add3A_1022 = vector.broadcast %add3A_1021 : i32 to vector<16xi32>
      %add3A_1023 = arith.addi %mul3A_5, %add3A_1022 : vector<16xi32>
      tpu.vector_store_idx %arg6[%add3A_1023], %gather3A_1013 : memref<25600xi32, #tpu.memory_space<vmem>>[vector<16xi32>], vector<16xi32>,
      %add3A_1024 = arith.constant 624 : i32
      %add3A_1025 = vector.broadcast %add3A_1024 : i32 to vector<16xi32>
      %add3A_1026 = arith.addi %iota3A, %add3A_1025 : vector<16xi32>
      %gather3A_1027 = tpu.vector_load_idx %arg5[%add3A_1026] : memref<2560xi32, #tpu.memory_space<vmem>>[vector<16xi32>], vector<16xi32>,
      %mul3A_1028 = arith.constant 2560 : i32
      %mul3A_1029 = arith.muli %scan3A_475, %mul3A_1028 : i32
      %add3A_1030 = arith.constant 512 : i32
      %add3A_1031 = arith.addi %mul3A_1029, %add3A_1030 : i32
      %add3A_1032 = arith.constant 448 : i32
      %add3A_1033 = arith.addi %add3A_1031, %add3A_1032 : i32
      %add3A_1034 = arith.constant 0 : i32
      %add3A_1035 = arith.addi %add3A_1033, %add3A_1034 : i32
      %add3A_1036 = vector.broadcast %add3A_1035 : i32 to vector<16xi32>
      %add3A_1037 = arith.addi %mul3A_5, %add3A_1036 : vector<16xi32>
      tpu.vector_store_idx %arg6[%add3A_1037], %gather3A_1027 : memref<25600xi32, #tpu.memory_space<vmem>>[vector<16xi32>], vector<16xi32>,
      %add3A_1038 = arith.constant 640 : i32
      %add3A_1039 = vector.broadcast %add3A_1038 : i32 to vector<16xi32>
      %add3A_1040 = arith.addi %iota3A, %add3A_1039 : vector<16xi32>
      %gather3A_1041 = tpu.vector_load_idx %arg5[%add3A_1040] : memref<2560xi32, #tpu.memory_space<vmem>>[vector<16xi32>], vector<16xi32>,
      %mul3A_1042 = arith.constant 2560 : i32
      %mul3A_1043 = arith.muli %scan3A_475, %mul3A_1042 : i32
      %add3A_1044 = arith.constant 512 : i32
      %add3A_1045 = arith.addi %mul3A_1043, %add3A_1044 : i32
      %add3A_1046 = arith.constant 0 : i32
      %add3A_1047 = arith.addi %add3A_1045, %add3A_1046 : i32
      %add3A_1048 = arith.constant 1 : i32
      %add3A_1049 = arith.addi %add3A_1047, %add3A_1048 : i32
      %add3A_1050 = vector.broadcast %add3A_1049 : i32 to vector<16xi32>
      %add3A_1051 = arith.addi %mul3A_5, %add3A_1050 : vector<16xi32>
      tpu.vector_store_idx %arg6[%add3A_1051], %gather3A_1041 : memref<25600xi32, #tpu.memory_space<vmem>>[vector<16xi32>], vector<16xi32>,
      %add3A_1052 = arith.constant 656 : i32
      %add3A_1053 = vector.broadcast %add3A_1052 : i32 to vector<16xi32>
      %add3A_1054 = arith.addi %iota3A, %add3A_1053 : vector<16xi32>
      %gather3A_1055 = tpu.vector_load_idx %arg5[%add3A_1054] : memref<2560xi32, #tpu.memory_space<vmem>>[vector<16xi32>], vector<16xi32>,
      %mul3A_1056 = arith.constant 2560 : i32
      %mul3A_1057 = arith.muli %scan3A_475, %mul3A_1056 : i32
      %add3A_1058 = arith.constant 512 : i32
      %add3A_1059 = arith.addi %mul3A_1057, %add3A_1058 : i32
      %add3A_1060 = arith.constant 64 : i32
      %add3A_1061 = arith.addi %add3A_1059, %add3A_1060 : i32
      %add3A_1062 = arith.constant 1 : i32
      %add3A_1063 = arith.addi %add3A_1061, %add3A_1062 : i32
      %add3A_1064 = vector.broadcast %add3A_1063 : i32 to vector<16xi32>
      %add3A_1065 = arith.addi %mul3A_5, %add3A_1064 : vector<16xi32>
      tpu.vector_store_idx %arg6[%add3A_1065], %gather3A_1055 : memref<25600xi32, #tpu.memory_space<vmem>>[vector<16xi32>], vector<16xi32>,
      %add3A_1066 = arith.constant 672 : i32
      %add3A_1067 = vector.broadcast %add3A_1066 : i32 to vector<16xi32>
      %add3A_1068 = arith.addi %iota3A, %add3A_1067 : vector<16xi32>
      %gather3A_1069 = tpu.vector_load_idx %arg5[%add3A_1068] : memref<2560xi32, #tpu.memory_space<vmem>>[vector<16xi32>], vector<16xi32>,
      %mul3A_1070 = arith.constant 2560 : i32
      %mul3A_1071 = arith.muli %scan3A_475, %mul3A_1070 : i32
      %add3A_1072 = arith.constant 512 : i32
      %add3A_1073 = arith.addi %mul3A_1071, %add3A_1072 : i32
      %add3A_1074 = arith.constant 128 : i32
      %add3A_1075 = arith.addi %add3A_1073, %add3A_1074 : i32
      %add3A_1076 = arith.constant 1 : i32
      %add3A_1077 = arith.addi %add3A_1075, %add3A_1076 : i32
      %add3A_1078 = vector.broadcast %add3A_1077 : i32 to vector<16xi32>
      %add3A_1079 = arith.addi %mul3A_5, %add3A_1078 : vector<16xi32>
      tpu.vector_store_idx %arg6[%add3A_1079], %gather3A_1069 : memref<25600xi32, #tpu.memory_space<vmem>>[vector<16xi32>], vector<16xi32>,
      %add3A_1080 = arith.constant 688 : i32
      %add3A_1081 = vector.broadcast %add3A_1080 : i32 to vector<16xi32>
      %add3A_1082 = arith.addi %iota3A, %add3A_1081 : vector<16xi32>
      %gather3A_1083 = tpu.vector_load_idx %arg5[%add3A_1082] : memref<2560xi32, #tpu.memory_space<vmem>>[vector<16xi32>], vector<16xi32>,
      %mul3A_1084 = arith.constant 2560 : i32
      %mul3A_1085 = arith.muli %scan3A_475, %mul3A_1084 : i32
      %add3A_1086 = arith.constant 512 : i32
      %add3A_1087 = arith.addi %mul3A_1085, %add3A_1086 : i32
      %add3A_1088 = arith.constant 192 : i32
      %add3A_1089 = arith.addi %add3A_1087, %add3A_1088 : i32
      %add3A_1090 = arith.constant 1 : i32
      %add3A_1091 = arith.addi %add3A_1089, %add3A_1090 : i32
      %add3A_1092 = vector.broadcast %add3A_1091 : i32 to vector<16xi32>
      %add3A_1093 = arith.addi %mul3A_5, %add3A_1092 : vector<16xi32>
      tpu.vector_store_idx %arg6[%add3A_1093], %gather3A_1083 : memref<25600xi32, #tpu.memory_space<vmem>>[vector<16xi32>], vector<16xi32>,
      %add3A_1094 = arith.constant 704 : i32
      %add3A_1095 = vector.broadcast %add3A_1094 : i32 to vector<16xi32>
      %add3A_1096 = arith.addi %iota3A, %add3A_1095 : vector<16xi32>
      %gather3A_1097 = tpu.vector_load_idx %arg5[%add3A_1096] : memref<2560xi32, #tpu.memory_space<vmem>>[vector<16xi32>], vector<16xi32>,
      %mul3A_1098 = arith.constant 2560 : i32
      %mul3A_1099 = arith.muli %scan3A_475, %mul3A_1098 : i32
      %add3A_1100 = arith.constant 512 : i32
      %add3A_1101 = arith.addi %mul3A_1099, %add3A_1100 : i32
      %add3A_1102 = arith.constant 256 : i32
      %add3A_1103 = arith.addi %add3A_1101, %add3A_1102 : i32
      %add3A_1104 = arith.constant 1 : i32
      %add3A_1105 = arith.addi %add3A_1103, %add3A_1104 : i32
      %add3A_1106 = vector.broadcast %add3A_1105 : i32 to vector<16xi32>
      %add3A_1107 = arith.addi %mul3A_5, %add3A_1106 : vector<16xi32>
      tpu.vector_store_idx %arg6[%add3A_1107], %gather3A_1097 : memref<25600xi32, #tpu.memory_space<vmem>>[vector<16xi32>], vector<16xi32>,
      %add3A_1108 = arith.constant 720 : i32
      %add3A_1109 = vector.broadcast %add3A_1108 : i32 to vector<16xi32>
      %add3A_1110 = arith.addi %iota3A, %add3A_1109 : vector<16xi32>
      %gather3A_1111 = tpu.vector_load_idx %arg5[%add3A_1110] : memref<2560xi32, #tpu.memory_space<vmem>>[vector<16xi32>], vector<16xi32>,
      %mul3A_1112 = arith.constant 2560 : i32
      %mul3A_1113 = arith.muli %scan3A_475, %mul3A_1112 : i32
      %add3A_1114 = arith.constant 512 : i32
      %add3A_1115 = arith.addi %mul3A_1113, %add3A_1114 : i32
      %add3A_1116 = arith.constant 320 : i32
      %add3A_1117 = arith.addi %add3A_1115, %add3A_1116 : i32
      %add3A_1118 = arith.constant 1 : i32
      %add3A_1119 = arith.addi %add3A_1117, %add3A_1118 : i32
      %add3A_1120 = vector.broadcast %add3A_1119 : i32 to vector<16xi32>
      %add3A_1121 = arith.addi %mul3A_5, %add3A_1120 : vector<16xi32>
      tpu.vector_store_idx %arg6[%add3A_1121], %gather3A_1111 : memref<25600xi32, #tpu.memory_space<vmem>>[vector<16xi32>], vector<16xi32>,
      %add3A_1122 = arith.constant 736 : i32
      %add3A_1123 = vector.broadcast %add3A_1122 : i32 to vector<16xi32>
      %add3A_1124 = arith.addi %iota3A, %add3A_1123 : vector<16xi32>
      %gather3A_1125 = tpu.vector_load_idx %arg5[%add3A_1124] : memref<2560xi32, #tpu.memory_space<vmem>>[vector<16xi32>], vector<16xi32>,
      %mul3A_1126 = arith.constant 2560 : i32
      %mul3A_1127 = arith.muli %scan3A_475, %mul3A_1126 : i32
      %add3A_1128 = arith.constant 512 : i32
      %add3A_1129 = arith.addi %mul3A_1127, %add3A_1128 : i32
      %add3A_1130 = arith.constant 384 : i32
      %add3A_1131 = arith.addi %add3A_1129, %add3A_1130 : i32
      %add3A_1132 = arith.constant 1 : i32
      %add3A_1133 = arith.addi %add3A_1131, %add3A_1132 : i32
      %add3A_1134 = vector.broadcast %add3A_1133 : i32 to vector<16xi32>
      %add3A_1135 = arith.addi %mul3A_5, %add3A_1134 : vector<16xi32>
      tpu.vector_store_idx %arg6[%add3A_1135], %gather3A_1125 : memref<25600xi32, #tpu.memory_space<vmem>>[vector<16xi32>], vector<16xi32>,
      %add3A_1136 = arith.constant 752 : i32
      %add3A_1137 = vector.broadcast %add3A_1136 : i32 to vector<16xi32>
      %add3A_1138 = arith.addi %iota3A, %add3A_1137 : vector<16xi32>
      %gather3A_1139 = tpu.vector_load_idx %arg5[%add3A_1138] : memref<2560xi32, #tpu.memory_space<vmem>>[vector<16xi32>], vector<16xi32>,
      %mul3A_1140 = arith.constant 2560 : i32
      %mul3A_1141 = arith.muli %scan3A_475, %mul3A_1140 : i32
      %add3A_1142 = arith.constant 512 : i32
      %add3A_1143 = arith.addi %mul3A_1141, %add3A_1142 : i32
      %add3A_1144 = arith.constant 448 : i32
      %add3A_1145 = arith.addi %add3A_1143, %add3A_1144 : i32
      %add3A_1146 = arith.constant 1 : i32
      %add3A_1147 = arith.addi %add3A_1145, %add3A_1146 : i32
      %add3A_1148 = vector.broadcast %add3A_1147 : i32 to vector<16xi32>
      %add3A_1149 = arith.addi %mul3A_5, %add3A_1148 : vector<16xi32>
      tpu.vector_store_idx %arg6[%add3A_1149], %gather3A_1139 : memref<25600xi32, #tpu.memory_space<vmem>>[vector<16xi32>], vector<16xi32>,
      %add3A_1150 = arith.constant 768 : i32
      %add3A_1151 = vector.broadcast %add3A_1150 : i32 to vector<16xi32>
      %add3A_1152 = arith.addi %iota3A, %add3A_1151 : vector<16xi32>
      %gather3A_1153 = tpu.vector_load_idx %arg5[%add3A_1152] : memref<2560xi32, #tpu.memory_space<vmem>>[vector<16xi32>], vector<16xi32>,
      %mul3A_1154 = arith.constant 2560 : i32
      %mul3A_1155 = arith.muli %scan3A_475, %mul3A_1154 : i32
      %add3A_1156 = arith.constant 512 : i32
      %add3A_1157 = arith.addi %mul3A_1155, %add3A_1156 : i32
      %add3A_1158 = arith.constant 0 : i32
      %add3A_1159 = arith.addi %add3A_1157, %add3A_1158 : i32
      %add3A_1160 = arith.constant 2 : i32
      %add3A_1161 = arith.addi %add3A_1159, %add3A_1160 : i32
      %add3A_1162 = vector.broadcast %add3A_1161 : i32 to vector<16xi32>
      %add3A_1163 = arith.addi %mul3A_5, %add3A_1162 : vector<16xi32>
      tpu.vector_store_idx %arg6[%add3A_1163], %gather3A_1153 : memref<25600xi32, #tpu.memory_space<vmem>>[vector<16xi32>], vector<16xi32>,
      %add3A_1164 = arith.constant 784 : i32
      %add3A_1165 = vector.broadcast %add3A_1164 : i32 to vector<16xi32>
      %add3A_1166 = arith.addi %iota3A, %add3A_1165 : vector<16xi32>
      %gather3A_1167 = tpu.vector_load_idx %arg5[%add3A_1166] : memref<2560xi32, #tpu.memory_space<vmem>>[vector<16xi32>], vector<16xi32>,
      %mul3A_1168 = arith.constant 2560 : i32
      %mul3A_1169 = arith.muli %scan3A_475, %mul3A_1168 : i32
      %add3A_1170 = arith.constant 512 : i32
      %add3A_1171 = arith.addi %mul3A_1169, %add3A_1170 : i32
      %add3A_1172 = arith.constant 64 : i32
      %add3A_1173 = arith.addi %add3A_1171, %add3A_1172 : i32
      %add3A_1174 = arith.constant 2 : i32
      %add3A_1175 = arith.addi %add3A_1173, %add3A_1174 : i32
      %add3A_1176 = vector.broadcast %add3A_1175 : i32 to vector<16xi32>
      %add3A_1177 = arith.addi %mul3A_5, %add3A_1176 : vector<16xi32>
      tpu.vector_store_idx %arg6[%add3A_1177], %gather3A_1167 : memref<25600xi32, #tpu.memory_space<vmem>>[vector<16xi32>], vector<16xi32>,
      %add3A_1178 = arith.constant 800 : i32
      %add3A_1179 = vector.broadcast %add3A_1178 : i32 to vector<16xi32>
      %add3A_1180 = arith.addi %iota3A, %add3A_1179 : vector<16xi32>
      %gather3A_1181 = tpu.vector_load_idx %arg5[%add3A_1180] : memref<2560xi32, #tpu.memory_space<vmem>>[vector<16xi32>], vector<16xi32>,
      %mul3A_1182 = arith.constant 2560 : i32
      %mul3A_1183 = arith.muli %scan3A_475, %mul3A_1182 : i32
      %add3A_1184 = arith.constant 512 : i32
      %add3A_1185 = arith.addi %mul3A_1183, %add3A_1184 : i32
      %add3A_1186 = arith.constant 128 : i32
      %add3A_1187 = arith.addi %add3A_1185, %add3A_1186 : i32
      %add3A_1188 = arith.constant 2 : i32
      %add3A_1189 = arith.addi %add3A_1187, %add3A_1188 : i32
      %add3A_1190 = vector.broadcast %add3A_1189 : i32 to vector<16xi32>
      %add3A_1191 = arith.addi %mul3A_5, %add3A_1190 : vector<16xi32>
      tpu.vector_store_idx %arg6[%add3A_1191], %gather3A_1181 : memref<25600xi32, #tpu.memory_space<vmem>>[vector<16xi32>], vector<16xi32>,
      %add3A_1192 = arith.constant 816 : i32
      %add3A_1193 = vector.broadcast %add3A_1192 : i32 to vector<16xi32>
      %add3A_1194 = arith.addi %iota3A, %add3A_1193 : vector<16xi32>
      %gather3A_1195 = tpu.vector_load_idx %arg5[%add3A_1194] : memref<2560xi32, #tpu.memory_space<vmem>>[vector<16xi32>], vector<16xi32>,
      %mul3A_1196 = arith.constant 2560 : i32
      %mul3A_1197 = arith.muli %scan3A_475, %mul3A_1196 : i32
      %add3A_1198 = arith.constant 512 : i32
      %add3A_1199 = arith.addi %mul3A_1197, %add3A_1198 : i32
      %add3A_1200 = arith.constant 192 : i32
      %add3A_1201 = arith.addi %add3A_1199, %add3A_1200 : i32
      %add3A_1202 = arith.constant 2 : i32
      %add3A_1203 = arith.addi %add3A_1201, %add3A_1202 : i32
      %add3A_1204 = vector.broadcast %add3A_1203 : i32 to vector<16xi32>
      %add3A_1205 = arith.addi %mul3A_5, %add3A_1204 : vector<16xi32>
      tpu.vector_store_idx %arg6[%add3A_1205], %gather3A_1195 : memref<25600xi32, #tpu.memory_space<vmem>>[vector<16xi32>], vector<16xi32>,
      %add3A_1206 = arith.constant 832 : i32
      %add3A_1207 = vector.broadcast %add3A_1206 : i32 to vector<16xi32>
      %add3A_1208 = arith.addi %iota3A, %add3A_1207 : vector<16xi32>
      %gather3A_1209 = tpu.vector_load_idx %arg5[%add3A_1208] : memref<2560xi32, #tpu.memory_space<vmem>>[vector<16xi32>], vector<16xi32>,
      %mul3A_1210 = arith.constant 2560 : i32
      %mul3A_1211 = arith.muli %scan3A_475, %mul3A_1210 : i32
      %add3A_1212 = arith.constant 512 : i32
      %add3A_1213 = arith.addi %mul3A_1211, %add3A_1212 : i32
      %add3A_1214 = arith.constant 256 : i32
      %add3A_1215 = arith.addi %add3A_1213, %add3A_1214 : i32
      %add3A_1216 = arith.constant 2 : i32
      %add3A_1217 = arith.addi %add3A_1215, %add3A_1216 : i32
      %add3A_1218 = vector.broadcast %add3A_1217 : i32 to vector<16xi32>
      %add3A_1219 = arith.addi %mul3A_5, %add3A_1218 : vector<16xi32>
      tpu.vector_store_idx %arg6[%add3A_1219], %gather3A_1209 : memref<25600xi32, #tpu.memory_space<vmem>>[vector<16xi32>], vector<16xi32>,
      %add3A_1220 = arith.constant 848 : i32
      %add3A_1221 = vector.broadcast %add3A_1220 : i32 to vector<16xi32>
      %add3A_1222 = arith.addi %iota3A, %add3A_1221 : vector<16xi32>
      %gather3A_1223 = tpu.vector_load_idx %arg5[%add3A_1222] : memref<2560xi32, #tpu.memory_space<vmem>>[vector<16xi32>], vector<16xi32>,
      %mul3A_1224 = arith.constant 2560 : i32
      %mul3A_1225 = arith.muli %scan3A_475, %mul3A_1224 : i32
      %add3A_1226 = arith.constant 512 : i32
      %add3A_1227 = arith.addi %mul3A_1225, %add3A_1226 : i32
      %add3A_1228 = arith.constant 320 : i32
      %add3A_1229 = arith.addi %add3A_1227, %add3A_1228 : i32
      %add3A_1230 = arith.constant 2 : i32
      %add3A_1231 = arith.addi %add3A_1229, %add3A_1230 : i32
      %add3A_1232 = vector.broadcast %add3A_1231 : i32 to vector<16xi32>
      %add3A_1233 = arith.addi %mul3A_5, %add3A_1232 : vector<16xi32>
      tpu.vector_store_idx %arg6[%add3A_1233], %gather3A_1223 : memref<25600xi32, #tpu.memory_space<vmem>>[vector<16xi32>], vector<16xi32>,
      %add3A_1234 = arith.constant 864 : i32
      %add3A_1235 = vector.broadcast %add3A_1234 : i32 to vector<16xi32>
      %add3A_1236 = arith.addi %iota3A, %add3A_1235 : vector<16xi32>
      %gather3A_1237 = tpu.vector_load_idx %arg5[%add3A_1236] : memref<2560xi32, #tpu.memory_space<vmem>>[vector<16xi32>], vector<16xi32>,
      %mul3A_1238 = arith.constant 2560 : i32
      %mul3A_1239 = arith.muli %scan3A_475, %mul3A_1238 : i32
      %add3A_1240 = arith.constant 512 : i32
      %add3A_1241 = arith.addi %mul3A_1239, %add3A_1240 : i32
      %add3A_1242 = arith.constant 384 : i32
      %add3A_1243 = arith.addi %add3A_1241, %add3A_1242 : i32
      %add3A_1244 = arith.constant 2 : i32
      %add3A_1245 = arith.addi %add3A_1243, %add3A_1244 : i32
      %add3A_1246 = vector.broadcast %add3A_1245 : i32 to vector<16xi32>
      %add3A_1247 = arith.addi %mul3A_5, %add3A_1246 : vector<16xi32>
      tpu.vector_store_idx %arg6[%add3A_1247], %gather3A_1237 : memref<25600xi32, #tpu.memory_space<vmem>>[vector<16xi32>], vector<16xi32>,
      %add3A_1248 = arith.constant 880 : i32
      %add3A_1249 = vector.broadcast %add3A_1248 : i32 to vector<16xi32>
      %add3A_1250 = arith.addi %iota3A, %add3A_1249 : vector<16xi32>
      %gather3A_1251 = tpu.vector_load_idx %arg5[%add3A_1250] : memref<2560xi32, #tpu.memory_space<vmem>>[vector<16xi32>], vector<16xi32>,
      %mul3A_1252 = arith.constant 2560 : i32
      %mul3A_1253 = arith.muli %scan3A_475, %mul3A_1252 : i32
      %add3A_1254 = arith.constant 512 : i32
      %add3A_1255 = arith.addi %mul3A_1253, %add3A_1254 : i32
      %add3A_1256 = arith.constant 448 : i32
      %add3A_1257 = arith.addi %add3A_1255, %add3A_1256 : i32
      %add3A_1258 = arith.constant 2 : i32
      %add3A_1259 = arith.addi %add3A_1257, %add3A_1258 : i32
      %add3A_1260 = vector.broadcast %add3A_1259 : i32 to vector<16xi32>
      %add3A_1261 = arith.addi %mul3A_5, %add3A_1260 : vector<16xi32>
      tpu.vector_store_idx %arg6[%add3A_1261], %gather3A_1251 : memref<25600xi32, #tpu.memory_space<vmem>>[vector<16xi32>], vector<16xi32>,
      %add3A_1262 = arith.constant 896 : i32
      %add3A_1263 = vector.broadcast %add3A_1262 : i32 to vector<16xi32>
      %add3A_1264 = arith.addi %iota3A, %add3A_1263 : vector<16xi32>
      %gather3A_1265 = tpu.vector_load_idx %arg5[%add3A_1264] : memref<2560xi32, #tpu.memory_space<vmem>>[vector<16xi32>], vector<16xi32>,
      %mul3A_1266 = arith.constant 2560 : i32
      %mul3A_1267 = arith.muli %scan3A_475, %mul3A_1266 : i32
      %add3A_1268 = arith.constant 512 : i32
      %add3A_1269 = arith.addi %mul3A_1267, %add3A_1268 : i32
      %add3A_1270 = arith.constant 0 : i32
      %add3A_1271 = arith.addi %add3A_1269, %add3A_1270 : i32
      %add3A_1272 = arith.constant 3 : i32
      %add3A_1273 = arith.addi %add3A_1271, %add3A_1272 : i32
      %add3A_1274 = vector.broadcast %add3A_1273 : i32 to vector<16xi32>
      %add3A_1275 = arith.addi %mul3A_5, %add3A_1274 : vector<16xi32>
      tpu.vector_store_idx %arg6[%add3A_1275], %gather3A_1265 : memref<25600xi32, #tpu.memory_space<vmem>>[vector<16xi32>], vector<16xi32>,
      %add3A_1276 = arith.constant 912 : i32
      %add3A_1277 = vector.broadcast %add3A_1276 : i32 to vector<16xi32>
      %add3A_1278 = arith.addi %iota3A, %add3A_1277 : vector<16xi32>
      %gather3A_1279 = tpu.vector_load_idx %arg5[%add3A_1278] : memref<2560xi32, #tpu.memory_space<vmem>>[vector<16xi32>], vector<16xi32>,
      %mul3A_1280 = arith.constant 2560 : i32
      %mul3A_1281 = arith.muli %scan3A_475, %mul3A_1280 : i32
      %add3A_1282 = arith.constant 512 : i32
      %add3A_1283 = arith.addi %mul3A_1281, %add3A_1282 : i32
      %add3A_1284 = arith.constant 64 : i32
      %add3A_1285 = arith.addi %add3A_1283, %add3A_1284 : i32
      %add3A_1286 = arith.constant 3 : i32
      %add3A_1287 = arith.addi %add3A_1285, %add3A_1286 : i32
      %add3A_1288 = vector.broadcast %add3A_1287 : i32 to vector<16xi32>
      %add3A_1289 = arith.addi %mul3A_5, %add3A_1288 : vector<16xi32>
      tpu.vector_store_idx %arg6[%add3A_1289], %gather3A_1279 : memref<25600xi32, #tpu.memory_space<vmem>>[vector<16xi32>], vector<16xi32>,
      %add3A_1290 = arith.constant 928 : i32
      %add3A_1291 = vector.broadcast %add3A_1290 : i32 to vector<16xi32>
      %add3A_1292 = arith.addi %iota3A, %add3A_1291 : vector<16xi32>
      %gather3A_1293 = tpu.vector_load_idx %arg5[%add3A_1292] : memref<2560xi32, #tpu.memory_space<vmem>>[vector<16xi32>], vector<16xi32>,
      %mul3A_1294 = arith.constant 2560 : i32
      %mul3A_1295 = arith.muli %scan3A_475, %mul3A_1294 : i32
      %add3A_1296 = arith.constant 512 : i32
      %add3A_1297 = arith.addi %mul3A_1295, %add3A_1296 : i32
      %add3A_1298 = arith.constant 128 : i32
      %add3A_1299 = arith.addi %add3A_1297, %add3A_1298 : i32
      %add3A_1300 = arith.constant 3 : i32
      %add3A_1301 = arith.addi %add3A_1299, %add3A_1300 : i32
      %add3A_1302 = vector.broadcast %add3A_1301 : i32 to vector<16xi32>
      %add3A_1303 = arith.addi %mul3A_5, %add3A_1302 : vector<16xi32>
      tpu.vector_store_idx %arg6[%add3A_1303], %gather3A_1293 : memref<25600xi32, #tpu.memory_space<vmem>>[vector<16xi32>], vector<16xi32>,
      %add3A_1304 = arith.constant 944 : i32
      %add3A_1305 = vector.broadcast %add3A_1304 : i32 to vector<16xi32>
      %add3A_1306 = arith.addi %iota3A, %add3A_1305 : vector<16xi32>
      %gather3A_1307 = tpu.vector_load_idx %arg5[%add3A_1306] : memref<2560xi32, #tpu.memory_space<vmem>>[vector<16xi32>], vector<16xi32>,
      %mul3A_1308 = arith.constant 2560 : i32
      %mul3A_1309 = arith.muli %scan3A_475, %mul3A_1308 : i32
      %add3A_1310 = arith.constant 512 : i32
      %add3A_1311 = arith.addi %mul3A_1309, %add3A_1310 : i32
      %add3A_1312 = arith.constant 192 : i32
      %add3A_1313 = arith.addi %add3A_1311, %add3A_1312 : i32
      %add3A_1314 = arith.constant 3 : i32
      %add3A_1315 = arith.addi %add3A_1313, %add3A_1314 : i32
      %add3A_1316 = vector.broadcast %add3A_1315 : i32 to vector<16xi32>
      %add3A_1317 = arith.addi %mul3A_5, %add3A_1316 : vector<16xi32>
      tpu.vector_store_idx %arg6[%add3A_1317], %gather3A_1307 : memref<25600xi32, #tpu.memory_space<vmem>>[vector<16xi32>], vector<16xi32>,
      %add3A_1318 = arith.constant 960 : i32
      %add3A_1319 = vector.broadcast %add3A_1318 : i32 to vector<16xi32>
      %add3A_1320 = arith.addi %iota3A, %add3A_1319 : vector<16xi32>
      %gather3A_1321 = tpu.vector_load_idx %arg5[%add3A_1320] : memref<2560xi32, #tpu.memory_space<vmem>>[vector<16xi32>], vector<16xi32>,
      %mul3A_1322 = arith.constant 2560 : i32
      %mul3A_1323 = arith.muli %scan3A_475, %mul3A_1322 : i32
      %add3A_1324 = arith.constant 512 : i32
      %add3A_1325 = arith.addi %mul3A_1323, %add3A_1324 : i32
      %add3A_1326 = arith.constant 256 : i32
      %add3A_1327 = arith.addi %add3A_1325, %add3A_1326 : i32
      %add3A_1328 = arith.constant 3 : i32
      %add3A_1329 = arith.addi %add3A_1327, %add3A_1328 : i32
      %add3A_1330 = vector.broadcast %add3A_1329 : i32 to vector<16xi32>
      %add3A_1331 = arith.addi %mul3A_5, %add3A_1330 : vector<16xi32>
      tpu.vector_store_idx %arg6[%add3A_1331], %gather3A_1321 : memref<25600xi32, #tpu.memory_space<vmem>>[vector<16xi32>], vector<16xi32>,
      %add3A_1332 = arith.constant 976 : i32
      %add3A_1333 = vector.broadcast %add3A_1332 : i32 to vector<16xi32>
      %add3A_1334 = arith.addi %iota3A, %add3A_1333 : vector<16xi32>
      %gather3A_1335 = tpu.vector_load_idx %arg5[%add3A_1334] : memref<2560xi32, #tpu.memory_space<vmem>>[vector<16xi32>], vector<16xi32>,
      %mul3A_1336 = arith.constant 2560 : i32
      %mul3A_1337 = arith.muli %scan3A_475, %mul3A_1336 : i32
      %add3A_1338 = arith.constant 512 : i32
      %add3A_1339 = arith.addi %mul3A_1337, %add3A_1338 : i32
      %add3A_1340 = arith.constant 320 : i32
      %add3A_1341 = arith.addi %add3A_1339, %add3A_1340 : i32
      %add3A_1342 = arith.constant 3 : i32
      %add3A_1343 = arith.addi %add3A_1341, %add3A_1342 : i32
      %add3A_1344 = vector.broadcast %add3A_1343 : i32 to vector<16xi32>
      %add3A_1345 = arith.addi %mul3A_5, %add3A_1344 : vector<16xi32>
      tpu.vector_store_idx %arg6[%add3A_1345], %gather3A_1335 : memref<25600xi32, #tpu.memory_space<vmem>>[vector<16xi32>], vector<16xi32>,
      %add3A_1346 = arith.constant 992 : i32
      %add3A_1347 = vector.broadcast %add3A_1346 : i32 to vector<16xi32>
      %add3A_1348 = arith.addi %iota3A, %add3A_1347 : vector<16xi32>
      %gather3A_1349 = tpu.vector_load_idx %arg5[%add3A_1348] : memref<2560xi32, #tpu.memory_space<vmem>>[vector<16xi32>], vector<16xi32>,
      %mul3A_1350 = arith.constant 2560 : i32
      %mul3A_1351 = arith.muli %scan3A_475, %mul3A_1350 : i32
      %add3A_1352 = arith.constant 512 : i32
      %add3A_1353 = arith.addi %mul3A_1351, %add3A_1352 : i32
      %add3A_1354 = arith.constant 384 : i32
      %add3A_1355 = arith.addi %add3A_1353, %add3A_1354 : i32
      %add3A_1356 = arith.constant 3 : i32
      %add3A_1357 = arith.addi %add3A_1355, %add3A_1356 : i32
      %add3A_1358 = vector.broadcast %add3A_1357 : i32 to vector<16xi32>
      %add3A_1359 = arith.addi %mul3A_5, %add3A_1358 : vector<16xi32>
      tpu.vector_store_idx %arg6[%add3A_1359], %gather3A_1349 : memref<25600xi32, #tpu.memory_space<vmem>>[vector<16xi32>], vector<16xi32>,
      %add3A_1360 = arith.constant 1008 : i32
      %add3A_1361 = vector.broadcast %add3A_1360 : i32 to vector<16xi32>
      %add3A_1362 = arith.addi %iota3A, %add3A_1361 : vector<16xi32>
      %gather3A_1363 = tpu.vector_load_idx %arg5[%add3A_1362] : memref<2560xi32, #tpu.memory_space<vmem>>[vector<16xi32>], vector<16xi32>,
      %mul3A_1364 = arith.constant 2560 : i32
      %mul3A_1365 = arith.muli %scan3A_475, %mul3A_1364 : i32
      %add3A_1366 = arith.constant 512 : i32
      %add3A_1367 = arith.addi %mul3A_1365, %add3A_1366 : i32
      %add3A_1368 = arith.constant 448 : i32
      %add3A_1369 = arith.addi %add3A_1367, %add3A_1368 : i32
      %add3A_1370 = arith.constant 3 : i32
      %add3A_1371 = arith.addi %add3A_1369, %add3A_1370 : i32
      %add3A_1372 = vector.broadcast %add3A_1371 : i32 to vector<16xi32>
      %add3A_1373 = arith.addi %mul3A_5, %add3A_1372 : vector<16xi32>
      tpu.vector_store_idx %arg6[%add3A_1373], %gather3A_1363 : memref<25600xi32, #tpu.memory_space<vmem>>[vector<16xi32>], vector<16xi32>,
      %add3A_1374 = arith.constant 1024 : i32
      %add3A_1375 = vector.broadcast %add3A_1374 : i32 to vector<16xi32>
      %add3A_1376 = arith.addi %iota3A, %add3A_1375 : vector<16xi32>
      %gather3A_1377 = tpu.vector_load_idx %arg5[%add3A_1376] : memref<2560xi32, #tpu.memory_space<vmem>>[vector<16xi32>], vector<16xi32>,
      %mul3A_1378 = arith.constant 2560 : i32
      %mul3A_1379 = arith.muli %scan3A_475, %mul3A_1378 : i32
      %add3A_1380 = arith.constant 1024 : i32
      %add3A_1381 = arith.addi %mul3A_1379, %add3A_1380 : i32
      %add3A_1382 = arith.constant 0 : i32
      %add3A_1383 = arith.addi %add3A_1381, %add3A_1382 : i32
      %add3A_1384 = arith.constant 0 : i32
      %add3A_1385 = arith.addi %add3A_1383, %add3A_1384 : i32
      %add3A_1386 = vector.broadcast %add3A_1385 : i32 to vector<16xi32>
      %add3A_1387 = arith.addi %mul3A_5, %add3A_1386 : vector<16xi32>
      tpu.vector_store_idx %arg6[%add3A_1387], %gather3A_1377 : memref<25600xi32, #tpu.memory_space<vmem>>[vector<16xi32>], vector<16xi32>,
      %add3A_1388 = arith.constant 1040 : i32
      %add3A_1389 = vector.broadcast %add3A_1388 : i32 to vector<16xi32>
      %add3A_1390 = arith.addi %iota3A, %add3A_1389 : vector<16xi32>
      %gather3A_1391 = tpu.vector_load_idx %arg5[%add3A_1390] : memref<2560xi32, #tpu.memory_space<vmem>>[vector<16xi32>], vector<16xi32>,
      %mul3A_1392 = arith.constant 2560 : i32
      %mul3A_1393 = arith.muli %scan3A_475, %mul3A_1392 : i32
      %add3A_1394 = arith.constant 1024 : i32
      %add3A_1395 = arith.addi %mul3A_1393, %add3A_1394 : i32
      %add3A_1396 = arith.constant 64 : i32
      %add3A_1397 = arith.addi %add3A_1395, %add3A_1396 : i32
      %add3A_1398 = arith.constant 0 : i32
      %add3A_1399 = arith.addi %add3A_1397, %add3A_1398 : i32
      %add3A_1400 = vector.broadcast %add3A_1399 : i32 to vector<16xi32>
      %add3A_1401 = arith.addi %mul3A_5, %add3A_1400 : vector<16xi32>
      tpu.vector_store_idx %arg6[%add3A_1401], %gather3A_1391 : memref<25600xi32, #tpu.memory_space<vmem>>[vector<16xi32>], vector<16xi32>,
      %add3A_1402 = arith.constant 1056 : i32
      %add3A_1403 = vector.broadcast %add3A_1402 : i32 to vector<16xi32>
      %add3A_1404 = arith.addi %iota3A, %add3A_1403 : vector<16xi32>
      %gather3A_1405 = tpu.vector_load_idx %arg5[%add3A_1404] : memref<2560xi32, #tpu.memory_space<vmem>>[vector<16xi32>], vector<16xi32>,
      %mul3A_1406 = arith.constant 2560 : i32
      %mul3A_1407 = arith.muli %scan3A_475, %mul3A_1406 : i32
      %add3A_1408 = arith.constant 1024 : i32
      %add3A_1409 = arith.addi %mul3A_1407, %add3A_1408 : i32
      %add3A_1410 = arith.constant 128 : i32
      %add3A_1411 = arith.addi %add3A_1409, %add3A_1410 : i32
      %add3A_1412 = arith.constant 0 : i32
      %add3A_1413 = arith.addi %add3A_1411, %add3A_1412 : i32
      %add3A_1414 = vector.broadcast %add3A_1413 : i32 to vector<16xi32>
      %add3A_1415 = arith.addi %mul3A_5, %add3A_1414 : vector<16xi32>
      tpu.vector_store_idx %arg6[%add3A_1415], %gather3A_1405 : memref<25600xi32, #tpu.memory_space<vmem>>[vector<16xi32>], vector<16xi32>,
      %add3A_1416 = arith.constant 1072 : i32
      %add3A_1417 = vector.broadcast %add3A_1416 : i32 to vector<16xi32>
      %add3A_1418 = arith.addi %iota3A, %add3A_1417 : vector<16xi32>
      %gather3A_1419 = tpu.vector_load_idx %arg5[%add3A_1418] : memref<2560xi32, #tpu.memory_space<vmem>>[vector<16xi32>], vector<16xi32>,
      %mul3A_1420 = arith.constant 2560 : i32
      %mul3A_1421 = arith.muli %scan3A_475, %mul3A_1420 : i32
      %add3A_1422 = arith.constant 1024 : i32
      %add3A_1423 = arith.addi %mul3A_1421, %add3A_1422 : i32
      %add3A_1424 = arith.constant 192 : i32
      %add3A_1425 = arith.addi %add3A_1423, %add3A_1424 : i32
      %add3A_1426 = arith.constant 0 : i32
      %add3A_1427 = arith.addi %add3A_1425, %add3A_1426 : i32
      %add3A_1428 = vector.broadcast %add3A_1427 : i32 to vector<16xi32>
      %add3A_1429 = arith.addi %mul3A_5, %add3A_1428 : vector<16xi32>
      tpu.vector_store_idx %arg6[%add3A_1429], %gather3A_1419 : memref<25600xi32, #tpu.memory_space<vmem>>[vector<16xi32>], vector<16xi32>,
      %add3A_1430 = arith.constant 1088 : i32
      %add3A_1431 = vector.broadcast %add3A_1430 : i32 to vector<16xi32>
      %add3A_1432 = arith.addi %iota3A, %add3A_1431 : vector<16xi32>
      %gather3A_1433 = tpu.vector_load_idx %arg5[%add3A_1432] : memref<2560xi32, #tpu.memory_space<vmem>>[vector<16xi32>], vector<16xi32>,
      %mul3A_1434 = arith.constant 2560 : i32
      %mul3A_1435 = arith.muli %scan3A_475, %mul3A_1434 : i32
      %add3A_1436 = arith.constant 1024 : i32
      %add3A_1437 = arith.addi %mul3A_1435, %add3A_1436 : i32
      %add3A_1438 = arith.constant 256 : i32
      %add3A_1439 = arith.addi %add3A_1437, %add3A_1438 : i32
      %add3A_1440 = arith.constant 0 : i32
      %add3A_1441 = arith.addi %add3A_1439, %add3A_1440 : i32
      %add3A_1442 = vector.broadcast %add3A_1441 : i32 to vector<16xi32>
      %add3A_1443 = arith.addi %mul3A_5, %add3A_1442 : vector<16xi32>
      tpu.vector_store_idx %arg6[%add3A_1443], %gather3A_1433 : memref<25600xi32, #tpu.memory_space<vmem>>[vector<16xi32>], vector<16xi32>,
      %add3A_1444 = arith.constant 1104 : i32
      %add3A_1445 = vector.broadcast %add3A_1444 : i32 to vector<16xi32>
      %add3A_1446 = arith.addi %iota3A, %add3A_1445 : vector<16xi32>
      %gather3A_1447 = tpu.vector_load_idx %arg5[%add3A_1446] : memref<2560xi32, #tpu.memory_space<vmem>>[vector<16xi32>], vector<16xi32>,
      %mul3A_1448 = arith.constant 2560 : i32
      %mul3A_1449 = arith.muli %scan3A_475, %mul3A_1448 : i32
      %add3A_1450 = arith.constant 1024 : i32
      %add3A_1451 = arith.addi %mul3A_1449, %add3A_1450 : i32
      %add3A_1452 = arith.constant 320 : i32
      %add3A_1453 = arith.addi %add3A_1451, %add3A_1452 : i32
      %add3A_1454 = arith.constant 0 : i32
      %add3A_1455 = arith.addi %add3A_1453, %add3A_1454 : i32
      %add3A_1456 = vector.broadcast %add3A_1455 : i32 to vector<16xi32>
      %add3A_1457 = arith.addi %mul3A_5, %add3A_1456 : vector<16xi32>
      tpu.vector_store_idx %arg6[%add3A_1457], %gather3A_1447 : memref<25600xi32, #tpu.memory_space<vmem>>[vector<16xi32>], vector<16xi32>,
      %add3A_1458 = arith.constant 1120 : i32
      %add3A_1459 = vector.broadcast %add3A_1458 : i32 to vector<16xi32>
      %add3A_1460 = arith.addi %iota3A, %add3A_1459 : vector<16xi32>
      %gather3A_1461 = tpu.vector_load_idx %arg5[%add3A_1460] : memref<2560xi32, #tpu.memory_space<vmem>>[vector<16xi32>], vector<16xi32>,
      %mul3A_1462 = arith.constant 2560 : i32
      %mul3A_1463 = arith.muli %scan3A_475, %mul3A_1462 : i32
      %add3A_1464 = arith.constant 1024 : i32
      %add3A_1465 = arith.addi %mul3A_1463, %add3A_1464 : i32
      %add3A_1466 = arith.constant 384 : i32
      %add3A_1467 = arith.addi %add3A_1465, %add3A_1466 : i32
      %add3A_1468 = arith.constant 0 : i32
      %add3A_1469 = arith.addi %add3A_1467, %add3A_1468 : i32
      %add3A_1470 = vector.broadcast %add3A_1469 : i32 to vector<16xi32>
      %add3A_1471 = arith.addi %mul3A_5, %add3A_1470 : vector<16xi32>
      tpu.vector_store_idx %arg6[%add3A_1471], %gather3A_1461 : memref<25600xi32, #tpu.memory_space<vmem>>[vector<16xi32>], vector<16xi32>,
      %add3A_1472 = arith.constant 1136 : i32
      %add3A_1473 = vector.broadcast %add3A_1472 : i32 to vector<16xi32>
      %add3A_1474 = arith.addi %iota3A, %add3A_1473 : vector<16xi32>
      %gather3A_1475 = tpu.vector_load_idx %arg5[%add3A_1474] : memref<2560xi32, #tpu.memory_space<vmem>>[vector<16xi32>], vector<16xi32>,
      %mul3A_1476 = arith.constant 2560 : i32
      %mul3A_1477 = arith.muli %scan3A_475, %mul3A_1476 : i32
      %add3A_1478 = arith.constant 1024 : i32
      %add3A_1479 = arith.addi %mul3A_1477, %add3A_1478 : i32
      %add3A_1480 = arith.constant 448 : i32
      %add3A_1481 = arith.addi %add3A_1479, %add3A_1480 : i32
      %add3A_1482 = arith.constant 0 : i32
      %add3A_1483 = arith.addi %add3A_1481, %add3A_1482 : i32
      %add3A_1484 = vector.broadcast %add3A_1483 : i32 to vector<16xi32>
      %add3A_1485 = arith.addi %mul3A_5, %add3A_1484 : vector<16xi32>
      tpu.vector_store_idx %arg6[%add3A_1485], %gather3A_1475 : memref<25600xi32, #tpu.memory_space<vmem>>[vector<16xi32>], vector<16xi32>,
      %add3A_1486 = arith.constant 1152 : i32
      %add3A_1487 = vector.broadcast %add3A_1486 : i32 to vector<16xi32>
      %add3A_1488 = arith.addi %iota3A, %add3A_1487 : vector<16xi32>
      %gather3A_1489 = tpu.vector_load_idx %arg5[%add3A_1488] : memref<2560xi32, #tpu.memory_space<vmem>>[vector<16xi32>], vector<16xi32>,
      %mul3A_1490 = arith.constant 2560 : i32
      %mul3A_1491 = arith.muli %scan3A_475, %mul3A_1490 : i32
      %add3A_1492 = arith.constant 1024 : i32
      %add3A_1493 = arith.addi %mul3A_1491, %add3A_1492 : i32
      %add3A_1494 = arith.constant 0 : i32
      %add3A_1495 = arith.addi %add3A_1493, %add3A_1494 : i32
      %add3A_1496 = arith.constant 1 : i32
      %add3A_1497 = arith.addi %add3A_1495, %add3A_1496 : i32
      %add3A_1498 = vector.broadcast %add3A_1497 : i32 to vector<16xi32>
      %add3A_1499 = arith.addi %mul3A_5, %add3A_1498 : vector<16xi32>
      tpu.vector_store_idx %arg6[%add3A_1499], %gather3A_1489 : memref<25600xi32, #tpu.memory_space<vmem>>[vector<16xi32>], vector<16xi32>,
      %add3A_1500 = arith.constant 1168 : i32
      %add3A_1501 = vector.broadcast %add3A_1500 : i32 to vector<16xi32>
      %add3A_1502 = arith.addi %iota3A, %add3A_1501 : vector<16xi32>
      %gather3A_1503 = tpu.vector_load_idx %arg5[%add3A_1502] : memref<2560xi32, #tpu.memory_space<vmem>>[vector<16xi32>], vector<16xi32>,
      %mul3A_1504 = arith.constant 2560 : i32
      %mul3A_1505 = arith.muli %scan3A_475, %mul3A_1504 : i32
      %add3A_1506 = arith.constant 1024 : i32
      %add3A_1507 = arith.addi %mul3A_1505, %add3A_1506 : i32
      %add3A_1508 = arith.constant 64 : i32
      %add3A_1509 = arith.addi %add3A_1507, %add3A_1508 : i32
      %add3A_1510 = arith.constant 1 : i32
      %add3A_1511 = arith.addi %add3A_1509, %add3A_1510 : i32
      %add3A_1512 = vector.broadcast %add3A_1511 : i32 to vector<16xi32>
      %add3A_1513 = arith.addi %mul3A_5, %add3A_1512 : vector<16xi32>
      tpu.vector_store_idx %arg6[%add3A_1513], %gather3A_1503 : memref<25600xi32, #tpu.memory_space<vmem>>[vector<16xi32>], vector<16xi32>,
      %add3A_1514 = arith.constant 1184 : i32
      %add3A_1515 = vector.broadcast %add3A_1514 : i32 to vector<16xi32>
      %add3A_1516 = arith.addi %iota3A, %add3A_1515 : vector<16xi32>
      %gather3A_1517 = tpu.vector_load_idx %arg5[%add3A_1516] : memref<2560xi32, #tpu.memory_space<vmem>>[vector<16xi32>], vector<16xi32>,
      %mul3A_1518 = arith.constant 2560 : i32
      %mul3A_1519 = arith.muli %scan3A_475, %mul3A_1518 : i32
      %add3A_1520 = arith.constant 1024 : i32
      %add3A_1521 = arith.addi %mul3A_1519, %add3A_1520 : i32
      %add3A_1522 = arith.constant 128 : i32
      %add3A_1523 = arith.addi %add3A_1521, %add3A_1522 : i32
      %add3A_1524 = arith.constant 1 : i32
      %add3A_1525 = arith.addi %add3A_1523, %add3A_1524 : i32
      %add3A_1526 = vector.broadcast %add3A_1525 : i32 to vector<16xi32>
      %add3A_1527 = arith.addi %mul3A_5, %add3A_1526 : vector<16xi32>
      tpu.vector_store_idx %arg6[%add3A_1527], %gather3A_1517 : memref<25600xi32, #tpu.memory_space<vmem>>[vector<16xi32>], vector<16xi32>,
      %add3A_1528 = arith.constant 1200 : i32
      %add3A_1529 = vector.broadcast %add3A_1528 : i32 to vector<16xi32>
      %add3A_1530 = arith.addi %iota3A, %add3A_1529 : vector<16xi32>
      %gather3A_1531 = tpu.vector_load_idx %arg5[%add3A_1530] : memref<2560xi32, #tpu.memory_space<vmem>>[vector<16xi32>], vector<16xi32>,
      %mul3A_1532 = arith.constant 2560 : i32
      %mul3A_1533 = arith.muli %scan3A_475, %mul3A_1532 : i32
      %add3A_1534 = arith.constant 1024 : i32
      %add3A_1535 = arith.addi %mul3A_1533, %add3A_1534 : i32
      %add3A_1536 = arith.constant 192 : i32
      %add3A_1537 = arith.addi %add3A_1535, %add3A_1536 : i32
      %add3A_1538 = arith.constant 1 : i32
      %add3A_1539 = arith.addi %add3A_1537, %add3A_1538 : i32
      %add3A_1540 = vector.broadcast %add3A_1539 : i32 to vector<16xi32>
      %add3A_1541 = arith.addi %mul3A_5, %add3A_1540 : vector<16xi32>
      tpu.vector_store_idx %arg6[%add3A_1541], %gather3A_1531 : memref<25600xi32, #tpu.memory_space<vmem>>[vector<16xi32>], vector<16xi32>,
      %add3A_1542 = arith.constant 1216 : i32
      %add3A_1543 = vector.broadcast %add3A_1542 : i32 to vector<16xi32>
      %add3A_1544 = arith.addi %iota3A, %add3A_1543 : vector<16xi32>
      %gather3A_1545 = tpu.vector_load_idx %arg5[%add3A_1544] : memref<2560xi32, #tpu.memory_space<vmem>>[vector<16xi32>], vector<16xi32>,
      %mul3A_1546 = arith.constant 2560 : i32
      %mul3A_1547 = arith.muli %scan3A_475, %mul3A_1546 : i32
      %add3A_1548 = arith.constant 1024 : i32
      %add3A_1549 = arith.addi %mul3A_1547, %add3A_1548 : i32
      %add3A_1550 = arith.constant 256 : i32
      %add3A_1551 = arith.addi %add3A_1549, %add3A_1550 : i32
      %add3A_1552 = arith.constant 1 : i32
      %add3A_1553 = arith.addi %add3A_1551, %add3A_1552 : i32
      %add3A_1554 = vector.broadcast %add3A_1553 : i32 to vector<16xi32>
      %add3A_1555 = arith.addi %mul3A_5, %add3A_1554 : vector<16xi32>
      tpu.vector_store_idx %arg6[%add3A_1555], %gather3A_1545 : memref<25600xi32, #tpu.memory_space<vmem>>[vector<16xi32>], vector<16xi32>,
      %add3A_1556 = arith.constant 1232 : i32
      %add3A_1557 = vector.broadcast %add3A_1556 : i32 to vector<16xi32>
      %add3A_1558 = arith.addi %iota3A, %add3A_1557 : vector<16xi32>
      %gather3A_1559 = tpu.vector_load_idx %arg5[%add3A_1558] : memref<2560xi32, #tpu.memory_space<vmem>>[vector<16xi32>], vector<16xi32>,
      %mul3A_1560 = arith.constant 2560 : i32
      %mul3A_1561 = arith.muli %scan3A_475, %mul3A_1560 : i32
      %add3A_1562 = arith.constant 1024 : i32
      %add3A_1563 = arith.addi %mul3A_1561, %add3A_1562 : i32
      %add3A_1564 = arith.constant 320 : i32
      %add3A_1565 = arith.addi %add3A_1563, %add3A_1564 : i32
      %add3A_1566 = arith.constant 1 : i32
      %add3A_1567 = arith.addi %add3A_1565, %add3A_1566 : i32
      %add3A_1568 = vector.broadcast %add3A_1567 : i32 to vector<16xi32>
      %add3A_1569 = arith.addi %mul3A_5, %add3A_1568 : vector<16xi32>
      tpu.vector_store_idx %arg6[%add3A_1569], %gather3A_1559 : memref<25600xi32, #tpu.memory_space<vmem>>[vector<16xi32>], vector<16xi32>,
      %add3A_1570 = arith.constant 1248 : i32
      %add3A_1571 = vector.broadcast %add3A_1570 : i32 to vector<16xi32>
      %add3A_1572 = arith.addi %iota3A, %add3A_1571 : vector<16xi32>
      %gather3A_1573 = tpu.vector_load_idx %arg5[%add3A_1572] : memref<2560xi32, #tpu.memory_space<vmem>>[vector<16xi32>], vector<16xi32>,
      %mul3A_1574 = arith.constant 2560 : i32
      %mul3A_1575 = arith.muli %scan3A_475, %mul3A_1574 : i32
      %add3A_1576 = arith.constant 1024 : i32
      %add3A_1577 = arith.addi %mul3A_1575, %add3A_1576 : i32
      %add3A_1578 = arith.constant 384 : i32
      %add3A_1579 = arith.addi %add3A_1577, %add3A_1578 : i32
      %add3A_1580 = arith.constant 1 : i32
      %add3A_1581 = arith.addi %add3A_1579, %add3A_1580 : i32
      %add3A_1582 = vector.broadcast %add3A_1581 : i32 to vector<16xi32>
      %add3A_1583 = arith.addi %mul3A_5, %add3A_1582 : vector<16xi32>
      tpu.vector_store_idx %arg6[%add3A_1583], %gather3A_1573 : memref<25600xi32, #tpu.memory_space<vmem>>[vector<16xi32>], vector<16xi32>,
      %add3A_1584 = arith.constant 1264 : i32
      %add3A_1585 = vector.broadcast %add3A_1584 : i32 to vector<16xi32>
      %add3A_1586 = arith.addi %iota3A, %add3A_1585 : vector<16xi32>
      %gather3A_1587 = tpu.vector_load_idx %arg5[%add3A_1586] : memref<2560xi32, #tpu.memory_space<vmem>>[vector<16xi32>], vector<16xi32>,
      %mul3A_1588 = arith.constant 2560 : i32
      %mul3A_1589 = arith.muli %scan3A_475, %mul3A_1588 : i32
      %add3A_1590 = arith.constant 1024 : i32
      %add3A_1591 = arith.addi %mul3A_1589, %add3A_1590 : i32
      %add3A_1592 = arith.constant 448 : i32
      %add3A_1593 = arith.addi %add3A_1591, %add3A_1592 : i32
      %add3A_1594 = arith.constant 1 : i32
      %add3A_1595 = arith.addi %add3A_1593, %add3A_1594 : i32
      %add3A_1596 = vector.broadcast %add3A_1595 : i32 to vector<16xi32>
      %add3A_1597 = arith.addi %mul3A_5, %add3A_1596 : vector<16xi32>
      tpu.vector_store_idx %arg6[%add3A_1597], %gather3A_1587 : memref<25600xi32, #tpu.memory_space<vmem>>[vector<16xi32>], vector<16xi32>,
      %add3A_1598 = arith.constant 1280 : i32
      %add3A_1599 = vector.broadcast %add3A_1598 : i32 to vector<16xi32>
      %add3A_1600 = arith.addi %iota3A, %add3A_1599 : vector<16xi32>
      %gather3A_1601 = tpu.vector_load_idx %arg5[%add3A_1600] : memref<2560xi32, #tpu.memory_space<vmem>>[vector<16xi32>], vector<16xi32>,
      %mul3A_1602 = arith.constant 2560 : i32
      %mul3A_1603 = arith.muli %scan3A_475, %mul3A_1602 : i32
      %add3A_1604 = arith.constant 1024 : i32
      %add3A_1605 = arith.addi %mul3A_1603, %add3A_1604 : i32
      %add3A_1606 = arith.constant 0 : i32
      %add3A_1607 = arith.addi %add3A_1605, %add3A_1606 : i32
      %add3A_1608 = arith.constant 2 : i32
      %add3A_1609 = arith.addi %add3A_1607, %add3A_1608 : i32
      %add3A_1610 = vector.broadcast %add3A_1609 : i32 to vector<16xi32>
      %add3A_1611 = arith.addi %mul3A_5, %add3A_1610 : vector<16xi32>
      tpu.vector_store_idx %arg6[%add3A_1611], %gather3A_1601 : memref<25600xi32, #tpu.memory_space<vmem>>[vector<16xi32>], vector<16xi32>,
      %add3A_1612 = arith.constant 1296 : i32
      %add3A_1613 = vector.broadcast %add3A_1612 : i32 to vector<16xi32>
      %add3A_1614 = arith.addi %iota3A, %add3A_1613 : vector<16xi32>
      %gather3A_1615 = tpu.vector_load_idx %arg5[%add3A_1614] : memref<2560xi32, #tpu.memory_space<vmem>>[vector<16xi32>], vector<16xi32>,
      %mul3A_1616 = arith.constant 2560 : i32
      %mul3A_1617 = arith.muli %scan3A_475, %mul3A_1616 : i32
      %add3A_1618 = arith.constant 1024 : i32
      %add3A_1619 = arith.addi %mul3A_1617, %add3A_1618 : i32
      %add3A_1620 = arith.constant 64 : i32
      %add3A_1621 = arith.addi %add3A_1619, %add3A_1620 : i32
      %add3A_1622 = arith.constant 2 : i32
      %add3A_1623 = arith.addi %add3A_1621, %add3A_1622 : i32
      %add3A_1624 = vector.broadcast %add3A_1623 : i32 to vector<16xi32>
      %add3A_1625 = arith.addi %mul3A_5, %add3A_1624 : vector<16xi32>
      tpu.vector_store_idx %arg6[%add3A_1625], %gather3A_1615 : memref<25600xi32, #tpu.memory_space<vmem>>[vector<16xi32>], vector<16xi32>,
      %add3A_1626 = arith.constant 1312 : i32
      %add3A_1627 = vector.broadcast %add3A_1626 : i32 to vector<16xi32>
      %add3A_1628 = arith.addi %iota3A, %add3A_1627 : vector<16xi32>
      %gather3A_1629 = tpu.vector_load_idx %arg5[%add3A_1628] : memref<2560xi32, #tpu.memory_space<vmem>>[vector<16xi32>], vector<16xi32>,
      %mul3A_1630 = arith.constant 2560 : i32
      %mul3A_1631 = arith.muli %scan3A_475, %mul3A_1630 : i32
      %add3A_1632 = arith.constant 1024 : i32
      %add3A_1633 = arith.addi %mul3A_1631, %add3A_1632 : i32
      %add3A_1634 = arith.constant 128 : i32
      %add3A_1635 = arith.addi %add3A_1633, %add3A_1634 : i32
      %add3A_1636 = arith.constant 2 : i32
      %add3A_1637 = arith.addi %add3A_1635, %add3A_1636 : i32
      %add3A_1638 = vector.broadcast %add3A_1637 : i32 to vector<16xi32>
      %add3A_1639 = arith.addi %mul3A_5, %add3A_1638 : vector<16xi32>
      tpu.vector_store_idx %arg6[%add3A_1639], %gather3A_1629 : memref<25600xi32, #tpu.memory_space<vmem>>[vector<16xi32>], vector<16xi32>,
      %add3A_1640 = arith.constant 1328 : i32
      %add3A_1641 = vector.broadcast %add3A_1640 : i32 to vector<16xi32>
      %add3A_1642 = arith.addi %iota3A, %add3A_1641 : vector<16xi32>
      %gather3A_1643 = tpu.vector_load_idx %arg5[%add3A_1642] : memref<2560xi32, #tpu.memory_space<vmem>>[vector<16xi32>], vector<16xi32>,
      %mul3A_1644 = arith.constant 2560 : i32
      %mul3A_1645 = arith.muli %scan3A_475, %mul3A_1644 : i32
      %add3A_1646 = arith.constant 1024 : i32
      %add3A_1647 = arith.addi %mul3A_1645, %add3A_1646 : i32
      %add3A_1648 = arith.constant 192 : i32
      %add3A_1649 = arith.addi %add3A_1647, %add3A_1648 : i32
      %add3A_1650 = arith.constant 2 : i32
      %add3A_1651 = arith.addi %add3A_1649, %add3A_1650 : i32
      %add3A_1652 = vector.broadcast %add3A_1651 : i32 to vector<16xi32>
      %add3A_1653 = arith.addi %mul3A_5, %add3A_1652 : vector<16xi32>
      tpu.vector_store_idx %arg6[%add3A_1653], %gather3A_1643 : memref<25600xi32, #tpu.memory_space<vmem>>[vector<16xi32>], vector<16xi32>,
      %add3A_1654 = arith.constant 1344 : i32
      %add3A_1655 = vector.broadcast %add3A_1654 : i32 to vector<16xi32>
      %add3A_1656 = arith.addi %iota3A, %add3A_1655 : vector<16xi32>
      %gather3A_1657 = tpu.vector_load_idx %arg5[%add3A_1656] : memref<2560xi32, #tpu.memory_space<vmem>>[vector<16xi32>], vector<16xi32>,
      %mul3A_1658 = arith.constant 2560 : i32
      %mul3A_1659 = arith.muli %scan3A_475, %mul3A_1658 : i32
      %add3A_1660 = arith.constant 1024 : i32
      %add3A_1661 = arith.addi %mul3A_1659, %add3A_1660 : i32
      %add3A_1662 = arith.constant 256 : i32
      %add3A_1663 = arith.addi %add3A_1661, %add3A_1662 : i32
      %add3A_1664 = arith.constant 2 : i32
      %add3A_1665 = arith.addi %add3A_1663, %add3A_1664 : i32
      %add3A_1666 = vector.broadcast %add3A_1665 : i32 to vector<16xi32>
      %add3A_1667 = arith.addi %mul3A_5, %add3A_1666 : vector<16xi32>
      tpu.vector_store_idx %arg6[%add3A_1667], %gather3A_1657 : memref<25600xi32, #tpu.memory_space<vmem>>[vector<16xi32>], vector<16xi32>,
      %add3A_1668 = arith.constant 1360 : i32
      %add3A_1669 = vector.broadcast %add3A_1668 : i32 to vector<16xi32>
      %add3A_1670 = arith.addi %iota3A, %add3A_1669 : vector<16xi32>
      %gather3A_1671 = tpu.vector_load_idx %arg5[%add3A_1670] : memref<2560xi32, #tpu.memory_space<vmem>>[vector<16xi32>], vector<16xi32>,
      %mul3A_1672 = arith.constant 2560 : i32
      %mul3A_1673 = arith.muli %scan3A_475, %mul3A_1672 : i32
      %add3A_1674 = arith.constant 1024 : i32
      %add3A_1675 = arith.addi %mul3A_1673, %add3A_1674 : i32
      %add3A_1676 = arith.constant 320 : i32
      %add3A_1677 = arith.addi %add3A_1675, %add3A_1676 : i32
      %add3A_1678 = arith.constant 2 : i32
      %add3A_1679 = arith.addi %add3A_1677, %add3A_1678 : i32
      %add3A_1680 = vector.broadcast %add3A_1679 : i32 to vector<16xi32>
      %add3A_1681 = arith.addi %mul3A_5, %add3A_1680 : vector<16xi32>
      tpu.vector_store_idx %arg6[%add3A_1681], %gather3A_1671 : memref<25600xi32, #tpu.memory_space<vmem>>[vector<16xi32>], vector<16xi32>,
      %add3A_1682 = arith.constant 1376 : i32
      %add3A_1683 = vector.broadcast %add3A_1682 : i32 to vector<16xi32>
      %add3A_1684 = arith.addi %iota3A, %add3A_1683 : vector<16xi32>
      %gather3A_1685 = tpu.vector_load_idx %arg5[%add3A_1684] : memref<2560xi32, #tpu.memory_space<vmem>>[vector<16xi32>], vector<16xi32>,
      %mul3A_1686 = arith.constant 2560 : i32
      %mul3A_1687 = arith.muli %scan3A_475, %mul3A_1686 : i32
      %add3A_1688 = arith.constant 1024 : i32
      %add3A_1689 = arith.addi %mul3A_1687, %add3A_1688 : i32
      %add3A_1690 = arith.constant 384 : i32
      %add3A_1691 = arith.addi %add3A_1689, %add3A_1690 : i32
      %add3A_1692 = arith.constant 2 : i32
      %add3A_1693 = arith.addi %add3A_1691, %add3A_1692 : i32
      %add3A_1694 = vector.broadcast %add3A_1693 : i32 to vector<16xi32>
      %add3A_1695 = arith.addi %mul3A_5, %add3A_1694 : vector<16xi32>
      tpu.vector_store_idx %arg6[%add3A_1695], %gather3A_1685 : memref<25600xi32, #tpu.memory_space<vmem>>[vector<16xi32>], vector<16xi32>,
      %add3A_1696 = arith.constant 1392 : i32
      %add3A_1697 = vector.broadcast %add3A_1696 : i32 to vector<16xi32>
      %add3A_1698 = arith.addi %iota3A, %add3A_1697 : vector<16xi32>
      %gather3A_1699 = tpu.vector_load_idx %arg5[%add3A_1698] : memref<2560xi32, #tpu.memory_space<vmem>>[vector<16xi32>], vector<16xi32>,
      %mul3A_1700 = arith.constant 2560 : i32
      %mul3A_1701 = arith.muli %scan3A_475, %mul3A_1700 : i32
      %add3A_1702 = arith.constant 1024 : i32
      %add3A_1703 = arith.addi %mul3A_1701, %add3A_1702 : i32
      %add3A_1704 = arith.constant 448 : i32
      %add3A_1705 = arith.addi %add3A_1703, %add3A_1704 : i32
      %add3A_1706 = arith.constant 2 : i32
      %add3A_1707 = arith.addi %add3A_1705, %add3A_1706 : i32
      %add3A_1708 = vector.broadcast %add3A_1707 : i32 to vector<16xi32>
      %add3A_1709 = arith.addi %mul3A_5, %add3A_1708 : vector<16xi32>
      tpu.vector_store_idx %arg6[%add3A_1709], %gather3A_1699 : memref<25600xi32, #tpu.memory_space<vmem>>[vector<16xi32>], vector<16xi32>,
      %add3A_1710 = arith.constant 1408 : i32
      %add3A_1711 = vector.broadcast %add3A_1710 : i32 to vector<16xi32>
      %add3A_1712 = arith.addi %iota3A, %add3A_1711 : vector<16xi32>
      %gather3A_1713 = tpu.vector_load_idx %arg5[%add3A_1712] : memref<2560xi32, #tpu.memory_space<vmem>>[vector<16xi32>], vector<16xi32>,
      %mul3A_1714 = arith.constant 2560 : i32
      %mul3A_1715 = arith.muli %scan3A_475, %mul3A_1714 : i32
      %add3A_1716 = arith.constant 1024 : i32
      %add3A_1717 = arith.addi %mul3A_1715, %add3A_1716 : i32
      %add3A_1718 = arith.constant 0 : i32
      %add3A_1719 = arith.addi %add3A_1717, %add3A_1718 : i32
      %add3A_1720 = arith.constant 3 : i32
      %add3A_1721 = arith.addi %add3A_1719, %add3A_1720 : i32
      %add3A_1722 = vector.broadcast %add3A_1721 : i32 to vector<16xi32>
      %add3A_1723 = arith.addi %mul3A_5, %add3A_1722 : vector<16xi32>
      tpu.vector_store_idx %arg6[%add3A_1723], %gather3A_1713 : memref<25600xi32, #tpu.memory_space<vmem>>[vector<16xi32>], vector<16xi32>,
      %add3A_1724 = arith.constant 1424 : i32
      %add3A_1725 = vector.broadcast %add3A_1724 : i32 to vector<16xi32>
      %add3A_1726 = arith.addi %iota3A, %add3A_1725 : vector<16xi32>
      %gather3A_1727 = tpu.vector_load_idx %arg5[%add3A_1726] : memref<2560xi32, #tpu.memory_space<vmem>>[vector<16xi32>], vector<16xi32>,
      %mul3A_1728 = arith.constant 2560 : i32
      %mul3A_1729 = arith.muli %scan3A_475, %mul3A_1728 : i32
      %add3A_1730 = arith.constant 1024 : i32
      %add3A_1731 = arith.addi %mul3A_1729, %add3A_1730 : i32
      %add3A_1732 = arith.constant 64 : i32
      %add3A_1733 = arith.addi %add3A_1731, %add3A_1732 : i32
      %add3A_1734 = arith.constant 3 : i32
      %add3A_1735 = arith.addi %add3A_1733, %add3A_1734 : i32
      %add3A_1736 = vector.broadcast %add3A_1735 : i32 to vector<16xi32>
      %add3A_1737 = arith.addi %mul3A_5, %add3A_1736 : vector<16xi32>
      tpu.vector_store_idx %arg6[%add3A_1737], %gather3A_1727 : memref<25600xi32, #tpu.memory_space<vmem>>[vector<16xi32>], vector<16xi32>,
      %add3A_1738 = arith.constant 1440 : i32
      %add3A_1739 = vector.broadcast %add3A_1738 : i32 to vector<16xi32>
      %add3A_1740 = arith.addi %iota3A, %add3A_1739 : vector<16xi32>
      %gather3A_1741 = tpu.vector_load_idx %arg5[%add3A_1740] : memref<2560xi32, #tpu.memory_space<vmem>>[vector<16xi32>], vector<16xi32>,
      %mul3A_1742 = arith.constant 2560 : i32
      %mul3A_1743 = arith.muli %scan3A_475, %mul3A_1742 : i32
      %add3A_1744 = arith.constant 1024 : i32
      %add3A_1745 = arith.addi %mul3A_1743, %add3A_1744 : i32
      %add3A_1746 = arith.constant 128 : i32
      %add3A_1747 = arith.addi %add3A_1745, %add3A_1746 : i32
      %add3A_1748 = arith.constant 3 : i32
      %add3A_1749 = arith.addi %add3A_1747, %add3A_1748 : i32
      %add3A_1750 = vector.broadcast %add3A_1749 : i32 to vector<16xi32>
      %add3A_1751 = arith.addi %mul3A_5, %add3A_1750 : vector<16xi32>
      tpu.vector_store_idx %arg6[%add3A_1751], %gather3A_1741 : memref<25600xi32, #tpu.memory_space<vmem>>[vector<16xi32>], vector<16xi32>,
      %add3A_1752 = arith.constant 1456 : i32
      %add3A_1753 = vector.broadcast %add3A_1752 : i32 to vector<16xi32>
      %add3A_1754 = arith.addi %iota3A, %add3A_1753 : vector<16xi32>
      %gather3A_1755 = tpu.vector_load_idx %arg5[%add3A_1754] : memref<2560xi32, #tpu.memory_space<vmem>>[vector<16xi32>], vector<16xi32>,
      %mul3A_1756 = arith.constant 2560 : i32
      %mul3A_1757 = arith.muli %scan3A_475, %mul3A_1756 : i32
      %add3A_1758 = arith.constant 1024 : i32
      %add3A_1759 = arith.addi %mul3A_1757, %add3A_1758 : i32
      %add3A_1760 = arith.constant 192 : i32
      %add3A_1761 = arith.addi %add3A_1759, %add3A_1760 : i32
      %add3A_1762 = arith.constant 3 : i32
      %add3A_1763 = arith.addi %add3A_1761, %add3A_1762 : i32
      %add3A_1764 = vector.broadcast %add3A_1763 : i32 to vector<16xi32>
      %add3A_1765 = arith.addi %mul3A_5, %add3A_1764 : vector<16xi32>
      tpu.vector_store_idx %arg6[%add3A_1765], %gather3A_1755 : memref<25600xi32, #tpu.memory_space<vmem>>[vector<16xi32>], vector<16xi32>,
      %add3A_1766 = arith.constant 1472 : i32
      %add3A_1767 = vector.broadcast %add3A_1766 : i32 to vector<16xi32>
      %add3A_1768 = arith.addi %iota3A, %add3A_1767 : vector<16xi32>
      %gather3A_1769 = tpu.vector_load_idx %arg5[%add3A_1768] : memref<2560xi32, #tpu.memory_space<vmem>>[vector<16xi32>], vector<16xi32>,
      %mul3A_1770 = arith.constant 2560 : i32
      %mul3A_1771 = arith.muli %scan3A_475, %mul3A_1770 : i32
      %add3A_1772 = arith.constant 1024 : i32
      %add3A_1773 = arith.addi %mul3A_1771, %add3A_1772 : i32
      %add3A_1774 = arith.constant 256 : i32
      %add3A_1775 = arith.addi %add3A_1773, %add3A_1774 : i32
      %add3A_1776 = arith.constant 3 : i32
      %add3A_1777 = arith.addi %add3A_1775, %add3A_1776 : i32
      %add3A_1778 = vector.broadcast %add3A_1777 : i32 to vector<16xi32>
      %add3A_1779 = arith.addi %mul3A_5, %add3A_1778 : vector<16xi32>
      tpu.vector_store_idx %arg6[%add3A_1779], %gather3A_1769 : memref<25600xi32, #tpu.memory_space<vmem>>[vector<16xi32>], vector<16xi32>,
      %add3A_1780 = arith.constant 1488 : i32
      %add3A_1781 = vector.broadcast %add3A_1780 : i32 to vector<16xi32>
      %add3A_1782 = arith.addi %iota3A, %add3A_1781 : vector<16xi32>
      %gather3A_1783 = tpu.vector_load_idx %arg5[%add3A_1782] : memref<2560xi32, #tpu.memory_space<vmem>>[vector<16xi32>], vector<16xi32>,
      %mul3A_1784 = arith.constant 2560 : i32
      %mul3A_1785 = arith.muli %scan3A_475, %mul3A_1784 : i32
      %add3A_1786 = arith.constant 1024 : i32
      %add3A_1787 = arith.addi %mul3A_1785, %add3A_1786 : i32
      %add3A_1788 = arith.constant 320 : i32
      %add3A_1789 = arith.addi %add3A_1787, %add3A_1788 : i32
      %add3A_1790 = arith.constant 3 : i32
      %add3A_1791 = arith.addi %add3A_1789, %add3A_1790 : i32
      %add3A_1792 = vector.broadcast %add3A_1791 : i32 to vector<16xi32>
      %add3A_1793 = arith.addi %mul3A_5, %add3A_1792 : vector<16xi32>
      tpu.vector_store_idx %arg6[%add3A_1793], %gather3A_1783 : memref<25600xi32, #tpu.memory_space<vmem>>[vector<16xi32>], vector<16xi32>,
      %add3A_1794 = arith.constant 1504 : i32
      %add3A_1795 = vector.broadcast %add3A_1794 : i32 to vector<16xi32>
      %add3A_1796 = arith.addi %iota3A, %add3A_1795 : vector<16xi32>
      %gather3A_1797 = tpu.vector_load_idx %arg5[%add3A_1796] : memref<2560xi32, #tpu.memory_space<vmem>>[vector<16xi32>], vector<16xi32>,
      %mul3A_1798 = arith.constant 2560 : i32
      %mul3A_1799 = arith.muli %scan3A_475, %mul3A_1798 : i32
      %add3A_1800 = arith.constant 1024 : i32
      %add3A_1801 = arith.addi %mul3A_1799, %add3A_1800 : i32
      %add3A_1802 = arith.constant 384 : i32
      %add3A_1803 = arith.addi %add3A_1801, %add3A_1802 : i32
      %add3A_1804 = arith.constant 3 : i32
      %add3A_1805 = arith.addi %add3A_1803, %add3A_1804 : i32
      %add3A_1806 = vector.broadcast %add3A_1805 : i32 to vector<16xi32>
      %add3A_1807 = arith.addi %mul3A_5, %add3A_1806 : vector<16xi32>
      tpu.vector_store_idx %arg6[%add3A_1807], %gather3A_1797 : memref<25600xi32, #tpu.memory_space<vmem>>[vector<16xi32>], vector<16xi32>,
      %add3A_1808 = arith.constant 1520 : i32
      %add3A_1809 = vector.broadcast %add3A_1808 : i32 to vector<16xi32>
      %add3A_1810 = arith.addi %iota3A, %add3A_1809 : vector<16xi32>
      %gather3A_1811 = tpu.vector_load_idx %arg5[%add3A_1810] : memref<2560xi32, #tpu.memory_space<vmem>>[vector<16xi32>], vector<16xi32>,
      %mul3A_1812 = arith.constant 2560 : i32
      %mul3A_1813 = arith.muli %scan3A_475, %mul3A_1812 : i32
      %add3A_1814 = arith.constant 1024 : i32
      %add3A_1815 = arith.addi %mul3A_1813, %add3A_1814 : i32
      %add3A_1816 = arith.constant 448 : i32
      %add3A_1817 = arith.addi %add3A_1815, %add3A_1816 : i32
      %add3A_1818 = arith.constant 3 : i32
      %add3A_1819 = arith.addi %add3A_1817, %add3A_1818 : i32
      %add3A_1820 = vector.broadcast %add3A_1819 : i32 to vector<16xi32>
      %add3A_1821 = arith.addi %mul3A_5, %add3A_1820 : vector<16xi32>
      tpu.vector_store_idx %arg6[%add3A_1821], %gather3A_1811 : memref<25600xi32, #tpu.memory_space<vmem>>[vector<16xi32>], vector<16xi32>,
      %add3A_1822 = arith.constant 1536 : i32
      %add3A_1823 = vector.broadcast %add3A_1822 : i32 to vector<16xi32>
      %add3A_1824 = arith.addi %iota3A, %add3A_1823 : vector<16xi32>
      %gather3A_1825 = tpu.vector_load_idx %arg5[%add3A_1824] : memref<2560xi32, #tpu.memory_space<vmem>>[vector<16xi32>], vector<16xi32>,
      %mul3A_1826 = arith.constant 2560 : i32
      %mul3A_1827 = arith.muli %scan3A_475, %mul3A_1826 : i32
      %add3A_1828 = arith.constant 1536 : i32
      %add3A_1829 = arith.addi %mul3A_1827, %add3A_1828 : i32
      %add3A_1830 = arith.constant 0 : i32
      %add3A_1831 = arith.addi %add3A_1829, %add3A_1830 : i32
      %add3A_1832 = arith.constant 0 : i32
      %add3A_1833 = arith.addi %add3A_1831, %add3A_1832 : i32
      %add3A_1834 = vector.broadcast %add3A_1833 : i32 to vector<16xi32>
      %add3A_1835 = arith.addi %mul3A_5, %add3A_1834 : vector<16xi32>
      tpu.vector_store_idx %arg6[%add3A_1835], %gather3A_1825 : memref<25600xi32, #tpu.memory_space<vmem>>[vector<16xi32>], vector<16xi32>,
      %add3A_1836 = arith.constant 1552 : i32
      %add3A_1837 = vector.broadcast %add3A_1836 : i32 to vector<16xi32>
      %add3A_1838 = arith.addi %iota3A, %add3A_1837 : vector<16xi32>
      %gather3A_1839 = tpu.vector_load_idx %arg5[%add3A_1838] : memref<2560xi32, #tpu.memory_space<vmem>>[vector<16xi32>], vector<16xi32>,
      %mul3A_1840 = arith.constant 2560 : i32
      %mul3A_1841 = arith.muli %scan3A_475, %mul3A_1840 : i32
      %add3A_1842 = arith.constant 1536 : i32
      %add3A_1843 = arith.addi %mul3A_1841, %add3A_1842 : i32
      %add3A_1844 = arith.constant 64 : i32
      %add3A_1845 = arith.addi %add3A_1843, %add3A_1844 : i32
      %add3A_1846 = arith.constant 0 : i32
      %add3A_1847 = arith.addi %add3A_1845, %add3A_1846 : i32
      %add3A_1848 = vector.broadcast %add3A_1847 : i32 to vector<16xi32>
      %add3A_1849 = arith.addi %mul3A_5, %add3A_1848 : vector<16xi32>
      tpu.vector_store_idx %arg6[%add3A_1849], %gather3A_1839 : memref<25600xi32, #tpu.memory_space<vmem>>[vector<16xi32>], vector<16xi32>,
      %add3A_1850 = arith.constant 1568 : i32
      %add3A_1851 = vector.broadcast %add3A_1850 : i32 to vector<16xi32>
      %add3A_1852 = arith.addi %iota3A, %add3A_1851 : vector<16xi32>
      %gather3A_1853 = tpu.vector_load_idx %arg5[%add3A_1852] : memref<2560xi32, #tpu.memory_space<vmem>>[vector<16xi32>], vector<16xi32>,
      %mul3A_1854 = arith.constant 2560 : i32
      %mul3A_1855 = arith.muli %scan3A_475, %mul3A_1854 : i32
      %add3A_1856 = arith.constant 1536 : i32
      %add3A_1857 = arith.addi %mul3A_1855, %add3A_1856 : i32
      %add3A_1858 = arith.constant 128 : i32
      %add3A_1859 = arith.addi %add3A_1857, %add3A_1858 : i32
      %add3A_1860 = arith.constant 0 : i32
      %add3A_1861 = arith.addi %add3A_1859, %add3A_1860 : i32
      %add3A_1862 = vector.broadcast %add3A_1861 : i32 to vector<16xi32>
      %add3A_1863 = arith.addi %mul3A_5, %add3A_1862 : vector<16xi32>
      tpu.vector_store_idx %arg6[%add3A_1863], %gather3A_1853 : memref<25600xi32, #tpu.memory_space<vmem>>[vector<16xi32>], vector<16xi32>,
      %add3A_1864 = arith.constant 1584 : i32
      %add3A_1865 = vector.broadcast %add3A_1864 : i32 to vector<16xi32>
      %add3A_1866 = arith.addi %iota3A, %add3A_1865 : vector<16xi32>
      %gather3A_1867 = tpu.vector_load_idx %arg5[%add3A_1866] : memref<2560xi32, #tpu.memory_space<vmem>>[vector<16xi32>], vector<16xi32>,
      %mul3A_1868 = arith.constant 2560 : i32
      %mul3A_1869 = arith.muli %scan3A_475, %mul3A_1868 : i32
      %add3A_1870 = arith.constant 1536 : i32
      %add3A_1871 = arith.addi %mul3A_1869, %add3A_1870 : i32
      %add3A_1872 = arith.constant 192 : i32
      %add3A_1873 = arith.addi %add3A_1871, %add3A_1872 : i32
      %add3A_1874 = arith.constant 0 : i32
      %add3A_1875 = arith.addi %add3A_1873, %add3A_1874 : i32
      %add3A_1876 = vector.broadcast %add3A_1875 : i32 to vector<16xi32>
      %add3A_1877 = arith.addi %mul3A_5, %add3A_1876 : vector<16xi32>
      tpu.vector_store_idx %arg6[%add3A_1877], %gather3A_1867 : memref<25600xi32, #tpu.memory_space<vmem>>[vector<16xi32>], vector<16xi32>,
      %add3A_1878 = arith.constant 1600 : i32
      %add3A_1879 = vector.broadcast %add3A_1878 : i32 to vector<16xi32>
      %add3A_1880 = arith.addi %iota3A, %add3A_1879 : vector<16xi32>
      %gather3A_1881 = tpu.vector_load_idx %arg5[%add3A_1880] : memref<2560xi32, #tpu.memory_space<vmem>>[vector<16xi32>], vector<16xi32>,
      %mul3A_1882 = arith.constant 2560 : i32
      %mul3A_1883 = arith.muli %scan3A_475, %mul3A_1882 : i32
      %add3A_1884 = arith.constant 1536 : i32
      %add3A_1885 = arith.addi %mul3A_1883, %add3A_1884 : i32
      %add3A_1886 = arith.constant 256 : i32
      %add3A_1887 = arith.addi %add3A_1885, %add3A_1886 : i32
      %add3A_1888 = arith.constant 0 : i32
      %add3A_1889 = arith.addi %add3A_1887, %add3A_1888 : i32
      %add3A_1890 = vector.broadcast %add3A_1889 : i32 to vector<16xi32>
      %add3A_1891 = arith.addi %mul3A_5, %add3A_1890 : vector<16xi32>
      tpu.vector_store_idx %arg6[%add3A_1891], %gather3A_1881 : memref<25600xi32, #tpu.memory_space<vmem>>[vector<16xi32>], vector<16xi32>,
      %add3A_1892 = arith.constant 1616 : i32
      %add3A_1893 = vector.broadcast %add3A_1892 : i32 to vector<16xi32>
      %add3A_1894 = arith.addi %iota3A, %add3A_1893 : vector<16xi32>
      %gather3A_1895 = tpu.vector_load_idx %arg5[%add3A_1894] : memref<2560xi32, #tpu.memory_space<vmem>>[vector<16xi32>], vector<16xi32>,
      %mul3A_1896 = arith.constant 2560 : i32
      %mul3A_1897 = arith.muli %scan3A_475, %mul3A_1896 : i32
      %add3A_1898 = arith.constant 1536 : i32
      %add3A_1899 = arith.addi %mul3A_1897, %add3A_1898 : i32
      %add3A_1900 = arith.constant 320 : i32
      %add3A_1901 = arith.addi %add3A_1899, %add3A_1900 : i32
      %add3A_1902 = arith.constant 0 : i32
      %add3A_1903 = arith.addi %add3A_1901, %add3A_1902 : i32
      %add3A_1904 = vector.broadcast %add3A_1903 : i32 to vector<16xi32>
      %add3A_1905 = arith.addi %mul3A_5, %add3A_1904 : vector<16xi32>
      tpu.vector_store_idx %arg6[%add3A_1905], %gather3A_1895 : memref<25600xi32, #tpu.memory_space<vmem>>[vector<16xi32>], vector<16xi32>,
      %add3A_1906 = arith.constant 1632 : i32
      %add3A_1907 = vector.broadcast %add3A_1906 : i32 to vector<16xi32>
      %add3A_1908 = arith.addi %iota3A, %add3A_1907 : vector<16xi32>
      %gather3A_1909 = tpu.vector_load_idx %arg5[%add3A_1908] : memref<2560xi32, #tpu.memory_space<vmem>>[vector<16xi32>], vector<16xi32>,
      %mul3A_1910 = arith.constant 2560 : i32
      %mul3A_1911 = arith.muli %scan3A_475, %mul3A_1910 : i32
      %add3A_1912 = arith.constant 1536 : i32
      %add3A_1913 = arith.addi %mul3A_1911, %add3A_1912 : i32
      %add3A_1914 = arith.constant 384 : i32
      %add3A_1915 = arith.addi %add3A_1913, %add3A_1914 : i32
      %add3A_1916 = arith.constant 0 : i32
      %add3A_1917 = arith.addi %add3A_1915, %add3A_1916 : i32
      %add3A_1918 = vector.broadcast %add3A_1917 : i32 to vector<16xi32>
      %add3A_1919 = arith.addi %mul3A_5, %add3A_1918 : vector<16xi32>
      tpu.vector_store_idx %arg6[%add3A_1919], %gather3A_1909 : memref<25600xi32, #tpu.memory_space<vmem>>[vector<16xi32>], vector<16xi32>,
      %add3A_1920 = arith.constant 1648 : i32
      %add3A_1921 = vector.broadcast %add3A_1920 : i32 to vector<16xi32>
      %add3A_1922 = arith.addi %iota3A, %add3A_1921 : vector<16xi32>
      %gather3A_1923 = tpu.vector_load_idx %arg5[%add3A_1922] : memref<2560xi32, #tpu.memory_space<vmem>>[vector<16xi32>], vector<16xi32>,
      %mul3A_1924 = arith.constant 2560 : i32
      %mul3A_1925 = arith.muli %scan3A_475, %mul3A_1924 : i32
      %add3A_1926 = arith.constant 1536 : i32
      %add3A_1927 = arith.addi %mul3A_1925, %add3A_1926 : i32
      %add3A_1928 = arith.constant 448 : i32
      %add3A_1929 = arith.addi %add3A_1927, %add3A_1928 : i32
      %add3A_1930 = arith.constant 0 : i32
      %add3A_1931 = arith.addi %add3A_1929, %add3A_1930 : i32
      %add3A_1932 = vector.broadcast %add3A_1931 : i32 to vector<16xi32>
      %add3A_1933 = arith.addi %mul3A_5, %add3A_1932 : vector<16xi32>
      tpu.vector_store_idx %arg6[%add3A_1933], %gather3A_1923 : memref<25600xi32, #tpu.memory_space<vmem>>[vector<16xi32>], vector<16xi32>,
      %add3A_1934 = arith.constant 1664 : i32
      %add3A_1935 = vector.broadcast %add3A_1934 : i32 to vector<16xi32>
      %add3A_1936 = arith.addi %iota3A, %add3A_1935 : vector<16xi32>
      %gather3A_1937 = tpu.vector_load_idx %arg5[%add3A_1936] : memref<2560xi32, #tpu.memory_space<vmem>>[vector<16xi32>], vector<16xi32>,
      %mul3A_1938 = arith.constant 2560 : i32
      %mul3A_1939 = arith.muli %scan3A_475, %mul3A_1938 : i32
      %add3A_1940 = arith.constant 1536 : i32
      %add3A_1941 = arith.addi %mul3A_1939, %add3A_1940 : i32
      %add3A_1942 = arith.constant 0 : i32
      %add3A_1943 = arith.addi %add3A_1941, %add3A_1942 : i32
      %add3A_1944 = arith.constant 1 : i32
      %add3A_1945 = arith.addi %add3A_1943, %add3A_1944 : i32
      %add3A_1946 = vector.broadcast %add3A_1945 : i32 to vector<16xi32>
      %add3A_1947 = arith.addi %mul3A_5, %add3A_1946 : vector<16xi32>
      tpu.vector_store_idx %arg6[%add3A_1947], %gather3A_1937 : memref<25600xi32, #tpu.memory_space<vmem>>[vector<16xi32>], vector<16xi32>,
      %add3A_1948 = arith.constant 1680 : i32
      %add3A_1949 = vector.broadcast %add3A_1948 : i32 to vector<16xi32>
      %add3A_1950 = arith.addi %iota3A, %add3A_1949 : vector<16xi32>
      %gather3A_1951 = tpu.vector_load_idx %arg5[%add3A_1950] : memref<2560xi32, #tpu.memory_space<vmem>>[vector<16xi32>], vector<16xi32>,
      %mul3A_1952 = arith.constant 2560 : i32
      %mul3A_1953 = arith.muli %scan3A_475, %mul3A_1952 : i32
      %add3A_1954 = arith.constant 1536 : i32
      %add3A_1955 = arith.addi %mul3A_1953, %add3A_1954 : i32
      %add3A_1956 = arith.constant 64 : i32
      %add3A_1957 = arith.addi %add3A_1955, %add3A_1956 : i32
      %add3A_1958 = arith.constant 1 : i32
      %add3A_1959 = arith.addi %add3A_1957, %add3A_1958 : i32
      %add3A_1960 = vector.broadcast %add3A_1959 : i32 to vector<16xi32>
      %add3A_1961 = arith.addi %mul3A_5, %add3A_1960 : vector<16xi32>
      tpu.vector_store_idx %arg6[%add3A_1961], %gather3A_1951 : memref<25600xi32, #tpu.memory_space<vmem>>[vector<16xi32>], vector<16xi32>,
      %add3A_1962 = arith.constant 1696 : i32
      %add3A_1963 = vector.broadcast %add3A_1962 : i32 to vector<16xi32>
      %add3A_1964 = arith.addi %iota3A, %add3A_1963 : vector<16xi32>
      %gather3A_1965 = tpu.vector_load_idx %arg5[%add3A_1964] : memref<2560xi32, #tpu.memory_space<vmem>>[vector<16xi32>], vector<16xi32>,
      %mul3A_1966 = arith.constant 2560 : i32
      %mul3A_1967 = arith.muli %scan3A_475, %mul3A_1966 : i32
      %add3A_1968 = arith.constant 1536 : i32
      %add3A_1969 = arith.addi %mul3A_1967, %add3A_1968 : i32
      %add3A_1970 = arith.constant 128 : i32
      %add3A_1971 = arith.addi %add3A_1969, %add3A_1970 : i32
      %add3A_1972 = arith.constant 1 : i32
      %add3A_1973 = arith.addi %add3A_1971, %add3A_1972 : i32
      %add3A_1974 = vector.broadcast %add3A_1973 : i32 to vector<16xi32>
      %add3A_1975 = arith.addi %mul3A_5, %add3A_1974 : vector<16xi32>
      tpu.vector_store_idx %arg6[%add3A_1975], %gather3A_1965 : memref<25600xi32, #tpu.memory_space<vmem>>[vector<16xi32>], vector<16xi32>,
      %add3A_1976 = arith.constant 1712 : i32
      %add3A_1977 = vector.broadcast %add3A_1976 : i32 to vector<16xi32>
      %add3A_1978 = arith.addi %iota3A, %add3A_1977 : vector<16xi32>
      %gather3A_1979 = tpu.vector_load_idx %arg5[%add3A_1978] : memref<2560xi32, #tpu.memory_space<vmem>>[vector<16xi32>], vector<16xi32>,
      %mul3A_1980 = arith.constant 2560 : i32
      %mul3A_1981 = arith.muli %scan3A_475, %mul3A_1980 : i32
      %add3A_1982 = arith.constant 1536 : i32
      %add3A_1983 = arith.addi %mul3A_1981, %add3A_1982 : i32
      %add3A_1984 = arith.constant 192 : i32
      %add3A_1985 = arith.addi %add3A_1983, %add3A_1984 : i32
      %add3A_1986 = arith.constant 1 : i32
      %add3A_1987 = arith.addi %add3A_1985, %add3A_1986 : i32
      %add3A_1988 = vector.broadcast %add3A_1987 : i32 to vector<16xi32>
      %add3A_1989 = arith.addi %mul3A_5, %add3A_1988 : vector<16xi32>
      tpu.vector_store_idx %arg6[%add3A_1989], %gather3A_1979 : memref<25600xi32, #tpu.memory_space<vmem>>[vector<16xi32>], vector<16xi32>,
      %add3A_1990 = arith.constant 1728 : i32
      %add3A_1991 = vector.broadcast %add3A_1990 : i32 to vector<16xi32>
      %add3A_1992 = arith.addi %iota3A, %add3A_1991 : vector<16xi32>
      %gather3A_1993 = tpu.vector_load_idx %arg5[%add3A_1992] : memref<2560xi32, #tpu.memory_space<vmem>>[vector<16xi32>], vector<16xi32>,
      %mul3A_1994 = arith.constant 2560 : i32
      %mul3A_1995 = arith.muli %scan3A_475, %mul3A_1994 : i32
      %add3A_1996 = arith.constant 1536 : i32
      %add3A_1997 = arith.addi %mul3A_1995, %add3A_1996 : i32
      %add3A_1998 = arith.constant 256 : i32
      %add3A_1999 = arith.addi %add3A_1997, %add3A_1998 : i32
      %add3A_2000 = arith.constant 1 : i32
      %add3A_2001 = arith.addi %add3A_1999, %add3A_2000 : i32
      %add3A_2002 = vector.broadcast %add3A_2001 : i32 to vector<16xi32>
      %add3A_2003 = arith.addi %mul3A_5, %add3A_2002 : vector<16xi32>
      tpu.vector_store_idx %arg6[%add3A_2003], %gather3A_1993 : memref<25600xi32, #tpu.memory_space<vmem>>[vector<16xi32>], vector<16xi32>,
      %add3A_2004 = arith.constant 1744 : i32
      %add3A_2005 = vector.broadcast %add3A_2004 : i32 to vector<16xi32>
      %add3A_2006 = arith.addi %iota3A, %add3A_2005 : vector<16xi32>
      %gather3A_2007 = tpu.vector_load_idx %arg5[%add3A_2006] : memref<2560xi32, #tpu.memory_space<vmem>>[vector<16xi32>], vector<16xi32>,
      %mul3A_2008 = arith.constant 2560 : i32
      %mul3A_2009 = arith.muli %scan3A_475, %mul3A_2008 : i32
      %add3A_2010 = arith.constant 1536 : i32
      %add3A_2011 = arith.addi %mul3A_2009, %add3A_2010 : i32
      %add3A_2012 = arith.constant 320 : i32
      %add3A_2013 = arith.addi %add3A_2011, %add3A_2012 : i32
      %add3A_2014 = arith.constant 1 : i32
      %add3A_2015 = arith.addi %add3A_2013, %add3A_2014 : i32
      %add3A_2016 = vector.broadcast %add3A_2015 : i32 to vector<16xi32>
      %add3A_2017 = arith.addi %mul3A_5, %add3A_2016 : vector<16xi32>
      tpu.vector_store_idx %arg6[%add3A_2017], %gather3A_2007 : memref<25600xi32, #tpu.memory_space<vmem>>[vector<16xi32>], vector<16xi32>,
      %add3A_2018 = arith.constant 1760 : i32
      %add3A_2019 = vector.broadcast %add3A_2018 : i32 to vector<16xi32>
      %add3A_2020 = arith.addi %iota3A, %add3A_2019 : vector<16xi32>
      %gather3A_2021 = tpu.vector_load_idx %arg5[%add3A_2020] : memref<2560xi32, #tpu.memory_space<vmem>>[vector<16xi32>], vector<16xi32>,
      %mul3A_2022 = arith.constant 2560 : i32
      %mul3A_2023 = arith.muli %scan3A_475, %mul3A_2022 : i32
      %add3A_2024 = arith.constant 1536 : i32
      %add3A_2025 = arith.addi %mul3A_2023, %add3A_2024 : i32
      %add3A_2026 = arith.constant 384 : i32
      %add3A_2027 = arith.addi %add3A_2025, %add3A_2026 : i32
      %add3A_2028 = arith.constant 1 : i32
      %add3A_2029 = arith.addi %add3A_2027, %add3A_2028 : i32
      %add3A_2030 = vector.broadcast %add3A_2029 : i32 to vector<16xi32>
      %add3A_2031 = arith.addi %mul3A_5, %add3A_2030 : vector<16xi32>
      tpu.vector_store_idx %arg6[%add3A_2031], %gather3A_2021 : memref<25600xi32, #tpu.memory_space<vmem>>[vector<16xi32>], vector<16xi32>,
      %add3A_2032 = arith.constant 1776 : i32
      %add3A_2033 = vector.broadcast %add3A_2032 : i32 to vector<16xi32>
      %add3A_2034 = arith.addi %iota3A, %add3A_2033 : vector<16xi32>
      %gather3A_2035 = tpu.vector_load_idx %arg5[%add3A_2034] : memref<2560xi32, #tpu.memory_space<vmem>>[vector<16xi32>], vector<16xi32>,
      %mul3A_2036 = arith.constant 2560 : i32
      %mul3A_2037 = arith.muli %scan3A_475, %mul3A_2036 : i32
      %add3A_2038 = arith.constant 1536 : i32
      %add3A_2039 = arith.addi %mul3A_2037, %add3A_2038 : i32
      %add3A_2040 = arith.constant 448 : i32
      %add3A_2041 = arith.addi %add3A_2039, %add3A_2040 : i32
      %add3A_2042 = arith.constant 1 : i32
      %add3A_2043 = arith.addi %add3A_2041, %add3A_2042 : i32
      %add3A_2044 = vector.broadcast %add3A_2043 : i32 to vector<16xi32>
      %add3A_2045 = arith.addi %mul3A_5, %add3A_2044 : vector<16xi32>
      tpu.vector_store_idx %arg6[%add3A_2045], %gather3A_2035 : memref<25600xi32, #tpu.memory_space<vmem>>[vector<16xi32>], vector<16xi32>,
      %add3A_2046 = arith.constant 1792 : i32
      %add3A_2047 = vector.broadcast %add3A_2046 : i32 to vector<16xi32>
      %add3A_2048 = arith.addi %iota3A, %add3A_2047 : vector<16xi32>
      %gather3A_2049 = tpu.vector_load_idx %arg5[%add3A_2048] : memref<2560xi32, #tpu.memory_space<vmem>>[vector<16xi32>], vector<16xi32>,
      %mul3A_2050 = arith.constant 2560 : i32
      %mul3A_2051 = arith.muli %scan3A_475, %mul3A_2050 : i32
      %add3A_2052 = arith.constant 1536 : i32
      %add3A_2053 = arith.addi %mul3A_2051, %add3A_2052 : i32
      %add3A_2054 = arith.constant 0 : i32
      %add3A_2055 = arith.addi %add3A_2053, %add3A_2054 : i32
      %add3A_2056 = arith.constant 2 : i32
      %add3A_2057 = arith.addi %add3A_2055, %add3A_2056 : i32
      %add3A_2058 = vector.broadcast %add3A_2057 : i32 to vector<16xi32>
      %add3A_2059 = arith.addi %mul3A_5, %add3A_2058 : vector<16xi32>
      tpu.vector_store_idx %arg6[%add3A_2059], %gather3A_2049 : memref<25600xi32, #tpu.memory_space<vmem>>[vector<16xi32>], vector<16xi32>,
      %add3A_2060 = arith.constant 1808 : i32
      %add3A_2061 = vector.broadcast %add3A_2060 : i32 to vector<16xi32>
      %add3A_2062 = arith.addi %iota3A, %add3A_2061 : vector<16xi32>
      %gather3A_2063 = tpu.vector_load_idx %arg5[%add3A_2062] : memref<2560xi32, #tpu.memory_space<vmem>>[vector<16xi32>], vector<16xi32>,
      %mul3A_2064 = arith.constant 2560 : i32
      %mul3A_2065 = arith.muli %scan3A_475, %mul3A_2064 : i32
      %add3A_2066 = arith.constant 1536 : i32
      %add3A_2067 = arith.addi %mul3A_2065, %add3A_2066 : i32
      %add3A_2068 = arith.constant 64 : i32
      %add3A_2069 = arith.addi %add3A_2067, %add3A_2068 : i32
      %add3A_2070 = arith.constant 2 : i32
      %add3A_2071 = arith.addi %add3A_2069, %add3A_2070 : i32
      %add3A_2072 = vector.broadcast %add3A_2071 : i32 to vector<16xi32>
      %add3A_2073 = arith.addi %mul3A_5, %add3A_2072 : vector<16xi32>
      tpu.vector_store_idx %arg6[%add3A_2073], %gather3A_2063 : memref<25600xi32, #tpu.memory_space<vmem>>[vector<16xi32>], vector<16xi32>,
      %add3A_2074 = arith.constant 1824 : i32
      %add3A_2075 = vector.broadcast %add3A_2074 : i32 to vector<16xi32>
      %add3A_2076 = arith.addi %iota3A, %add3A_2075 : vector<16xi32>
      %gather3A_2077 = tpu.vector_load_idx %arg5[%add3A_2076] : memref<2560xi32, #tpu.memory_space<vmem>>[vector<16xi32>], vector<16xi32>,
      %mul3A_2078 = arith.constant 2560 : i32
      %mul3A_2079 = arith.muli %scan3A_475, %mul3A_2078 : i32
      %add3A_2080 = arith.constant 1536 : i32
      %add3A_2081 = arith.addi %mul3A_2079, %add3A_2080 : i32
      %add3A_2082 = arith.constant 128 : i32
      %add3A_2083 = arith.addi %add3A_2081, %add3A_2082 : i32
      %add3A_2084 = arith.constant 2 : i32
      %add3A_2085 = arith.addi %add3A_2083, %add3A_2084 : i32
      %add3A_2086 = vector.broadcast %add3A_2085 : i32 to vector<16xi32>
      %add3A_2087 = arith.addi %mul3A_5, %add3A_2086 : vector<16xi32>
      tpu.vector_store_idx %arg6[%add3A_2087], %gather3A_2077 : memref<25600xi32, #tpu.memory_space<vmem>>[vector<16xi32>], vector<16xi32>,
      %add3A_2088 = arith.constant 1840 : i32
      %add3A_2089 = vector.broadcast %add3A_2088 : i32 to vector<16xi32>
      %add3A_2090 = arith.addi %iota3A, %add3A_2089 : vector<16xi32>
      %gather3A_2091 = tpu.vector_load_idx %arg5[%add3A_2090] : memref<2560xi32, #tpu.memory_space<vmem>>[vector<16xi32>], vector<16xi32>,
      %mul3A_2092 = arith.constant 2560 : i32
      %mul3A_2093 = arith.muli %scan3A_475, %mul3A_2092 : i32
      %add3A_2094 = arith.constant 1536 : i32
      %add3A_2095 = arith.addi %mul3A_2093, %add3A_2094 : i32
      %add3A_2096 = arith.constant 192 : i32
      %add3A_2097 = arith.addi %add3A_2095, %add3A_2096 : i32
      %add3A_2098 = arith.constant 2 : i32
      %add3A_2099 = arith.addi %add3A_2097, %add3A_2098 : i32
      %add3A_2100 = vector.broadcast %add3A_2099 : i32 to vector<16xi32>
      %add3A_2101 = arith.addi %mul3A_5, %add3A_2100 : vector<16xi32>
      tpu.vector_store_idx %arg6[%add3A_2101], %gather3A_2091 : memref<25600xi32, #tpu.memory_space<vmem>>[vector<16xi32>], vector<16xi32>,
      %add3A_2102 = arith.constant 1856 : i32
      %add3A_2103 = vector.broadcast %add3A_2102 : i32 to vector<16xi32>
      %add3A_2104 = arith.addi %iota3A, %add3A_2103 : vector<16xi32>
      %gather3A_2105 = tpu.vector_load_idx %arg5[%add3A_2104] : memref<2560xi32, #tpu.memory_space<vmem>>[vector<16xi32>], vector<16xi32>,
      %mul3A_2106 = arith.constant 2560 : i32
      %mul3A_2107 = arith.muli %scan3A_475, %mul3A_2106 : i32
      %add3A_2108 = arith.constant 1536 : i32
      %add3A_2109 = arith.addi %mul3A_2107, %add3A_2108 : i32
      %add3A_2110 = arith.constant 256 : i32
      %add3A_2111 = arith.addi %add3A_2109, %add3A_2110 : i32
      %add3A_2112 = arith.constant 2 : i32
      %add3A_2113 = arith.addi %add3A_2111, %add3A_2112 : i32
      %add3A_2114 = vector.broadcast %add3A_2113 : i32 to vector<16xi32>
      %add3A_2115 = arith.addi %mul3A_5, %add3A_2114 : vector<16xi32>
      tpu.vector_store_idx %arg6[%add3A_2115], %gather3A_2105 : memref<25600xi32, #tpu.memory_space<vmem>>[vector<16xi32>], vector<16xi32>,
      %add3A_2116 = arith.constant 1872 : i32
      %add3A_2117 = vector.broadcast %add3A_2116 : i32 to vector<16xi32>
      %add3A_2118 = arith.addi %iota3A, %add3A_2117 : vector<16xi32>
      %gather3A_2119 = tpu.vector_load_idx %arg5[%add3A_2118] : memref<2560xi32, #tpu.memory_space<vmem>>[vector<16xi32>], vector<16xi32>,
      %mul3A_2120 = arith.constant 2560 : i32
      %mul3A_2121 = arith.muli %scan3A_475, %mul3A_2120 : i32
      %add3A_2122 = arith.constant 1536 : i32
      %add3A_2123 = arith.addi %mul3A_2121, %add3A_2122 : i32
      %add3A_2124 = arith.constant 320 : i32
      %add3A_2125 = arith.addi %add3A_2123, %add3A_2124 : i32
      %add3A_2126 = arith.constant 2 : i32
      %add3A_2127 = arith.addi %add3A_2125, %add3A_2126 : i32
      %add3A_2128 = vector.broadcast %add3A_2127 : i32 to vector<16xi32>
      %add3A_2129 = arith.addi %mul3A_5, %add3A_2128 : vector<16xi32>
      tpu.vector_store_idx %arg6[%add3A_2129], %gather3A_2119 : memref<25600xi32, #tpu.memory_space<vmem>>[vector<16xi32>], vector<16xi32>,
      %add3A_2130 = arith.constant 1888 : i32
      %add3A_2131 = vector.broadcast %add3A_2130 : i32 to vector<16xi32>
      %add3A_2132 = arith.addi %iota3A, %add3A_2131 : vector<16xi32>
      %gather3A_2133 = tpu.vector_load_idx %arg5[%add3A_2132] : memref<2560xi32, #tpu.memory_space<vmem>>[vector<16xi32>], vector<16xi32>,
      %mul3A_2134 = arith.constant 2560 : i32
      %mul3A_2135 = arith.muli %scan3A_475, %mul3A_2134 : i32
      %add3A_2136 = arith.constant 1536 : i32
      %add3A_2137 = arith.addi %mul3A_2135, %add3A_2136 : i32
      %add3A_2138 = arith.constant 384 : i32
      %add3A_2139 = arith.addi %add3A_2137, %add3A_2138 : i32
      %add3A_2140 = arith.constant 2 : i32
      %add3A_2141 = arith.addi %add3A_2139, %add3A_2140 : i32
      %add3A_2142 = vector.broadcast %add3A_2141 : i32 to vector<16xi32>
      %add3A_2143 = arith.addi %mul3A_5, %add3A_2142 : vector<16xi32>
      tpu.vector_store_idx %arg6[%add3A_2143], %gather3A_2133 : memref<25600xi32, #tpu.memory_space<vmem>>[vector<16xi32>], vector<16xi32>,
      %add3A_2144 = arith.constant 1904 : i32
      %add3A_2145 = vector.broadcast %add3A_2144 : i32 to vector<16xi32>
      %add3A_2146 = arith.addi %iota3A, %add3A_2145 : vector<16xi32>
      %gather3A_2147 = tpu.vector_load_idx %arg5[%add3A_2146] : memref<2560xi32, #tpu.memory_space<vmem>>[vector<16xi32>], vector<16xi32>,
      %mul3A_2148 = arith.constant 2560 : i32
      %mul3A_2149 = arith.muli %scan3A_475, %mul3A_2148 : i32
      %add3A_2150 = arith.constant 1536 : i32
      %add3A_2151 = arith.addi %mul3A_2149, %add3A_2150 : i32
      %add3A_2152 = arith.constant 448 : i32
      %add3A_2153 = arith.addi %add3A_2151, %add3A_2152 : i32
      %add3A_2154 = arith.constant 2 : i32
      %add3A_2155 = arith.addi %add3A_2153, %add3A_2154 : i32
      %add3A_2156 = vector.broadcast %add3A_2155 : i32 to vector<16xi32>
      %add3A_2157 = arith.addi %mul3A_5, %add3A_2156 : vector<16xi32>
      tpu.vector_store_idx %arg6[%add3A_2157], %gather3A_2147 : memref<25600xi32, #tpu.memory_space<vmem>>[vector<16xi32>], vector<16xi32>,
      %add3A_2158 = arith.constant 1920 : i32
      %add3A_2159 = vector.broadcast %add3A_2158 : i32 to vector<16xi32>
      %add3A_2160 = arith.addi %iota3A, %add3A_2159 : vector<16xi32>
      %gather3A_2161 = tpu.vector_load_idx %arg5[%add3A_2160] : memref<2560xi32, #tpu.memory_space<vmem>>[vector<16xi32>], vector<16xi32>,
      %mul3A_2162 = arith.constant 2560 : i32
      %mul3A_2163 = arith.muli %scan3A_475, %mul3A_2162 : i32
      %add3A_2164 = arith.constant 1536 : i32
      %add3A_2165 = arith.addi %mul3A_2163, %add3A_2164 : i32
      %add3A_2166 = arith.constant 0 : i32
      %add3A_2167 = arith.addi %add3A_2165, %add3A_2166 : i32
      %add3A_2168 = arith.constant 3 : i32
      %add3A_2169 = arith.addi %add3A_2167, %add3A_2168 : i32
      %add3A_2170 = vector.broadcast %add3A_2169 : i32 to vector<16xi32>
      %add3A_2171 = arith.addi %mul3A_5, %add3A_2170 : vector<16xi32>
      tpu.vector_store_idx %arg6[%add3A_2171], %gather3A_2161 : memref<25600xi32, #tpu.memory_space<vmem>>[vector<16xi32>], vector<16xi32>,
      %add3A_2172 = arith.constant 1936 : i32
      %add3A_2173 = vector.broadcast %add3A_2172 : i32 to vector<16xi32>
      %add3A_2174 = arith.addi %iota3A, %add3A_2173 : vector<16xi32>
      %gather3A_2175 = tpu.vector_load_idx %arg5[%add3A_2174] : memref<2560xi32, #tpu.memory_space<vmem>>[vector<16xi32>], vector<16xi32>,
      %mul3A_2176 = arith.constant 2560 : i32
      %mul3A_2177 = arith.muli %scan3A_475, %mul3A_2176 : i32
      %add3A_2178 = arith.constant 1536 : i32
      %add3A_2179 = arith.addi %mul3A_2177, %add3A_2178 : i32
      %add3A_2180 = arith.constant 64 : i32
      %add3A_2181 = arith.addi %add3A_2179, %add3A_2180 : i32
      %add3A_2182 = arith.constant 3 : i32
      %add3A_2183 = arith.addi %add3A_2181, %add3A_2182 : i32
      %add3A_2184 = vector.broadcast %add3A_2183 : i32 to vector<16xi32>
      %add3A_2185 = arith.addi %mul3A_5, %add3A_2184 : vector<16xi32>
      tpu.vector_store_idx %arg6[%add3A_2185], %gather3A_2175 : memref<25600xi32, #tpu.memory_space<vmem>>[vector<16xi32>], vector<16xi32>,
      %add3A_2186 = arith.constant 1952 : i32
      %add3A_2187 = vector.broadcast %add3A_2186 : i32 to vector<16xi32>
      %add3A_2188 = arith.addi %iota3A, %add3A_2187 : vector<16xi32>
      %gather3A_2189 = tpu.vector_load_idx %arg5[%add3A_2188] : memref<2560xi32, #tpu.memory_space<vmem>>[vector<16xi32>], vector<16xi32>,
      %mul3A_2190 = arith.constant 2560 : i32
      %mul3A_2191 = arith.muli %scan3A_475, %mul3A_2190 : i32
      %add3A_2192 = arith.constant 1536 : i32
      %add3A_2193 = arith.addi %mul3A_2191, %add3A_2192 : i32
      %add3A_2194 = arith.constant 128 : i32
      %add3A_2195 = arith.addi %add3A_2193, %add3A_2194 : i32
      %add3A_2196 = arith.constant 3 : i32
      %add3A_2197 = arith.addi %add3A_2195, %add3A_2196 : i32
      %add3A_2198 = vector.broadcast %add3A_2197 : i32 to vector<16xi32>
      %add3A_2199 = arith.addi %mul3A_5, %add3A_2198 : vector<16xi32>
      tpu.vector_store_idx %arg6[%add3A_2199], %gather3A_2189 : memref<25600xi32, #tpu.memory_space<vmem>>[vector<16xi32>], vector<16xi32>,
      %add3A_2200 = arith.constant 1968 : i32
      %add3A_2201 = vector.broadcast %add3A_2200 : i32 to vector<16xi32>
      %add3A_2202 = arith.addi %iota3A, %add3A_2201 : vector<16xi32>
      %gather3A_2203 = tpu.vector_load_idx %arg5[%add3A_2202] : memref<2560xi32, #tpu.memory_space<vmem>>[vector<16xi32>], vector<16xi32>,
      %mul3A_2204 = arith.constant 2560 : i32
      %mul3A_2205 = arith.muli %scan3A_475, %mul3A_2204 : i32
      %add3A_2206 = arith.constant 1536 : i32
      %add3A_2207 = arith.addi %mul3A_2205, %add3A_2206 : i32
      %add3A_2208 = arith.constant 192 : i32
      %add3A_2209 = arith.addi %add3A_2207, %add3A_2208 : i32
      %add3A_2210 = arith.constant 3 : i32
      %add3A_2211 = arith.addi %add3A_2209, %add3A_2210 : i32
      %add3A_2212 = vector.broadcast %add3A_2211 : i32 to vector<16xi32>
      %add3A_2213 = arith.addi %mul3A_5, %add3A_2212 : vector<16xi32>
      tpu.vector_store_idx %arg6[%add3A_2213], %gather3A_2203 : memref<25600xi32, #tpu.memory_space<vmem>>[vector<16xi32>], vector<16xi32>,
      %add3A_2214 = arith.constant 1984 : i32
      %add3A_2215 = vector.broadcast %add3A_2214 : i32 to vector<16xi32>
      %add3A_2216 = arith.addi %iota3A, %add3A_2215 : vector<16xi32>
      %gather3A_2217 = tpu.vector_load_idx %arg5[%add3A_2216] : memref<2560xi32, #tpu.memory_space<vmem>>[vector<16xi32>], vector<16xi32>,
      %mul3A_2218 = arith.constant 2560 : i32
      %mul3A_2219 = arith.muli %scan3A_475, %mul3A_2218 : i32
      %add3A_2220 = arith.constant 1536 : i32
      %add3A_2221 = arith.addi %mul3A_2219, %add3A_2220 : i32
      %add3A_2222 = arith.constant 256 : i32
      %add3A_2223 = arith.addi %add3A_2221, %add3A_2222 : i32
      %add3A_2224 = arith.constant 3 : i32
      %add3A_2225 = arith.addi %add3A_2223, %add3A_2224 : i32
      %add3A_2226 = vector.broadcast %add3A_2225 : i32 to vector<16xi32>
      %add3A_2227 = arith.addi %mul3A_5, %add3A_2226 : vector<16xi32>
      tpu.vector_store_idx %arg6[%add3A_2227], %gather3A_2217 : memref<25600xi32, #tpu.memory_space<vmem>>[vector<16xi32>], vector<16xi32>,
      %add3A_2228 = arith.constant 2000 : i32
      %add3A_2229 = vector.broadcast %add3A_2228 : i32 to vector<16xi32>
      %add3A_2230 = arith.addi %iota3A, %add3A_2229 : vector<16xi32>
      %gather3A_2231 = tpu.vector_load_idx %arg5[%add3A_2230] : memref<2560xi32, #tpu.memory_space<vmem>>[vector<16xi32>], vector<16xi32>,
      %mul3A_2232 = arith.constant 2560 : i32
      %mul3A_2233 = arith.muli %scan3A_475, %mul3A_2232 : i32
      %add3A_2234 = arith.constant 1536 : i32
      %add3A_2235 = arith.addi %mul3A_2233, %add3A_2234 : i32
      %add3A_2236 = arith.constant 320 : i32
      %add3A_2237 = arith.addi %add3A_2235, %add3A_2236 : i32
      %add3A_2238 = arith.constant 3 : i32
      %add3A_2239 = arith.addi %add3A_2237, %add3A_2238 : i32
      %add3A_2240 = vector.broadcast %add3A_2239 : i32 to vector<16xi32>
      %add3A_2241 = arith.addi %mul3A_5, %add3A_2240 : vector<16xi32>
      tpu.vector_store_idx %arg6[%add3A_2241], %gather3A_2231 : memref<25600xi32, #tpu.memory_space<vmem>>[vector<16xi32>], vector<16xi32>,
      %add3A_2242 = arith.constant 2016 : i32
      %add3A_2243 = vector.broadcast %add3A_2242 : i32 to vector<16xi32>
      %add3A_2244 = arith.addi %iota3A, %add3A_2243 : vector<16xi32>
      %gather3A_2245 = tpu.vector_load_idx %arg5[%add3A_2244] : memref<2560xi32, #tpu.memory_space<vmem>>[vector<16xi32>], vector<16xi32>,
      %mul3A_2246 = arith.constant 2560 : i32
      %mul3A_2247 = arith.muli %scan3A_475, %mul3A_2246 : i32
      %add3A_2248 = arith.constant 1536 : i32
      %add3A_2249 = arith.addi %mul3A_2247, %add3A_2248 : i32
      %add3A_2250 = arith.constant 384 : i32
      %add3A_2251 = arith.addi %add3A_2249, %add3A_2250 : i32
      %add3A_2252 = arith.constant 3 : i32
      %add3A_2253 = arith.addi %add3A_2251, %add3A_2252 : i32
      %add3A_2254 = vector.broadcast %add3A_2253 : i32 to vector<16xi32>
      %add3A_2255 = arith.addi %mul3A_5, %add3A_2254 : vector<16xi32>
      tpu.vector_store_idx %arg6[%add3A_2255], %gather3A_2245 : memref<25600xi32, #tpu.memory_space<vmem>>[vector<16xi32>], vector<16xi32>,
      %add3A_2256 = arith.constant 2032 : i32
      %add3A_2257 = vector.broadcast %add3A_2256 : i32 to vector<16xi32>
      %add3A_2258 = arith.addi %iota3A, %add3A_2257 : vector<16xi32>
      %gather3A_2259 = tpu.vector_load_idx %arg5[%add3A_2258] : memref<2560xi32, #tpu.memory_space<vmem>>[vector<16xi32>], vector<16xi32>,
      %mul3A_2260 = arith.constant 2560 : i32
      %mul3A_2261 = arith.muli %scan3A_475, %mul3A_2260 : i32
      %add3A_2262 = arith.constant 1536 : i32
      %add3A_2263 = arith.addi %mul3A_2261, %add3A_2262 : i32
      %add3A_2264 = arith.constant 448 : i32
      %add3A_2265 = arith.addi %add3A_2263, %add3A_2264 : i32
      %add3A_2266 = arith.constant 3 : i32
      %add3A_2267 = arith.addi %add3A_2265, %add3A_2266 : i32
      %add3A_2268 = vector.broadcast %add3A_2267 : i32 to vector<16xi32>
      %add3A_2269 = arith.addi %mul3A_5, %add3A_2268 : vector<16xi32>
      tpu.vector_store_idx %arg6[%add3A_2269], %gather3A_2259 : memref<25600xi32, #tpu.memory_space<vmem>>[vector<16xi32>], vector<16xi32>,
      %add3A_2270 = arith.constant 2048 : i32
      %add3A_2271 = vector.broadcast %add3A_2270 : i32 to vector<16xi32>
      %add3A_2272 = arith.addi %iota3A, %add3A_2271 : vector<16xi32>
      %gather3A_2273 = tpu.vector_load_idx %arg5[%add3A_2272] : memref<2560xi32, #tpu.memory_space<vmem>>[vector<16xi32>], vector<16xi32>,
      %mul3A_2274 = arith.constant 2560 : i32
      %mul3A_2275 = arith.muli %scan3A_475, %mul3A_2274 : i32
      %add3A_2276 = arith.constant 2048 : i32
      %add3A_2277 = arith.addi %mul3A_2275, %add3A_2276 : i32
      %add3A_2278 = arith.constant 0 : i32
      %add3A_2279 = arith.addi %add3A_2277, %add3A_2278 : i32
      %add3A_2280 = arith.constant 0 : i32
      %add3A_2281 = arith.addi %add3A_2279, %add3A_2280 : i32
      %add3A_2282 = vector.broadcast %add3A_2281 : i32 to vector<16xi32>
      %add3A_2283 = arith.addi %mul3A_5, %add3A_2282 : vector<16xi32>
      tpu.vector_store_idx %arg6[%add3A_2283], %gather3A_2273 : memref<25600xi32, #tpu.memory_space<vmem>>[vector<16xi32>], vector<16xi32>,
      %add3A_2284 = arith.constant 2064 : i32
      %add3A_2285 = vector.broadcast %add3A_2284 : i32 to vector<16xi32>
      %add3A_2286 = arith.addi %iota3A, %add3A_2285 : vector<16xi32>
      %gather3A_2287 = tpu.vector_load_idx %arg5[%add3A_2286] : memref<2560xi32, #tpu.memory_space<vmem>>[vector<16xi32>], vector<16xi32>,
      %mul3A_2288 = arith.constant 2560 : i32
      %mul3A_2289 = arith.muli %scan3A_475, %mul3A_2288 : i32
      %add3A_2290 = arith.constant 2048 : i32
      %add3A_2291 = arith.addi %mul3A_2289, %add3A_2290 : i32
      %add3A_2292 = arith.constant 64 : i32
      %add3A_2293 = arith.addi %add3A_2291, %add3A_2292 : i32
      %add3A_2294 = arith.constant 0 : i32
      %add3A_2295 = arith.addi %add3A_2293, %add3A_2294 : i32
      %add3A_2296 = vector.broadcast %add3A_2295 : i32 to vector<16xi32>
      %add3A_2297 = arith.addi %mul3A_5, %add3A_2296 : vector<16xi32>
      tpu.vector_store_idx %arg6[%add3A_2297], %gather3A_2287 : memref<25600xi32, #tpu.memory_space<vmem>>[vector<16xi32>], vector<16xi32>,
      %add3A_2298 = arith.constant 2080 : i32
      %add3A_2299 = vector.broadcast %add3A_2298 : i32 to vector<16xi32>
      %add3A_2300 = arith.addi %iota3A, %add3A_2299 : vector<16xi32>
      %gather3A_2301 = tpu.vector_load_idx %arg5[%add3A_2300] : memref<2560xi32, #tpu.memory_space<vmem>>[vector<16xi32>], vector<16xi32>,
      %mul3A_2302 = arith.constant 2560 : i32
      %mul3A_2303 = arith.muli %scan3A_475, %mul3A_2302 : i32
      %add3A_2304 = arith.constant 2048 : i32
      %add3A_2305 = arith.addi %mul3A_2303, %add3A_2304 : i32
      %add3A_2306 = arith.constant 128 : i32
      %add3A_2307 = arith.addi %add3A_2305, %add3A_2306 : i32
      %add3A_2308 = arith.constant 0 : i32
      %add3A_2309 = arith.addi %add3A_2307, %add3A_2308 : i32
      %add3A_2310 = vector.broadcast %add3A_2309 : i32 to vector<16xi32>
      %add3A_2311 = arith.addi %mul3A_5, %add3A_2310 : vector<16xi32>
      tpu.vector_store_idx %arg6[%add3A_2311], %gather3A_2301 : memref<25600xi32, #tpu.memory_space<vmem>>[vector<16xi32>], vector<16xi32>,
      %add3A_2312 = arith.constant 2096 : i32
      %add3A_2313 = vector.broadcast %add3A_2312 : i32 to vector<16xi32>
      %add3A_2314 = arith.addi %iota3A, %add3A_2313 : vector<16xi32>
      %gather3A_2315 = tpu.vector_load_idx %arg5[%add3A_2314] : memref<2560xi32, #tpu.memory_space<vmem>>[vector<16xi32>], vector<16xi32>,
      %mul3A_2316 = arith.constant 2560 : i32
      %mul3A_2317 = arith.muli %scan3A_475, %mul3A_2316 : i32
      %add3A_2318 = arith.constant 2048 : i32
      %add3A_2319 = arith.addi %mul3A_2317, %add3A_2318 : i32
      %add3A_2320 = arith.constant 192 : i32
      %add3A_2321 = arith.addi %add3A_2319, %add3A_2320 : i32
      %add3A_2322 = arith.constant 0 : i32
      %add3A_2323 = arith.addi %add3A_2321, %add3A_2322 : i32
      %add3A_2324 = vector.broadcast %add3A_2323 : i32 to vector<16xi32>
      %add3A_2325 = arith.addi %mul3A_5, %add3A_2324 : vector<16xi32>
      tpu.vector_store_idx %arg6[%add3A_2325], %gather3A_2315 : memref<25600xi32, #tpu.memory_space<vmem>>[vector<16xi32>], vector<16xi32>,
      %add3A_2326 = arith.constant 2112 : i32
      %add3A_2327 = vector.broadcast %add3A_2326 : i32 to vector<16xi32>
      %add3A_2328 = arith.addi %iota3A, %add3A_2327 : vector<16xi32>
      %gather3A_2329 = tpu.vector_load_idx %arg5[%add3A_2328] : memref<2560xi32, #tpu.memory_space<vmem>>[vector<16xi32>], vector<16xi32>,
      %mul3A_2330 = arith.constant 2560 : i32
      %mul3A_2331 = arith.muli %scan3A_475, %mul3A_2330 : i32
      %add3A_2332 = arith.constant 2048 : i32
      %add3A_2333 = arith.addi %mul3A_2331, %add3A_2332 : i32
      %add3A_2334 = arith.constant 256 : i32
      %add3A_2335 = arith.addi %add3A_2333, %add3A_2334 : i32
      %add3A_2336 = arith.constant 0 : i32
      %add3A_2337 = arith.addi %add3A_2335, %add3A_2336 : i32
      %add3A_2338 = vector.broadcast %add3A_2337 : i32 to vector<16xi32>
      %add3A_2339 = arith.addi %mul3A_5, %add3A_2338 : vector<16xi32>
      tpu.vector_store_idx %arg6[%add3A_2339], %gather3A_2329 : memref<25600xi32, #tpu.memory_space<vmem>>[vector<16xi32>], vector<16xi32>,
      %add3A_2340 = arith.constant 2128 : i32
      %add3A_2341 = vector.broadcast %add3A_2340 : i32 to vector<16xi32>
      %add3A_2342 = arith.addi %iota3A, %add3A_2341 : vector<16xi32>
      %gather3A_2343 = tpu.vector_load_idx %arg5[%add3A_2342] : memref<2560xi32, #tpu.memory_space<vmem>>[vector<16xi32>], vector<16xi32>,
      %mul3A_2344 = arith.constant 2560 : i32
      %mul3A_2345 = arith.muli %scan3A_475, %mul3A_2344 : i32
      %add3A_2346 = arith.constant 2048 : i32
      %add3A_2347 = arith.addi %mul3A_2345, %add3A_2346 : i32
      %add3A_2348 = arith.constant 320 : i32
      %add3A_2349 = arith.addi %add3A_2347, %add3A_2348 : i32
      %add3A_2350 = arith.constant 0 : i32
      %add3A_2351 = arith.addi %add3A_2349, %add3A_2350 : i32
      %add3A_2352 = vector.broadcast %add3A_2351 : i32 to vector<16xi32>
      %add3A_2353 = arith.addi %mul3A_5, %add3A_2352 : vector<16xi32>
      tpu.vector_store_idx %arg6[%add3A_2353], %gather3A_2343 : memref<25600xi32, #tpu.memory_space<vmem>>[vector<16xi32>], vector<16xi32>,
      %add3A_2354 = arith.constant 2144 : i32
      %add3A_2355 = vector.broadcast %add3A_2354 : i32 to vector<16xi32>
      %add3A_2356 = arith.addi %iota3A, %add3A_2355 : vector<16xi32>
      %gather3A_2357 = tpu.vector_load_idx %arg5[%add3A_2356] : memref<2560xi32, #tpu.memory_space<vmem>>[vector<16xi32>], vector<16xi32>,
      %mul3A_2358 = arith.constant 2560 : i32
      %mul3A_2359 = arith.muli %scan3A_475, %mul3A_2358 : i32
      %add3A_2360 = arith.constant 2048 : i32
      %add3A_2361 = arith.addi %mul3A_2359, %add3A_2360 : i32
      %add3A_2362 = arith.constant 384 : i32
      %add3A_2363 = arith.addi %add3A_2361, %add3A_2362 : i32
      %add3A_2364 = arith.constant 0 : i32
      %add3A_2365 = arith.addi %add3A_2363, %add3A_2364 : i32
      %add3A_2366 = vector.broadcast %add3A_2365 : i32 to vector<16xi32>
      %add3A_2367 = arith.addi %mul3A_5, %add3A_2366 : vector<16xi32>
      tpu.vector_store_idx %arg6[%add3A_2367], %gather3A_2357 : memref<25600xi32, #tpu.memory_space<vmem>>[vector<16xi32>], vector<16xi32>,
      %add3A_2368 = arith.constant 2160 : i32
      %add3A_2369 = vector.broadcast %add3A_2368 : i32 to vector<16xi32>
      %add3A_2370 = arith.addi %iota3A, %add3A_2369 : vector<16xi32>
      %gather3A_2371 = tpu.vector_load_idx %arg5[%add3A_2370] : memref<2560xi32, #tpu.memory_space<vmem>>[vector<16xi32>], vector<16xi32>,
      %mul3A_2372 = arith.constant 2560 : i32
      %mul3A_2373 = arith.muli %scan3A_475, %mul3A_2372 : i32
      %add3A_2374 = arith.constant 2048 : i32
      %add3A_2375 = arith.addi %mul3A_2373, %add3A_2374 : i32
      %add3A_2376 = arith.constant 448 : i32
      %add3A_2377 = arith.addi %add3A_2375, %add3A_2376 : i32
      %add3A_2378 = arith.constant 0 : i32
      %add3A_2379 = arith.addi %add3A_2377, %add3A_2378 : i32
      %add3A_2380 = vector.broadcast %add3A_2379 : i32 to vector<16xi32>
      %add3A_2381 = arith.addi %mul3A_5, %add3A_2380 : vector<16xi32>
      tpu.vector_store_idx %arg6[%add3A_2381], %gather3A_2371 : memref<25600xi32, #tpu.memory_space<vmem>>[vector<16xi32>], vector<16xi32>,
      %add3A_2382 = arith.constant 2176 : i32
      %add3A_2383 = vector.broadcast %add3A_2382 : i32 to vector<16xi32>
      %add3A_2384 = arith.addi %iota3A, %add3A_2383 : vector<16xi32>
      %gather3A_2385 = tpu.vector_load_idx %arg5[%add3A_2384] : memref<2560xi32, #tpu.memory_space<vmem>>[vector<16xi32>], vector<16xi32>,
      %mul3A_2386 = arith.constant 2560 : i32
      %mul3A_2387 = arith.muli %scan3A_475, %mul3A_2386 : i32
      %add3A_2388 = arith.constant 2048 : i32
      %add3A_2389 = arith.addi %mul3A_2387, %add3A_2388 : i32
      %add3A_2390 = arith.constant 0 : i32
      %add3A_2391 = arith.addi %add3A_2389, %add3A_2390 : i32
      %add3A_2392 = arith.constant 1 : i32
      %add3A_2393 = arith.addi %add3A_2391, %add3A_2392 : i32
      %add3A_2394 = vector.broadcast %add3A_2393 : i32 to vector<16xi32>
      %add3A_2395 = arith.addi %mul3A_5, %add3A_2394 : vector<16xi32>
      tpu.vector_store_idx %arg6[%add3A_2395], %gather3A_2385 : memref<25600xi32, #tpu.memory_space<vmem>>[vector<16xi32>], vector<16xi32>,
      %add3A_2396 = arith.constant 2192 : i32
      %add3A_2397 = vector.broadcast %add3A_2396 : i32 to vector<16xi32>
      %add3A_2398 = arith.addi %iota3A, %add3A_2397 : vector<16xi32>
      %gather3A_2399 = tpu.vector_load_idx %arg5[%add3A_2398] : memref<2560xi32, #tpu.memory_space<vmem>>[vector<16xi32>], vector<16xi32>,
      %mul3A_2400 = arith.constant 2560 : i32
      %mul3A_2401 = arith.muli %scan3A_475, %mul3A_2400 : i32
      %add3A_2402 = arith.constant 2048 : i32
      %add3A_2403 = arith.addi %mul3A_2401, %add3A_2402 : i32
      %add3A_2404 = arith.constant 64 : i32
      %add3A_2405 = arith.addi %add3A_2403, %add3A_2404 : i32
      %add3A_2406 = arith.constant 1 : i32
      %add3A_2407 = arith.addi %add3A_2405, %add3A_2406 : i32
      %add3A_2408 = vector.broadcast %add3A_2407 : i32 to vector<16xi32>
      %add3A_2409 = arith.addi %mul3A_5, %add3A_2408 : vector<16xi32>
      tpu.vector_store_idx %arg6[%add3A_2409], %gather3A_2399 : memref<25600xi32, #tpu.memory_space<vmem>>[vector<16xi32>], vector<16xi32>,
      %add3A_2410 = arith.constant 2208 : i32
      %add3A_2411 = vector.broadcast %add3A_2410 : i32 to vector<16xi32>
      %add3A_2412 = arith.addi %iota3A, %add3A_2411 : vector<16xi32>
      %gather3A_2413 = tpu.vector_load_idx %arg5[%add3A_2412] : memref<2560xi32, #tpu.memory_space<vmem>>[vector<16xi32>], vector<16xi32>,
      %mul3A_2414 = arith.constant 2560 : i32
      %mul3A_2415 = arith.muli %scan3A_475, %mul3A_2414 : i32
      %add3A_2416 = arith.constant 2048 : i32
      %add3A_2417 = arith.addi %mul3A_2415, %add3A_2416 : i32
      %add3A_2418 = arith.constant 128 : i32
      %add3A_2419 = arith.addi %add3A_2417, %add3A_2418 : i32
      %add3A_2420 = arith.constant 1 : i32
      %add3A_2421 = arith.addi %add3A_2419, %add3A_2420 : i32
      %add3A_2422 = vector.broadcast %add3A_2421 : i32 to vector<16xi32>
      %add3A_2423 = arith.addi %mul3A_5, %add3A_2422 : vector<16xi32>
      tpu.vector_store_idx %arg6[%add3A_2423], %gather3A_2413 : memref<25600xi32, #tpu.memory_space<vmem>>[vector<16xi32>], vector<16xi32>,
      %add3A_2424 = arith.constant 2224 : i32
      %add3A_2425 = vector.broadcast %add3A_2424 : i32 to vector<16xi32>
      %add3A_2426 = arith.addi %iota3A, %add3A_2425 : vector<16xi32>
      %gather3A_2427 = tpu.vector_load_idx %arg5[%add3A_2426] : memref<2560xi32, #tpu.memory_space<vmem>>[vector<16xi32>], vector<16xi32>,
      %mul3A_2428 = arith.constant 2560 : i32
      %mul3A_2429 = arith.muli %scan3A_475, %mul3A_2428 : i32
      %add3A_2430 = arith.constant 2048 : i32
      %add3A_2431 = arith.addi %mul3A_2429, %add3A_2430 : i32
      %add3A_2432 = arith.constant 192 : i32
      %add3A_2433 = arith.addi %add3A_2431, %add3A_2432 : i32
      %add3A_2434 = arith.constant 1 : i32
      %add3A_2435 = arith.addi %add3A_2433, %add3A_2434 : i32
      %add3A_2436 = vector.broadcast %add3A_2435 : i32 to vector<16xi32>
      %add3A_2437 = arith.addi %mul3A_5, %add3A_2436 : vector<16xi32>
      tpu.vector_store_idx %arg6[%add3A_2437], %gather3A_2427 : memref<25600xi32, #tpu.memory_space<vmem>>[vector<16xi32>], vector<16xi32>,
      %add3A_2438 = arith.constant 2240 : i32
      %add3A_2439 = vector.broadcast %add3A_2438 : i32 to vector<16xi32>
      %add3A_2440 = arith.addi %iota3A, %add3A_2439 : vector<16xi32>
      %gather3A_2441 = tpu.vector_load_idx %arg5[%add3A_2440] : memref<2560xi32, #tpu.memory_space<vmem>>[vector<16xi32>], vector<16xi32>,
      %mul3A_2442 = arith.constant 2560 : i32
      %mul3A_2443 = arith.muli %scan3A_475, %mul3A_2442 : i32
      %add3A_2444 = arith.constant 2048 : i32
      %add3A_2445 = arith.addi %mul3A_2443, %add3A_2444 : i32
      %add3A_2446 = arith.constant 256 : i32
      %add3A_2447 = arith.addi %add3A_2445, %add3A_2446 : i32
      %add3A_2448 = arith.constant 1 : i32
      %add3A_2449 = arith.addi %add3A_2447, %add3A_2448 : i32
      %add3A_2450 = vector.broadcast %add3A_2449 : i32 to vector<16xi32>
      %add3A_2451 = arith.addi %mul3A_5, %add3A_2450 : vector<16xi32>
      tpu.vector_store_idx %arg6[%add3A_2451], %gather3A_2441 : memref<25600xi32, #tpu.memory_space<vmem>>[vector<16xi32>], vector<16xi32>,
      %add3A_2452 = arith.constant 2256 : i32
      %add3A_2453 = vector.broadcast %add3A_2452 : i32 to vector<16xi32>
      %add3A_2454 = arith.addi %iota3A, %add3A_2453 : vector<16xi32>
      %gather3A_2455 = tpu.vector_load_idx %arg5[%add3A_2454] : memref<2560xi32, #tpu.memory_space<vmem>>[vector<16xi32>], vector<16xi32>,
      %mul3A_2456 = arith.constant 2560 : i32
      %mul3A_2457 = arith.muli %scan3A_475, %mul3A_2456 : i32
      %add3A_2458 = arith.constant 2048 : i32
      %add3A_2459 = arith.addi %mul3A_2457, %add3A_2458 : i32
      %add3A_2460 = arith.constant 320 : i32
      %add3A_2461 = arith.addi %add3A_2459, %add3A_2460 : i32
      %add3A_2462 = arith.constant 1 : i32
      %add3A_2463 = arith.addi %add3A_2461, %add3A_2462 : i32
      %add3A_2464 = vector.broadcast %add3A_2463 : i32 to vector<16xi32>
      %add3A_2465 = arith.addi %mul3A_5, %add3A_2464 : vector<16xi32>
      tpu.vector_store_idx %arg6[%add3A_2465], %gather3A_2455 : memref<25600xi32, #tpu.memory_space<vmem>>[vector<16xi32>], vector<16xi32>,
      %add3A_2466 = arith.constant 2272 : i32
      %add3A_2467 = vector.broadcast %add3A_2466 : i32 to vector<16xi32>
      %add3A_2468 = arith.addi %iota3A, %add3A_2467 : vector<16xi32>
      %gather3A_2469 = tpu.vector_load_idx %arg5[%add3A_2468] : memref<2560xi32, #tpu.memory_space<vmem>>[vector<16xi32>], vector<16xi32>,
      %mul3A_2470 = arith.constant 2560 : i32
      %mul3A_2471 = arith.muli %scan3A_475, %mul3A_2470 : i32
      %add3A_2472 = arith.constant 2048 : i32
      %add3A_2473 = arith.addi %mul3A_2471, %add3A_2472 : i32
      %add3A_2474 = arith.constant 384 : i32
      %add3A_2475 = arith.addi %add3A_2473, %add3A_2474 : i32
      %add3A_2476 = arith.constant 1 : i32
      %add3A_2477 = arith.addi %add3A_2475, %add3A_2476 : i32
      %add3A_2478 = vector.broadcast %add3A_2477 : i32 to vector<16xi32>
      %add3A_2479 = arith.addi %mul3A_5, %add3A_2478 : vector<16xi32>
      tpu.vector_store_idx %arg6[%add3A_2479], %gather3A_2469 : memref<25600xi32, #tpu.memory_space<vmem>>[vector<16xi32>], vector<16xi32>,
      %add3A_2480 = arith.constant 2288 : i32
      %add3A_2481 = vector.broadcast %add3A_2480 : i32 to vector<16xi32>
      %add3A_2482 = arith.addi %iota3A, %add3A_2481 : vector<16xi32>
      %gather3A_2483 = tpu.vector_load_idx %arg5[%add3A_2482] : memref<2560xi32, #tpu.memory_space<vmem>>[vector<16xi32>], vector<16xi32>,
      %mul3A_2484 = arith.constant 2560 : i32
      %mul3A_2485 = arith.muli %scan3A_475, %mul3A_2484 : i32
      %add3A_2486 = arith.constant 2048 : i32
      %add3A_2487 = arith.addi %mul3A_2485, %add3A_2486 : i32
      %add3A_2488 = arith.constant 448 : i32
      %add3A_2489 = arith.addi %add3A_2487, %add3A_2488 : i32
      %add3A_2490 = arith.constant 1 : i32
      %add3A_2491 = arith.addi %add3A_2489, %add3A_2490 : i32
      %add3A_2492 = vector.broadcast %add3A_2491 : i32 to vector<16xi32>
      %add3A_2493 = arith.addi %mul3A_5, %add3A_2492 : vector<16xi32>
      tpu.vector_store_idx %arg6[%add3A_2493], %gather3A_2483 : memref<25600xi32, #tpu.memory_space<vmem>>[vector<16xi32>], vector<16xi32>,
      %add3A_2494 = arith.constant 2304 : i32
      %add3A_2495 = vector.broadcast %add3A_2494 : i32 to vector<16xi32>
      %add3A_2496 = arith.addi %iota3A, %add3A_2495 : vector<16xi32>
      %gather3A_2497 = tpu.vector_load_idx %arg5[%add3A_2496] : memref<2560xi32, #tpu.memory_space<vmem>>[vector<16xi32>], vector<16xi32>,
      %mul3A_2498 = arith.constant 2560 : i32
      %mul3A_2499 = arith.muli %scan3A_475, %mul3A_2498 : i32
      %add3A_2500 = arith.constant 2048 : i32
      %add3A_2501 = arith.addi %mul3A_2499, %add3A_2500 : i32
      %add3A_2502 = arith.constant 0 : i32
      %add3A_2503 = arith.addi %add3A_2501, %add3A_2502 : i32
      %add3A_2504 = arith.constant 2 : i32
      %add3A_2505 = arith.addi %add3A_2503, %add3A_2504 : i32
      %add3A_2506 = vector.broadcast %add3A_2505 : i32 to vector<16xi32>
      %add3A_2507 = arith.addi %mul3A_5, %add3A_2506 : vector<16xi32>
      tpu.vector_store_idx %arg6[%add3A_2507], %gather3A_2497 : memref<25600xi32, #tpu.memory_space<vmem>>[vector<16xi32>], vector<16xi32>,
      %add3A_2508 = arith.constant 2320 : i32
      %add3A_2509 = vector.broadcast %add3A_2508 : i32 to vector<16xi32>
      %add3A_2510 = arith.addi %iota3A, %add3A_2509 : vector<16xi32>
      %gather3A_2511 = tpu.vector_load_idx %arg5[%add3A_2510] : memref<2560xi32, #tpu.memory_space<vmem>>[vector<16xi32>], vector<16xi32>,
      %mul3A_2512 = arith.constant 2560 : i32
      %mul3A_2513 = arith.muli %scan3A_475, %mul3A_2512 : i32
      %add3A_2514 = arith.constant 2048 : i32
      %add3A_2515 = arith.addi %mul3A_2513, %add3A_2514 : i32
      %add3A_2516 = arith.constant 64 : i32
      %add3A_2517 = arith.addi %add3A_2515, %add3A_2516 : i32
      %add3A_2518 = arith.constant 2 : i32
      %add3A_2519 = arith.addi %add3A_2517, %add3A_2518 : i32
      %add3A_2520 = vector.broadcast %add3A_2519 : i32 to vector<16xi32>
      %add3A_2521 = arith.addi %mul3A_5, %add3A_2520 : vector<16xi32>
      tpu.vector_store_idx %arg6[%add3A_2521], %gather3A_2511 : memref<25600xi32, #tpu.memory_space<vmem>>[vector<16xi32>], vector<16xi32>,
      %add3A_2522 = arith.constant 2336 : i32
      %add3A_2523 = vector.broadcast %add3A_2522 : i32 to vector<16xi32>
      %add3A_2524 = arith.addi %iota3A, %add3A_2523 : vector<16xi32>
      %gather3A_2525 = tpu.vector_load_idx %arg5[%add3A_2524] : memref<2560xi32, #tpu.memory_space<vmem>>[vector<16xi32>], vector<16xi32>,
      %mul3A_2526 = arith.constant 2560 : i32
      %mul3A_2527 = arith.muli %scan3A_475, %mul3A_2526 : i32
      %add3A_2528 = arith.constant 2048 : i32
      %add3A_2529 = arith.addi %mul3A_2527, %add3A_2528 : i32
      %add3A_2530 = arith.constant 128 : i32
      %add3A_2531 = arith.addi %add3A_2529, %add3A_2530 : i32
      %add3A_2532 = arith.constant 2 : i32
      %add3A_2533 = arith.addi %add3A_2531, %add3A_2532 : i32
      %add3A_2534 = vector.broadcast %add3A_2533 : i32 to vector<16xi32>
      %add3A_2535 = arith.addi %mul3A_5, %add3A_2534 : vector<16xi32>
      tpu.vector_store_idx %arg6[%add3A_2535], %gather3A_2525 : memref<25600xi32, #tpu.memory_space<vmem>>[vector<16xi32>], vector<16xi32>,
      %add3A_2536 = arith.constant 2352 : i32
      %add3A_2537 = vector.broadcast %add3A_2536 : i32 to vector<16xi32>
      %add3A_2538 = arith.addi %iota3A, %add3A_2537 : vector<16xi32>
      %gather3A_2539 = tpu.vector_load_idx %arg5[%add3A_2538] : memref<2560xi32, #tpu.memory_space<vmem>>[vector<16xi32>], vector<16xi32>,
      %mul3A_2540 = arith.constant 2560 : i32
      %mul3A_2541 = arith.muli %scan3A_475, %mul3A_2540 : i32
      %add3A_2542 = arith.constant 2048 : i32
      %add3A_2543 = arith.addi %mul3A_2541, %add3A_2542 : i32
      %add3A_2544 = arith.constant 192 : i32
      %add3A_2545 = arith.addi %add3A_2543, %add3A_2544 : i32
      %add3A_2546 = arith.constant 2 : i32
      %add3A_2547 = arith.addi %add3A_2545, %add3A_2546 : i32
      %add3A_2548 = vector.broadcast %add3A_2547 : i32 to vector<16xi32>
      %add3A_2549 = arith.addi %mul3A_5, %add3A_2548 : vector<16xi32>
      tpu.vector_store_idx %arg6[%add3A_2549], %gather3A_2539 : memref<25600xi32, #tpu.memory_space<vmem>>[vector<16xi32>], vector<16xi32>,
      %add3A_2550 = arith.constant 2368 : i32
      %add3A_2551 = vector.broadcast %add3A_2550 : i32 to vector<16xi32>
      %add3A_2552 = arith.addi %iota3A, %add3A_2551 : vector<16xi32>
      %gather3A_2553 = tpu.vector_load_idx %arg5[%add3A_2552] : memref<2560xi32, #tpu.memory_space<vmem>>[vector<16xi32>], vector<16xi32>,
      %mul3A_2554 = arith.constant 2560 : i32
      %mul3A_2555 = arith.muli %scan3A_475, %mul3A_2554 : i32
      %add3A_2556 = arith.constant 2048 : i32
      %add3A_2557 = arith.addi %mul3A_2555, %add3A_2556 : i32
      %add3A_2558 = arith.constant 256 : i32
      %add3A_2559 = arith.addi %add3A_2557, %add3A_2558 : i32
      %add3A_2560 = arith.constant 2 : i32
      %add3A_2561 = arith.addi %add3A_2559, %add3A_2560 : i32
      %add3A_2562 = vector.broadcast %add3A_2561 : i32 to vector<16xi32>
      %add3A_2563 = arith.addi %mul3A_5, %add3A_2562 : vector<16xi32>
      tpu.vector_store_idx %arg6[%add3A_2563], %gather3A_2553 : memref<25600xi32, #tpu.memory_space<vmem>>[vector<16xi32>], vector<16xi32>,
      %add3A_2564 = arith.constant 2384 : i32
      %add3A_2565 = vector.broadcast %add3A_2564 : i32 to vector<16xi32>
      %add3A_2566 = arith.addi %iota3A, %add3A_2565 : vector<16xi32>
      %gather3A_2567 = tpu.vector_load_idx %arg5[%add3A_2566] : memref<2560xi32, #tpu.memory_space<vmem>>[vector<16xi32>], vector<16xi32>,
      %mul3A_2568 = arith.constant 2560 : i32
      %mul3A_2569 = arith.muli %scan3A_475, %mul3A_2568 : i32
      %add3A_2570 = arith.constant 2048 : i32
      %add3A_2571 = arith.addi %mul3A_2569, %add3A_2570 : i32
      %add3A_2572 = arith.constant 320 : i32
      %add3A_2573 = arith.addi %add3A_2571, %add3A_2572 : i32
      %add3A_2574 = arith.constant 2 : i32
      %add3A_2575 = arith.addi %add3A_2573, %add3A_2574 : i32
      %add3A_2576 = vector.broadcast %add3A_2575 : i32 to vector<16xi32>
      %add3A_2577 = arith.addi %mul3A_5, %add3A_2576 : vector<16xi32>
      tpu.vector_store_idx %arg6[%add3A_2577], %gather3A_2567 : memref<25600xi32, #tpu.memory_space<vmem>>[vector<16xi32>], vector<16xi32>,
      %add3A_2578 = arith.constant 2400 : i32
      %add3A_2579 = vector.broadcast %add3A_2578 : i32 to vector<16xi32>
      %add3A_2580 = arith.addi %iota3A, %add3A_2579 : vector<16xi32>
      %gather3A_2581 = tpu.vector_load_idx %arg5[%add3A_2580] : memref<2560xi32, #tpu.memory_space<vmem>>[vector<16xi32>], vector<16xi32>,
      %mul3A_2582 = arith.constant 2560 : i32
      %mul3A_2583 = arith.muli %scan3A_475, %mul3A_2582 : i32
      %add3A_2584 = arith.constant 2048 : i32
      %add3A_2585 = arith.addi %mul3A_2583, %add3A_2584 : i32
      %add3A_2586 = arith.constant 384 : i32
      %add3A_2587 = arith.addi %add3A_2585, %add3A_2586 : i32
      %add3A_2588 = arith.constant 2 : i32
      %add3A_2589 = arith.addi %add3A_2587, %add3A_2588 : i32
      %add3A_2590 = vector.broadcast %add3A_2589 : i32 to vector<16xi32>
      %add3A_2591 = arith.addi %mul3A_5, %add3A_2590 : vector<16xi32>
      tpu.vector_store_idx %arg6[%add3A_2591], %gather3A_2581 : memref<25600xi32, #tpu.memory_space<vmem>>[vector<16xi32>], vector<16xi32>,
      %add3A_2592 = arith.constant 2416 : i32
      %add3A_2593 = vector.broadcast %add3A_2592 : i32 to vector<16xi32>
      %add3A_2594 = arith.addi %iota3A, %add3A_2593 : vector<16xi32>
      %gather3A_2595 = tpu.vector_load_idx %arg5[%add3A_2594] : memref<2560xi32, #tpu.memory_space<vmem>>[vector<16xi32>], vector<16xi32>,
      %mul3A_2596 = arith.constant 2560 : i32
      %mul3A_2597 = arith.muli %scan3A_475, %mul3A_2596 : i32
      %add3A_2598 = arith.constant 2048 : i32
      %add3A_2599 = arith.addi %mul3A_2597, %add3A_2598 : i32
      %add3A_2600 = arith.constant 448 : i32
      %add3A_2601 = arith.addi %add3A_2599, %add3A_2600 : i32
      %add3A_2602 = arith.constant 2 : i32
      %add3A_2603 = arith.addi %add3A_2601, %add3A_2602 : i32
      %add3A_2604 = vector.broadcast %add3A_2603 : i32 to vector<16xi32>
      %add3A_2605 = arith.addi %mul3A_5, %add3A_2604 : vector<16xi32>
      tpu.vector_store_idx %arg6[%add3A_2605], %gather3A_2595 : memref<25600xi32, #tpu.memory_space<vmem>>[vector<16xi32>], vector<16xi32>,
      %add3A_2606 = arith.constant 2432 : i32
      %add3A_2607 = vector.broadcast %add3A_2606 : i32 to vector<16xi32>
      %add3A_2608 = arith.addi %iota3A, %add3A_2607 : vector<16xi32>
      %gather3A_2609 = tpu.vector_load_idx %arg5[%add3A_2608] : memref<2560xi32, #tpu.memory_space<vmem>>[vector<16xi32>], vector<16xi32>,
      %mul3A_2610 = arith.constant 2560 : i32
      %mul3A_2611 = arith.muli %scan3A_475, %mul3A_2610 : i32
      %add3A_2612 = arith.constant 2048 : i32
      %add3A_2613 = arith.addi %mul3A_2611, %add3A_2612 : i32
      %add3A_2614 = arith.constant 0 : i32
      %add3A_2615 = arith.addi %add3A_2613, %add3A_2614 : i32
      %add3A_2616 = arith.constant 3 : i32
      %add3A_2617 = arith.addi %add3A_2615, %add3A_2616 : i32
      %add3A_2618 = vector.broadcast %add3A_2617 : i32 to vector<16xi32>
      %add3A_2619 = arith.addi %mul3A_5, %add3A_2618 : vector<16xi32>
      tpu.vector_store_idx %arg6[%add3A_2619], %gather3A_2609 : memref<25600xi32, #tpu.memory_space<vmem>>[vector<16xi32>], vector<16xi32>,
      %add3A_2620 = arith.constant 2448 : i32
      %add3A_2621 = vector.broadcast %add3A_2620 : i32 to vector<16xi32>
      %add3A_2622 = arith.addi %iota3A, %add3A_2621 : vector<16xi32>
      %gather3A_2623 = tpu.vector_load_idx %arg5[%add3A_2622] : memref<2560xi32, #tpu.memory_space<vmem>>[vector<16xi32>], vector<16xi32>,
      %mul3A_2624 = arith.constant 2560 : i32
      %mul3A_2625 = arith.muli %scan3A_475, %mul3A_2624 : i32
      %add3A_2626 = arith.constant 2048 : i32
      %add3A_2627 = arith.addi %mul3A_2625, %add3A_2626 : i32
      %add3A_2628 = arith.constant 64 : i32
      %add3A_2629 = arith.addi %add3A_2627, %add3A_2628 : i32
      %add3A_2630 = arith.constant 3 : i32
      %add3A_2631 = arith.addi %add3A_2629, %add3A_2630 : i32
      %add3A_2632 = vector.broadcast %add3A_2631 : i32 to vector<16xi32>
      %add3A_2633 = arith.addi %mul3A_5, %add3A_2632 : vector<16xi32>
      tpu.vector_store_idx %arg6[%add3A_2633], %gather3A_2623 : memref<25600xi32, #tpu.memory_space<vmem>>[vector<16xi32>], vector<16xi32>,
      %add3A_2634 = arith.constant 2464 : i32
      %add3A_2635 = vector.broadcast %add3A_2634 : i32 to vector<16xi32>
      %add3A_2636 = arith.addi %iota3A, %add3A_2635 : vector<16xi32>
      %gather3A_2637 = tpu.vector_load_idx %arg5[%add3A_2636] : memref<2560xi32, #tpu.memory_space<vmem>>[vector<16xi32>], vector<16xi32>,
      %mul3A_2638 = arith.constant 2560 : i32
      %mul3A_2639 = arith.muli %scan3A_475, %mul3A_2638 : i32
      %add3A_2640 = arith.constant 2048 : i32
      %add3A_2641 = arith.addi %mul3A_2639, %add3A_2640 : i32
      %add3A_2642 = arith.constant 128 : i32
      %add3A_2643 = arith.addi %add3A_2641, %add3A_2642 : i32
      %add3A_2644 = arith.constant 3 : i32
      %add3A_2645 = arith.addi %add3A_2643, %add3A_2644 : i32
      %add3A_2646 = vector.broadcast %add3A_2645 : i32 to vector<16xi32>
      %add3A_2647 = arith.addi %mul3A_5, %add3A_2646 : vector<16xi32>
      tpu.vector_store_idx %arg6[%add3A_2647], %gather3A_2637 : memref<25600xi32, #tpu.memory_space<vmem>>[vector<16xi32>], vector<16xi32>,
      %add3A_2648 = arith.constant 2480 : i32
      %add3A_2649 = vector.broadcast %add3A_2648 : i32 to vector<16xi32>
      %add3A_2650 = arith.addi %iota3A, %add3A_2649 : vector<16xi32>
      %gather3A_2651 = tpu.vector_load_idx %arg5[%add3A_2650] : memref<2560xi32, #tpu.memory_space<vmem>>[vector<16xi32>], vector<16xi32>,
      %mul3A_2652 = arith.constant 2560 : i32
      %mul3A_2653 = arith.muli %scan3A_475, %mul3A_2652 : i32
      %add3A_2654 = arith.constant 2048 : i32
      %add3A_2655 = arith.addi %mul3A_2653, %add3A_2654 : i32
      %add3A_2656 = arith.constant 192 : i32
      %add3A_2657 = arith.addi %add3A_2655, %add3A_2656 : i32
      %add3A_2658 = arith.constant 3 : i32
      %add3A_2659 = arith.addi %add3A_2657, %add3A_2658 : i32
      %add3A_2660 = vector.broadcast %add3A_2659 : i32 to vector<16xi32>
      %add3A_2661 = arith.addi %mul3A_5, %add3A_2660 : vector<16xi32>
      tpu.vector_store_idx %arg6[%add3A_2661], %gather3A_2651 : memref<25600xi32, #tpu.memory_space<vmem>>[vector<16xi32>], vector<16xi32>,
      %add3A_2662 = arith.constant 2496 : i32
      %add3A_2663 = vector.broadcast %add3A_2662 : i32 to vector<16xi32>
      %add3A_2664 = arith.addi %iota3A, %add3A_2663 : vector<16xi32>
      %gather3A_2665 = tpu.vector_load_idx %arg5[%add3A_2664] : memref<2560xi32, #tpu.memory_space<vmem>>[vector<16xi32>], vector<16xi32>,
      %mul3A_2666 = arith.constant 2560 : i32
      %mul3A_2667 = arith.muli %scan3A_475, %mul3A_2666 : i32
      %add3A_2668 = arith.constant 2048 : i32
      %add3A_2669 = arith.addi %mul3A_2667, %add3A_2668 : i32
      %add3A_2670 = arith.constant 256 : i32
      %add3A_2671 = arith.addi %add3A_2669, %add3A_2670 : i32
      %add3A_2672 = arith.constant 3 : i32
      %add3A_2673 = arith.addi %add3A_2671, %add3A_2672 : i32
      %add3A_2674 = vector.broadcast %add3A_2673 : i32 to vector<16xi32>
      %add3A_2675 = arith.addi %mul3A_5, %add3A_2674 : vector<16xi32>
      tpu.vector_store_idx %arg6[%add3A_2675], %gather3A_2665 : memref<25600xi32, #tpu.memory_space<vmem>>[vector<16xi32>], vector<16xi32>,
      %add3A_2676 = arith.constant 2512 : i32
      %add3A_2677 = vector.broadcast %add3A_2676 : i32 to vector<16xi32>
      %add3A_2678 = arith.addi %iota3A, %add3A_2677 : vector<16xi32>
      %gather3A_2679 = tpu.vector_load_idx %arg5[%add3A_2678] : memref<2560xi32, #tpu.memory_space<vmem>>[vector<16xi32>], vector<16xi32>,
      %mul3A_2680 = arith.constant 2560 : i32
      %mul3A_2681 = arith.muli %scan3A_475, %mul3A_2680 : i32
      %add3A_2682 = arith.constant 2048 : i32
      %add3A_2683 = arith.addi %mul3A_2681, %add3A_2682 : i32
      %add3A_2684 = arith.constant 320 : i32
      %add3A_2685 = arith.addi %add3A_2683, %add3A_2684 : i32
      %add3A_2686 = arith.constant 3 : i32
      %add3A_2687 = arith.addi %add3A_2685, %add3A_2686 : i32
      %add3A_2688 = vector.broadcast %add3A_2687 : i32 to vector<16xi32>
      %add3A_2689 = arith.addi %mul3A_5, %add3A_2688 : vector<16xi32>
      tpu.vector_store_idx %arg6[%add3A_2689], %gather3A_2679 : memref<25600xi32, #tpu.memory_space<vmem>>[vector<16xi32>], vector<16xi32>,
      %add3A_2690 = arith.constant 2528 : i32
      %add3A_2691 = vector.broadcast %add3A_2690 : i32 to vector<16xi32>
      %add3A_2692 = arith.addi %iota3A, %add3A_2691 : vector<16xi32>
      %gather3A_2693 = tpu.vector_load_idx %arg5[%add3A_2692] : memref<2560xi32, #tpu.memory_space<vmem>>[vector<16xi32>], vector<16xi32>,
      %mul3A_2694 = arith.constant 2560 : i32
      %mul3A_2695 = arith.muli %scan3A_475, %mul3A_2694 : i32
      %add3A_2696 = arith.constant 2048 : i32
      %add3A_2697 = arith.addi %mul3A_2695, %add3A_2696 : i32
      %add3A_2698 = arith.constant 384 : i32
      %add3A_2699 = arith.addi %add3A_2697, %add3A_2698 : i32
      %add3A_2700 = arith.constant 3 : i32
      %add3A_2701 = arith.addi %add3A_2699, %add3A_2700 : i32
      %add3A_2702 = vector.broadcast %add3A_2701 : i32 to vector<16xi32>
      %add3A_2703 = arith.addi %mul3A_5, %add3A_2702 : vector<16xi32>
      tpu.vector_store_idx %arg6[%add3A_2703], %gather3A_2693 : memref<25600xi32, #tpu.memory_space<vmem>>[vector<16xi32>], vector<16xi32>,
      %add3A_2704 = arith.constant 2544 : i32
      %add3A_2705 = vector.broadcast %add3A_2704 : i32 to vector<16xi32>
      %add3A_2706 = arith.addi %iota3A, %add3A_2705 : vector<16xi32>
      %gather3A_2707 = tpu.vector_load_idx %arg5[%add3A_2706] : memref<2560xi32, #tpu.memory_space<vmem>>[vector<16xi32>], vector<16xi32>,
      %mul3A_2708 = arith.constant 2560 : i32
      %mul3A_2709 = arith.muli %scan3A_475, %mul3A_2708 : i32
      %add3A_2710 = arith.constant 2048 : i32
      %add3A_2711 = arith.addi %mul3A_2709, %add3A_2710 : i32
      %add3A_2712 = arith.constant 448 : i32
      %add3A_2713 = arith.addi %add3A_2711, %add3A_2712 : i32
      %add3A_2714 = arith.constant 3 : i32
      %add3A_2715 = arith.addi %add3A_2713, %add3A_2714 : i32
      %add3A_2716 = vector.broadcast %add3A_2715 : i32 to vector<16xi32>
      %add3A_2717 = arith.addi %mul3A_5, %add3A_2716 : vector<16xi32>
      tpu.vector_store_idx %arg6[%add3A_2717], %gather3A_2707 : memref<25600xi32, #tpu.memory_space<vmem>>[vector<16xi32>], vector<16xi32>,
    }
    %scan3A_10 = arith.constant 10 : i32
    %dma_start3A = arith.constant 0 : i32
    %dma_start3A_11 = arith.constant 0 : i32
    %dma_start3A_12 = arith.constant 0 : i32
    %dma_start3A_13 = tpu.memref_slice %arg7[%dma_start3A, %dma_start3A_11, %dma_start3A_12] : memref<2x1280x32xf32, #tpu.memory_space<vmem>> -> memref<1x128x32xf32, #tpu.memory_space<vmem>>
    %dma_start3A_14 = tpu.memref_squeeze %dma_start3A_13 : memref<1x128x32xf32, #tpu.memory_space<vmem>> -> memref<128x32xf32, #tpu.memory_space<vmem>>
    %dma_start3A_15 = arith.constant 0 : i32
    %dma_start3A_16 = tpu.memref_slice %arg6[%dma_start3A_15] : memref<25600xi32, #tpu.memory_space<vmem>> -> memref<128xi32, #tpu.memory_space<vmem>>
    %dma_start3A_17 = arith.constant 0 : i32
    %dma_start3A_18 = arith.constant 0 : i32
    %dma_start3A_19 = tpu.memref_slice %arg2[%dma_start3A_17, %dma_start3A_18] : memref<1000000x32xf32, #tpu.memory_space<hbm>> -> memref<1000000x32xf32, #tpu.memory_space<hbm>>
    tpu.enqueue_indirect_dma source(%dma_start3A_19 : memref<1000000x32xf32, #tpu.memory_space<hbm>>) target(%dma_start3A_14 : memref<128x32xf32, #tpu.memory_space<vmem>>) offsets(%dma_start3A_16 : memref<128xi32, #tpu.memory_space<vmem>>) semaphore(%arg8 : memref<!tpu.dma_semaphore, #tpu.memory_space<semaphore_mem>>)
    %dma_start3A_20 = arith.constant 0 : i32
    %dma_start3A_21 = arith.constant 128 : i32
    %dma_start3A_22 = arith.constant 0 : i32
    %dma_start3A_23 = tpu.memref_slice %arg7[%dma_start3A_20, %dma_start3A_21, %dma_start3A_22] : memref<2x1280x32xf32, #tpu.memory_space<vmem>> -> memref<1x128x32xf32, #tpu.memory_space<vmem>>
    %dma_start3A_24 = tpu.memref_squeeze %dma_start3A_23 : memref<1x128x32xf32, #tpu.memory_space<vmem>> -> memref<128x32xf32, #tpu.memory_space<vmem>>
    %dma_start3A_25 = arith.constant 128 : i32
    %dma_start3A_26 = tpu.memref_slice %arg6[%dma_start3A_25] : memref<25600xi32, #tpu.memory_space<vmem>> -> memref<128xi32, #tpu.memory_space<vmem>>
    %dma_start3A_27 = arith.constant 0 : i32
    %dma_start3A_28 = arith.constant 0 : i32
    %dma_start3A_29 = tpu.memref_slice %arg2[%dma_start3A_27, %dma_start3A_28] : memref<1000000x32xf32, #tpu.memory_space<hbm>> -> memref<1000000x32xf32, #tpu.memory_space<hbm>>
    tpu.enqueue_indirect_dma source(%dma_start3A_29 : memref<1000000x32xf32, #tpu.memory_space<hbm>>) target(%dma_start3A_24 : memref<128x32xf32, #tpu.memory_space<vmem>>) offsets(%dma_start3A_26 : memref<128xi32, #tpu.memory_space<vmem>>) semaphore(%arg8 : memref<!tpu.dma_semaphore, #tpu.memory_space<semaphore_mem>>)
    %dma_start3A_30 = arith.constant 0 : i32
    %dma_start3A_31 = arith.constant 256 : i32
    %dma_start3A_32 = arith.constant 0 : i32
    %dma_start3A_33 = tpu.memref_slice %arg7[%dma_start3A_30, %dma_start3A_31, %dma_start3A_32] : memref<2x1280x32xf32, #tpu.memory_space<vmem>> -> memref<1x128x32xf32, #tpu.memory_space<vmem>>
    %dma_start3A_34 = tpu.memref_squeeze %dma_start3A_33 : memref<1x128x32xf32, #tpu.memory_space<vmem>> -> memref<128x32xf32, #tpu.memory_space<vmem>>
    %dma_start3A_35 = arith.constant 256 : i32
    %dma_start3A_36 = tpu.memref_slice %arg6[%dma_start3A_35] : memref<25600xi32, #tpu.memory_space<vmem>> -> memref<128xi32, #tpu.memory_space<vmem>>
    %dma_start3A_37 = arith.constant 0 : i32
    %dma_start3A_38 = arith.constant 0 : i32
    %dma_start3A_39 = tpu.memref_slice %arg2[%dma_start3A_37, %dma_start3A_38] : memref<1000000x32xf32, #tpu.memory_space<hbm>> -> memref<1000000x32xf32, #tpu.memory_space<hbm>>
    tpu.enqueue_indirect_dma source(%dma_start3A_39 : memref<1000000x32xf32, #tpu.memory_space<hbm>>) target(%dma_start3A_34 : memref<128x32xf32, #tpu.memory_space<vmem>>) offsets(%dma_start3A_36 : memref<128xi32, #tpu.memory_space<vmem>>) semaphore(%arg8 : memref<!tpu.dma_semaphore, #tpu.memory_space<semaphore_mem>>)
    %dma_start3A_40 = arith.constant 0 : i32
    %dma_start3A_41 = arith.constant 384 : i32
    %dma_start3A_42 = arith.constant 0 : i32
    %dma_start3A_43 = tpu.memref_slice %arg7[%dma_start3A_40, %dma_start3A_41, %dma_start3A_42] : memref<2x1280x32xf32, #tpu.memory_space<vmem>> -> memref<1x128x32xf32, #tpu.memory_space<vmem>>
    %dma_start3A_44 = tpu.memref_squeeze %dma_start3A_43 : memref<1x128x32xf32, #tpu.memory_space<vmem>> -> memref<128x32xf32, #tpu.memory_space<vmem>>
    %dma_start3A_45 = arith.constant 384 : i32
    %dma_start3A_46 = tpu.memref_slice %arg6[%dma_start3A_45] : memref<25600xi32, #tpu.memory_space<vmem>> -> memref<128xi32, #tpu.memory_space<vmem>>
    %dma_start3A_47 = arith.constant 0 : i32
    %dma_start3A_48 = arith.constant 0 : i32
    %dma_start3A_49 = tpu.memref_slice %arg2[%dma_start3A_47, %dma_start3A_48] : memref<1000000x32xf32, #tpu.memory_space<hbm>> -> memref<1000000x32xf32, #tpu.memory_space<hbm>>
    tpu.enqueue_indirect_dma source(%dma_start3A_49 : memref<1000000x32xf32, #tpu.memory_space<hbm>>) target(%dma_start3A_44 : memref<128x32xf32, #tpu.memory_space<vmem>>) offsets(%dma_start3A_46 : memref<128xi32, #tpu.memory_space<vmem>>) semaphore(%arg8 : memref<!tpu.dma_semaphore, #tpu.memory_space<semaphore_mem>>)
    %dma_start3A_50 = arith.constant 0 : i32
    %dma_start3A_51 = arith.constant 512 : i32
    %dma_start3A_52 = arith.constant 0 : i32
    %dma_start3A_53 = tpu.memref_slice %arg7[%dma_start3A_50, %dma_start3A_51, %dma_start3A_52] : memref<2x1280x32xf32, #tpu.memory_space<vmem>> -> memref<1x128x32xf32, #tpu.memory_space<vmem>>
    %dma_start3A_54 = tpu.memref_squeeze %dma_start3A_53 : memref<1x128x32xf32, #tpu.memory_space<vmem>> -> memref<128x32xf32, #tpu.memory_space<vmem>>
    %dma_start3A_55 = arith.constant 512 : i32
    %dma_start3A_56 = tpu.memref_slice %arg6[%dma_start3A_55] : memref<25600xi32, #tpu.memory_space<vmem>> -> memref<128xi32, #tpu.memory_space<vmem>>
    %dma_start3A_57 = arith.constant 0 : i32
    %dma_start3A_58 = arith.constant 0 : i32
    %dma_start3A_59 = tpu.memref_slice %arg2[%dma_start3A_57, %dma_start3A_58] : memref<1000000x32xf32, #tpu.memory_space<hbm>> -> memref<1000000x32xf32, #tpu.memory_space<hbm>>
    tpu.enqueue_indirect_dma source(%dma_start3A_59 : memref<1000000x32xf32, #tpu.memory_space<hbm>>) target(%dma_start3A_54 : memref<128x32xf32, #tpu.memory_space<vmem>>) offsets(%dma_start3A_56 : memref<128xi32, #tpu.memory_space<vmem>>) semaphore(%arg8 : memref<!tpu.dma_semaphore, #tpu.memory_space<semaphore_mem>>)
    %dma_start3A_60 = arith.constant 0 : i32
    %dma_start3A_61 = arith.constant 640 : i32
    %dma_start3A_62 = arith.constant 0 : i32
    %dma_start3A_63 = tpu.memref_slice %arg7[%dma_start3A_60, %dma_start3A_61, %dma_start3A_62] : memref<2x1280x32xf32, #tpu.memory_space<vmem>> -> memref<1x128x32xf32, #tpu.memory_space<vmem>>
    %dma_start3A_64 = tpu.memref_squeeze %dma_start3A_63 : memref<1x128x32xf32, #tpu.memory_space<vmem>> -> memref<128x32xf32, #tpu.memory_space<vmem>>
    %dma_start3A_65 = arith.constant 640 : i32
    %dma_start3A_66 = tpu.memref_slice %arg6[%dma_start3A_65] : memref<25600xi32, #tpu.memory_space<vmem>> -> memref<128xi32, #tpu.memory_space<vmem>>
    %dma_start3A_67 = arith.constant 0 : i32
    %dma_start3A_68 = arith.constant 0 : i32
    %dma_start3A_69 = tpu.memref_slice %arg2[%dma_start3A_67, %dma_start3A_68] : memref<1000000x32xf32, #tpu.memory_space<hbm>> -> memref<1000000x32xf32, #tpu.memory_space<hbm>>
    tpu.enqueue_indirect_dma source(%dma_start3A_69 : memref<1000000x32xf32, #tpu.memory_space<hbm>>) target(%dma_start3A_64 : memref<128x32xf32, #tpu.memory_space<vmem>>) offsets(%dma_start3A_66 : memref<128xi32, #tpu.memory_space<vmem>>) semaphore(%arg8 : memref<!tpu.dma_semaphore, #tpu.memory_space<semaphore_mem>>)
    %dma_start3A_70 = arith.constant 0 : i32
    %dma_start3A_71 = arith.constant 768 : i32
    %dma_start3A_72 = arith.constant 0 : i32
    %dma_start3A_73 = tpu.memref_slice %arg7[%dma_start3A_70, %dma_start3A_71, %dma_start3A_72] : memref<2x1280x32xf32, #tpu.memory_space<vmem>> -> memref<1x128x32xf32, #tpu.memory_space<vmem>>
    %dma_start3A_74 = tpu.memref_squeeze %dma_start3A_73 : memref<1x128x32xf32, #tpu.memory_space<vmem>> -> memref<128x32xf32, #tpu.memory_space<vmem>>
    %dma_start3A_75 = arith.constant 768 : i32
    %dma_start3A_76 = tpu.memref_slice %arg6[%dma_start3A_75] : memref<25600xi32, #tpu.memory_space<vmem>> -> memref<128xi32, #tpu.memory_space<vmem>>
    %dma_start3A_77 = arith.constant 0 : i32
    %dma_start3A_78 = arith.constant 0 : i32
    %dma_start3A_79 = tpu.memref_slice %arg2[%dma_start3A_77, %dma_start3A_78] : memref<1000000x32xf32, #tpu.memory_space<hbm>> -> memref<1000000x32xf32, #tpu.memory_space<hbm>>
    tpu.enqueue_indirect_dma source(%dma_start3A_79 : memref<1000000x32xf32, #tpu.memory_space<hbm>>) target(%dma_start3A_74 : memref<128x32xf32, #tpu.memory_space<vmem>>) offsets(%dma_start3A_76 : memref<128xi32, #tpu.memory_space<vmem>>) semaphore(%arg8 : memref<!tpu.dma_semaphore, #tpu.memory_space<semaphore_mem>>)
    %dma_start3A_80 = arith.constant 0 : i32
    %dma_start3A_81 = arith.constant 896 : i32
    %dma_start3A_82 = arith.constant 0 : i32
    %dma_start3A_83 = tpu.memref_slice %arg7[%dma_start3A_80, %dma_start3A_81, %dma_start3A_82] : memref<2x1280x32xf32, #tpu.memory_space<vmem>> -> memref<1x128x32xf32, #tpu.memory_space<vmem>>
    %dma_start3A_84 = tpu.memref_squeeze %dma_start3A_83 : memref<1x128x32xf32, #tpu.memory_space<vmem>> -> memref<128x32xf32, #tpu.memory_space<vmem>>
    %dma_start3A_85 = arith.constant 896 : i32
    %dma_start3A_86 = tpu.memref_slice %arg6[%dma_start3A_85] : memref<25600xi32, #tpu.memory_space<vmem>> -> memref<128xi32, #tpu.memory_space<vmem>>
    %dma_start3A_87 = arith.constant 0 : i32
    %dma_start3A_88 = arith.constant 0 : i32
    %dma_start3A_89 = tpu.memref_slice %arg2[%dma_start3A_87, %dma_start3A_88] : memref<1000000x32xf32, #tpu.memory_space<hbm>> -> memref<1000000x32xf32, #tpu.memory_space<hbm>>
    tpu.enqueue_indirect_dma source(%dma_start3A_89 : memref<1000000x32xf32, #tpu.memory_space<hbm>>) target(%dma_start3A_84 : memref<128x32xf32, #tpu.memory_space<vmem>>) offsets(%dma_start3A_86 : memref<128xi32, #tpu.memory_space<vmem>>) semaphore(%arg8 : memref<!tpu.dma_semaphore, #tpu.memory_space<semaphore_mem>>)
    %dma_start3A_90 = arith.constant 0 : i32
    %dma_start3A_91 = arith.constant 1024 : i32
    %dma_start3A_92 = arith.constant 0 : i32
    %dma_start3A_93 = tpu.memref_slice %arg7[%dma_start3A_90, %dma_start3A_91, %dma_start3A_92] : memref<2x1280x32xf32, #tpu.memory_space<vmem>> -> memref<1x128x32xf32, #tpu.memory_space<vmem>>
    %dma_start3A_94 = tpu.memref_squeeze %dma_start3A_93 : memref<1x128x32xf32, #tpu.memory_space<vmem>> -> memref<128x32xf32, #tpu.memory_space<vmem>>
    %dma_start3A_95 = arith.constant 1024 : i32
    %dma_start3A_96 = tpu.memref_slice %arg6[%dma_start3A_95] : memref<25600xi32, #tpu.memory_space<vmem>> -> memref<128xi32, #tpu.memory_space<vmem>>
    %dma_start3A_97 = arith.constant 0 : i32
    %dma_start3A_98 = arith.constant 0 : i32
    %dma_start3A_99 = tpu.memref_slice %arg2[%dma_start3A_97, %dma_start3A_98] : memref<1000000x32xf32, #tpu.memory_space<hbm>> -> memref<1000000x32xf32, #tpu.memory_space<hbm>>
    tpu.enqueue_indirect_dma source(%dma_start3A_99 : memref<1000000x32xf32, #tpu.memory_space<hbm>>) target(%dma_start3A_94 : memref<128x32xf32, #tpu.memory_space<vmem>>) offsets(%dma_start3A_96 : memref<128xi32, #tpu.memory_space<vmem>>) semaphore(%arg8 : memref<!tpu.dma_semaphore, #tpu.memory_space<semaphore_mem>>)
    %dma_start3A_100 = arith.constant 0 : i32
    %dma_start3A_101 = arith.constant 1152 : i32
    %dma_start3A_102 = arith.constant 0 : i32
    %dma_start3A_103 = tpu.memref_slice %arg7[%dma_start3A_100, %dma_start3A_101, %dma_start3A_102] : memref<2x1280x32xf32, #tpu.memory_space<vmem>> -> memref<1x128x32xf32, #tpu.memory_space<vmem>>
    %dma_start3A_104 = tpu.memref_squeeze %dma_start3A_103 : memref<1x128x32xf32, #tpu.memory_space<vmem>> -> memref<128x32xf32, #tpu.memory_space<vmem>>
    %dma_start3A_105 = arith.constant 1152 : i32
    %dma_start3A_106 = tpu.memref_slice %arg6[%dma_start3A_105] : memref<25600xi32, #tpu.memory_space<vmem>> -> memref<128xi32, #tpu.memory_space<vmem>>
    %dma_start3A_107 = arith.constant 0 : i32
    %dma_start3A_108 = arith.constant 0 : i32
    %dma_start3A_109 = tpu.memref_slice %arg2[%dma_start3A_107, %dma_start3A_108] : memref<1000000x32xf32, #tpu.memory_space<hbm>> -> memref<1000000x32xf32, #tpu.memory_space<hbm>>
    tpu.enqueue_indirect_dma source(%dma_start3A_109 : memref<1000000x32xf32, #tpu.memory_space<hbm>>) target(%dma_start3A_104 : memref<128x32xf32, #tpu.memory_space<vmem>>) offsets(%dma_start3A_106 : memref<128xi32, #tpu.memory_space<vmem>>) semaphore(%arg8 : memref<!tpu.dma_semaphore, #tpu.memory_space<semaphore_mem>>)
    %dma_start3A_110 = arith.constant 1 : i32
    %dma_start3A_111 = arith.constant 0 : i32
    %dma_start3A_112 = arith.constant 0 : i32
    %dma_start3A_113 = tpu.memref_slice %arg7[%dma_start3A_110, %dma_start3A_111, %dma_start3A_112] : memref<2x1280x32xf32, #tpu.memory_space<vmem>> -> memref<1x128x32xf32, #tpu.memory_space<vmem>>
    %dma_start3A_114 = tpu.memref_squeeze %dma_start3A_113 : memref<1x128x32xf32, #tpu.memory_space<vmem>> -> memref<128x32xf32, #tpu.memory_space<vmem>>
    %dma_start3A_115 = arith.constant 1280 : i32
    %dma_start3A_116 = tpu.memref_slice %arg6[%dma_start3A_115] : memref<25600xi32, #tpu.memory_space<vmem>> -> memref<128xi32, #tpu.memory_space<vmem>>
    %dma_start3A_117 = arith.constant 0 : i32
    %dma_start3A_118 = arith.constant 0 : i32
    %dma_start3A_119 = tpu.memref_slice %arg2[%dma_start3A_117, %dma_start3A_118] : memref<1000000x32xf32, #tpu.memory_space<hbm>> -> memref<1000000x32xf32, #tpu.memory_space<hbm>>
    tpu.enqueue_indirect_dma source(%dma_start3A_119 : memref<1000000x32xf32, #tpu.memory_space<hbm>>) target(%dma_start3A_114 : memref<128x32xf32, #tpu.memory_space<vmem>>) offsets(%dma_start3A_116 : memref<128xi32, #tpu.memory_space<vmem>>) semaphore(%arg9 : memref<!tpu.dma_semaphore, #tpu.memory_space<semaphore_mem>>)
    %dma_start3A_120 = arith.constant 1 : i32
    %dma_start3A_121 = arith.constant 128 : i32
    %dma_start3A_122 = arith.constant 0 : i32
    %dma_start3A_123 = tpu.memref_slice %arg7[%dma_start3A_120, %dma_start3A_121, %dma_start3A_122] : memref<2x1280x32xf32, #tpu.memory_space<vmem>> -> memref<1x128x32xf32, #tpu.memory_space<vmem>>
    %dma_start3A_124 = tpu.memref_squeeze %dma_start3A_123 : memref<1x128x32xf32, #tpu.memory_space<vmem>> -> memref<128x32xf32, #tpu.memory_space<vmem>>
    %dma_start3A_125 = arith.constant 1408 : i32
    %dma_start3A_126 = tpu.memref_slice %arg6[%dma_start3A_125] : memref<25600xi32, #tpu.memory_space<vmem>> -> memref<128xi32, #tpu.memory_space<vmem>>
    %dma_start3A_127 = arith.constant 0 : i32
    %dma_start3A_128 = arith.constant 0 : i32
    %dma_start3A_129 = tpu.memref_slice %arg2[%dma_start3A_127, %dma_start3A_128] : memref<1000000x32xf32, #tpu.memory_space<hbm>> -> memref<1000000x32xf32, #tpu.memory_space<hbm>>
    tpu.enqueue_indirect_dma source(%dma_start3A_129 : memref<1000000x32xf32, #tpu.memory_space<hbm>>) target(%dma_start3A_124 : memref<128x32xf32, #tpu.memory_space<vmem>>) offsets(%dma_start3A_126 : memref<128xi32, #tpu.memory_space<vmem>>) semaphore(%arg9 : memref<!tpu.dma_semaphore, #tpu.memory_space<semaphore_mem>>)
    %dma_start3A_130 = arith.constant 1 : i32
    %dma_start3A_131 = arith.constant 256 : i32
    %dma_start3A_132 = arith.constant 0 : i32
    %dma_start3A_133 = tpu.memref_slice %arg7[%dma_start3A_130, %dma_start3A_131, %dma_start3A_132] : memref<2x1280x32xf32, #tpu.memory_space<vmem>> -> memref<1x128x32xf32, #tpu.memory_space<vmem>>
    %dma_start3A_134 = tpu.memref_squeeze %dma_start3A_133 : memref<1x128x32xf32, #tpu.memory_space<vmem>> -> memref<128x32xf32, #tpu.memory_space<vmem>>
    %dma_start3A_135 = arith.constant 1536 : i32
    %dma_start3A_136 = tpu.memref_slice %arg6[%dma_start3A_135] : memref<25600xi32, #tpu.memory_space<vmem>> -> memref<128xi32, #tpu.memory_space<vmem>>
    %dma_start3A_137 = arith.constant 0 : i32
    %dma_start3A_138 = arith.constant 0 : i32
    %dma_start3A_139 = tpu.memref_slice %arg2[%dma_start3A_137, %dma_start3A_138] : memref<1000000x32xf32, #tpu.memory_space<hbm>> -> memref<1000000x32xf32, #tpu.memory_space<hbm>>
    tpu.enqueue_indirect_dma source(%dma_start3A_139 : memref<1000000x32xf32, #tpu.memory_space<hbm>>) target(%dma_start3A_134 : memref<128x32xf32, #tpu.memory_space<vmem>>) offsets(%dma_start3A_136 : memref<128xi32, #tpu.memory_space<vmem>>) semaphore(%arg9 : memref<!tpu.dma_semaphore, #tpu.memory_space<semaphore_mem>>)
    %dma_start3A_140 = arith.constant 1 : i32
    %dma_start3A_141 = arith.constant 384 : i32
    %dma_start3A_142 = arith.constant 0 : i32
    %dma_start3A_143 = tpu.memref_slice %arg7[%dma_start3A_140, %dma_start3A_141, %dma_start3A_142] : memref<2x1280x32xf32, #tpu.memory_space<vmem>> -> memref<1x128x32xf32, #tpu.memory_space<vmem>>
    %dma_start3A_144 = tpu.memref_squeeze %dma_start3A_143 : memref<1x128x32xf32, #tpu.memory_space<vmem>> -> memref<128x32xf32, #tpu.memory_space<vmem>>
    %dma_start3A_145 = arith.constant 1664 : i32
    %dma_start3A_146 = tpu.memref_slice %arg6[%dma_start3A_145] : memref<25600xi32, #tpu.memory_space<vmem>> -> memref<128xi32, #tpu.memory_space<vmem>>
    %dma_start3A_147 = arith.constant 0 : i32
    %dma_start3A_148 = arith.constant 0 : i32
    %dma_start3A_149 = tpu.memref_slice %arg2[%dma_start3A_147, %dma_start3A_148] : memref<1000000x32xf32, #tpu.memory_space<hbm>> -> memref<1000000x32xf32, #tpu.memory_space<hbm>>
    tpu.enqueue_indirect_dma source(%dma_start3A_149 : memref<1000000x32xf32, #tpu.memory_space<hbm>>) target(%dma_start3A_144 : memref<128x32xf32, #tpu.memory_space<vmem>>) offsets(%dma_start3A_146 : memref<128xi32, #tpu.memory_space<vmem>>) semaphore(%arg9 : memref<!tpu.dma_semaphore, #tpu.memory_space<semaphore_mem>>)
    %dma_start3A_150 = arith.constant 1 : i32
    %dma_start3A_151 = arith.constant 512 : i32
    %dma_start3A_152 = arith.constant 0 : i32
    %dma_start3A_153 = tpu.memref_slice %arg7[%dma_start3A_150, %dma_start3A_151, %dma_start3A_152] : memref<2x1280x32xf32, #tpu.memory_space<vmem>> -> memref<1x128x32xf32, #tpu.memory_space<vmem>>
    %dma_start3A_154 = tpu.memref_squeeze %dma_start3A_153 : memref<1x128x32xf32, #tpu.memory_space<vmem>> -> memref<128x32xf32, #tpu.memory_space<vmem>>
    %dma_start3A_155 = arith.constant 1792 : i32
    %dma_start3A_156 = tpu.memref_slice %arg6[%dma_start3A_155] : memref<25600xi32, #tpu.memory_space<vmem>> -> memref<128xi32, #tpu.memory_space<vmem>>
    %dma_start3A_157 = arith.constant 0 : i32
    %dma_start3A_158 = arith.constant 0 : i32
    %dma_start3A_159 = tpu.memref_slice %arg2[%dma_start3A_157, %dma_start3A_158] : memref<1000000x32xf32, #tpu.memory_space<hbm>> -> memref<1000000x32xf32, #tpu.memory_space<hbm>>
    tpu.enqueue_indirect_dma source(%dma_start3A_159 : memref<1000000x32xf32, #tpu.memory_space<hbm>>) target(%dma_start3A_154 : memref<128x32xf32, #tpu.memory_space<vmem>>) offsets(%dma_start3A_156 : memref<128xi32, #tpu.memory_space<vmem>>) semaphore(%arg9 : memref<!tpu.dma_semaphore, #tpu.memory_space<semaphore_mem>>)
    %dma_start3A_160 = arith.constant 1 : i32
    %dma_start3A_161 = arith.constant 640 : i32
    %dma_start3A_162 = arith.constant 0 : i32
    %dma_start3A_163 = tpu.memref_slice %arg7[%dma_start3A_160, %dma_start3A_161, %dma_start3A_162] : memref<2x1280x32xf32, #tpu.memory_space<vmem>> -> memref<1x128x32xf32, #tpu.memory_space<vmem>>
    %dma_start3A_164 = tpu.memref_squeeze %dma_start3A_163 : memref<1x128x32xf32, #tpu.memory_space<vmem>> -> memref<128x32xf32, #tpu.memory_space<vmem>>
    %dma_start3A_165 = arith.constant 1920 : i32
    %dma_start3A_166 = tpu.memref_slice %arg6[%dma_start3A_165] : memref<25600xi32, #tpu.memory_space<vmem>> -> memref<128xi32, #tpu.memory_space<vmem>>
    %dma_start3A_167 = arith.constant 0 : i32
    %dma_start3A_168 = arith.constant 0 : i32
    %dma_start3A_169 = tpu.memref_slice %arg2[%dma_start3A_167, %dma_start3A_168] : memref<1000000x32xf32, #tpu.memory_space<hbm>> -> memref<1000000x32xf32, #tpu.memory_space<hbm>>
    tpu.enqueue_indirect_dma source(%dma_start3A_169 : memref<1000000x32xf32, #tpu.memory_space<hbm>>) target(%dma_start3A_164 : memref<128x32xf32, #tpu.memory_space<vmem>>) offsets(%dma_start3A_166 : memref<128xi32, #tpu.memory_space<vmem>>) semaphore(%arg9 : memref<!tpu.dma_semaphore, #tpu.memory_space<semaphore_mem>>)
    %dma_start3A_170 = arith.constant 1 : i32
    %dma_start3A_171 = arith.constant 768 : i32
    %dma_start3A_172 = arith.constant 0 : i32
    %dma_start3A_173 = tpu.memref_slice %arg7[%dma_start3A_170, %dma_start3A_171, %dma_start3A_172] : memref<2x1280x32xf32, #tpu.memory_space<vmem>> -> memref<1x128x32xf32, #tpu.memory_space<vmem>>
    %dma_start3A_174 = tpu.memref_squeeze %dma_start3A_173 : memref<1x128x32xf32, #tpu.memory_space<vmem>> -> memref<128x32xf32, #tpu.memory_space<vmem>>
    %dma_start3A_175 = arith.constant 2048 : i32
    %dma_start3A_176 = tpu.memref_slice %arg6[%dma_start3A_175] : memref<25600xi32, #tpu.memory_space<vmem>> -> memref<128xi32, #tpu.memory_space<vmem>>
    %dma_start3A_177 = arith.constant 0 : i32
    %dma_start3A_178 = arith.constant 0 : i32
    %dma_start3A_179 = tpu.memref_slice %arg2[%dma_start3A_177, %dma_start3A_178] : memref<1000000x32xf32, #tpu.memory_space<hbm>> -> memref<1000000x32xf32, #tpu.memory_space<hbm>>
    tpu.enqueue_indirect_dma source(%dma_start3A_179 : memref<1000000x32xf32, #tpu.memory_space<hbm>>) target(%dma_start3A_174 : memref<128x32xf32, #tpu.memory_space<vmem>>) offsets(%dma_start3A_176 : memref<128xi32, #tpu.memory_space<vmem>>) semaphore(%arg9 : memref<!tpu.dma_semaphore, #tpu.memory_space<semaphore_mem>>)
    %dma_start3A_180 = arith.constant 1 : i32
    %dma_start3A_181 = arith.constant 896 : i32
    %dma_start3A_182 = arith.constant 0 : i32
    %dma_start3A_183 = tpu.memref_slice %arg7[%dma_start3A_180, %dma_start3A_181, %dma_start3A_182] : memref<2x1280x32xf32, #tpu.memory_space<vmem>> -> memref<1x128x32xf32, #tpu.memory_space<vmem>>
    %dma_start3A_184 = tpu.memref_squeeze %dma_start3A_183 : memref<1x128x32xf32, #tpu.memory_space<vmem>> -> memref<128x32xf32, #tpu.memory_space<vmem>>
    %dma_start3A_185 = arith.constant 2176 : i32
    %dma_start3A_186 = tpu.memref_slice %arg6[%dma_start3A_185] : memref<25600xi32, #tpu.memory_space<vmem>> -> memref<128xi32, #tpu.memory_space<vmem>>
    %dma_start3A_187 = arith.constant 0 : i32
    %dma_start3A_188 = arith.constant 0 : i32
    %dma_start3A_189 = tpu.memref_slice %arg2[%dma_start3A_187, %dma_start3A_188] : memref<1000000x32xf32, #tpu.memory_space<hbm>> -> memref<1000000x32xf32, #tpu.memory_space<hbm>>
    tpu.enqueue_indirect_dma source(%dma_start3A_189 : memref<1000000x32xf32, #tpu.memory_space<hbm>>) target(%dma_start3A_184 : memref<128x32xf32, #tpu.memory_space<vmem>>) offsets(%dma_start3A_186 : memref<128xi32, #tpu.memory_space<vmem>>) semaphore(%arg9 : memref<!tpu.dma_semaphore, #tpu.memory_space<semaphore_mem>>)
    %dma_start3A_190 = arith.constant 1 : i32
    %dma_start3A_191 = arith.constant 1024 : i32
    %dma_start3A_192 = arith.constant 0 : i32
    %dma_start3A_193 = tpu.memref_slice %arg7[%dma_start3A_190, %dma_start3A_191, %dma_start3A_192] : memref<2x1280x32xf32, #tpu.memory_space<vmem>> -> memref<1x128x32xf32, #tpu.memory_space<vmem>>
    %dma_start3A_194 = tpu.memref_squeeze %dma_start3A_193 : memref<1x128x32xf32, #tpu.memory_space<vmem>> -> memref<128x32xf32, #tpu.memory_space<vmem>>
    %dma_start3A_195 = arith.constant 2304 : i32
    %dma_start3A_196 = tpu.memref_slice %arg6[%dma_start3A_195] : memref<25600xi32, #tpu.memory_space<vmem>> -> memref<128xi32, #tpu.memory_space<vmem>>
    %dma_start3A_197 = arith.constant 0 : i32
    %dma_start3A_198 = arith.constant 0 : i32
    %dma_start3A_199 = tpu.memref_slice %arg2[%dma_start3A_197, %dma_start3A_198] : memref<1000000x32xf32, #tpu.memory_space<hbm>> -> memref<1000000x32xf32, #tpu.memory_space<hbm>>
    tpu.enqueue_indirect_dma source(%dma_start3A_199 : memref<1000000x32xf32, #tpu.memory_space<hbm>>) target(%dma_start3A_194 : memref<128x32xf32, #tpu.memory_space<vmem>>) offsets(%dma_start3A_196 : memref<128xi32, #tpu.memory_space<vmem>>) semaphore(%arg9 : memref<!tpu.dma_semaphore, #tpu.memory_space<semaphore_mem>>)
    %dma_start3A_200 = arith.constant 1 : i32
    %dma_start3A_201 = arith.constant 1152 : i32
    %dma_start3A_202 = arith.constant 0 : i32
    %dma_start3A_203 = tpu.memref_slice %arg7[%dma_start3A_200, %dma_start3A_201, %dma_start3A_202] : memref<2x1280x32xf32, #tpu.memory_space<vmem>> -> memref<1x128x32xf32, #tpu.memory_space<vmem>>
    %dma_start3A_204 = tpu.memref_squeeze %dma_start3A_203 : memref<1x128x32xf32, #tpu.memory_space<vmem>> -> memref<128x32xf32, #tpu.memory_space<vmem>>
    %dma_start3A_205 = arith.constant 2432 : i32
    %dma_start3A_206 = tpu.memref_slice %arg6[%dma_start3A_205] : memref<25600xi32, #tpu.memory_space<vmem>> -> memref<128xi32, #tpu.memory_space<vmem>>
    %dma_start3A_207 = arith.constant 0 : i32
    %dma_start3A_208 = arith.constant 0 : i32
    %dma_start3A_209 = tpu.memref_slice %arg2[%dma_start3A_207, %dma_start3A_208] : memref<1000000x32xf32, #tpu.memory_space<hbm>> -> memref<1000000x32xf32, #tpu.memory_space<hbm>>
    tpu.enqueue_indirect_dma source(%dma_start3A_209 : memref<1000000x32xf32, #tpu.memory_space<hbm>>) target(%dma_start3A_204 : memref<128x32xf32, #tpu.memory_space<vmem>>) offsets(%dma_start3A_206 : memref<128xi32, #tpu.memory_space<vmem>>) semaphore(%arg9 : memref<!tpu.dma_semaphore, #tpu.memory_space<semaphore_mem>>)
    %scan3A_210 = arith.constant 0 : i32
    %scan3A_211 = arith.constant 0 : i32
    %scan3A_212 = arith.constant 9 : i32
    %scan3A_213 = arith.addi %scan3A_211, %scan3A_212 : i32
    %scan3A_214 = arith.constant 1 : i32
    scf.for %scan3A_475 = %scan3A_211 to %scan3A_213 step %scan3A_214  : i32 {
      %mul3A_476 = arith.constant 2 : i32
      %mul3A_477 = arith.muli %scan3A_475, %mul3A_476 : i32
      %dma_wait3A_478 = arith.constant 0 : i32
      %dma_wait3A_479 = arith.constant 0 : i32
      %dma_wait3A_480 = arith.constant 0 : i32
      %dma_wait3A_481 = tpu.memref_slice %arg7[%dma_wait3A_478, %dma_wait3A_479, %dma_wait3A_480] : memref<2x1280x32xf32, #tpu.memory_space<vmem>> -> memref<1x128x32xf32, #tpu.memory_space<vmem>>
      %dma_wait3A_482 = tpu.memref_squeeze %dma_wait3A_481 : memref<1x128x32xf32, #tpu.memory_space<vmem>> -> memref<128x32xf32, #tpu.memory_space<vmem>>
      %dma_wait3A_483 = arith.constant 0 : i32
      %dma_wait3A_484 = tpu.memref_slice %arg6[%dma_wait3A_483] : memref<25600xi32, #tpu.memory_space<vmem>> -> memref<128xi32, #tpu.memory_space<vmem>>
      %dma_wait3A_485 = arith.constant 0 : i32
      %dma_wait3A_486 = arith.constant 0 : i32
      %dma_wait3A_487 = tpu.memref_slice %arg2[%dma_wait3A_485, %dma_wait3A_486] : memref<1000000x32xf32, #tpu.memory_space<hbm>> -> memref<1000000x32xf32, #tpu.memory_space<hbm>>
      tpu.wait_indirect_dma semaphore(%arg8 : memref<!tpu.dma_semaphore, #tpu.memory_space<semaphore_mem>>) src(%dma_wait3A_487 : memref<1000000x32xf32, #tpu.memory_space<hbm>>) dst(%dma_wait3A_482 : memref<128x32xf32, #tpu.memory_space<vmem>>)
      %dma_wait3A_488 = arith.constant 0 : i32
      %dma_wait3A_489 = arith.constant 0 : i32
      %dma_wait3A_490 = arith.constant 0 : i32
      %dma_wait3A_491 = tpu.memref_slice %arg7[%dma_wait3A_488, %dma_wait3A_489, %dma_wait3A_490] : memref<2x1280x32xf32, #tpu.memory_space<vmem>> -> memref<1x128x32xf32, #tpu.memory_space<vmem>>
      %dma_wait3A_492 = tpu.memref_squeeze %dma_wait3A_491 : memref<1x128x32xf32, #tpu.memory_space<vmem>> -> memref<128x32xf32, #tpu.memory_space<vmem>>
      %dma_wait3A_493 = arith.constant 0 : i32
      %dma_wait3A_494 = tpu.memref_slice %arg6[%dma_wait3A_493] : memref<25600xi32, #tpu.memory_space<vmem>> -> memref<128xi32, #tpu.memory_space<vmem>>
      %dma_wait3A_495 = arith.constant 0 : i32
      %dma_wait3A_496 = arith.constant 0 : i32
      %dma_wait3A_497 = tpu.memref_slice %arg2[%dma_wait3A_495, %dma_wait3A_496] : memref<1000000x32xf32, #tpu.memory_space<hbm>> -> memref<1000000x32xf32, #tpu.memory_space<hbm>>
      tpu.wait_indirect_dma semaphore(%arg8 : memref<!tpu.dma_semaphore, #tpu.memory_space<semaphore_mem>>) src(%dma_wait3A_497 : memref<1000000x32xf32, #tpu.memory_space<hbm>>) dst(%dma_wait3A_492 : memref<128x32xf32, #tpu.memory_space<vmem>>)
      %dma_wait3A_498 = arith.constant 0 : i32
      %dma_wait3A_499 = arith.constant 0 : i32
      %dma_wait3A_500 = arith.constant 0 : i32
      %dma_wait3A_501 = tpu.memref_slice %arg7[%dma_wait3A_498, %dma_wait3A_499, %dma_wait3A_500] : memref<2x1280x32xf32, #tpu.memory_space<vmem>> -> memref<1x128x32xf32, #tpu.memory_space<vmem>>
      %dma_wait3A_502 = tpu.memref_squeeze %dma_wait3A_501 : memref<1x128x32xf32, #tpu.memory_space<vmem>> -> memref<128x32xf32, #tpu.memory_space<vmem>>
      %dma_wait3A_503 = arith.constant 0 : i32
      %dma_wait3A_504 = tpu.memref_slice %arg6[%dma_wait3A_503] : memref<25600xi32, #tpu.memory_space<vmem>> -> memref<128xi32, #tpu.memory_space<vmem>>
      %dma_wait3A_505 = arith.constant 0 : i32
      %dma_wait3A_506 = arith.constant 0 : i32
      %dma_wait3A_507 = tpu.memref_slice %arg2[%dma_wait3A_505, %dma_wait3A_506] : memref<1000000x32xf32, #tpu.memory_space<hbm>> -> memref<1000000x32xf32, #tpu.memory_space<hbm>>
      tpu.wait_indirect_dma semaphore(%arg8 : memref<!tpu.dma_semaphore, #tpu.memory_space<semaphore_mem>>) src(%dma_wait3A_507 : memref<1000000x32xf32, #tpu.memory_space<hbm>>) dst(%dma_wait3A_502 : memref<128x32xf32, #tpu.memory_space<vmem>>)
      %dma_wait3A_508 = arith.constant 0 : i32
      %dma_wait3A_509 = arith.constant 0 : i32
      %dma_wait3A_510 = arith.constant 0 : i32
      %dma_wait3A_511 = tpu.memref_slice %arg7[%dma_wait3A_508, %dma_wait3A_509, %dma_wait3A_510] : memref<2x1280x32xf32, #tpu.memory_space<vmem>> -> memref<1x128x32xf32, #tpu.memory_space<vmem>>
      %dma_wait3A_512 = tpu.memref_squeeze %dma_wait3A_511 : memref<1x128x32xf32, #tpu.memory_space<vmem>> -> memref<128x32xf32, #tpu.memory_space<vmem>>
      %dma_wait3A_513 = arith.constant 0 : i32
      %dma_wait3A_514 = tpu.memref_slice %arg6[%dma_wait3A_513] : memref<25600xi32, #tpu.memory_space<vmem>> -> memref<128xi32, #tpu.memory_space<vmem>>
      %dma_wait3A_515 = arith.constant 0 : i32
      %dma_wait3A_516 = arith.constant 0 : i32
      %dma_wait3A_517 = tpu.memref_slice %arg2[%dma_wait3A_515, %dma_wait3A_516] : memref<1000000x32xf32, #tpu.memory_space<hbm>> -> memref<1000000x32xf32, #tpu.memory_space<hbm>>
      tpu.wait_indirect_dma semaphore(%arg8 : memref<!tpu.dma_semaphore, #tpu.memory_space<semaphore_mem>>) src(%dma_wait3A_517 : memref<1000000x32xf32, #tpu.memory_space<hbm>>) dst(%dma_wait3A_512 : memref<128x32xf32, #tpu.memory_space<vmem>>)
      %dma_wait3A_518 = arith.constant 0 : i32
      %dma_wait3A_519 = arith.constant 0 : i32
      %dma_wait3A_520 = arith.constant 0 : i32
      %dma_wait3A_521 = tpu.memref_slice %arg7[%dma_wait3A_518, %dma_wait3A_519, %dma_wait3A_520] : memref<2x1280x32xf32, #tpu.memory_space<vmem>> -> memref<1x128x32xf32, #tpu.memory_space<vmem>>
      %dma_wait3A_522 = tpu.memref_squeeze %dma_wait3A_521 : memref<1x128x32xf32, #tpu.memory_space<vmem>> -> memref<128x32xf32, #tpu.memory_space<vmem>>
      %dma_wait3A_523 = arith.constant 0 : i32
      %dma_wait3A_524 = tpu.memref_slice %arg6[%dma_wait3A_523] : memref<25600xi32, #tpu.memory_space<vmem>> -> memref<128xi32, #tpu.memory_space<vmem>>
      %dma_wait3A_525 = arith.constant 0 : i32
      %dma_wait3A_526 = arith.constant 0 : i32
      %dma_wait3A_527 = tpu.memref_slice %arg2[%dma_wait3A_525, %dma_wait3A_526] : memref<1000000x32xf32, #tpu.memory_space<hbm>> -> memref<1000000x32xf32, #tpu.memory_space<hbm>>
      tpu.wait_indirect_dma semaphore(%arg8 : memref<!tpu.dma_semaphore, #tpu.memory_space<semaphore_mem>>) src(%dma_wait3A_527 : memref<1000000x32xf32, #tpu.memory_space<hbm>>) dst(%dma_wait3A_522 : memref<128x32xf32, #tpu.memory_space<vmem>>)
      %dma_wait3A_528 = arith.constant 0 : i32
      %dma_wait3A_529 = arith.constant 0 : i32
      %dma_wait3A_530 = arith.constant 0 : i32
      %dma_wait3A_531 = tpu.memref_slice %arg7[%dma_wait3A_528, %dma_wait3A_529, %dma_wait3A_530] : memref<2x1280x32xf32, #tpu.memory_space<vmem>> -> memref<1x128x32xf32, #tpu.memory_space<vmem>>
      %dma_wait3A_532 = tpu.memref_squeeze %dma_wait3A_531 : memref<1x128x32xf32, #tpu.memory_space<vmem>> -> memref<128x32xf32, #tpu.memory_space<vmem>>
      %dma_wait3A_533 = arith.constant 0 : i32
      %dma_wait3A_534 = tpu.memref_slice %arg6[%dma_wait3A_533] : memref<25600xi32, #tpu.memory_space<vmem>> -> memref<128xi32, #tpu.memory_space<vmem>>
      %dma_wait3A_535 = arith.constant 0 : i32
      %dma_wait3A_536 = arith.constant 0 : i32
      %dma_wait3A_537 = tpu.memref_slice %arg2[%dma_wait3A_535, %dma_wait3A_536] : memref<1000000x32xf32, #tpu.memory_space<hbm>> -> memref<1000000x32xf32, #tpu.memory_space<hbm>>
      tpu.wait_indirect_dma semaphore(%arg8 : memref<!tpu.dma_semaphore, #tpu.memory_space<semaphore_mem>>) src(%dma_wait3A_537 : memref<1000000x32xf32, #tpu.memory_space<hbm>>) dst(%dma_wait3A_532 : memref<128x32xf32, #tpu.memory_space<vmem>>)
      %dma_wait3A_538 = arith.constant 0 : i32
      %dma_wait3A_539 = arith.constant 0 : i32
      %dma_wait3A_540 = arith.constant 0 : i32
      %dma_wait3A_541 = tpu.memref_slice %arg7[%dma_wait3A_538, %dma_wait3A_539, %dma_wait3A_540] : memref<2x1280x32xf32, #tpu.memory_space<vmem>> -> memref<1x128x32xf32, #tpu.memory_space<vmem>>
      %dma_wait3A_542 = tpu.memref_squeeze %dma_wait3A_541 : memref<1x128x32xf32, #tpu.memory_space<vmem>> -> memref<128x32xf32, #tpu.memory_space<vmem>>
      %dma_wait3A_543 = arith.constant 0 : i32
      %dma_wait3A_544 = tpu.memref_slice %arg6[%dma_wait3A_543] : memref<25600xi32, #tpu.memory_space<vmem>> -> memref<128xi32, #tpu.memory_space<vmem>>
      %dma_wait3A_545 = arith.constant 0 : i32
      %dma_wait3A_546 = arith.constant 0 : i32
      %dma_wait3A_547 = tpu.memref_slice %arg2[%dma_wait3A_545, %dma_wait3A_546] : memref<1000000x32xf32, #tpu.memory_space<hbm>> -> memref<1000000x32xf32, #tpu.memory_space<hbm>>
      tpu.wait_indirect_dma semaphore(%arg8 : memref<!tpu.dma_semaphore, #tpu.memory_space<semaphore_mem>>) src(%dma_wait3A_547 : memref<1000000x32xf32, #tpu.memory_space<hbm>>) dst(%dma_wait3A_542 : memref<128x32xf32, #tpu.memory_space<vmem>>)
      %dma_wait3A_548 = arith.constant 0 : i32
      %dma_wait3A_549 = arith.constant 0 : i32
      %dma_wait3A_550 = arith.constant 0 : i32
      %dma_wait3A_551 = tpu.memref_slice %arg7[%dma_wait3A_548, %dma_wait3A_549, %dma_wait3A_550] : memref<2x1280x32xf32, #tpu.memory_space<vmem>> -> memref<1x128x32xf32, #tpu.memory_space<vmem>>
      %dma_wait3A_552 = tpu.memref_squeeze %dma_wait3A_551 : memref<1x128x32xf32, #tpu.memory_space<vmem>> -> memref<128x32xf32, #tpu.memory_space<vmem>>
      %dma_wait3A_553 = arith.constant 0 : i32
      %dma_wait3A_554 = tpu.memref_slice %arg6[%dma_wait3A_553] : memref<25600xi32, #tpu.memory_space<vmem>> -> memref<128xi32, #tpu.memory_space<vmem>>
      %dma_wait3A_555 = arith.constant 0 : i32
      %dma_wait3A_556 = arith.constant 0 : i32
      %dma_wait3A_557 = tpu.memref_slice %arg2[%dma_wait3A_555, %dma_wait3A_556] : memref<1000000x32xf32, #tpu.memory_space<hbm>> -> memref<1000000x32xf32, #tpu.memory_space<hbm>>
      tpu.wait_indirect_dma semaphore(%arg8 : memref<!tpu.dma_semaphore, #tpu.memory_space<semaphore_mem>>) src(%dma_wait3A_557 : memref<1000000x32xf32, #tpu.memory_space<hbm>>) dst(%dma_wait3A_552 : memref<128x32xf32, #tpu.memory_space<vmem>>)
      %dma_wait3A_558 = arith.constant 0 : i32
      %dma_wait3A_559 = arith.constant 0 : i32
      %dma_wait3A_560 = arith.constant 0 : i32
      %dma_wait3A_561 = tpu.memref_slice %arg7[%dma_wait3A_558, %dma_wait3A_559, %dma_wait3A_560] : memref<2x1280x32xf32, #tpu.memory_space<vmem>> -> memref<1x128x32xf32, #tpu.memory_space<vmem>>
      %dma_wait3A_562 = tpu.memref_squeeze %dma_wait3A_561 : memref<1x128x32xf32, #tpu.memory_space<vmem>> -> memref<128x32xf32, #tpu.memory_space<vmem>>
      %dma_wait3A_563 = arith.constant 0 : i32
      %dma_wait3A_564 = tpu.memref_slice %arg6[%dma_wait3A_563] : memref<25600xi32, #tpu.memory_space<vmem>> -> memref<128xi32, #tpu.memory_space<vmem>>
      %dma_wait3A_565 = arith.constant 0 : i32
      %dma_wait3A_566 = arith.constant 0 : i32
      %dma_wait3A_567 = tpu.memref_slice %arg2[%dma_wait3A_565, %dma_wait3A_566] : memref<1000000x32xf32, #tpu.memory_space<hbm>> -> memref<1000000x32xf32, #tpu.memory_space<hbm>>
      tpu.wait_indirect_dma semaphore(%arg8 : memref<!tpu.dma_semaphore, #tpu.memory_space<semaphore_mem>>) src(%dma_wait3A_567 : memref<1000000x32xf32, #tpu.memory_space<hbm>>) dst(%dma_wait3A_562 : memref<128x32xf32, #tpu.memory_space<vmem>>)
      %dma_wait3A_568 = arith.constant 0 : i32
      %dma_wait3A_569 = arith.constant 0 : i32
      %dma_wait3A_570 = arith.constant 0 : i32
      %dma_wait3A_571 = tpu.memref_slice %arg7[%dma_wait3A_568, %dma_wait3A_569, %dma_wait3A_570] : memref<2x1280x32xf32, #tpu.memory_space<vmem>> -> memref<1x128x32xf32, #tpu.memory_space<vmem>>
      %dma_wait3A_572 = tpu.memref_squeeze %dma_wait3A_571 : memref<1x128x32xf32, #tpu.memory_space<vmem>> -> memref<128x32xf32, #tpu.memory_space<vmem>>
      %dma_wait3A_573 = arith.constant 0 : i32
      %dma_wait3A_574 = tpu.memref_slice %arg6[%dma_wait3A_573] : memref<25600xi32, #tpu.memory_space<vmem>> -> memref<128xi32, #tpu.memory_space<vmem>>
      %dma_wait3A_575 = arith.constant 0 : i32
      %dma_wait3A_576 = arith.constant 0 : i32
      %dma_wait3A_577 = tpu.memref_slice %arg2[%dma_wait3A_575, %dma_wait3A_576] : memref<1000000x32xf32, #tpu.memory_space<hbm>> -> memref<1000000x32xf32, #tpu.memory_space<hbm>>
      tpu.wait_indirect_dma semaphore(%arg8 : memref<!tpu.dma_semaphore, #tpu.memory_space<semaphore_mem>>) src(%dma_wait3A_577 : memref<1000000x32xf32, #tpu.memory_space<hbm>>) dst(%dma_wait3A_572 : memref<128x32xf32, #tpu.memory_space<vmem>>)
      %mul3A_578 = arith.constant 1280 : i32
      %mul3A_579 = arith.muli %mul3A_477, %mul3A_578 : i32
      %add3A_580 = arith.addi %mul3A_2, %mul3A_579 : i32
      %dma_start3A_581 = arith.constant 0 : i32
      %dma_start3A_582 = arith.constant 0 : i32
      %dma_start3A_583 = arith.constant 0 : i32
      %dma_start3A_584 = tpu.memref_slice %arg7[%dma_start3A_581, %dma_start3A_582, %dma_start3A_583] : memref<2x1280x32xf32, #tpu.memory_space<vmem>> -> memref<1x1280x32xf32, #tpu.memory_space<vmem>>
      %dma_start3A_585 = tpu.memref_squeeze %dma_start3A_584 : memref<1x1280x32xf32, #tpu.memory_space<vmem>> -> memref<1280x32xf32, #tpu.memory_space<vmem>>
      %dma_start3A_586 = arith.constant 0 : i32
      %dma_start3A_587 = tpu.memref_slice %arg4[%add3A_580, %dma_start3A_586] : memref<819200x32xf32, #tpu.memory_space<hbm>> -> memref<1280x32xf32, #tpu.memory_space<hbm>>
      %dma_start3A_588 = arith.constant 0 : i32
      %dma_start3A_589 = tpu.memref_slice %arg4[%add3A_580, %dma_start3A_588] : memref<819200x32xf32, #tpu.memory_space<hbm>> -> memref<1280x32xf32, #tpu.memory_space<hbm>>
      %dma_start3A_590 = arith.constant 0 : i32
      %dma_start3A_591 = arith.constant 0 : i32
      %dma_start3A_592 = tpu.memref_slice %arg7[%dma_start3A_581, %dma_start3A_590, %dma_start3A_591] : memref<2x1280x32xf32, #tpu.memory_space<vmem>> -> memref<1x1280x32xf32, #tpu.memory_space<vmem>>
      %dma_start3A_593 = tpu.memref_squeeze %dma_start3A_592 : memref<1x1280x32xf32, #tpu.memory_space<vmem>> -> memref<1280x32xf32, #tpu.memory_space<vmem>>
      tpu.enqueue_dma source(%dma_start3A_593 : memref<1280x32xf32, #tpu.memory_space<vmem>>) target(%dma_start3A_589 : memref<1280x32xf32, #tpu.memory_space<hbm>>) target_semaphore(%arg10 : memref<!tpu.dma_semaphore, #tpu.memory_space<semaphore_mem>>)
      %dma_wait3A_594 = arith.constant 0 : i32
      %dma_wait3A_595 = arith.constant 0 : i32
      %dma_wait3A_596 = arith.constant 0 : i32
      %dma_wait3A_597 = tpu.memref_slice %arg7[%dma_wait3A_594, %dma_wait3A_595, %dma_wait3A_596] : memref<2x1280x32xf32, #tpu.memory_space<vmem>> -> memref<1x1280x32xf32, #tpu.memory_space<vmem>>
      %dma_wait3A_598 = tpu.memref_squeeze %dma_wait3A_597 : memref<1x1280x32xf32, #tpu.memory_space<vmem>> -> memref<1280x32xf32, #tpu.memory_space<vmem>>
      %dma_wait3A_599 = arith.constant 0 : i32
      %dma_wait3A_600 = arith.constant 0 : i32
      %dma_wait3A_601 = tpu.memref_slice %arg4[%dma_wait3A_599, %dma_wait3A_600] : memref<819200x32xf32, #tpu.memory_space<hbm>> -> memref<1280x32xf32, #tpu.memory_space<hbm>>
      %dma_wait3A_602 = arith.constant 0 : i32
      %dma_wait3A_603 = arith.constant 0 : i32
      %dma_wait3A_604 = tpu.memref_slice %arg4[%dma_wait3A_602, %dma_wait3A_603] : memref<819200x32xf32, #tpu.memory_space<hbm>> -> memref<1280x32xf32, #tpu.memory_space<hbm>>
      %dma_wait3A_605 = arith.constant 0 : i32
      %dma_wait3A_606 = arith.constant 0 : i32
      %dma_wait3A_607 = tpu.memref_slice %arg7[%dma_wait3A_594, %dma_wait3A_605, %dma_wait3A_606] : memref<2x1280x32xf32, #tpu.memory_space<vmem>> -> memref<1x1280x32xf32, #tpu.memory_space<vmem>>
      %dma_wait3A_608 = tpu.memref_squeeze %dma_wait3A_607 : memref<1x1280x32xf32, #tpu.memory_space<vmem>> -> memref<1280x32xf32, #tpu.memory_space<vmem>>
      tpu.wait_dma2 semaphore(%arg10 : memref<!tpu.dma_semaphore, #tpu.memory_space<semaphore_mem>>) src(%dma_wait3A_608 : memref<1280x32xf32, #tpu.memory_space<vmem>>) dst(%dma_wait3A_604 : memref<1280x32xf32, #tpu.memory_space<hbm>>)
      %add3A_609 = arith.constant 2 : i32
      %add3A_610 = arith.addi %mul3A_477, %add3A_609 : i32
      %mul3A_611 = arith.constant 10 : i32
      %mul3A_612 = arith.muli %add3A_610, %mul3A_611 : i32
      %add3A_613 = arith.constant 0 : i32
      %add3A_614 = arith.addi %mul3A_612, %add3A_613 : i32
      %mul3A_615 = arith.constant 128 : i32
      %mul3A_616 = arith.muli %add3A_614, %mul3A_615 : i32
      %dma_start3A_617 = arith.constant 0 : i32
      %dma_start3A_618 = arith.constant 0 : i32
      %dma_start3A_619 = arith.constant 0 : i32
      %dma_start3A_620 = tpu.memref_slice %arg7[%dma_start3A_617, %dma_start3A_618, %dma_start3A_619] : memref<2x1280x32xf32, #tpu.memory_space<vmem>> -> memref<1x128x32xf32, #tpu.memory_space<vmem>>
      %dma_start3A_621 = tpu.memref_squeeze %dma_start3A_620 : memref<1x128x32xf32, #tpu.memory_space<vmem>> -> memref<128x32xf32, #tpu.memory_space<vmem>>
      %dma_start3A_622 = tpu.memref_slice %arg6[%mul3A_616] : memref<25600xi32, #tpu.memory_space<vmem>> -> memref<128xi32, #tpu.memory_space<vmem>>
      %dma_start3A_623 = arith.constant 0 : i32
      %dma_start3A_624 = arith.constant 0 : i32
      %dma_start3A_625 = tpu.memref_slice %arg2[%dma_start3A_623, %dma_start3A_624] : memref<1000000x32xf32, #tpu.memory_space<hbm>> -> memref<1000000x32xf32, #tpu.memory_space<hbm>>
      tpu.enqueue_indirect_dma source(%dma_start3A_625 : memref<1000000x32xf32, #tpu.memory_space<hbm>>) target(%dma_start3A_621 : memref<128x32xf32, #tpu.memory_space<vmem>>) offsets(%dma_start3A_622 : memref<128xi32, #tpu.memory_space<vmem>>) semaphore(%arg8 : memref<!tpu.dma_semaphore, #tpu.memory_space<semaphore_mem>>)
      %mul3A_626 = arith.constant 10 : i32
      %mul3A_627 = arith.muli %add3A_610, %mul3A_626 : i32
      %add3A_628 = arith.constant 1 : i32
      %add3A_629 = arith.addi %mul3A_627, %add3A_628 : i32
      %mul3A_630 = arith.constant 128 : i32
      %mul3A_631 = arith.muli %add3A_629, %mul3A_630 : i32
      %dma_start3A_632 = arith.constant 0 : i32
      %dma_start3A_633 = arith.constant 128 : i32
      %dma_start3A_634 = arith.constant 0 : i32
      %dma_start3A_635 = tpu.memref_slice %arg7[%dma_start3A_632, %dma_start3A_633, %dma_start3A_634] : memref<2x1280x32xf32, #tpu.memory_space<vmem>> -> memref<1x128x32xf32, #tpu.memory_space<vmem>>
      %dma_start3A_636 = tpu.memref_squeeze %dma_start3A_635 : memref<1x128x32xf32, #tpu.memory_space<vmem>> -> memref<128x32xf32, #tpu.memory_space<vmem>>
      %dma_start3A_637 = tpu.memref_slice %arg6[%mul3A_631] : memref<25600xi32, #tpu.memory_space<vmem>> -> memref<128xi32, #tpu.memory_space<vmem>>
      %dma_start3A_638 = arith.constant 0 : i32
      %dma_start3A_639 = arith.constant 0 : i32
      %dma_start3A_640 = tpu.memref_slice %arg2[%dma_start3A_638, %dma_start3A_639] : memref<1000000x32xf32, #tpu.memory_space<hbm>> -> memref<1000000x32xf32, #tpu.memory_space<hbm>>
      tpu.enqueue_indirect_dma source(%dma_start3A_640 : memref<1000000x32xf32, #tpu.memory_space<hbm>>) target(%dma_start3A_636 : memref<128x32xf32, #tpu.memory_space<vmem>>) offsets(%dma_start3A_637 : memref<128xi32, #tpu.memory_space<vmem>>) semaphore(%arg8 : memref<!tpu.dma_semaphore, #tpu.memory_space<semaphore_mem>>)
      %mul3A_641 = arith.constant 10 : i32
      %mul3A_642 = arith.muli %add3A_610, %mul3A_641 : i32
      %add3A_643 = arith.constant 2 : i32
      %add3A_644 = arith.addi %mul3A_642, %add3A_643 : i32
      %mul3A_645 = arith.constant 128 : i32
      %mul3A_646 = arith.muli %add3A_644, %mul3A_645 : i32
      %dma_start3A_647 = arith.constant 0 : i32
      %dma_start3A_648 = arith.constant 256 : i32
      %dma_start3A_649 = arith.constant 0 : i32
      %dma_start3A_650 = tpu.memref_slice %arg7[%dma_start3A_647, %dma_start3A_648, %dma_start3A_649] : memref<2x1280x32xf32, #tpu.memory_space<vmem>> -> memref<1x128x32xf32, #tpu.memory_space<vmem>>
      %dma_start3A_651 = tpu.memref_squeeze %dma_start3A_650 : memref<1x128x32xf32, #tpu.memory_space<vmem>> -> memref<128x32xf32, #tpu.memory_space<vmem>>
      %dma_start3A_652 = tpu.memref_slice %arg6[%mul3A_646] : memref<25600xi32, #tpu.memory_space<vmem>> -> memref<128xi32, #tpu.memory_space<vmem>>
      %dma_start3A_653 = arith.constant 0 : i32
      %dma_start3A_654 = arith.constant 0 : i32
      %dma_start3A_655 = tpu.memref_slice %arg2[%dma_start3A_653, %dma_start3A_654] : memref<1000000x32xf32, #tpu.memory_space<hbm>> -> memref<1000000x32xf32, #tpu.memory_space<hbm>>
      tpu.enqueue_indirect_dma source(%dma_start3A_655 : memref<1000000x32xf32, #tpu.memory_space<hbm>>) target(%dma_start3A_651 : memref<128x32xf32, #tpu.memory_space<vmem>>) offsets(%dma_start3A_652 : memref<128xi32, #tpu.memory_space<vmem>>) semaphore(%arg8 : memref<!tpu.dma_semaphore, #tpu.memory_space<semaphore_mem>>)
      %mul3A_656 = arith.constant 10 : i32
      %mul3A_657 = arith.muli %add3A_610, %mul3A_656 : i32
      %add3A_658 = arith.constant 3 : i32
      %add3A_659 = arith.addi %mul3A_657, %add3A_658 : i32
      %mul3A_660 = arith.constant 128 : i32
      %mul3A_661 = arith.muli %add3A_659, %mul3A_660 : i32
      %dma_start3A_662 = arith.constant 0 : i32
      %dma_start3A_663 = arith.constant 384 : i32
      %dma_start3A_664 = arith.constant 0 : i32
      %dma_start3A_665 = tpu.memref_slice %arg7[%dma_start3A_662, %dma_start3A_663, %dma_start3A_664] : memref<2x1280x32xf32, #tpu.memory_space<vmem>> -> memref<1x128x32xf32, #tpu.memory_space<vmem>>
      %dma_start3A_666 = tpu.memref_squeeze %dma_start3A_665 : memref<1x128x32xf32, #tpu.memory_space<vmem>> -> memref<128x32xf32, #tpu.memory_space<vmem>>
      %dma_start3A_667 = tpu.memref_slice %arg6[%mul3A_661] : memref<25600xi32, #tpu.memory_space<vmem>> -> memref<128xi32, #tpu.memory_space<vmem>>
      %dma_start3A_668 = arith.constant 0 : i32
      %dma_start3A_669 = arith.constant 0 : i32
      %dma_start3A_670 = tpu.memref_slice %arg2[%dma_start3A_668, %dma_start3A_669] : memref<1000000x32xf32, #tpu.memory_space<hbm>> -> memref<1000000x32xf32, #tpu.memory_space<hbm>>
      tpu.enqueue_indirect_dma source(%dma_start3A_670 : memref<1000000x32xf32, #tpu.memory_space<hbm>>) target(%dma_start3A_666 : memref<128x32xf32, #tpu.memory_space<vmem>>) offsets(%dma_start3A_667 : memref<128xi32, #tpu.memory_space<vmem>>) semaphore(%arg8 : memref<!tpu.dma_semaphore, #tpu.memory_space<semaphore_mem>>)
      %mul3A_671 = arith.constant 10 : i32
      %mul3A_672 = arith.muli %add3A_610, %mul3A_671 : i32
      %add3A_673 = arith.constant 4 : i32
      %add3A_674 = arith.addi %mul3A_672, %add3A_673 : i32
      %mul3A_675 = arith.constant 128 : i32
      %mul3A_676 = arith.muli %add3A_674, %mul3A_675 : i32
      %dma_start3A_677 = arith.constant 0 : i32
      %dma_start3A_678 = arith.constant 512 : i32
      %dma_start3A_679 = arith.constant 0 : i32
      %dma_start3A_680 = tpu.memref_slice %arg7[%dma_start3A_677, %dma_start3A_678, %dma_start3A_679] : memref<2x1280x32xf32, #tpu.memory_space<vmem>> -> memref<1x128x32xf32, #tpu.memory_space<vmem>>
      %dma_start3A_681 = tpu.memref_squeeze %dma_start3A_680 : memref<1x128x32xf32, #tpu.memory_space<vmem>> -> memref<128x32xf32, #tpu.memory_space<vmem>>
      %dma_start3A_682 = tpu.memref_slice %arg6[%mul3A_676] : memref<25600xi32, #tpu.memory_space<vmem>> -> memref<128xi32, #tpu.memory_space<vmem>>
      %dma_start3A_683 = arith.constant 0 : i32
      %dma_start3A_684 = arith.constant 0 : i32
      %dma_start3A_685 = tpu.memref_slice %arg2[%dma_start3A_683, %dma_start3A_684] : memref<1000000x32xf32, #tpu.memory_space<hbm>> -> memref<1000000x32xf32, #tpu.memory_space<hbm>>
      tpu.enqueue_indirect_dma source(%dma_start3A_685 : memref<1000000x32xf32, #tpu.memory_space<hbm>>) target(%dma_start3A_681 : memref<128x32xf32, #tpu.memory_space<vmem>>) offsets(%dma_start3A_682 : memref<128xi32, #tpu.memory_space<vmem>>) semaphore(%arg8 : memref<!tpu.dma_semaphore, #tpu.memory_space<semaphore_mem>>)
      %mul3A_686 = arith.constant 10 : i32
      %mul3A_687 = arith.muli %add3A_610, %mul3A_686 : i32
      %add3A_688 = arith.constant 5 : i32
      %add3A_689 = arith.addi %mul3A_687, %add3A_688 : i32
      %mul3A_690 = arith.constant 128 : i32
      %mul3A_691 = arith.muli %add3A_689, %mul3A_690 : i32
      %dma_start3A_692 = arith.constant 0 : i32
      %dma_start3A_693 = arith.constant 640 : i32
      %dma_start3A_694 = arith.constant 0 : i32
      %dma_start3A_695 = tpu.memref_slice %arg7[%dma_start3A_692, %dma_start3A_693, %dma_start3A_694] : memref<2x1280x32xf32, #tpu.memory_space<vmem>> -> memref<1x128x32xf32, #tpu.memory_space<vmem>>
      %dma_start3A_696 = tpu.memref_squeeze %dma_start3A_695 : memref<1x128x32xf32, #tpu.memory_space<vmem>> -> memref<128x32xf32, #tpu.memory_space<vmem>>
      %dma_start3A_697 = tpu.memref_slice %arg6[%mul3A_691] : memref<25600xi32, #tpu.memory_space<vmem>> -> memref<128xi32, #tpu.memory_space<vmem>>
      %dma_start3A_698 = arith.constant 0 : i32
      %dma_start3A_699 = arith.constant 0 : i32
      %dma_start3A_700 = tpu.memref_slice %arg2[%dma_start3A_698, %dma_start3A_699] : memref<1000000x32xf32, #tpu.memory_space<hbm>> -> memref<1000000x32xf32, #tpu.memory_space<hbm>>
      tpu.enqueue_indirect_dma source(%dma_start3A_700 : memref<1000000x32xf32, #tpu.memory_space<hbm>>) target(%dma_start3A_696 : memref<128x32xf32, #tpu.memory_space<vmem>>) offsets(%dma_start3A_697 : memref<128xi32, #tpu.memory_space<vmem>>) semaphore(%arg8 : memref<!tpu.dma_semaphore, #tpu.memory_space<semaphore_mem>>)
      %mul3A_701 = arith.constant 10 : i32
      %mul3A_702 = arith.muli %add3A_610, %mul3A_701 : i32
      %add3A_703 = arith.constant 6 : i32
      %add3A_704 = arith.addi %mul3A_702, %add3A_703 : i32
      %mul3A_705 = arith.constant 128 : i32
      %mul3A_706 = arith.muli %add3A_704, %mul3A_705 : i32
      %dma_start3A_707 = arith.constant 0 : i32
      %dma_start3A_708 = arith.constant 768 : i32
      %dma_start3A_709 = arith.constant 0 : i32
      %dma_start3A_710 = tpu.memref_slice %arg7[%dma_start3A_707, %dma_start3A_708, %dma_start3A_709] : memref<2x1280x32xf32, #tpu.memory_space<vmem>> -> memref<1x128x32xf32, #tpu.memory_space<vmem>>
      %dma_start3A_711 = tpu.memref_squeeze %dma_start3A_710 : memref<1x128x32xf32, #tpu.memory_space<vmem>> -> memref<128x32xf32, #tpu.memory_space<vmem>>
      %dma_start3A_712 = tpu.memref_slice %arg6[%mul3A_706] : memref<25600xi32, #tpu.memory_space<vmem>> -> memref<128xi32, #tpu.memory_space<vmem>>
      %dma_start3A_713 = arith.constant 0 : i32
      %dma_start3A_714 = arith.constant 0 : i32
      %dma_start3A_715 = tpu.memref_slice %arg2[%dma_start3A_713, %dma_start3A_714] : memref<1000000x32xf32, #tpu.memory_space<hbm>> -> memref<1000000x32xf32, #tpu.memory_space<hbm>>
      tpu.enqueue_indirect_dma source(%dma_start3A_715 : memref<1000000x32xf32, #tpu.memory_space<hbm>>) target(%dma_start3A_711 : memref<128x32xf32, #tpu.memory_space<vmem>>) offsets(%dma_start3A_712 : memref<128xi32, #tpu.memory_space<vmem>>) semaphore(%arg8 : memref<!tpu.dma_semaphore, #tpu.memory_space<semaphore_mem>>)
      %mul3A_716 = arith.constant 10 : i32
      %mul3A_717 = arith.muli %add3A_610, %mul3A_716 : i32
      %add3A_718 = arith.constant 7 : i32
      %add3A_719 = arith.addi %mul3A_717, %add3A_718 : i32
      %mul3A_720 = arith.constant 128 : i32
      %mul3A_721 = arith.muli %add3A_719, %mul3A_720 : i32
      %dma_start3A_722 = arith.constant 0 : i32
      %dma_start3A_723 = arith.constant 896 : i32
      %dma_start3A_724 = arith.constant 0 : i32
      %dma_start3A_725 = tpu.memref_slice %arg7[%dma_start3A_722, %dma_start3A_723, %dma_start3A_724] : memref<2x1280x32xf32, #tpu.memory_space<vmem>> -> memref<1x128x32xf32, #tpu.memory_space<vmem>>
      %dma_start3A_726 = tpu.memref_squeeze %dma_start3A_725 : memref<1x128x32xf32, #tpu.memory_space<vmem>> -> memref<128x32xf32, #tpu.memory_space<vmem>>
      %dma_start3A_727 = tpu.memref_slice %arg6[%mul3A_721] : memref<25600xi32, #tpu.memory_space<vmem>> -> memref<128xi32, #tpu.memory_space<vmem>>
      %dma_start3A_728 = arith.constant 0 : i32
      %dma_start3A_729 = arith.constant 0 : i32
      %dma_start3A_730 = tpu.memref_slice %arg2[%dma_start3A_728, %dma_start3A_729] : memref<1000000x32xf32, #tpu.memory_space<hbm>> -> memref<1000000x32xf32, #tpu.memory_space<hbm>>
      tpu.enqueue_indirect_dma source(%dma_start3A_730 : memref<1000000x32xf32, #tpu.memory_space<hbm>>) target(%dma_start3A_726 : memref<128x32xf32, #tpu.memory_space<vmem>>) offsets(%dma_start3A_727 : memref<128xi32, #tpu.memory_space<vmem>>) semaphore(%arg8 : memref<!tpu.dma_semaphore, #tpu.memory_space<semaphore_mem>>)
      %mul3A_731 = arith.constant 10 : i32
      %mul3A_732 = arith.muli %add3A_610, %mul3A_731 : i32
      %add3A_733 = arith.constant 8 : i32
      %add3A_734 = arith.addi %mul3A_732, %add3A_733 : i32
      %mul3A_735 = arith.constant 128 : i32
      %mul3A_736 = arith.muli %add3A_734, %mul3A_735 : i32
      %dma_start3A_737 = arith.constant 0 : i32
      %dma_start3A_738 = arith.constant 1024 : i32
      %dma_start3A_739 = arith.constant 0 : i32
      %dma_start3A_740 = tpu.memref_slice %arg7[%dma_start3A_737, %dma_start3A_738, %dma_start3A_739] : memref<2x1280x32xf32, #tpu.memory_space<vmem>> -> memref<1x128x32xf32, #tpu.memory_space<vmem>>
      %dma_start3A_741 = tpu.memref_squeeze %dma_start3A_740 : memref<1x128x32xf32, #tpu.memory_space<vmem>> -> memref<128x32xf32, #tpu.memory_space<vmem>>
      %dma_start3A_742 = tpu.memref_slice %arg6[%mul3A_736] : memref<25600xi32, #tpu.memory_space<vmem>> -> memref<128xi32, #tpu.memory_space<vmem>>
      %dma_start3A_743 = arith.constant 0 : i32
      %dma_start3A_744 = arith.constant 0 : i32
      %dma_start3A_745 = tpu.memref_slice %arg2[%dma_start3A_743, %dma_start3A_744] : memref<1000000x32xf32, #tpu.memory_space<hbm>> -> memref<1000000x32xf32, #tpu.memory_space<hbm>>
      tpu.enqueue_indirect_dma source(%dma_start3A_745 : memref<1000000x32xf32, #tpu.memory_space<hbm>>) target(%dma_start3A_741 : memref<128x32xf32, #tpu.memory_space<vmem>>) offsets(%dma_start3A_742 : memref<128xi32, #tpu.memory_space<vmem>>) semaphore(%arg8 : memref<!tpu.dma_semaphore, #tpu.memory_space<semaphore_mem>>)
      %mul3A_746 = arith.constant 10 : i32
      %mul3A_747 = arith.muli %add3A_610, %mul3A_746 : i32
      %add3A_748 = arith.constant 9 : i32
      %add3A_749 = arith.addi %mul3A_747, %add3A_748 : i32
      %mul3A_750 = arith.constant 128 : i32
      %mul3A_751 = arith.muli %add3A_749, %mul3A_750 : i32
      %dma_start3A_752 = arith.constant 0 : i32
      %dma_start3A_753 = arith.constant 1152 : i32
      %dma_start3A_754 = arith.constant 0 : i32
      %dma_start3A_755 = tpu.memref_slice %arg7[%dma_start3A_752, %dma_start3A_753, %dma_start3A_754] : memref<2x1280x32xf32, #tpu.memory_space<vmem>> -> memref<1x128x32xf32, #tpu.memory_space<vmem>>
      %dma_start3A_756 = tpu.memref_squeeze %dma_start3A_755 : memref<1x128x32xf32, #tpu.memory_space<vmem>> -> memref<128x32xf32, #tpu.memory_space<vmem>>
      %dma_start3A_757 = tpu.memref_slice %arg6[%mul3A_751] : memref<25600xi32, #tpu.memory_space<vmem>> -> memref<128xi32, #tpu.memory_space<vmem>>
      %dma_start3A_758 = arith.constant 0 : i32
      %dma_start3A_759 = arith.constant 0 : i32
      %dma_start3A_760 = tpu.memref_slice %arg2[%dma_start3A_758, %dma_start3A_759] : memref<1000000x32xf32, #tpu.memory_space<hbm>> -> memref<1000000x32xf32, #tpu.memory_space<hbm>>
      tpu.enqueue_indirect_dma source(%dma_start3A_760 : memref<1000000x32xf32, #tpu.memory_space<hbm>>) target(%dma_start3A_756 : memref<128x32xf32, #tpu.memory_space<vmem>>) offsets(%dma_start3A_757 : memref<128xi32, #tpu.memory_space<vmem>>) semaphore(%arg8 : memref<!tpu.dma_semaphore, #tpu.memory_space<semaphore_mem>>)
      %add3A_761 = arith.constant 1 : i32
      %add3A_762 = arith.addi %mul3A_477, %add3A_761 : i32
      %dma_wait3A_763 = arith.constant 1 : i32
      %dma_wait3A_764 = arith.constant 0 : i32
      %dma_wait3A_765 = arith.constant 0 : i32
      %dma_wait3A_766 = tpu.memref_slice %arg7[%dma_wait3A_763, %dma_wait3A_764, %dma_wait3A_765] : memref<2x1280x32xf32, #tpu.memory_space<vmem>> -> memref<1x128x32xf32, #tpu.memory_space<vmem>>
      %dma_wait3A_767 = tpu.memref_squeeze %dma_wait3A_766 : memref<1x128x32xf32, #tpu.memory_space<vmem>> -> memref<128x32xf32, #tpu.memory_space<vmem>>
      %dma_wait3A_768 = arith.constant 0 : i32
      %dma_wait3A_769 = tpu.memref_slice %arg6[%dma_wait3A_768] : memref<25600xi32, #tpu.memory_space<vmem>> -> memref<128xi32, #tpu.memory_space<vmem>>
      %dma_wait3A_770 = arith.constant 0 : i32
      %dma_wait3A_771 = arith.constant 0 : i32
      %dma_wait3A_772 = tpu.memref_slice %arg2[%dma_wait3A_770, %dma_wait3A_771] : memref<1000000x32xf32, #tpu.memory_space<hbm>> -> memref<1000000x32xf32, #tpu.memory_space<hbm>>
      tpu.wait_indirect_dma semaphore(%arg9 : memref<!tpu.dma_semaphore, #tpu.memory_space<semaphore_mem>>) src(%dma_wait3A_772 : memref<1000000x32xf32, #tpu.memory_space<hbm>>) dst(%dma_wait3A_767 : memref<128x32xf32, #tpu.memory_space<vmem>>)
      %dma_wait3A_773 = arith.constant 1 : i32
      %dma_wait3A_774 = arith.constant 0 : i32
      %dma_wait3A_775 = arith.constant 0 : i32
      %dma_wait3A_776 = tpu.memref_slice %arg7[%dma_wait3A_773, %dma_wait3A_774, %dma_wait3A_775] : memref<2x1280x32xf32, #tpu.memory_space<vmem>> -> memref<1x128x32xf32, #tpu.memory_space<vmem>>
      %dma_wait3A_777 = tpu.memref_squeeze %dma_wait3A_776 : memref<1x128x32xf32, #tpu.memory_space<vmem>> -> memref<128x32xf32, #tpu.memory_space<vmem>>
      %dma_wait3A_778 = arith.constant 0 : i32
      %dma_wait3A_779 = tpu.memref_slice %arg6[%dma_wait3A_778] : memref<25600xi32, #tpu.memory_space<vmem>> -> memref<128xi32, #tpu.memory_space<vmem>>
      %dma_wait3A_780 = arith.constant 0 : i32
      %dma_wait3A_781 = arith.constant 0 : i32
      %dma_wait3A_782 = tpu.memref_slice %arg2[%dma_wait3A_780, %dma_wait3A_781] : memref<1000000x32xf32, #tpu.memory_space<hbm>> -> memref<1000000x32xf32, #tpu.memory_space<hbm>>
      tpu.wait_indirect_dma semaphore(%arg9 : memref<!tpu.dma_semaphore, #tpu.memory_space<semaphore_mem>>) src(%dma_wait3A_782 : memref<1000000x32xf32, #tpu.memory_space<hbm>>) dst(%dma_wait3A_777 : memref<128x32xf32, #tpu.memory_space<vmem>>)
      %dma_wait3A_783 = arith.constant 1 : i32
      %dma_wait3A_784 = arith.constant 0 : i32
      %dma_wait3A_785 = arith.constant 0 : i32
      %dma_wait3A_786 = tpu.memref_slice %arg7[%dma_wait3A_783, %dma_wait3A_784, %dma_wait3A_785] : memref<2x1280x32xf32, #tpu.memory_space<vmem>> -> memref<1x128x32xf32, #tpu.memory_space<vmem>>
      %dma_wait3A_787 = tpu.memref_squeeze %dma_wait3A_786 : memref<1x128x32xf32, #tpu.memory_space<vmem>> -> memref<128x32xf32, #tpu.memory_space<vmem>>
      %dma_wait3A_788 = arith.constant 0 : i32
      %dma_wait3A_789 = tpu.memref_slice %arg6[%dma_wait3A_788] : memref<25600xi32, #tpu.memory_space<vmem>> -> memref<128xi32, #tpu.memory_space<vmem>>
      %dma_wait3A_790 = arith.constant 0 : i32
      %dma_wait3A_791 = arith.constant 0 : i32
      %dma_wait3A_792 = tpu.memref_slice %arg2[%dma_wait3A_790, %dma_wait3A_791] : memref<1000000x32xf32, #tpu.memory_space<hbm>> -> memref<1000000x32xf32, #tpu.memory_space<hbm>>
      tpu.wait_indirect_dma semaphore(%arg9 : memref<!tpu.dma_semaphore, #tpu.memory_space<semaphore_mem>>) src(%dma_wait3A_792 : memref<1000000x32xf32, #tpu.memory_space<hbm>>) dst(%dma_wait3A_787 : memref<128x32xf32, #tpu.memory_space<vmem>>)
      %dma_wait3A_793 = arith.constant 1 : i32
      %dma_wait3A_794 = arith.constant 0 : i32
      %dma_wait3A_795 = arith.constant 0 : i32
      %dma_wait3A_796 = tpu.memref_slice %arg7[%dma_wait3A_793, %dma_wait3A_794, %dma_wait3A_795] : memref<2x1280x32xf32, #tpu.memory_space<vmem>> -> memref<1x128x32xf32, #tpu.memory_space<vmem>>
      %dma_wait3A_797 = tpu.memref_squeeze %dma_wait3A_796 : memref<1x128x32xf32, #tpu.memory_space<vmem>> -> memref<128x32xf32, #tpu.memory_space<vmem>>
      %dma_wait3A_798 = arith.constant 0 : i32
      %dma_wait3A_799 = tpu.memref_slice %arg6[%dma_wait3A_798] : memref<25600xi32, #tpu.memory_space<vmem>> -> memref<128xi32, #tpu.memory_space<vmem>>
      %dma_wait3A_800 = arith.constant 0 : i32
      %dma_wait3A_801 = arith.constant 0 : i32
      %dma_wait3A_802 = tpu.memref_slice %arg2[%dma_wait3A_800, %dma_wait3A_801] : memref<1000000x32xf32, #tpu.memory_space<hbm>> -> memref<1000000x32xf32, #tpu.memory_space<hbm>>
      tpu.wait_indirect_dma semaphore(%arg9 : memref<!tpu.dma_semaphore, #tpu.memory_space<semaphore_mem>>) src(%dma_wait3A_802 : memref<1000000x32xf32, #tpu.memory_space<hbm>>) dst(%dma_wait3A_797 : memref<128x32xf32, #tpu.memory_space<vmem>>)
      %dma_wait3A_803 = arith.constant 1 : i32
      %dma_wait3A_804 = arith.constant 0 : i32
      %dma_wait3A_805 = arith.constant 0 : i32
      %dma_wait3A_806 = tpu.memref_slice %arg7[%dma_wait3A_803, %dma_wait3A_804, %dma_wait3A_805] : memref<2x1280x32xf32, #tpu.memory_space<vmem>> -> memref<1x128x32xf32, #tpu.memory_space<vmem>>
      %dma_wait3A_807 = tpu.memref_squeeze %dma_wait3A_806 : memref<1x128x32xf32, #tpu.memory_space<vmem>> -> memref<128x32xf32, #tpu.memory_space<vmem>>
      %dma_wait3A_808 = arith.constant 0 : i32
      %dma_wait3A_809 = tpu.memref_slice %arg6[%dma_wait3A_808] : memref<25600xi32, #tpu.memory_space<vmem>> -> memref<128xi32, #tpu.memory_space<vmem>>
      %dma_wait3A_810 = arith.constant 0 : i32
      %dma_wait3A_811 = arith.constant 0 : i32
      %dma_wait3A_812 = tpu.memref_slice %arg2[%dma_wait3A_810, %dma_wait3A_811] : memref<1000000x32xf32, #tpu.memory_space<hbm>> -> memref<1000000x32xf32, #tpu.memory_space<hbm>>
      tpu.wait_indirect_dma semaphore(%arg9 : memref<!tpu.dma_semaphore, #tpu.memory_space<semaphore_mem>>) src(%dma_wait3A_812 : memref<1000000x32xf32, #tpu.memory_space<hbm>>) dst(%dma_wait3A_807 : memref<128x32xf32, #tpu.memory_space<vmem>>)
      %dma_wait3A_813 = arith.constant 1 : i32
      %dma_wait3A_814 = arith.constant 0 : i32
      %dma_wait3A_815 = arith.constant 0 : i32
      %dma_wait3A_816 = tpu.memref_slice %arg7[%dma_wait3A_813, %dma_wait3A_814, %dma_wait3A_815] : memref<2x1280x32xf32, #tpu.memory_space<vmem>> -> memref<1x128x32xf32, #tpu.memory_space<vmem>>
      %dma_wait3A_817 = tpu.memref_squeeze %dma_wait3A_816 : memref<1x128x32xf32, #tpu.memory_space<vmem>> -> memref<128x32xf32, #tpu.memory_space<vmem>>
      %dma_wait3A_818 = arith.constant 0 : i32
      %dma_wait3A_819 = tpu.memref_slice %arg6[%dma_wait3A_818] : memref<25600xi32, #tpu.memory_space<vmem>> -> memref<128xi32, #tpu.memory_space<vmem>>
      %dma_wait3A_820 = arith.constant 0 : i32
      %dma_wait3A_821 = arith.constant 0 : i32
      %dma_wait3A_822 = tpu.memref_slice %arg2[%dma_wait3A_820, %dma_wait3A_821] : memref<1000000x32xf32, #tpu.memory_space<hbm>> -> memref<1000000x32xf32, #tpu.memory_space<hbm>>
      tpu.wait_indirect_dma semaphore(%arg9 : memref<!tpu.dma_semaphore, #tpu.memory_space<semaphore_mem>>) src(%dma_wait3A_822 : memref<1000000x32xf32, #tpu.memory_space<hbm>>) dst(%dma_wait3A_817 : memref<128x32xf32, #tpu.memory_space<vmem>>)
      %dma_wait3A_823 = arith.constant 1 : i32
      %dma_wait3A_824 = arith.constant 0 : i32
      %dma_wait3A_825 = arith.constant 0 : i32
      %dma_wait3A_826 = tpu.memref_slice %arg7[%dma_wait3A_823, %dma_wait3A_824, %dma_wait3A_825] : memref<2x1280x32xf32, #tpu.memory_space<vmem>> -> memref<1x128x32xf32, #tpu.memory_space<vmem>>
      %dma_wait3A_827 = tpu.memref_squeeze %dma_wait3A_826 : memref<1x128x32xf32, #tpu.memory_space<vmem>> -> memref<128x32xf32, #tpu.memory_space<vmem>>
      %dma_wait3A_828 = arith.constant 0 : i32
      %dma_wait3A_829 = tpu.memref_slice %arg6[%dma_wait3A_828] : memref<25600xi32, #tpu.memory_space<vmem>> -> memref<128xi32, #tpu.memory_space<vmem>>
      %dma_wait3A_830 = arith.constant 0 : i32
      %dma_wait3A_831 = arith.constant 0 : i32
      %dma_wait3A_832 = tpu.memref_slice %arg2[%dma_wait3A_830, %dma_wait3A_831] : memref<1000000x32xf32, #tpu.memory_space<hbm>> -> memref<1000000x32xf32, #tpu.memory_space<hbm>>
      tpu.wait_indirect_dma semaphore(%arg9 : memref<!tpu.dma_semaphore, #tpu.memory_space<semaphore_mem>>) src(%dma_wait3A_832 : memref<1000000x32xf32, #tpu.memory_space<hbm>>) dst(%dma_wait3A_827 : memref<128x32xf32, #tpu.memory_space<vmem>>)
      %dma_wait3A_833 = arith.constant 1 : i32
      %dma_wait3A_834 = arith.constant 0 : i32
      %dma_wait3A_835 = arith.constant 0 : i32
      %dma_wait3A_836 = tpu.memref_slice %arg7[%dma_wait3A_833, %dma_wait3A_834, %dma_wait3A_835] : memref<2x1280x32xf32, #tpu.memory_space<vmem>> -> memref<1x128x32xf32, #tpu.memory_space<vmem>>
      %dma_wait3A_837 = tpu.memref_squeeze %dma_wait3A_836 : memref<1x128x32xf32, #tpu.memory_space<vmem>> -> memref<128x32xf32, #tpu.memory_space<vmem>>
      %dma_wait3A_838 = arith.constant 0 : i32
      %dma_wait3A_839 = tpu.memref_slice %arg6[%dma_wait3A_838] : memref<25600xi32, #tpu.memory_space<vmem>> -> memref<128xi32, #tpu.memory_space<vmem>>
      %dma_wait3A_840 = arith.constant 0 : i32
      %dma_wait3A_841 = arith.constant 0 : i32
      %dma_wait3A_842 = tpu.memref_slice %arg2[%dma_wait3A_840, %dma_wait3A_841] : memref<1000000x32xf32, #tpu.memory_space<hbm>> -> memref<1000000x32xf32, #tpu.memory_space<hbm>>
      tpu.wait_indirect_dma semaphore(%arg9 : memref<!tpu.dma_semaphore, #tpu.memory_space<semaphore_mem>>) src(%dma_wait3A_842 : memref<1000000x32xf32, #tpu.memory_space<hbm>>) dst(%dma_wait3A_837 : memref<128x32xf32, #tpu.memory_space<vmem>>)
      %dma_wait3A_843 = arith.constant 1 : i32
      %dma_wait3A_844 = arith.constant 0 : i32
      %dma_wait3A_845 = arith.constant 0 : i32
      %dma_wait3A_846 = tpu.memref_slice %arg7[%dma_wait3A_843, %dma_wait3A_844, %dma_wait3A_845] : memref<2x1280x32xf32, #tpu.memory_space<vmem>> -> memref<1x128x32xf32, #tpu.memory_space<vmem>>
      %dma_wait3A_847 = tpu.memref_squeeze %dma_wait3A_846 : memref<1x128x32xf32, #tpu.memory_space<vmem>> -> memref<128x32xf32, #tpu.memory_space<vmem>>
      %dma_wait3A_848 = arith.constant 0 : i32
      %dma_wait3A_849 = tpu.memref_slice %arg6[%dma_wait3A_848] : memref<25600xi32, #tpu.memory_space<vmem>> -> memref<128xi32, #tpu.memory_space<vmem>>
      %dma_wait3A_850 = arith.constant 0 : i32
      %dma_wait3A_851 = arith.constant 0 : i32
      %dma_wait3A_852 = tpu.memref_slice %arg2[%dma_wait3A_850, %dma_wait3A_851] : memref<1000000x32xf32, #tpu.memory_space<hbm>> -> memref<1000000x32xf32, #tpu.memory_space<hbm>>
      tpu.wait_indirect_dma semaphore(%arg9 : memref<!tpu.dma_semaphore, #tpu.memory_space<semaphore_mem>>) src(%dma_wait3A_852 : memref<1000000x32xf32, #tpu.memory_space<hbm>>) dst(%dma_wait3A_847 : memref<128x32xf32, #tpu.memory_space<vmem>>)
      %dma_wait3A_853 = arith.constant 1 : i32
      %dma_wait3A_854 = arith.constant 0 : i32
      %dma_wait3A_855 = arith.constant 0 : i32
      %dma_wait3A_856 = tpu.memref_slice %arg7[%dma_wait3A_853, %dma_wait3A_854, %dma_wait3A_855] : memref<2x1280x32xf32, #tpu.memory_space<vmem>> -> memref<1x128x32xf32, #tpu.memory_space<vmem>>
      %dma_wait3A_857 = tpu.memref_squeeze %dma_wait3A_856 : memref<1x128x32xf32, #tpu.memory_space<vmem>> -> memref<128x32xf32, #tpu.memory_space<vmem>>
      %dma_wait3A_858 = arith.constant 0 : i32
      %dma_wait3A_859 = tpu.memref_slice %arg6[%dma_wait3A_858] : memref<25600xi32, #tpu.memory_space<vmem>> -> memref<128xi32, #tpu.memory_space<vmem>>
      %dma_wait3A_860 = arith.constant 0 : i32
      %dma_wait3A_861 = arith.constant 0 : i32
      %dma_wait3A_862 = tpu.memref_slice %arg2[%dma_wait3A_860, %dma_wait3A_861] : memref<1000000x32xf32, #tpu.memory_space<hbm>> -> memref<1000000x32xf32, #tpu.memory_space<hbm>>
      tpu.wait_indirect_dma semaphore(%arg9 : memref<!tpu.dma_semaphore, #tpu.memory_space<semaphore_mem>>) src(%dma_wait3A_862 : memref<1000000x32xf32, #tpu.memory_space<hbm>>) dst(%dma_wait3A_857 : memref<128x32xf32, #tpu.memory_space<vmem>>)
      %mul3A_863 = arith.constant 1280 : i32
      %mul3A_864 = arith.muli %add3A_762, %mul3A_863 : i32
      %add3A_865 = arith.addi %mul3A_2, %mul3A_864 : i32
      %dma_start3A_866 = arith.constant 1 : i32
      %dma_start3A_867 = arith.constant 0 : i32
      %dma_start3A_868 = arith.constant 0 : i32
      %dma_start3A_869 = tpu.memref_slice %arg7[%dma_start3A_866, %dma_start3A_867, %dma_start3A_868] : memref<2x1280x32xf32, #tpu.memory_space<vmem>> -> memref<1x1280x32xf32, #tpu.memory_space<vmem>>
      %dma_start3A_870 = tpu.memref_squeeze %dma_start3A_869 : memref<1x1280x32xf32, #tpu.memory_space<vmem>> -> memref<1280x32xf32, #tpu.memory_space<vmem>>
      %dma_start3A_871 = arith.constant 0 : i32
      %dma_start3A_872 = tpu.memref_slice %arg4[%add3A_865, %dma_start3A_871] : memref<819200x32xf32, #tpu.memory_space<hbm>> -> memref<1280x32xf32, #tpu.memory_space<hbm>>
      %dma_start3A_873 = arith.constant 0 : i32
      %dma_start3A_874 = tpu.memref_slice %arg4[%add3A_865, %dma_start3A_873] : memref<819200x32xf32, #tpu.memory_space<hbm>> -> memref<1280x32xf32, #tpu.memory_space<hbm>>
      %dma_start3A_875 = arith.constant 0 : i32
      %dma_start3A_876 = arith.constant 0 : i32
      %dma_start3A_877 = tpu.memref_slice %arg7[%dma_start3A_866, %dma_start3A_875, %dma_start3A_876] : memref<2x1280x32xf32, #tpu.memory_space<vmem>> -> memref<1x1280x32xf32, #tpu.memory_space<vmem>>
      %dma_start3A_878 = tpu.memref_squeeze %dma_start3A_877 : memref<1x1280x32xf32, #tpu.memory_space<vmem>> -> memref<1280x32xf32, #tpu.memory_space<vmem>>
      tpu.enqueue_dma source(%dma_start3A_878 : memref<1280x32xf32, #tpu.memory_space<vmem>>) target(%dma_start3A_874 : memref<1280x32xf32, #tpu.memory_space<hbm>>) target_semaphore(%arg11 : memref<!tpu.dma_semaphore, #tpu.memory_space<semaphore_mem>>)
      %dma_wait3A_879 = arith.constant 0 : i32
      %dma_wait3A_880 = arith.constant 0 : i32
      %dma_wait3A_881 = arith.constant 0 : i32
      %dma_wait3A_882 = tpu.memref_slice %arg7[%dma_wait3A_879, %dma_wait3A_880, %dma_wait3A_881] : memref<2x1280x32xf32, #tpu.memory_space<vmem>> -> memref<1x1280x32xf32, #tpu.memory_space<vmem>>
      %dma_wait3A_883 = tpu.memref_squeeze %dma_wait3A_882 : memref<1x1280x32xf32, #tpu.memory_space<vmem>> -> memref<1280x32xf32, #tpu.memory_space<vmem>>
      %dma_wait3A_884 = arith.constant 0 : i32
      %dma_wait3A_885 = arith.constant 0 : i32
      %dma_wait3A_886 = tpu.memref_slice %arg4[%dma_wait3A_884, %dma_wait3A_885] : memref<819200x32xf32, #tpu.memory_space<hbm>> -> memref<1280x32xf32, #tpu.memory_space<hbm>>
      %dma_wait3A_887 = arith.constant 0 : i32
      %dma_wait3A_888 = arith.constant 0 : i32
      %dma_wait3A_889 = tpu.memref_slice %arg4[%dma_wait3A_887, %dma_wait3A_888] : memref<819200x32xf32, #tpu.memory_space<hbm>> -> memref<1280x32xf32, #tpu.memory_space<hbm>>
      %dma_wait3A_890 = arith.constant 0 : i32
      %dma_wait3A_891 = arith.constant 0 : i32
      %dma_wait3A_892 = tpu.memref_slice %arg7[%dma_wait3A_879, %dma_wait3A_890, %dma_wait3A_891] : memref<2x1280x32xf32, #tpu.memory_space<vmem>> -> memref<1x1280x32xf32, #tpu.memory_space<vmem>>
      %dma_wait3A_893 = tpu.memref_squeeze %dma_wait3A_892 : memref<1x1280x32xf32, #tpu.memory_space<vmem>> -> memref<1280x32xf32, #tpu.memory_space<vmem>>
      tpu.wait_dma2 semaphore(%arg11 : memref<!tpu.dma_semaphore, #tpu.memory_space<semaphore_mem>>) src(%dma_wait3A_893 : memref<1280x32xf32, #tpu.memory_space<vmem>>) dst(%dma_wait3A_889 : memref<1280x32xf32, #tpu.memory_space<hbm>>)
      %add3A_894 = arith.constant 2 : i32
      %add3A_895 = arith.addi %add3A_762, %add3A_894 : i32
      %mul3A_896 = arith.constant 10 : i32
      %mul3A_897 = arith.muli %add3A_895, %mul3A_896 : i32
      %add3A_898 = arith.constant 0 : i32
      %add3A_899 = arith.addi %mul3A_897, %add3A_898 : i32
      %mul3A_900 = arith.constant 128 : i32
      %mul3A_901 = arith.muli %add3A_899, %mul3A_900 : i32
      %dma_start3A_902 = arith.constant 1 : i32
      %dma_start3A_903 = arith.constant 0 : i32
      %dma_start3A_904 = arith.constant 0 : i32
      %dma_start3A_905 = tpu.memref_slice %arg7[%dma_start3A_902, %dma_start3A_903, %dma_start3A_904] : memref<2x1280x32xf32, #tpu.memory_space<vmem>> -> memref<1x128x32xf32, #tpu.memory_space<vmem>>
      %dma_start3A_906 = tpu.memref_squeeze %dma_start3A_905 : memref<1x128x32xf32, #tpu.memory_space<vmem>> -> memref<128x32xf32, #tpu.memory_space<vmem>>
      %dma_start3A_907 = tpu.memref_slice %arg6[%mul3A_901] : memref<25600xi32, #tpu.memory_space<vmem>> -> memref<128xi32, #tpu.memory_space<vmem>>
      %dma_start3A_908 = arith.constant 0 : i32
      %dma_start3A_909 = arith.constant 0 : i32
      %dma_start3A_910 = tpu.memref_slice %arg2[%dma_start3A_908, %dma_start3A_909] : memref<1000000x32xf32, #tpu.memory_space<hbm>> -> memref<1000000x32xf32, #tpu.memory_space<hbm>>
      tpu.enqueue_indirect_dma source(%dma_start3A_910 : memref<1000000x32xf32, #tpu.memory_space<hbm>>) target(%dma_start3A_906 : memref<128x32xf32, #tpu.memory_space<vmem>>) offsets(%dma_start3A_907 : memref<128xi32, #tpu.memory_space<vmem>>) semaphore(%arg9 : memref<!tpu.dma_semaphore, #tpu.memory_space<semaphore_mem>>)
      %mul3A_911 = arith.constant 10 : i32
      %mul3A_912 = arith.muli %add3A_895, %mul3A_911 : i32
      %add3A_913 = arith.constant 1 : i32
      %add3A_914 = arith.addi %mul3A_912, %add3A_913 : i32
      %mul3A_915 = arith.constant 128 : i32
      %mul3A_916 = arith.muli %add3A_914, %mul3A_915 : i32
      %dma_start3A_917 = arith.constant 1 : i32
      %dma_start3A_918 = arith.constant 128 : i32
      %dma_start3A_919 = arith.constant 0 : i32
      %dma_start3A_920 = tpu.memref_slice %arg7[%dma_start3A_917, %dma_start3A_918, %dma_start3A_919] : memref<2x1280x32xf32, #tpu.memory_space<vmem>> -> memref<1x128x32xf32, #tpu.memory_space<vmem>>
      %dma_start3A_921 = tpu.memref_squeeze %dma_start3A_920 : memref<1x128x32xf32, #tpu.memory_space<vmem>> -> memref<128x32xf32, #tpu.memory_space<vmem>>
      %dma_start3A_922 = tpu.memref_slice %arg6[%mul3A_916] : memref<25600xi32, #tpu.memory_space<vmem>> -> memref<128xi32, #tpu.memory_space<vmem>>
      %dma_start3A_923 = arith.constant 0 : i32
      %dma_start3A_924 = arith.constant 0 : i32
      %dma_start3A_925 = tpu.memref_slice %arg2[%dma_start3A_923, %dma_start3A_924] : memref<1000000x32xf32, #tpu.memory_space<hbm>> -> memref<1000000x32xf32, #tpu.memory_space<hbm>>
      tpu.enqueue_indirect_dma source(%dma_start3A_925 : memref<1000000x32xf32, #tpu.memory_space<hbm>>) target(%dma_start3A_921 : memref<128x32xf32, #tpu.memory_space<vmem>>) offsets(%dma_start3A_922 : memref<128xi32, #tpu.memory_space<vmem>>) semaphore(%arg9 : memref<!tpu.dma_semaphore, #tpu.memory_space<semaphore_mem>>)
      %mul3A_926 = arith.constant 10 : i32
      %mul3A_927 = arith.muli %add3A_895, %mul3A_926 : i32
      %add3A_928 = arith.constant 2 : i32
      %add3A_929 = arith.addi %mul3A_927, %add3A_928 : i32
      %mul3A_930 = arith.constant 128 : i32
      %mul3A_931 = arith.muli %add3A_929, %mul3A_930 : i32
      %dma_start3A_932 = arith.constant 1 : i32
      %dma_start3A_933 = arith.constant 256 : i32
      %dma_start3A_934 = arith.constant 0 : i32
      %dma_start3A_935 = tpu.memref_slice %arg7[%dma_start3A_932, %dma_start3A_933, %dma_start3A_934] : memref<2x1280x32xf32, #tpu.memory_space<vmem>> -> memref<1x128x32xf32, #tpu.memory_space<vmem>>
      %dma_start3A_936 = tpu.memref_squeeze %dma_start3A_935 : memref<1x128x32xf32, #tpu.memory_space<vmem>> -> memref<128x32xf32, #tpu.memory_space<vmem>>
      %dma_start3A_937 = tpu.memref_slice %arg6[%mul3A_931] : memref<25600xi32, #tpu.memory_space<vmem>> -> memref<128xi32, #tpu.memory_space<vmem>>
      %dma_start3A_938 = arith.constant 0 : i32
      %dma_start3A_939 = arith.constant 0 : i32
      %dma_start3A_940 = tpu.memref_slice %arg2[%dma_start3A_938, %dma_start3A_939] : memref<1000000x32xf32, #tpu.memory_space<hbm>> -> memref<1000000x32xf32, #tpu.memory_space<hbm>>
      tpu.enqueue_indirect_dma source(%dma_start3A_940 : memref<1000000x32xf32, #tpu.memory_space<hbm>>) target(%dma_start3A_936 : memref<128x32xf32, #tpu.memory_space<vmem>>) offsets(%dma_start3A_937 : memref<128xi32, #tpu.memory_space<vmem>>) semaphore(%arg9 : memref<!tpu.dma_semaphore, #tpu.memory_space<semaphore_mem>>)
      %mul3A_941 = arith.constant 10 : i32
      %mul3A_942 = arith.muli %add3A_895, %mul3A_941 : i32
      %add3A_943 = arith.constant 3 : i32
      %add3A_944 = arith.addi %mul3A_942, %add3A_943 : i32
      %mul3A_945 = arith.constant 128 : i32
      %mul3A_946 = arith.muli %add3A_944, %mul3A_945 : i32
      %dma_start3A_947 = arith.constant 1 : i32
      %dma_start3A_948 = arith.constant 384 : i32
      %dma_start3A_949 = arith.constant 0 : i32
      %dma_start3A_950 = tpu.memref_slice %arg7[%dma_start3A_947, %dma_start3A_948, %dma_start3A_949] : memref<2x1280x32xf32, #tpu.memory_space<vmem>> -> memref<1x128x32xf32, #tpu.memory_space<vmem>>
      %dma_start3A_951 = tpu.memref_squeeze %dma_start3A_950 : memref<1x128x32xf32, #tpu.memory_space<vmem>> -> memref<128x32xf32, #tpu.memory_space<vmem>>
      %dma_start3A_952 = tpu.memref_slice %arg6[%mul3A_946] : memref<25600xi32, #tpu.memory_space<vmem>> -> memref<128xi32, #tpu.memory_space<vmem>>
      %dma_start3A_953 = arith.constant 0 : i32
      %dma_start3A_954 = arith.constant 0 : i32
      %dma_start3A_955 = tpu.memref_slice %arg2[%dma_start3A_953, %dma_start3A_954] : memref<1000000x32xf32, #tpu.memory_space<hbm>> -> memref<1000000x32xf32, #tpu.memory_space<hbm>>
      tpu.enqueue_indirect_dma source(%dma_start3A_955 : memref<1000000x32xf32, #tpu.memory_space<hbm>>) target(%dma_start3A_951 : memref<128x32xf32, #tpu.memory_space<vmem>>) offsets(%dma_start3A_952 : memref<128xi32, #tpu.memory_space<vmem>>) semaphore(%arg9 : memref<!tpu.dma_semaphore, #tpu.memory_space<semaphore_mem>>)
      %mul3A_956 = arith.constant 10 : i32
      %mul3A_957 = arith.muli %add3A_895, %mul3A_956 : i32
      %add3A_958 = arith.constant 4 : i32
      %add3A_959 = arith.addi %mul3A_957, %add3A_958 : i32
      %mul3A_960 = arith.constant 128 : i32
      %mul3A_961 = arith.muli %add3A_959, %mul3A_960 : i32
      %dma_start3A_962 = arith.constant 1 : i32
      %dma_start3A_963 = arith.constant 512 : i32
      %dma_start3A_964 = arith.constant 0 : i32
      %dma_start3A_965 = tpu.memref_slice %arg7[%dma_start3A_962, %dma_start3A_963, %dma_start3A_964] : memref<2x1280x32xf32, #tpu.memory_space<vmem>> -> memref<1x128x32xf32, #tpu.memory_space<vmem>>
      %dma_start3A_966 = tpu.memref_squeeze %dma_start3A_965 : memref<1x128x32xf32, #tpu.memory_space<vmem>> -> memref<128x32xf32, #tpu.memory_space<vmem>>
      %dma_start3A_967 = tpu.memref_slice %arg6[%mul3A_961] : memref<25600xi32, #tpu.memory_space<vmem>> -> memref<128xi32, #tpu.memory_space<vmem>>
      %dma_start3A_968 = arith.constant 0 : i32
      %dma_start3A_969 = arith.constant 0 : i32
      %dma_start3A_970 = tpu.memref_slice %arg2[%dma_start3A_968, %dma_start3A_969] : memref<1000000x32xf32, #tpu.memory_space<hbm>> -> memref<1000000x32xf32, #tpu.memory_space<hbm>>
      tpu.enqueue_indirect_dma source(%dma_start3A_970 : memref<1000000x32xf32, #tpu.memory_space<hbm>>) target(%dma_start3A_966 : memref<128x32xf32, #tpu.memory_space<vmem>>) offsets(%dma_start3A_967 : memref<128xi32, #tpu.memory_space<vmem>>) semaphore(%arg9 : memref<!tpu.dma_semaphore, #tpu.memory_space<semaphore_mem>>)
      %mul3A_971 = arith.constant 10 : i32
      %mul3A_972 = arith.muli %add3A_895, %mul3A_971 : i32
      %add3A_973 = arith.constant 5 : i32
      %add3A_974 = arith.addi %mul3A_972, %add3A_973 : i32
      %mul3A_975 = arith.constant 128 : i32
      %mul3A_976 = arith.muli %add3A_974, %mul3A_975 : i32
      %dma_start3A_977 = arith.constant 1 : i32
      %dma_start3A_978 = arith.constant 640 : i32
      %dma_start3A_979 = arith.constant 0 : i32
      %dma_start3A_980 = tpu.memref_slice %arg7[%dma_start3A_977, %dma_start3A_978, %dma_start3A_979] : memref<2x1280x32xf32, #tpu.memory_space<vmem>> -> memref<1x128x32xf32, #tpu.memory_space<vmem>>
      %dma_start3A_981 = tpu.memref_squeeze %dma_start3A_980 : memref<1x128x32xf32, #tpu.memory_space<vmem>> -> memref<128x32xf32, #tpu.memory_space<vmem>>
      %dma_start3A_982 = tpu.memref_slice %arg6[%mul3A_976] : memref<25600xi32, #tpu.memory_space<vmem>> -> memref<128xi32, #tpu.memory_space<vmem>>
      %dma_start3A_983 = arith.constant 0 : i32
      %dma_start3A_984 = arith.constant 0 : i32
      %dma_start3A_985 = tpu.memref_slice %arg2[%dma_start3A_983, %dma_start3A_984] : memref<1000000x32xf32, #tpu.memory_space<hbm>> -> memref<1000000x32xf32, #tpu.memory_space<hbm>>
      tpu.enqueue_indirect_dma source(%dma_start3A_985 : memref<1000000x32xf32, #tpu.memory_space<hbm>>) target(%dma_start3A_981 : memref<128x32xf32, #tpu.memory_space<vmem>>) offsets(%dma_start3A_982 : memref<128xi32, #tpu.memory_space<vmem>>) semaphore(%arg9 : memref<!tpu.dma_semaphore, #tpu.memory_space<semaphore_mem>>)
      %mul3A_986 = arith.constant 10 : i32
      %mul3A_987 = arith.muli %add3A_895, %mul3A_986 : i32
      %add3A_988 = arith.constant 6 : i32
      %add3A_989 = arith.addi %mul3A_987, %add3A_988 : i32
      %mul3A_990 = arith.constant 128 : i32
      %mul3A_991 = arith.muli %add3A_989, %mul3A_990 : i32
      %dma_start3A_992 = arith.constant 1 : i32
      %dma_start3A_993 = arith.constant 768 : i32
      %dma_start3A_994 = arith.constant 0 : i32
      %dma_start3A_995 = tpu.memref_slice %arg7[%dma_start3A_992, %dma_start3A_993, %dma_start3A_994] : memref<2x1280x32xf32, #tpu.memory_space<vmem>> -> memref<1x128x32xf32, #tpu.memory_space<vmem>>
      %dma_start3A_996 = tpu.memref_squeeze %dma_start3A_995 : memref<1x128x32xf32, #tpu.memory_space<vmem>> -> memref<128x32xf32, #tpu.memory_space<vmem>>
      %dma_start3A_997 = tpu.memref_slice %arg6[%mul3A_991] : memref<25600xi32, #tpu.memory_space<vmem>> -> memref<128xi32, #tpu.memory_space<vmem>>
      %dma_start3A_998 = arith.constant 0 : i32
      %dma_start3A_999 = arith.constant 0 : i32
      %dma_start3A_1000 = tpu.memref_slice %arg2[%dma_start3A_998, %dma_start3A_999] : memref<1000000x32xf32, #tpu.memory_space<hbm>> -> memref<1000000x32xf32, #tpu.memory_space<hbm>>
      tpu.enqueue_indirect_dma source(%dma_start3A_1000 : memref<1000000x32xf32, #tpu.memory_space<hbm>>) target(%dma_start3A_996 : memref<128x32xf32, #tpu.memory_space<vmem>>) offsets(%dma_start3A_997 : memref<128xi32, #tpu.memory_space<vmem>>) semaphore(%arg9 : memref<!tpu.dma_semaphore, #tpu.memory_space<semaphore_mem>>)
      %mul3A_1001 = arith.constant 10 : i32
      %mul3A_1002 = arith.muli %add3A_895, %mul3A_1001 : i32
      %add3A_1003 = arith.constant 7 : i32
      %add3A_1004 = arith.addi %mul3A_1002, %add3A_1003 : i32
      %mul3A_1005 = arith.constant 128 : i32
      %mul3A_1006 = arith.muli %add3A_1004, %mul3A_1005 : i32
      %dma_start3A_1007 = arith.constant 1 : i32
      %dma_start3A_1008 = arith.constant 896 : i32
      %dma_start3A_1009 = arith.constant 0 : i32
      %dma_start3A_1010 = tpu.memref_slice %arg7[%dma_start3A_1007, %dma_start3A_1008, %dma_start3A_1009] : memref<2x1280x32xf32, #tpu.memory_space<vmem>> -> memref<1x128x32xf32, #tpu.memory_space<vmem>>
      %dma_start3A_1011 = tpu.memref_squeeze %dma_start3A_1010 : memref<1x128x32xf32, #tpu.memory_space<vmem>> -> memref<128x32xf32, #tpu.memory_space<vmem>>
      %dma_start3A_1012 = tpu.memref_slice %arg6[%mul3A_1006] : memref<25600xi32, #tpu.memory_space<vmem>> -> memref<128xi32, #tpu.memory_space<vmem>>
      %dma_start3A_1013 = arith.constant 0 : i32
      %dma_start3A_1014 = arith.constant 0 : i32
      %dma_start3A_1015 = tpu.memref_slice %arg2[%dma_start3A_1013, %dma_start3A_1014] : memref<1000000x32xf32, #tpu.memory_space<hbm>> -> memref<1000000x32xf32, #tpu.memory_space<hbm>>
      tpu.enqueue_indirect_dma source(%dma_start3A_1015 : memref<1000000x32xf32, #tpu.memory_space<hbm>>) target(%dma_start3A_1011 : memref<128x32xf32, #tpu.memory_space<vmem>>) offsets(%dma_start3A_1012 : memref<128xi32, #tpu.memory_space<vmem>>) semaphore(%arg9 : memref<!tpu.dma_semaphore, #tpu.memory_space<semaphore_mem>>)
      %mul3A_1016 = arith.constant 10 : i32
      %mul3A_1017 = arith.muli %add3A_895, %mul3A_1016 : i32
      %add3A_1018 = arith.constant 8 : i32
      %add3A_1019 = arith.addi %mul3A_1017, %add3A_1018 : i32
      %mul3A_1020 = arith.constant 128 : i32
      %mul3A_1021 = arith.muli %add3A_1019, %mul3A_1020 : i32
      %dma_start3A_1022 = arith.constant 1 : i32
      %dma_start3A_1023 = arith.constant 1024 : i32
      %dma_start3A_1024 = arith.constant 0 : i32
      %dma_start3A_1025 = tpu.memref_slice %arg7[%dma_start3A_1022, %dma_start3A_1023, %dma_start3A_1024] : memref<2x1280x32xf32, #tpu.memory_space<vmem>> -> memref<1x128x32xf32, #tpu.memory_space<vmem>>
      %dma_start3A_1026 = tpu.memref_squeeze %dma_start3A_1025 : memref<1x128x32xf32, #tpu.memory_space<vmem>> -> memref<128x32xf32, #tpu.memory_space<vmem>>
      %dma_start3A_1027 = tpu.memref_slice %arg6[%mul3A_1021] : memref<25600xi32, #tpu.memory_space<vmem>> -> memref<128xi32, #tpu.memory_space<vmem>>
      %dma_start3A_1028 = arith.constant 0 : i32
      %dma_start3A_1029 = arith.constant 0 : i32
      %dma_start3A_1030 = tpu.memref_slice %arg2[%dma_start3A_1028, %dma_start3A_1029] : memref<1000000x32xf32, #tpu.memory_space<hbm>> -> memref<1000000x32xf32, #tpu.memory_space<hbm>>
      tpu.enqueue_indirect_dma source(%dma_start3A_1030 : memref<1000000x32xf32, #tpu.memory_space<hbm>>) target(%dma_start3A_1026 : memref<128x32xf32, #tpu.memory_space<vmem>>) offsets(%dma_start3A_1027 : memref<128xi32, #tpu.memory_space<vmem>>) semaphore(%arg9 : memref<!tpu.dma_semaphore, #tpu.memory_space<semaphore_mem>>)
      %mul3A_1031 = arith.constant 10 : i32
      %mul3A_1032 = arith.muli %add3A_895, %mul3A_1031 : i32
      %add3A_1033 = arith.constant 9 : i32
      %add3A_1034 = arith.addi %mul3A_1032, %add3A_1033 : i32
      %mul3A_1035 = arith.constant 128 : i32
      %mul3A_1036 = arith.muli %add3A_1034, %mul3A_1035 : i32
      %dma_start3A_1037 = arith.constant 1 : i32
      %dma_start3A_1038 = arith.constant 1152 : i32
      %dma_start3A_1039 = arith.constant 0 : i32
      %dma_start3A_1040 = tpu.memref_slice %arg7[%dma_start3A_1037, %dma_start3A_1038, %dma_start3A_1039] : memref<2x1280x32xf32, #tpu.memory_space<vmem>> -> memref<1x128x32xf32, #tpu.memory_space<vmem>>
      %dma_start3A_1041 = tpu.memref_squeeze %dma_start3A_1040 : memref<1x128x32xf32, #tpu.memory_space<vmem>> -> memref<128x32xf32, #tpu.memory_space<vmem>>
      %dma_start3A_1042 = tpu.memref_slice %arg6[%mul3A_1036] : memref<25600xi32, #tpu.memory_space<vmem>> -> memref<128xi32, #tpu.memory_space<vmem>>
      %dma_start3A_1043 = arith.constant 0 : i32
      %dma_start3A_1044 = arith.constant 0 : i32
      %dma_start3A_1045 = tpu.memref_slice %arg2[%dma_start3A_1043, %dma_start3A_1044] : memref<1000000x32xf32, #tpu.memory_space<hbm>> -> memref<1000000x32xf32, #tpu.memory_space<hbm>>
      tpu.enqueue_indirect_dma source(%dma_start3A_1045 : memref<1000000x32xf32, #tpu.memory_space<hbm>>) target(%dma_start3A_1041 : memref<128x32xf32, #tpu.memory_space<vmem>>) offsets(%dma_start3A_1042 : memref<128xi32, #tpu.memory_space<vmem>>) semaphore(%arg9 : memref<!tpu.dma_semaphore, #tpu.memory_space<semaphore_mem>>)
    }
    %scan3A_215 = arith.constant 9 : i32
    %dma_wait3A = arith.constant 0 : i32
    %dma_wait3A_216 = arith.constant 0 : i32
    %dma_wait3A_217 = arith.constant 0 : i32
    %dma_wait3A_218 = tpu.memref_slice %arg7[%dma_wait3A, %dma_wait3A_216, %dma_wait3A_217] : memref<2x1280x32xf32, #tpu.memory_space<vmem>> -> memref<1x128x32xf32, #tpu.memory_space<vmem>>
    %dma_wait3A_219 = tpu.memref_squeeze %dma_wait3A_218 : memref<1x128x32xf32, #tpu.memory_space<vmem>> -> memref<128x32xf32, #tpu.memory_space<vmem>>
    %dma_wait3A_220 = arith.constant 0 : i32
    %dma_wait3A_221 = tpu.memref_slice %arg6[%dma_wait3A_220] : memref<25600xi32, #tpu.memory_space<vmem>> -> memref<128xi32, #tpu.memory_space<vmem>>
    %dma_wait3A_222 = arith.constant 0 : i32
    %dma_wait3A_223 = arith.constant 0 : i32
    %dma_wait3A_224 = tpu.memref_slice %arg2[%dma_wait3A_222, %dma_wait3A_223] : memref<1000000x32xf32, #tpu.memory_space<hbm>> -> memref<1000000x32xf32, #tpu.memory_space<hbm>>
    tpu.wait_indirect_dma semaphore(%arg8 : memref<!tpu.dma_semaphore, #tpu.memory_space<semaphore_mem>>) src(%dma_wait3A_224 : memref<1000000x32xf32, #tpu.memory_space<hbm>>) dst(%dma_wait3A_219 : memref<128x32xf32, #tpu.memory_space<vmem>>)
    %dma_wait3A_225 = arith.constant 0 : i32
    %dma_wait3A_226 = arith.constant 0 : i32
    %dma_wait3A_227 = arith.constant 0 : i32
    %dma_wait3A_228 = tpu.memref_slice %arg7[%dma_wait3A_225, %dma_wait3A_226, %dma_wait3A_227] : memref<2x1280x32xf32, #tpu.memory_space<vmem>> -> memref<1x128x32xf32, #tpu.memory_space<vmem>>
    %dma_wait3A_229 = tpu.memref_squeeze %dma_wait3A_228 : memref<1x128x32xf32, #tpu.memory_space<vmem>> -> memref<128x32xf32, #tpu.memory_space<vmem>>
    %dma_wait3A_230 = arith.constant 0 : i32
    %dma_wait3A_231 = tpu.memref_slice %arg6[%dma_wait3A_230] : memref<25600xi32, #tpu.memory_space<vmem>> -> memref<128xi32, #tpu.memory_space<vmem>>
    %dma_wait3A_232 = arith.constant 0 : i32
    %dma_wait3A_233 = arith.constant 0 : i32
    %dma_wait3A_234 = tpu.memref_slice %arg2[%dma_wait3A_232, %dma_wait3A_233] : memref<1000000x32xf32, #tpu.memory_space<hbm>> -> memref<1000000x32xf32, #tpu.memory_space<hbm>>
    tpu.wait_indirect_dma semaphore(%arg8 : memref<!tpu.dma_semaphore, #tpu.memory_space<semaphore_mem>>) src(%dma_wait3A_234 : memref<1000000x32xf32, #tpu.memory_space<hbm>>) dst(%dma_wait3A_229 : memref<128x32xf32, #tpu.memory_space<vmem>>)
    %dma_wait3A_235 = arith.constant 0 : i32
    %dma_wait3A_236 = arith.constant 0 : i32
    %dma_wait3A_237 = arith.constant 0 : i32
    %dma_wait3A_238 = tpu.memref_slice %arg7[%dma_wait3A_235, %dma_wait3A_236, %dma_wait3A_237] : memref<2x1280x32xf32, #tpu.memory_space<vmem>> -> memref<1x128x32xf32, #tpu.memory_space<vmem>>
    %dma_wait3A_239 = tpu.memref_squeeze %dma_wait3A_238 : memref<1x128x32xf32, #tpu.memory_space<vmem>> -> memref<128x32xf32, #tpu.memory_space<vmem>>
    %dma_wait3A_240 = arith.constant 0 : i32
    %dma_wait3A_241 = tpu.memref_slice %arg6[%dma_wait3A_240] : memref<25600xi32, #tpu.memory_space<vmem>> -> memref<128xi32, #tpu.memory_space<vmem>>
    %dma_wait3A_242 = arith.constant 0 : i32
    %dma_wait3A_243 = arith.constant 0 : i32
    %dma_wait3A_244 = tpu.memref_slice %arg2[%dma_wait3A_242, %dma_wait3A_243] : memref<1000000x32xf32, #tpu.memory_space<hbm>> -> memref<1000000x32xf32, #tpu.memory_space<hbm>>
    tpu.wait_indirect_dma semaphore(%arg8 : memref<!tpu.dma_semaphore, #tpu.memory_space<semaphore_mem>>) src(%dma_wait3A_244 : memref<1000000x32xf32, #tpu.memory_space<hbm>>) dst(%dma_wait3A_239 : memref<128x32xf32, #tpu.memory_space<vmem>>)
    %dma_wait3A_245 = arith.constant 0 : i32
    %dma_wait3A_246 = arith.constant 0 : i32
    %dma_wait3A_247 = arith.constant 0 : i32
    %dma_wait3A_248 = tpu.memref_slice %arg7[%dma_wait3A_245, %dma_wait3A_246, %dma_wait3A_247] : memref<2x1280x32xf32, #tpu.memory_space<vmem>> -> memref<1x128x32xf32, #tpu.memory_space<vmem>>
    %dma_wait3A_249 = tpu.memref_squeeze %dma_wait3A_248 : memref<1x128x32xf32, #tpu.memory_space<vmem>> -> memref<128x32xf32, #tpu.memory_space<vmem>>
    %dma_wait3A_250 = arith.constant 0 : i32
    %dma_wait3A_251 = tpu.memref_slice %arg6[%dma_wait3A_250] : memref<25600xi32, #tpu.memory_space<vmem>> -> memref<128xi32, #tpu.memory_space<vmem>>
    %dma_wait3A_252 = arith.constant 0 : i32
    %dma_wait3A_253 = arith.constant 0 : i32
    %dma_wait3A_254 = tpu.memref_slice %arg2[%dma_wait3A_252, %dma_wait3A_253] : memref<1000000x32xf32, #tpu.memory_space<hbm>> -> memref<1000000x32xf32, #tpu.memory_space<hbm>>
    tpu.wait_indirect_dma semaphore(%arg8 : memref<!tpu.dma_semaphore, #tpu.memory_space<semaphore_mem>>) src(%dma_wait3A_254 : memref<1000000x32xf32, #tpu.memory_space<hbm>>) dst(%dma_wait3A_249 : memref<128x32xf32, #tpu.memory_space<vmem>>)
    %dma_wait3A_255 = arith.constant 0 : i32
    %dma_wait3A_256 = arith.constant 0 : i32
    %dma_wait3A_257 = arith.constant 0 : i32
    %dma_wait3A_258 = tpu.memref_slice %arg7[%dma_wait3A_255, %dma_wait3A_256, %dma_wait3A_257] : memref<2x1280x32xf32, #tpu.memory_space<vmem>> -> memref<1x128x32xf32, #tpu.memory_space<vmem>>
    %dma_wait3A_259 = tpu.memref_squeeze %dma_wait3A_258 : memref<1x128x32xf32, #tpu.memory_space<vmem>> -> memref<128x32xf32, #tpu.memory_space<vmem>>
    %dma_wait3A_260 = arith.constant 0 : i32
    %dma_wait3A_261 = tpu.memref_slice %arg6[%dma_wait3A_260] : memref<25600xi32, #tpu.memory_space<vmem>> -> memref<128xi32, #tpu.memory_space<vmem>>
    %dma_wait3A_262 = arith.constant 0 : i32
    %dma_wait3A_263 = arith.constant 0 : i32
    %dma_wait3A_264 = tpu.memref_slice %arg2[%dma_wait3A_262, %dma_wait3A_263] : memref<1000000x32xf32, #tpu.memory_space<hbm>> -> memref<1000000x32xf32, #tpu.memory_space<hbm>>
    tpu.wait_indirect_dma semaphore(%arg8 : memref<!tpu.dma_semaphore, #tpu.memory_space<semaphore_mem>>) src(%dma_wait3A_264 : memref<1000000x32xf32, #tpu.memory_space<hbm>>) dst(%dma_wait3A_259 : memref<128x32xf32, #tpu.memory_space<vmem>>)
    %dma_wait3A_265 = arith.constant 0 : i32
    %dma_wait3A_266 = arith.constant 0 : i32
    %dma_wait3A_267 = arith.constant 0 : i32
    %dma_wait3A_268 = tpu.memref_slice %arg7[%dma_wait3A_265, %dma_wait3A_266, %dma_wait3A_267] : memref<2x1280x32xf32, #tpu.memory_space<vmem>> -> memref<1x128x32xf32, #tpu.memory_space<vmem>>
    %dma_wait3A_269 = tpu.memref_squeeze %dma_wait3A_268 : memref<1x128x32xf32, #tpu.memory_space<vmem>> -> memref<128x32xf32, #tpu.memory_space<vmem>>
    %dma_wait3A_270 = arith.constant 0 : i32
    %dma_wait3A_271 = tpu.memref_slice %arg6[%dma_wait3A_270] : memref<25600xi32, #tpu.memory_space<vmem>> -> memref<128xi32, #tpu.memory_space<vmem>>
    %dma_wait3A_272 = arith.constant 0 : i32
    %dma_wait3A_273 = arith.constant 0 : i32
    %dma_wait3A_274 = tpu.memref_slice %arg2[%dma_wait3A_272, %dma_wait3A_273] : memref<1000000x32xf32, #tpu.memory_space<hbm>> -> memref<1000000x32xf32, #tpu.memory_space<hbm>>
    tpu.wait_indirect_dma semaphore(%arg8 : memref<!tpu.dma_semaphore, #tpu.memory_space<semaphore_mem>>) src(%dma_wait3A_274 : memref<1000000x32xf32, #tpu.memory_space<hbm>>) dst(%dma_wait3A_269 : memref<128x32xf32, #tpu.memory_space<vmem>>)
    %dma_wait3A_275 = arith.constant 0 : i32
    %dma_wait3A_276 = arith.constant 0 : i32
    %dma_wait3A_277 = arith.constant 0 : i32
    %dma_wait3A_278 = tpu.memref_slice %arg7[%dma_wait3A_275, %dma_wait3A_276, %dma_wait3A_277] : memref<2x1280x32xf32, #tpu.memory_space<vmem>> -> memref<1x128x32xf32, #tpu.memory_space<vmem>>
    %dma_wait3A_279 = tpu.memref_squeeze %dma_wait3A_278 : memref<1x128x32xf32, #tpu.memory_space<vmem>> -> memref<128x32xf32, #tpu.memory_space<vmem>>
    %dma_wait3A_280 = arith.constant 0 : i32
    %dma_wait3A_281 = tpu.memref_slice %arg6[%dma_wait3A_280] : memref<25600xi32, #tpu.memory_space<vmem>> -> memref<128xi32, #tpu.memory_space<vmem>>
    %dma_wait3A_282 = arith.constant 0 : i32
    %dma_wait3A_283 = arith.constant 0 : i32
    %dma_wait3A_284 = tpu.memref_slice %arg2[%dma_wait3A_282, %dma_wait3A_283] : memref<1000000x32xf32, #tpu.memory_space<hbm>> -> memref<1000000x32xf32, #tpu.memory_space<hbm>>
    tpu.wait_indirect_dma semaphore(%arg8 : memref<!tpu.dma_semaphore, #tpu.memory_space<semaphore_mem>>) src(%dma_wait3A_284 : memref<1000000x32xf32, #tpu.memory_space<hbm>>) dst(%dma_wait3A_279 : memref<128x32xf32, #tpu.memory_space<vmem>>)
    %dma_wait3A_285 = arith.constant 0 : i32
    %dma_wait3A_286 = arith.constant 0 : i32
    %dma_wait3A_287 = arith.constant 0 : i32
    %dma_wait3A_288 = tpu.memref_slice %arg7[%dma_wait3A_285, %dma_wait3A_286, %dma_wait3A_287] : memref<2x1280x32xf32, #tpu.memory_space<vmem>> -> memref<1x128x32xf32, #tpu.memory_space<vmem>>
    %dma_wait3A_289 = tpu.memref_squeeze %dma_wait3A_288 : memref<1x128x32xf32, #tpu.memory_space<vmem>> -> memref<128x32xf32, #tpu.memory_space<vmem>>
    %dma_wait3A_290 = arith.constant 0 : i32
    %dma_wait3A_291 = tpu.memref_slice %arg6[%dma_wait3A_290] : memref<25600xi32, #tpu.memory_space<vmem>> -> memref<128xi32, #tpu.memory_space<vmem>>
    %dma_wait3A_292 = arith.constant 0 : i32
    %dma_wait3A_293 = arith.constant 0 : i32
    %dma_wait3A_294 = tpu.memref_slice %arg2[%dma_wait3A_292, %dma_wait3A_293] : memref<1000000x32xf32, #tpu.memory_space<hbm>> -> memref<1000000x32xf32, #tpu.memory_space<hbm>>
    tpu.wait_indirect_dma semaphore(%arg8 : memref<!tpu.dma_semaphore, #tpu.memory_space<semaphore_mem>>) src(%dma_wait3A_294 : memref<1000000x32xf32, #tpu.memory_space<hbm>>) dst(%dma_wait3A_289 : memref<128x32xf32, #tpu.memory_space<vmem>>)
    %dma_wait3A_295 = arith.constant 0 : i32
    %dma_wait3A_296 = arith.constant 0 : i32
    %dma_wait3A_297 = arith.constant 0 : i32
    %dma_wait3A_298 = tpu.memref_slice %arg7[%dma_wait3A_295, %dma_wait3A_296, %dma_wait3A_297] : memref<2x1280x32xf32, #tpu.memory_space<vmem>> -> memref<1x128x32xf32, #tpu.memory_space<vmem>>
    %dma_wait3A_299 = tpu.memref_squeeze %dma_wait3A_298 : memref<1x128x32xf32, #tpu.memory_space<vmem>> -> memref<128x32xf32, #tpu.memory_space<vmem>>
    %dma_wait3A_300 = arith.constant 0 : i32
    %dma_wait3A_301 = tpu.memref_slice %arg6[%dma_wait3A_300] : memref<25600xi32, #tpu.memory_space<vmem>> -> memref<128xi32, #tpu.memory_space<vmem>>
    %dma_wait3A_302 = arith.constant 0 : i32
    %dma_wait3A_303 = arith.constant 0 : i32
    %dma_wait3A_304 = tpu.memref_slice %arg2[%dma_wait3A_302, %dma_wait3A_303] : memref<1000000x32xf32, #tpu.memory_space<hbm>> -> memref<1000000x32xf32, #tpu.memory_space<hbm>>
    tpu.wait_indirect_dma semaphore(%arg8 : memref<!tpu.dma_semaphore, #tpu.memory_space<semaphore_mem>>) src(%dma_wait3A_304 : memref<1000000x32xf32, #tpu.memory_space<hbm>>) dst(%dma_wait3A_299 : memref<128x32xf32, #tpu.memory_space<vmem>>)
    %dma_wait3A_305 = arith.constant 0 : i32
    %dma_wait3A_306 = arith.constant 0 : i32
    %dma_wait3A_307 = arith.constant 0 : i32
    %dma_wait3A_308 = tpu.memref_slice %arg7[%dma_wait3A_305, %dma_wait3A_306, %dma_wait3A_307] : memref<2x1280x32xf32, #tpu.memory_space<vmem>> -> memref<1x128x32xf32, #tpu.memory_space<vmem>>
    %dma_wait3A_309 = tpu.memref_squeeze %dma_wait3A_308 : memref<1x128x32xf32, #tpu.memory_space<vmem>> -> memref<128x32xf32, #tpu.memory_space<vmem>>
    %dma_wait3A_310 = arith.constant 0 : i32
    %dma_wait3A_311 = tpu.memref_slice %arg6[%dma_wait3A_310] : memref<25600xi32, #tpu.memory_space<vmem>> -> memref<128xi32, #tpu.memory_space<vmem>>
    %dma_wait3A_312 = arith.constant 0 : i32
    %dma_wait3A_313 = arith.constant 0 : i32
    %dma_wait3A_314 = tpu.memref_slice %arg2[%dma_wait3A_312, %dma_wait3A_313] : memref<1000000x32xf32, #tpu.memory_space<hbm>> -> memref<1000000x32xf32, #tpu.memory_space<hbm>>
    tpu.wait_indirect_dma semaphore(%arg8 : memref<!tpu.dma_semaphore, #tpu.memory_space<semaphore_mem>>) src(%dma_wait3A_314 : memref<1000000x32xf32, #tpu.memory_space<hbm>>) dst(%dma_wait3A_309 : memref<128x32xf32, #tpu.memory_space<vmem>>)
    %add3A_315 = arith.constant 23040 : i32
    %add3A_316 = arith.addi %mul3A_2, %add3A_315 : i32
    %dma_start3A_317 = arith.constant 0 : i32
    %dma_start3A_318 = arith.constant 0 : i32
    %dma_start3A_319 = arith.constant 0 : i32
    %dma_start3A_320 = tpu.memref_slice %arg7[%dma_start3A_317, %dma_start3A_318, %dma_start3A_319] : memref<2x1280x32xf32, #tpu.memory_space<vmem>> -> memref<1x1280x32xf32, #tpu.memory_space<vmem>>
    %dma_start3A_321 = tpu.memref_squeeze %dma_start3A_320 : memref<1x1280x32xf32, #tpu.memory_space<vmem>> -> memref<1280x32xf32, #tpu.memory_space<vmem>>
    %dma_start3A_322 = arith.constant 0 : i32
    %dma_start3A_323 = tpu.memref_slice %arg4[%add3A_316, %dma_start3A_322] : memref<819200x32xf32, #tpu.memory_space<hbm>> -> memref<1280x32xf32, #tpu.memory_space<hbm>>
    %dma_start3A_324 = arith.constant 0 : i32
    %dma_start3A_325 = tpu.memref_slice %arg4[%add3A_316, %dma_start3A_324] : memref<819200x32xf32, #tpu.memory_space<hbm>> -> memref<1280x32xf32, #tpu.memory_space<hbm>>
    %dma_start3A_326 = arith.constant 0 : i32
    %dma_start3A_327 = arith.constant 0 : i32
    %dma_start3A_328 = tpu.memref_slice %arg7[%dma_start3A_317, %dma_start3A_326, %dma_start3A_327] : memref<2x1280x32xf32, #tpu.memory_space<vmem>> -> memref<1x1280x32xf32, #tpu.memory_space<vmem>>
    %dma_start3A_329 = tpu.memref_squeeze %dma_start3A_328 : memref<1x1280x32xf32, #tpu.memory_space<vmem>> -> memref<1280x32xf32, #tpu.memory_space<vmem>>
    tpu.enqueue_dma source(%dma_start3A_329 : memref<1280x32xf32, #tpu.memory_space<vmem>>) target(%dma_start3A_325 : memref<1280x32xf32, #tpu.memory_space<hbm>>) target_semaphore(%arg10 : memref<!tpu.dma_semaphore, #tpu.memory_space<semaphore_mem>>)
    %dma_wait3A_330 = arith.constant 1 : i32
    %dma_wait3A_331 = arith.constant 0 : i32
    %dma_wait3A_332 = arith.constant 0 : i32
    %dma_wait3A_333 = tpu.memref_slice %arg7[%dma_wait3A_330, %dma_wait3A_331, %dma_wait3A_332] : memref<2x1280x32xf32, #tpu.memory_space<vmem>> -> memref<1x128x32xf32, #tpu.memory_space<vmem>>
    %dma_wait3A_334 = tpu.memref_squeeze %dma_wait3A_333 : memref<1x128x32xf32, #tpu.memory_space<vmem>> -> memref<128x32xf32, #tpu.memory_space<vmem>>
    %dma_wait3A_335 = arith.constant 0 : i32
    %dma_wait3A_336 = tpu.memref_slice %arg6[%dma_wait3A_335] : memref<25600xi32, #tpu.memory_space<vmem>> -> memref<128xi32, #tpu.memory_space<vmem>>
    %dma_wait3A_337 = arith.constant 0 : i32
    %dma_wait3A_338 = arith.constant 0 : i32
    %dma_wait3A_339 = tpu.memref_slice %arg2[%dma_wait3A_337, %dma_wait3A_338] : memref<1000000x32xf32, #tpu.memory_space<hbm>> -> memref<1000000x32xf32, #tpu.memory_space<hbm>>
    tpu.wait_indirect_dma semaphore(%arg9 : memref<!tpu.dma_semaphore, #tpu.memory_space<semaphore_mem>>) src(%dma_wait3A_339 : memref<1000000x32xf32, #tpu.memory_space<hbm>>) dst(%dma_wait3A_334 : memref<128x32xf32, #tpu.memory_space<vmem>>)
    %dma_wait3A_340 = arith.constant 1 : i32
    %dma_wait3A_341 = arith.constant 0 : i32
    %dma_wait3A_342 = arith.constant 0 : i32
    %dma_wait3A_343 = tpu.memref_slice %arg7[%dma_wait3A_340, %dma_wait3A_341, %dma_wait3A_342] : memref<2x1280x32xf32, #tpu.memory_space<vmem>> -> memref<1x128x32xf32, #tpu.memory_space<vmem>>
    %dma_wait3A_344 = tpu.memref_squeeze %dma_wait3A_343 : memref<1x128x32xf32, #tpu.memory_space<vmem>> -> memref<128x32xf32, #tpu.memory_space<vmem>>
    %dma_wait3A_345 = arith.constant 0 : i32
    %dma_wait3A_346 = tpu.memref_slice %arg6[%dma_wait3A_345] : memref<25600xi32, #tpu.memory_space<vmem>> -> memref<128xi32, #tpu.memory_space<vmem>>
    %dma_wait3A_347 = arith.constant 0 : i32
    %dma_wait3A_348 = arith.constant 0 : i32
    %dma_wait3A_349 = tpu.memref_slice %arg2[%dma_wait3A_347, %dma_wait3A_348] : memref<1000000x32xf32, #tpu.memory_space<hbm>> -> memref<1000000x32xf32, #tpu.memory_space<hbm>>
    tpu.wait_indirect_dma semaphore(%arg9 : memref<!tpu.dma_semaphore, #tpu.memory_space<semaphore_mem>>) src(%dma_wait3A_349 : memref<1000000x32xf32, #tpu.memory_space<hbm>>) dst(%dma_wait3A_344 : memref<128x32xf32, #tpu.memory_space<vmem>>)
    %dma_wait3A_350 = arith.constant 1 : i32
    %dma_wait3A_351 = arith.constant 0 : i32
    %dma_wait3A_352 = arith.constant 0 : i32
    %dma_wait3A_353 = tpu.memref_slice %arg7[%dma_wait3A_350, %dma_wait3A_351, %dma_wait3A_352] : memref<2x1280x32xf32, #tpu.memory_space<vmem>> -> memref<1x128x32xf32, #tpu.memory_space<vmem>>
    %dma_wait3A_354 = tpu.memref_squeeze %dma_wait3A_353 : memref<1x128x32xf32, #tpu.memory_space<vmem>> -> memref<128x32xf32, #tpu.memory_space<vmem>>
    %dma_wait3A_355 = arith.constant 0 : i32
    %dma_wait3A_356 = tpu.memref_slice %arg6[%dma_wait3A_355] : memref<25600xi32, #tpu.memory_space<vmem>> -> memref<128xi32, #tpu.memory_space<vmem>>
    %dma_wait3A_357 = arith.constant 0 : i32
    %dma_wait3A_358 = arith.constant 0 : i32
    %dma_wait3A_359 = tpu.memref_slice %arg2[%dma_wait3A_357, %dma_wait3A_358] : memref<1000000x32xf32, #tpu.memory_space<hbm>> -> memref<1000000x32xf32, #tpu.memory_space<hbm>>
    tpu.wait_indirect_dma semaphore(%arg9 : memref<!tpu.dma_semaphore, #tpu.memory_space<semaphore_mem>>) src(%dma_wait3A_359 : memref<1000000x32xf32, #tpu.memory_space<hbm>>) dst(%dma_wait3A_354 : memref<128x32xf32, #tpu.memory_space<vmem>>)
    %dma_wait3A_360 = arith.constant 1 : i32
    %dma_wait3A_361 = arith.constant 0 : i32
    %dma_wait3A_362 = arith.constant 0 : i32
    %dma_wait3A_363 = tpu.memref_slice %arg7[%dma_wait3A_360, %dma_wait3A_361, %dma_wait3A_362] : memref<2x1280x32xf32, #tpu.memory_space<vmem>> -> memref<1x128x32xf32, #tpu.memory_space<vmem>>
    %dma_wait3A_364 = tpu.memref_squeeze %dma_wait3A_363 : memref<1x128x32xf32, #tpu.memory_space<vmem>> -> memref<128x32xf32, #tpu.memory_space<vmem>>
    %dma_wait3A_365 = arith.constant 0 : i32
    %dma_wait3A_366 = tpu.memref_slice %arg6[%dma_wait3A_365] : memref<25600xi32, #tpu.memory_space<vmem>> -> memref<128xi32, #tpu.memory_space<vmem>>
    %dma_wait3A_367 = arith.constant 0 : i32
    %dma_wait3A_368 = arith.constant 0 : i32
    %dma_wait3A_369 = tpu.memref_slice %arg2[%dma_wait3A_367, %dma_wait3A_368] : memref<1000000x32xf32, #tpu.memory_space<hbm>> -> memref<1000000x32xf32, #tpu.memory_space<hbm>>
    tpu.wait_indirect_dma semaphore(%arg9 : memref<!tpu.dma_semaphore, #tpu.memory_space<semaphore_mem>>) src(%dma_wait3A_369 : memref<1000000x32xf32, #tpu.memory_space<hbm>>) dst(%dma_wait3A_364 : memref<128x32xf32, #tpu.memory_space<vmem>>)
    %dma_wait3A_370 = arith.constant 1 : i32
    %dma_wait3A_371 = arith.constant 0 : i32
    %dma_wait3A_372 = arith.constant 0 : i32
    %dma_wait3A_373 = tpu.memref_slice %arg7[%dma_wait3A_370, %dma_wait3A_371, %dma_wait3A_372] : memref<2x1280x32xf32, #tpu.memory_space<vmem>> -> memref<1x128x32xf32, #tpu.memory_space<vmem>>
    %dma_wait3A_374 = tpu.memref_squeeze %dma_wait3A_373 : memref<1x128x32xf32, #tpu.memory_space<vmem>> -> memref<128x32xf32, #tpu.memory_space<vmem>>
    %dma_wait3A_375 = arith.constant 0 : i32
    %dma_wait3A_376 = tpu.memref_slice %arg6[%dma_wait3A_375] : memref<25600xi32, #tpu.memory_space<vmem>> -> memref<128xi32, #tpu.memory_space<vmem>>
    %dma_wait3A_377 = arith.constant 0 : i32
    %dma_wait3A_378 = arith.constant 0 : i32
    %dma_wait3A_379 = tpu.memref_slice %arg2[%dma_wait3A_377, %dma_wait3A_378] : memref<1000000x32xf32, #tpu.memory_space<hbm>> -> memref<1000000x32xf32, #tpu.memory_space<hbm>>
    tpu.wait_indirect_dma semaphore(%arg9 : memref<!tpu.dma_semaphore, #tpu.memory_space<semaphore_mem>>) src(%dma_wait3A_379 : memref<1000000x32xf32, #tpu.memory_space<hbm>>) dst(%dma_wait3A_374 : memref<128x32xf32, #tpu.memory_space<vmem>>)
    %dma_wait3A_380 = arith.constant 1 : i32
    %dma_wait3A_381 = arith.constant 0 : i32
    %dma_wait3A_382 = arith.constant 0 : i32
    %dma_wait3A_383 = tpu.memref_slice %arg7[%dma_wait3A_380, %dma_wait3A_381, %dma_wait3A_382] : memref<2x1280x32xf32, #tpu.memory_space<vmem>> -> memref<1x128x32xf32, #tpu.memory_space<vmem>>
    %dma_wait3A_384 = tpu.memref_squeeze %dma_wait3A_383 : memref<1x128x32xf32, #tpu.memory_space<vmem>> -> memref<128x32xf32, #tpu.memory_space<vmem>>
    %dma_wait3A_385 = arith.constant 0 : i32
    %dma_wait3A_386 = tpu.memref_slice %arg6[%dma_wait3A_385] : memref<25600xi32, #tpu.memory_space<vmem>> -> memref<128xi32, #tpu.memory_space<vmem>>
    %dma_wait3A_387 = arith.constant 0 : i32
    %dma_wait3A_388 = arith.constant 0 : i32
    %dma_wait3A_389 = tpu.memref_slice %arg2[%dma_wait3A_387, %dma_wait3A_388] : memref<1000000x32xf32, #tpu.memory_space<hbm>> -> memref<1000000x32xf32, #tpu.memory_space<hbm>>
    tpu.wait_indirect_dma semaphore(%arg9 : memref<!tpu.dma_semaphore, #tpu.memory_space<semaphore_mem>>) src(%dma_wait3A_389 : memref<1000000x32xf32, #tpu.memory_space<hbm>>) dst(%dma_wait3A_384 : memref<128x32xf32, #tpu.memory_space<vmem>>)
    %dma_wait3A_390 = arith.constant 1 : i32
    %dma_wait3A_391 = arith.constant 0 : i32
    %dma_wait3A_392 = arith.constant 0 : i32
    %dma_wait3A_393 = tpu.memref_slice %arg7[%dma_wait3A_390, %dma_wait3A_391, %dma_wait3A_392] : memref<2x1280x32xf32, #tpu.memory_space<vmem>> -> memref<1x128x32xf32, #tpu.memory_space<vmem>>
    %dma_wait3A_394 = tpu.memref_squeeze %dma_wait3A_393 : memref<1x128x32xf32, #tpu.memory_space<vmem>> -> memref<128x32xf32, #tpu.memory_space<vmem>>
    %dma_wait3A_395 = arith.constant 0 : i32
    %dma_wait3A_396 = tpu.memref_slice %arg6[%dma_wait3A_395] : memref<25600xi32, #tpu.memory_space<vmem>> -> memref<128xi32, #tpu.memory_space<vmem>>
    %dma_wait3A_397 = arith.constant 0 : i32
    %dma_wait3A_398 = arith.constant 0 : i32
    %dma_wait3A_399 = tpu.memref_slice %arg2[%dma_wait3A_397, %dma_wait3A_398] : memref<1000000x32xf32, #tpu.memory_space<hbm>> -> memref<1000000x32xf32, #tpu.memory_space<hbm>>
    tpu.wait_indirect_dma semaphore(%arg9 : memref<!tpu.dma_semaphore, #tpu.memory_space<semaphore_mem>>) src(%dma_wait3A_399 : memref<1000000x32xf32, #tpu.memory_space<hbm>>) dst(%dma_wait3A_394 : memref<128x32xf32, #tpu.memory_space<vmem>>)
    %dma_wait3A_400 = arith.constant 1 : i32
    %dma_wait3A_401 = arith.constant 0 : i32
    %dma_wait3A_402 = arith.constant 0 : i32
    %dma_wait3A_403 = tpu.memref_slice %arg7[%dma_wait3A_400, %dma_wait3A_401, %dma_wait3A_402] : memref<2x1280x32xf32, #tpu.memory_space<vmem>> -> memref<1x128x32xf32, #tpu.memory_space<vmem>>
    %dma_wait3A_404 = tpu.memref_squeeze %dma_wait3A_403 : memref<1x128x32xf32, #tpu.memory_space<vmem>> -> memref<128x32xf32, #tpu.memory_space<vmem>>
    %dma_wait3A_405 = arith.constant 0 : i32
    %dma_wait3A_406 = tpu.memref_slice %arg6[%dma_wait3A_405] : memref<25600xi32, #tpu.memory_space<vmem>> -> memref<128xi32, #tpu.memory_space<vmem>>
    %dma_wait3A_407 = arith.constant 0 : i32
    %dma_wait3A_408 = arith.constant 0 : i32
    %dma_wait3A_409 = tpu.memref_slice %arg2[%dma_wait3A_407, %dma_wait3A_408] : memref<1000000x32xf32, #tpu.memory_space<hbm>> -> memref<1000000x32xf32, #tpu.memory_space<hbm>>
    tpu.wait_indirect_dma semaphore(%arg9 : memref<!tpu.dma_semaphore, #tpu.memory_space<semaphore_mem>>) src(%dma_wait3A_409 : memref<1000000x32xf32, #tpu.memory_space<hbm>>) dst(%dma_wait3A_404 : memref<128x32xf32, #tpu.memory_space<vmem>>)
    %dma_wait3A_410 = arith.constant 1 : i32
    %dma_wait3A_411 = arith.constant 0 : i32
    %dma_wait3A_412 = arith.constant 0 : i32
    %dma_wait3A_413 = tpu.memref_slice %arg7[%dma_wait3A_410, %dma_wait3A_411, %dma_wait3A_412] : memref<2x1280x32xf32, #tpu.memory_space<vmem>> -> memref<1x128x32xf32, #tpu.memory_space<vmem>>
    %dma_wait3A_414 = tpu.memref_squeeze %dma_wait3A_413 : memref<1x128x32xf32, #tpu.memory_space<vmem>> -> memref<128x32xf32, #tpu.memory_space<vmem>>
    %dma_wait3A_415 = arith.constant 0 : i32
    %dma_wait3A_416 = tpu.memref_slice %arg6[%dma_wait3A_415] : memref<25600xi32, #tpu.memory_space<vmem>> -> memref<128xi32, #tpu.memory_space<vmem>>
    %dma_wait3A_417 = arith.constant 0 : i32
    %dma_wait3A_418 = arith.constant 0 : i32
    %dma_wait3A_419 = tpu.memref_slice %arg2[%dma_wait3A_417, %dma_wait3A_418] : memref<1000000x32xf32, #tpu.memory_space<hbm>> -> memref<1000000x32xf32, #tpu.memory_space<hbm>>
    tpu.wait_indirect_dma semaphore(%arg9 : memref<!tpu.dma_semaphore, #tpu.memory_space<semaphore_mem>>) src(%dma_wait3A_419 : memref<1000000x32xf32, #tpu.memory_space<hbm>>) dst(%dma_wait3A_414 : memref<128x32xf32, #tpu.memory_space<vmem>>)
    %dma_wait3A_420 = arith.constant 1 : i32
    %dma_wait3A_421 = arith.constant 0 : i32
    %dma_wait3A_422 = arith.constant 0 : i32
    %dma_wait3A_423 = tpu.memref_slice %arg7[%dma_wait3A_420, %dma_wait3A_421, %dma_wait3A_422] : memref<2x1280x32xf32, #tpu.memory_space<vmem>> -> memref<1x128x32xf32, #tpu.memory_space<vmem>>
    %dma_wait3A_424 = tpu.memref_squeeze %dma_wait3A_423 : memref<1x128x32xf32, #tpu.memory_space<vmem>> -> memref<128x32xf32, #tpu.memory_space<vmem>>
    %dma_wait3A_425 = arith.constant 0 : i32
    %dma_wait3A_426 = tpu.memref_slice %arg6[%dma_wait3A_425] : memref<25600xi32, #tpu.memory_space<vmem>> -> memref<128xi32, #tpu.memory_space<vmem>>
    %dma_wait3A_427 = arith.constant 0 : i32
    %dma_wait3A_428 = arith.constant 0 : i32
    %dma_wait3A_429 = tpu.memref_slice %arg2[%dma_wait3A_427, %dma_wait3A_428] : memref<1000000x32xf32, #tpu.memory_space<hbm>> -> memref<1000000x32xf32, #tpu.memory_space<hbm>>
    tpu.wait_indirect_dma semaphore(%arg9 : memref<!tpu.dma_semaphore, #tpu.memory_space<semaphore_mem>>) src(%dma_wait3A_429 : memref<1000000x32xf32, #tpu.memory_space<hbm>>) dst(%dma_wait3A_424 : memref<128x32xf32, #tpu.memory_space<vmem>>)
    %add3A_430 = arith.constant 24320 : i32
    %add3A_431 = arith.addi %mul3A_2, %add3A_430 : i32
    %dma_start3A_432 = arith.constant 1 : i32
    %dma_start3A_433 = arith.constant 0 : i32
    %dma_start3A_434 = arith.constant 0 : i32
    %dma_start3A_435 = tpu.memref_slice %arg7[%dma_start3A_432, %dma_start3A_433, %dma_start3A_434] : memref<2x1280x32xf32, #tpu.memory_space<vmem>> -> memref<1x1280x32xf32, #tpu.memory_space<vmem>>
    %dma_start3A_436 = tpu.memref_squeeze %dma_start3A_435 : memref<1x1280x32xf32, #tpu.memory_space<vmem>> -> memref<1280x32xf32, #tpu.memory_space<vmem>>
    %dma_start3A_437 = arith.constant 0 : i32
    %dma_start3A_438 = tpu.memref_slice %arg4[%add3A_431, %dma_start3A_437] : memref<819200x32xf32, #tpu.memory_space<hbm>> -> memref<1280x32xf32, #tpu.memory_space<hbm>>
    %dma_start3A_439 = arith.constant 0 : i32
    %dma_start3A_440 = tpu.memref_slice %arg4[%add3A_431, %dma_start3A_439] : memref<819200x32xf32, #tpu.memory_space<hbm>> -> memref<1280x32xf32, #tpu.memory_space<hbm>>
    %dma_start3A_441 = arith.constant 0 : i32
    %dma_start3A_442 = arith.constant 0 : i32
    %dma_start3A_443 = tpu.memref_slice %arg7[%dma_start3A_432, %dma_start3A_441, %dma_start3A_442] : memref<2x1280x32xf32, #tpu.memory_space<vmem>> -> memref<1x1280x32xf32, #tpu.memory_space<vmem>>
    %dma_start3A_444 = tpu.memref_squeeze %dma_start3A_443 : memref<1x1280x32xf32, #tpu.memory_space<vmem>> -> memref<1280x32xf32, #tpu.memory_space<vmem>>
    tpu.enqueue_dma source(%dma_start3A_444 : memref<1280x32xf32, #tpu.memory_space<vmem>>) target(%dma_start3A_440 : memref<1280x32xf32, #tpu.memory_space<hbm>>) target_semaphore(%arg11 : memref<!tpu.dma_semaphore, #tpu.memory_space<semaphore_mem>>)
    %dma_wait3A_445 = arith.constant 0 : i32
    %dma_wait3A_446 = arith.constant 0 : i32
    %dma_wait3A_447 = arith.constant 0 : i32
    %dma_wait3A_448 = tpu.memref_slice %arg7[%dma_wait3A_445, %dma_wait3A_446, %dma_wait3A_447] : memref<2x1280x32xf32, #tpu.memory_space<vmem>> -> memref<1x1280x32xf32, #tpu.memory_space<vmem>>
    %dma_wait3A_449 = tpu.memref_squeeze %dma_wait3A_448 : memref<1x1280x32xf32, #tpu.memory_space<vmem>> -> memref<1280x32xf32, #tpu.memory_space<vmem>>
    %dma_wait3A_450 = arith.constant 0 : i32
    %dma_wait3A_451 = arith.constant 0 : i32
    %dma_wait3A_452 = tpu.memref_slice %arg4[%dma_wait3A_450, %dma_wait3A_451] : memref<819200x32xf32, #tpu.memory_space<hbm>> -> memref<1280x32xf32, #tpu.memory_space<hbm>>
    %dma_wait3A_453 = arith.constant 0 : i32
    %dma_wait3A_454 = arith.constant 0 : i32
    %dma_wait3A_455 = tpu.memref_slice %arg4[%dma_wait3A_453, %dma_wait3A_454] : memref<819200x32xf32, #tpu.memory_space<hbm>> -> memref<1280x32xf32, #tpu.memory_space<hbm>>
    %dma_wait3A_456 = arith.constant 0 : i32
    %dma_wait3A_457 = arith.constant 0 : i32
    %dma_wait3A_458 = tpu.memref_slice %arg7[%dma_wait3A_445, %dma_wait3A_456, %dma_wait3A_457] : memref<2x1280x32xf32, #tpu.memory_space<vmem>> -> memref<1x1280x32xf32, #tpu.memory_space<vmem>>
    %dma_wait3A_459 = tpu.memref_squeeze %dma_wait3A_458 : memref<1x1280x32xf32, #tpu.memory_space<vmem>> -> memref<1280x32xf32, #tpu.memory_space<vmem>>
    tpu.wait_dma2 semaphore(%arg10 : memref<!tpu.dma_semaphore, #tpu.memory_space<semaphore_mem>>) src(%dma_wait3A_459 : memref<1280x32xf32, #tpu.memory_space<vmem>>) dst(%dma_wait3A_455 : memref<1280x32xf32, #tpu.memory_space<hbm>>)
    %dma_wait3A_460 = arith.constant 0 : i32
    %dma_wait3A_461 = arith.constant 0 : i32
    %dma_wait3A_462 = arith.constant 0 : i32
    %dma_wait3A_463 = tpu.memref_slice %arg7[%dma_wait3A_460, %dma_wait3A_461, %dma_wait3A_462] : memref<2x1280x32xf32, #tpu.memory_space<vmem>> -> memref<1x1280x32xf32, #tpu.memory_space<vmem>>
    %dma_wait3A_464 = tpu.memref_squeeze %dma_wait3A_463 : memref<1x1280x32xf32, #tpu.memory_space<vmem>> -> memref<1280x32xf32, #tpu.memory_space<vmem>>
    %dma_wait3A_465 = arith.constant 0 : i32
    %dma_wait3A_466 = arith.constant 0 : i32
    %dma_wait3A_467 = tpu.memref_slice %arg4[%dma_wait3A_465, %dma_wait3A_466] : memref<819200x32xf32, #tpu.memory_space<hbm>> -> memref<1280x32xf32, #tpu.memory_space<hbm>>
    %dma_wait3A_468 = arith.constant 0 : i32
    %dma_wait3A_469 = arith.constant 0 : i32
    %dma_wait3A_470 = tpu.memref_slice %arg4[%dma_wait3A_468, %dma_wait3A_469] : memref<819200x32xf32, #tpu.memory_space<hbm>> -> memref<1280x32xf32, #tpu.memory_space<hbm>>
    %dma_wait3A_471 = arith.constant 0 : i32
    %dma_wait3A_472 = arith.constant 0 : i32
    %dma_wait3A_473 = tpu.memref_slice %arg7[%dma_wait3A_460, %dma_wait3A_471, %dma_wait3A_472] : memref<2x1280x32xf32, #tpu.memory_space<vmem>> -> memref<1x1280x32xf32, #tpu.memory_space<vmem>>
    %dma_wait3A_474 = tpu.memref_squeeze %dma_wait3A_473 : memref<1x1280x32xf32, #tpu.memory_space<vmem>> -> memref<1280x32xf32, #tpu.memory_space<vmem>>
    tpu.wait_dma2 semaphore(%arg11 : memref<!tpu.dma_semaphore, #tpu.memory_space<semaphore_mem>>) src(%dma_wait3A_474 : memref<1280x32xf32, #tpu.memory_space<vmem>>) dst(%dma_wait3A_470 : memref<1280x32xf32, #tpu.memory_space<hbm>>)
    return
  }
}

module attributes {stable_mosaic.version = 14 : i64} {
  func.func @body(%arg0: i32, %arg1: memref<4096x128xf32, #tpu.memory_space<vmem>>, %arg2: memref<128x128xf32, #tpu.memory_space<vmem>>, %arg3: memref<1x128xf32, #tpu.memory_space<vmem>>, %arg4: memref<4096x128xf32, #tpu.memory_space<vmem>>) attributes {dimension_semantics = [#tpu.dimension_semantics<arbitrary>], iteration_bounds = array<i64: 50>, scalar_prefetch = 0 : i64, scratch_operands = 0 : i64, tpu.core_type = #tpu.core_type<tc>, window_params = [{transform_indices = @transform_0, window_bounds = array<i64: 4096, 128>}, {pipeline_mode = #tpu.pipeline_mode<synchronous>, transform_indices = @transform_1, window_bounds = array<i64: 128, 128>}, {pipeline_mode = #tpu.pipeline_mode<synchronous>, transform_indices = @transform_2, window_bounds = array<i64: 1, 128>}, {transform_indices = @transform_3, window_bounds = array<i64: 4096, 128>}]} {
    %get3A = arith.constant 0 : index
    %get3A_0 = arith.constant 0 : index
    %get3A_1 = vector.load %arg1[%get3A, %get3A_0] : memref<4096x128xf32, #tpu.memory_space<vmem>>, vector<4096x128xf32>
    %get3A_2 = arith.constant 0 : index
    %get3A_3 = arith.constant 0 : index
    %get3A_4 = vector.load %arg2[%get3A_2, %get3A_3] : memref<128x128xf32, #tpu.memory_space<vmem>>, vector<128x128xf32>
    %dot_general3A = arith.constant dense<0.000000e+00> : vector<4096x128xf32>
    %dot_general3A_5 = tpu.matmul %get3A_1, %get3A_4, %dot_general3A {dimension_numbers = #tpu.dot_dimension_numbers<[1], [0], [0], [1], [0, 0, 1, 1], [], []>, transpose_lhs_hint = false} : vector<4096x128xf32>, vector<128x128xf32>, vector<4096x128xf32> -> vector<4096x128xf32>
    %get3A_6 = arith.constant 0 : index
    %get3A_7 = arith.constant 0 : index
    %get3A_8 = vector.load %arg3[%get3A_6, %get3A_7] : memref<1x128xf32, #tpu.memory_space<vmem>>, vector<1x128xf32>
    %add3A = vector.broadcast %get3A_8 : vector<1x128xf32> to vector<4096x128xf32>
    %add3A_9 = arith.addf %dot_general3A_5, %add3A : vector<4096x128xf32>
    %swap3A = arith.constant 0 : index
    %swap3A_10 = arith.constant 0 : index
    %swap3A_11 = vector.load %arg4[%swap3A, %swap3A_10] : memref<4096x128xf32, #tpu.memory_space<vmem>>, vector<4096x128xf32>
    tpu.vector_store %arg4[%swap3A, %swap3A_10], %add3A_9 {strides = array<i32>} : memref<4096x128xf32, #tpu.memory_space<vmem>>, vector<4096x128xf32>,
    return
  }
  func.func @transform_0(%arg0: i32) -> (i32, i32) {
    %c0_i32 = arith.constant 0 : i32
    %c0_i32_0 = arith.constant 0 : i32
    return %arg0, %c0_i32 : i32, i32
  }
  func.func @transform_1(%arg0: i32) -> (i32, i32) {
    %c0_i32 = arith.constant 0 : i32
    %c0_i32_0 = arith.constant 0 : i32
    %c0_i32_1 = arith.constant 0 : i32
    return %c0_i32, %c0_i32_0 : i32, i32
  }
  func.func @transform_2(%arg0: i32) -> (i32, i32) {
    %c0_i32 = arith.constant 0 : i32
    %c0_i32_0 = arith.constant 0 : i32
    %c0_i32_1 = arith.constant 0 : i32
    return %c0_i32, %c0_i32_0 : i32, i32
  }
  func.func @transform_3(%arg0: i32) -> (i32, i32) {
    %c0_i32 = arith.constant 0 : i32
    %c0_i32_0 = arith.constant 0 : i32
    return %arg0, %c0_i32 : i32, i32
  }
}

</mosaic_0001>

<sc_bundles>
// kernel: kernel.4.cloned.1.call-start
scs
__scs_entry_jumppad:
0x0: {  	(pc) =	sbr.rel $0x88, $3  }
0x1: {  	(tag) =	ssettag $0x0;
	lr =	simm.s32 $0x1  }
0x2: {  	[smem:$0x3F9D] =	sst lr;
	_ =	strace $0xD0000000  }
0x3: {  	_ = 	snop  }
0x4: {  	_ = 	snop  }
0x5: {  	_ = 	snop  }
0x6: {  	_ = 	snop  }
0x7: {  	_ = 	snop  }
__scs_overlays_trampoline_lowered:
0x8: {  	[smem:$0x3FAC] =	sst s0  }
0x9: {  	[smem:$0x3FAD] =	sst s1  }
0xa: {  	[smem:$0x3FAE] =	sst s2  }
0xb: {  	[smem:$0x3FAF] =	sst s3  }
0xc: {  	[smem:$0x3FB0] =	sst s4  }
0xd: {  	[smem:$0x3FB1] =	sst s5  }
0xe: {  	[smem:$0x3FB2] =	sst s6  }
0xf: {  	[smem:$0x3FB3] =	sst s7  }
0x10: {  	[smem:$0x3FB4] =	sst s8  }
0x11: {  	[smem:$0x3FB5] =	sst s9;
	s0 =	simm.s32 @!p0 $0x0  }
0x12: {  	s1 =	sld [smem:$0x3F9B];
	s0 =	simm.s32 @p0 $0x1  }
0x13: {  	[smem:$0x3FB6] =	sst s0;
	s0 =	simm.s32 @!p1 $0x0  }
0x14: {  	s2 =	sld [smem:$0x3F9A];
	s0 =	simm.s32 @p1 $0x1  }
0x15: {  	[smem:$0x3FB7] =	sst s0;
	s0 =	simm.s32 @!p2 $0x0  }
0x16: {  	s3 =	sld [smem:$0x3FDB];
	s0 =	simm.s32 @p2 $0x1  }
0x17: {  	s4 =	simm.s32 $0x1BF5;
	[smem:$0x3FB9] =	sst s0  }
0x18: {  	s0 =	sld [smem:$0x3F9C];
	_ =	swait.ge [sflag:s4], $0x0  }
0x19: {  	s7 =	sld [smem:$0x3F9D]  }
0x1a: {  	s8 =	sadd.s32 $0xFFFFE003, lr  }
0x1b: {  	s9 =	sadd.s32 $0xFFFFFEF7, lr;
	s5 =	simm.s32 $0xFFFFFFFF;
	p2 =	slt.u32 s8, $0xFFFFF086  }
0x1c: {  	p1 =	slt.u32 s9, $0xF7A;
	s5 =	simm.s32 @!p2 $0x0  }
0x1d: {  	s5 =	simm.s32 @p1 $0x1;
	p0 =	seq.s32 s7, s2  }
0x1e: {  	s7 =	smul.u32 @!p0 $0xF7A, s2;
	p2 =	seq.s32 @!p0 s5, $0x0  }
0x1f: {  	s9 =	smul.u32 $0xF7A, s1;
	s8 =	simm.s32 @!p0 $0x1BF5;
	p2 =	por !p2, p0  }
0x20: {  	[sflag:s8] =	ssyncset.s32 @!p0 $0xFFFFF086;
	s6 =	sadd.s32 @!p0 s3, s7;
	s7 =	simm.s32 @!p0 $0x108  }
0x21: {  	s3 =	sadd.s32 s3, s9;
	s6 =	sadd.s32 @!p0 $0x88, s6;
	s7 =	simm.s32 @p2 $0x1082  }
0x22: {  	[simem:s7], [sflag:s8] =	dma.local @!p0 [hbm:s6], $0xF7A  }
0x23: {  	s9 =	sor.u32 $0xD0000000, s2;
	s6 =	simm.s32 $0x108;
	_ =	swait.ge @!p0 [sflag:s8], $0x0  }
0x24: {  	s3 =	sadd.s32 $0x88, s3;
	s6 =	simm.s32 @!p1 $0x1082;
	[sflag:s4] =	ssyncset.s32 $0xFFFFF086  }
0x25: {  	[simem:s6], [sflag:s4] =	dma.local [hbm:s3], $0xF7A  }
0x26: {  	[smem:$0x3F9D] =	sst s1;
	(tag) =	ssettag s2;
	_ =	strace s9  }
0x27: {  	s1 =	sld [smem:$0x3FAD]  }
0x28: {  	s2 =	sld [smem:$0x3FAE]  }
0x29: {  	s4 =	sld [smem:$0x3FB0]  }
0x2a: {  	p0 =	seq.s32 s5, $0x0;
	s5 =	sld [smem:$0x3FB1]  }
0x2b: {  	s6 =	sld [smem:$0x3FB2]  }
0x2c: {  	s7 =	sld [smem:$0x3FB3]  }
0x2d: {  	s3 =	simm.s32 $0x108;
	s8 =	sld [smem:$0x3FB4]  }
0x2e: {  	s3 =	simm.s32 @!p0 $0x1082;
	s9 =	sld [smem:$0x3FB5]  }
0x2f: {  	lr =	sadd.s32 s0, s3;
	s0 =	sld [smem:$0x3FAC]  }
0x30: {  	s3 =	sld [smem:$0x3FAF]  }
0x31: {  	[smem:$0x3FB8] =	sst s10  }
0x32: {  	s10 =	sld [smem:$0x3FB6];
	_ =	sdelay $0x3  }
0x33: {  	p0 =	seq.s32 s10, $0x1;
	s10 =	sld [smem:$0x3FB8];
	_ =	sdelay $0x3  }
0x34: {  	[smem:$0x3FB8] =	sst s10  }
0x35: {  	s10 =	sld [smem:$0x3FB7];
	_ =	sdelay $0x3  }
0x36: {  	p1 =	seq.s32 s10, $0x1;
	s10 =	sld [smem:$0x3FB8];
	_ =	sdelay $0x3  }
0x37: {  	[smem:$0x3FB8] =	sst s10  }
0x38: {  	s10 =	sld [smem:$0x3FB9]  }
0x39: {  	_ = 	snop;
	(pc) =	sbr.ind lr, $3  }
0x3a: {  	_ = 	snop  }
0x3b: {  	_ = 	snop  }
0x3c: {  	p2 =	seq.s32 s10, $0x1;
	s10 =	sld [smem:$0x3FB8]  }
0x3d: {  	_ =	shalt  }
0x3e: {  	_ =	shalt  }
0x3f: {  	_ =	shalt  }
0x40: {  	_ =	shalt  }
0x41: {  	_ =	shalt  }
0x42: {  	_ =	shalt  }
0x43: {  	_ =	shalt  }
0x44: {  	_ =	shalt  }
0x45: {  	_ =	shalt  }
0x46: {  	_ =	shalt  }
0x47: {  	_ =	shalt  }
0x48: {  	_ =	shalt  }
0x49: {  	_ =	shalt  }
0x4a: {  	_ =	shalt  }
0x4b: {  	_ =	shalt  }
0x4c: {  	_ =	shalt  }
0x4d: {  	_ =	shalt  }
0x4e: {  	_ =	shalt  }
0x4f: {  	_ =	shalt  }
0x50: {  	_ =	shalt  }
0x51: {  	_ =	shalt  }
0x52: {  	_ =	shalt  }
0x53: {  	_ =	shalt  }
0x54: {  	_ =	shalt  }
0x55: {  	_ =	shalt  }
0x56: {  	_ =	shalt  }
0x57: {  	_ =	shalt  }
0x58: {  	_ =	shalt  }
0x59: {  	_ =	shalt  }
0x5a: {  	_ =	shalt  }
0x5b: {  	_ =	shalt  }
0x5c: {  	_ =	shalt  }
0x5d: {  	_ =	shalt  }
0x5e: {  	_ =	shalt  }
0x5f: {  	_ =	shalt  }
0x60: {  	_ =	shalt  }
0x61: {  	_ =	shalt  }
0x62: {  	_ =	shalt  }
0x63: {  	_ =	shalt  }
0x64: {  	_ =	shalt  }
0x65: {  	_ =	shalt  }
0x66: {  	_ =	shalt  }
0x67: {  	_ =	shalt  }
0x68: {  	_ =	shalt  }
0x69: {  	_ =	shalt  }
0x6a: {  	_ =	shalt  }
0x6b: {  	_ =	shalt  }
0x6c: {  	_ =	shalt  }
0x6d: {  	_ =	shalt  }
0x6e: {  	_ =	shalt  }
0x6f: {  	_ =	shalt  }
0x70: {  	_ =	shalt  }
0x71: {  	_ =	shalt  }
0x72: {  	_ =	shalt  }
0x73: {  	_ =	shalt  }
0x74: {  	_ =	shalt  }
0x75: {  	_ =	shalt  }
0x76: {  	_ =	shalt  }
0x77: {  	_ =	shalt  }
0x78: {  	_ =	shalt  }
0x79: {  	_ =	shalt  }
0x7a: {  	_ =	shalt  }
0x7b: {  	_ =	shalt  }
0x7c: {  	_ =	shalt  }
0x7d: {  	_ =	shalt  }
0x7e: {  	_ =	shalt  }
0x7f: {  	_ =	shalt  }
0x80: {  	_ =	shalt  }
0x81: {  	_ =	shalt  }
0x82: {  	_ =	shalt  }
0x83: {  	_ =	shalt  }
0x84: {  	_ =	shalt  }
0x85: {  	_ =	shalt  }
0x86: {  	_ =	shalt  }
0x87: {  	_ =	shalt  }
.Lfunc_end0:
.L_simem_size_0:
called_computation_lowered:
.L_overlay_start_0:
0x88: {  	s2 =	sld [smem:$0x3FD9]  }
0x89: {  	s3 =	sld [smem:$0x3FFE];
	_ =	sdelay $0x1  }
0x8a: {  	s1 =	srdreg.scid  }
0x8b: {  	s0 =	sand.u32 $0x1, s1  }
0x8c: {  	s17 =	sshll.u32 s0, $0xA;
	s2 =	sadd.s32 s3, s2  }
0x8d: {  	s2 =	sadd.s32 s2, s17  }
0x8e: {  	[smem:$0x3FC4] =	sst s2  }
0x8f: {  	_ = 	snop  }
0x90: {  	s2 =	sld [smem:$0x3FC9];
	(tm) =	ssettm $0x1  }
0x91: {  	s18 =	sld [smem:$0x3FFB];
	_ =	sdelay $0x3  }
0x92: {  	_ =	strace s18  }
0x93: {  	s3 =	sld [smem:$0x3FFC];
	_ =	sdelay $0x3  }
0x94: {  	_ =	strace s3  }
0x95: {  	s3 =	sld [smem:$0x3FFD];
	_ =	sdelay $0x3  }
0x96: {  	_ =	strace s3  }
0x97: {  	_ =	strace $0x8FFFFFFF  }
0x98: {  	s19 =	sld [smem:$0x3FDB];
	_ =	sdelay $0x1  }
0x99: {  	s4 =	simm.s32 $_scs_section_size  }
0x9a: {  	s5 =	simm.s32 $_size__tile_overlayer_lowered;
	s6 =	simm.s32 $_tile_overlayer_lowered  }
0x9b: {  	s22 =	simm.s32 $0x1BFF;
	s21 =	sshll.u32 s6, $0x1;
	s3 =	sadd.s32 s4, s19  }
0x9c: {  	s7 =	simm.s32 $0x0;
	s20 =	sshll.u32 s5, $0x1;
	s5 =	sadd.s32 s21, s3  }
0x9d: {  	[timem:s7], [sflag:s22] =	dma.local [hbm:s5], s20  }
0x9e: {  	_ =	swait.ge [sflag:s22], s20  }
0x9f: {  	s4 =	ssub.s32 $0x0, s20;
	[sflag:s22] =	ssyncset.done $0x0  }
0xa0: {  	[sflag:s22] =	ssyncadd.s32 s4;
	_ =	sdelay $0x1  }
0xa1: {  	s23 =	simm.s32 $0x1B8B  }
0xa2: {  	_ =	swait.ge [sflag:s23], $0x1  }
0xa3: {  	[sflag:s23] =	ssyncset.done $0x0  }
0xa4: {  	s25 =	simm.s32 $0x1B8E;
	s24 =	sld [smem:$0x3FFE];
	[sflag:s23] =	ssyncadd.s32 $0xFFFFFFFF  }
0xa5: {  	s26 =	simm.s32 $execute0_lowered;
	[smem:$0x3FD2] =	sst s25  }
0xa6: {  	s5 =	sshll.u32 s26, $0x1;
	_ =	strace $0x80000046;
	[dreg:$0x1] =	wrdreg $0xFFFFFFFF  }
0xa7: {  	s28 =	simm.s32 $_size_execute0_lowered;
	s3 =	sadd.s32 s3, s5;
	[dreg:$0x0] =	wrdreg $0x0  }
0xa8: {  	s5 =	sshll.u32 s28, $0x1;
	[dreg:$0x2] =	wrdreg s3  }
0xa9: {  	[dreg:$0x3] =	wrdreg s5  }
0xaa: {  	[dreg:$0x4] =	wrdreg $0xC0  }
0xab: {  	_ =	task [dreg:s7], $0x5FFFF  }
0xac: {  	[dreg:$0x1] =	wrdreg $0xFFFFFFFF  }
0xad: {  	[dreg:$0x0] =	wrdreg $0x60  }
0xae: {  	[dreg:$0x2] =	wrdreg s24  }
0xaf: {  	[dreg:$0x3] =	wrdreg s2  }
0xb0: {  	[dreg:$0x4] =	wrdreg $0x9  }
0xb1: {  	_ =	task.clear_ibuf [dreg:s7], $0x5FFFF;
	_ =	strace $0x90000046  }
0xb2: {  	s29 =	simm.s32 $0x9;
	_ =	strace $0x80000048  }
0xb3: {  	_ =	swait.ge [sflag:s29], $0x1  }
0xb4: {  	[sflag:s29] =	ssyncadd.s32 $0xFFFFFFFF  }
0xb5: {  	_ =	strace $0x90000048  }
0xb6: {  	_ =	sfence  }
0xb7: {  	s30 =	sld [smem:$0x0];
	_ =	sdelay $0x2  }
0xb8: {  	s31 =	sshll.u32 s1, $0xD;
	s1 =	sshrl.u32 s1, $0x2  }
0xb9: {  	s3 =	sand.u32 $0x4000, s31;
	s1 =	sadd.s32 s1, s30  }
0xba: {  	s0 =	sor.u32 s3, s0;
	s1 =	sshll.u32 s1, $0x11  }
0xbb: {  	s0 =	sor.u32 s1, s0  }
0xbc: {  	s0 =	sadd.s32 $0x8F2B, s0  }
0xbd: {  	[sflag:s0] =	ssyncadd.remote.s32 $0x1  }
0xbe: {  	_ =	sfence.sel $0xFFFF  }
0xbf: {  	[dreg:$0x0] =	wrdreg $0xFFFFFFFF;
	(pc) =	sbr.abs _section_cstart, $3  }
0xc0: {  	[dreg:$0x1] =	wrdreg $0xFFFFFFFF  }
0xc1: {  	_ =	task.clear_ibuf [dreg:s7], $0x2FFFF;
	_ =	strace $0x9FFFFFFF  }
0xc2: {  	(tm) =	ssettm $0x7FFFFFFF  }
0xc3: {  	_ =	shalt  }
tec
execute0_lowered:
.L_overlay_start_1:
0x0: {  	(tag) =	ssettag $0x1  }
0x1: {  	s0 =	rddreg [dreg:$0x0];
	s1 =	srdreg.scid;
	v0 =	vlaneseq.u32  }
0x2: {  	s10 =	stileid.u32;
	s4 =	rddreg [dreg:$0x1];
	s2 =	simm.s32 $0x0;
	v1 =	vmul.u32 $0x4, v0;
	v4 =	vor.u32 $0x10, v0;
	v5 =	vor.u32 $0x20, v0  }
0x3: {  	s13 =	simm.s32 $0x5;
	s11 =	simm.s32 $0x6E00;
	s31 =	simm.s32 $0x3;
	v6 =	vor.u32 $0x30, v0;
	v7 =	vor.u32 $0x40, v0;
	v8 =	vor.u32 $0x50, v0  }
0x4: {  	s15 =	simm.s32 $0x7E00;
	s17 =	simm.s32 $0x8E00;
	s19 =	simm.s32 $0x9E00;
	v9 =	vor.u32 $0x60, v0;
	v10 =	vor.u32 $0x70, v0;
	v11 =	vor.u32 $0x80, v0  }
0x5: {  	s28 =	simm.s32 $0xDE00;
	s30 =	simm.s32 $0xEE00;
	s12 =	simm.s32 $0xFE00;
	v12 =	vor.u32 $0x90, v0;
	v13 =	vor.u32 $0xA0, v0;
	v14 =	vor.u32 $0xB0, v0  }
0x6: {  	s16 =	simm.s32 $0x11E00;
	s29 =	simm.s32 $0x14E00;
	s18 =	simm.s32 $0x16E00;
	v15 =	vor.u32 $0xC0, v0;
	v16 =	vor.u32 $0xD0, v0;
	v17 =	vor.u32 $0xE0, v0  }
0x7: {  	s14 =	simm.s32 $0x18E00;
	s1 =	sand.u32 $0x1, s1;
	s6 =	smul.u32 $0xC800, s10;
	v18 =	vor.u32 $0xF0, v0;
	v19 =	vor.u32 $0x100, v0;
	v20 =	vor.u32 $0x110, v0  }
0x8: {  	s3 =	sshll.u32 s10, $0x1;
	[smem:$0x7FF] =	sst s2;
	s24 =	smul.u32 $0x32000, s10;
	v21 =	vor.u32 $0x120, v0;
	v22 =	vor.u32 $0x130, v0;
	v23 =	vor.u32 $0x140, v0  }
0x9: {  	s5 =	sadd.s32 $0x800, s0;
	v24 =	vor.u32 $0x150, v0;
	v25 =	vor.u32 $0x160, v0;
	v26 =	vor.u32 $0x170, v0;
	s3 =	sor.u32 s1, s3;
	s9 =	smul.u32 $0x6400, s1  }
0xa: {  	s10 =	simm.s32 $0x80;
	v27 =	vor.u32 $0x180, v0;
	v28 =	vor.u32 $0x190, v0;
	v29 =	vor.u32 $0x1A0, v0;
	s7 =	ssub.s32 $0x2, s1;
	s3 =	smul.u32 $0xC8000, s3  }
0xb: {  	v30 =	vor.u32 $0x1B0, v0;
	v31 =	vor.u32 $0x1C0, v0;
	v32 =	vor.u32 $0x1D0, v0;
	_ =	strace $0x80000047;
	s1 =	smul.u32 $0x19000, s1;
	s20 =	sshrl.u32 s7, $0x1  }
0xc: {  	v33 =	vor.u32 $0x1E0, v0;
	v34 =	vor.u32 $0x1F0, v0;
	v35 =	vor.u32 $0x200, v0;
	s6 =	sadd.s32 s9, s6;
	s9 =	simm.s32 $0xA00;
	s8 =	sshrl.u32 s3, $0x3  }
0xd: {  	v36 =	vor.u32 $0x210, v0;
	v37 =	vor.u32 $0x220, v0;
	v38 =	vor.u32 $0x230, v0;
	s3 =	sadd.s32 $0xF42C00, s0;
	s0 =	ssub.s32 s7, s20;
	s23 =	sshll.u32 s6, $0x2  }
0xe: {  	v39 =	vor.u32 $0x240, v0;
	v40 =	vor.u32 $0x250, v0;
	v41 =	vor.u32 $0x260, v0;
	s6 =	sshrl.u32 s6, $0x3;
	s20 =	simm.s32 $0x12E00;
	s8 =	sadd.s32 s5, s8  }
0xf: {  	v42 =	vor.u32 $0x270, v0;
	v43 =	vor.u32 $0x280, v0;
	v44 =	vor.u32 $0x290, v0;
	s0 =	smax.u32 s0, $0x1;
	s25 =	sadd.s32 s5, s23;
	s5 =	sadd.s32 s24, s5  }
0x10: {  	v45 =	vor.u32 $0x2A0, v0;
	v46 =	vor.u32 $0x2B0, v0;
	v47 =	vor.u32 $0x2C0, v0;
	s4 =	sadd.s32 s6, s4;
	s23 =	simm.s32 $0xBE00;
	[dreg:$0x7] =	wrdreg s0  }
0x11: {  	v48 =	vor.u32 $0x2D0, v0;
	v49 =	vor.u32 $0x2E0, v0;
	v50 =	vor.u32 $0x2F0, v0;
	s24 =	simm.s32 $0x13E00;
	s21 =	sadd.s32 $0x16800, s8;
	[dreg:$0x8] =	wrdreg s4  }
0x12: {  	v51 =	vor.u32 $0x300, v0;
	v52 =	vor.u32 $0x310, v0;
	v53 =	vor.u32 $0x320, v0;
	s22 =	sadd.s32 $0x17C00, s8;
	s0 =	sadd.s32 $0x1400, s25;
	[dreg:$0x5] =	wrdreg s21  }
0x13: {  	v54 =	vor.u32 $0x330, v0;
	v55 =	vor.u32 $0x340, v0;
	v2 =	vor.u32 $0x3D0, v0;
	s26 =	sadd.s32 s1, s5;
	s1 =	simm.s32 $0x10E00;
	[dreg:$0x6] =	wrdreg s22  }
0x14: {  	v56 =	vor.u32 $0x350, v0;
	v57 =	vor.u32 $0x360, v0;
	v63 =	vor.u32 $0x3C0, v0;
	[tilespmem:$0x1FFD0] =	vst v2;
	s4 =	simm.s32 $0x2;
	s5 =	simm.s32 $0x4;
	[dreg:$0x3] =	wrdreg s0  }
0x15: {  	v58 =	vor.u32 $0x370, v0;
	v59 =	vor.u32 $0x380, v0;
	v2 =	vor.u32 $0x3E0, v0;
	[tilespmem:$0x1FFF0] =	vst v63;
	s25 =	simm.s32 $0xCE00;
	[dreg:$0x4] =	wrdreg s26;
	s22 =	simm.s32 $0x1  }
0x16: {  	v60 =	vor.u32 $0x390, v0;
	v61 =	vor.u32 $0x3A0, v0;
	v62 =	vor.u32 $0x3B0, v0;
	[tilespmem:$0x1FFE0] =	vst v2;
	s0 =	simm.s32 $0x0;
	s21 =	simm.s32 $0xAE00;
	s26 =	simm.s32 $0x17E00  }
.LBB2_1:
0x17: {  	[dreg:$0x9] =	wrdreg s0  }
0x18: {  	s7 =	simm.s32 $0x9C3;
	s6 =	rddreg [dreg:$0x8]  }
.LBB2_2:
0x19: {  	[tilespmem:s2], [sflag:$0x5] =	stream.linear.gather [hbm4b:s6+s2], $0xA00, $0x38;
	[tilespmem:$0x1AE00] =	vst v63  }
0x1a: {  	_ =	swait.ge [sflag:s13], $0xA00  }
0x1b: {  	[sflag:s13] =	ssyncset.done $0x0  }
0x1c: {  	s8 =	sadd.s32 $0xFFFFF63D, s7;
	[sflag:s13] =	ssyncadd.s32 $0xFFFFF600  }
0x1d: {  	v3 =	vor.u32 s8, v1;
	v2 =	vld.idx.msk [tilespmem:v0+s2+$0x0], $0xffff;
	_ =	sdelay $0x4  }
0x1e: {  	s0 =	sadd.s32 $0xFFFFF67D, s7;
	[tilespmem:v3+s9+$0x0] =	vst.idx.msk $0xffff, v2  }
0x1f: {  	v3 =	vor.u32 s0, v1;
	v2 =	vld.idx.msk [tilespmem:v4+s2+$0x0], $0xffff;
	_ =	sdelay $0x4  }
0x20: {  	s0 =	sadd.s32 $0xFFFFF6BD, s7;
	[tilespmem:v3+s9+$0x0] =	vst.idx.msk $0xffff, v2  }
0x21: {  	v3 =	vor.u32 s0, v1;
	v2 =	vld.idx.msk [tilespmem:v5+s2+$0x0], $0xffff;
	_ =	sdelay $0x4  }
0x22: {  	s0 =	sadd.s32 $0xFFFFF6FD, s7;
	[tilespmem:v3+s9+$0x0] =	vst.idx.msk $0xffff, v2  }
0x23: {  	v3 =	vor.u32 s0, v1;
	v2 =	vld.idx.msk [tilespmem:v6+s2+$0x0], $0xffff;
	_ =	sdelay $0x4  }
0x24: {  	s0 =	sadd.s32 $0xFFFFF73D, s7;
	[tilespmem:v3+s9+$0x0] =	vst.idx.msk $0xffff, v2  }
0x25: {  	v3 =	vor.u32 s0, v1;
	v2 =	vld.idx.msk [tilespmem:v7+s2+$0x0], $0xffff;
	_ =	sdelay $0x4  }
0x26: {  	s0 =	sadd.s32 $0xFFFFF77D, s7;
	[tilespmem:v3+s9+$0x0] =	vst.idx.msk $0xffff, v2  }
0x27: {  	v3 =	vor.u32 s0, v1;
	v2 =	vld.idx.msk [tilespmem:v8+s2+$0x0], $0xffff;
	_ =	sdelay $0x4  }
0x28: {  	s0 =	sadd.s32 $0xFFFFF7BD, s7;
	[tilespmem:v3+s9+$0x0] =	vst.idx.msk $0xffff, v2  }
0x29: {  	v3 =	vor.u32 s0, v1;
	v2 =	vld.idx.msk [tilespmem:v9+s2+$0x0], $0xffff;
	_ =	sdelay $0x4  }
0x2a: {  	s0 =	sadd.s32 $0xFFFFF7FD, s7;
	[tilespmem:v3+s9+$0x0] =	vst.idx.msk $0xffff, v2  }
0x2b: {  	v3 =	vor.u32 s0, v1;
	v2 =	vld.idx.msk [tilespmem:v10+s2+$0x0], $0xffff;
	_ =	sdelay $0x4  }
0x2c: {  	s0 =	sadd.s32 $0xFFFFF63E, s7;
	[tilespmem:v3+s9+$0x0] =	vst.idx.msk $0xffff, v2  }
0x2d: {  	v3 =	vor.u32 s0, v1;
	v2 =	vld.idx.msk [tilespmem:v11+s2+$0x0], $0xffff;
	_ =	sdelay $0x4  }
0x2e: {  	s0 =	sadd.s32 $0xFFFFF67E, s7;
	[tilespmem:v3+s9+$0x0] =	vst.idx.msk $0xffff, v2  }
0x2f: {  	v3 =	vor.u32 s0, v1;
	v2 =	vld.idx.msk [tilespmem:v12+s2+$0x0], $0xffff;
	_ =	sdelay $0x4  }
0x30: {  	s0 =	sadd.s32 $0xFFFFF6BE, s7;
	[tilespmem:v3+s9+$0x0] =	vst.idx.msk $0xffff, v2  }
0x31: {  	v3 =	vor.u32 s0, v1;
	v2 =	vld.idx.msk [tilespmem:v13+s2+$0x0], $0xffff;
	_ =	sdelay $0x4  }
0x32: {  	s0 =	sadd.s32 $0xFFFFF6FE, s7;
	[tilespmem:v3+s9+$0x0] =	vst.idx.msk $0xffff, v2  }
0x33: {  	v3 =	vor.u32 s0, v1;
	v2 =	vld.idx.msk [tilespmem:v14+s2+$0x0], $0xffff;
	_ =	sdelay $0x4  }
0x34: {  	s0 =	sadd.s32 $0xFFFFF73E, s7;
	[tilespmem:v3+s9+$0x0] =	vst.idx.msk $0xffff, v2  }
0x35: {  	v3 =	vor.u32 s0, v1;
	v2 =	vld.idx.msk [tilespmem:v15+s2+$0x0], $0xffff;
	_ =	sdelay $0x4  }
0x36: {  	s0 =	sadd.s32 $0xFFFFF77E, s7;
	[tilespmem:v3+s9+$0x0] =	vst.idx.msk $0xffff, v2  }
0x37: {  	v3 =	vor.u32 s0, v1;
	v2 =	vld.idx.msk [tilespmem:v16+s2+$0x0], $0xffff;
	_ =	sdelay $0x4  }
0x38: {  	s0 =	sadd.s32 $0xFFFFF7BE, s7;
	[tilespmem:v3+s9+$0x0] =	vst.idx.msk $0xffff, v2  }
0x39: {  	v3 =	vor.u32 s0, v1;
	v2 =	vld.idx.msk [tilespmem:v17+s2+$0x0], $0xffff;
	_ =	sdelay $0x4  }
0x3a: {  	s0 =	sadd.s32 $0xFFFFF7FE, s7;
	[tilespmem:v3+s9+$0x0] =	vst.idx.msk $0xffff, v2  }
0x3b: {  	v3 =	vor.u32 s0, v1;
	v2 =	vld.idx.msk [tilespmem:v18+s2+$0x0], $0xffff;
	_ =	sdelay $0x4  }
0x3c: {  	s0 =	sadd.s32 $0xFFFFF63F, s7;
	[tilespmem:v3+s9+$0x0] =	vst.idx.msk $0xffff, v2  }
0x3d: {  	v3 =	vor.u32 s0, v1;
	v2 =	vld.idx.msk [tilespmem:v19+s2+$0x0], $0xffff;
	_ =	sdelay $0x4  }
0x3e: {  	s0 =	sadd.s32 $0xFFFFF67F, s7;
	[tilespmem:v3+s9+$0x0] =	vst.idx.msk $0xffff, v2  }
0x3f: {  	v3 =	vor.u32 s0, v1;
	v2 =	vld.idx.msk [tilespmem:v20+s2+$0x0], $0xffff;
	_ =	sdelay $0x4  }
0x40: {  	s0 =	sadd.s32 $0xFFFFF6BF, s7;
	[tilespmem:v3+s9+$0x0] =	vst.idx.msk $0xffff, v2  }
0x41: {  	v3 =	vor.u32 s0, v1;
	v2 =	vld.idx.msk [tilespmem:v21+s2+$0x0], $0xffff;
	_ =	sdelay $0x4  }
0x42: {  	s0 =	sadd.s32 $0xFFFFF6FF, s7;
	[tilespmem:v3+s9+$0x0] =	vst.idx.msk $0xffff, v2  }
0x43: {  	v3 =	vor.u32 s0, v1;
	v2 =	vld.idx.msk [tilespmem:v22+s2+$0x0], $0xffff;
	_ =	sdelay $0x4  }
0x44: {  	s0 =	sadd.s32 $0xFFFFF73F, s7;
	[tilespmem:v3+s9+$0x0] =	vst.idx.msk $0xffff, v2  }
0x45: {  	v3 =	vor.u32 s0, v1;
	v2 =	vld.idx.msk [tilespmem:v23+s2+$0x0], $0xffff;
	_ =	sdelay $0x4  }
0x46: {  	s0 =	sadd.s32 $0xFFFFF77F, s7;
	[tilespmem:v3+s9+$0x0] =	vst.idx.msk $0xffff, v2  }
0x47: {  	v3 =	vor.u32 s0, v1;
	v2 =	vld.idx.msk [tilespmem:v24+s2+$0x0], $0xffff;
	_ =	sdelay $0x4  }
0x48: {  	s0 =	sadd.s32 $0xFFFFF7BF, s7;
	[tilespmem:v3+s9+$0x0] =	vst.idx.msk $0xffff, v2  }
0x49: {  	v3 =	vor.u32 s0, v1;
	v2 =	vld.idx.msk [tilespmem:v25+s2+$0x0], $0xffff;
	_ =	sdelay $0x4  }
0x4a: {  	s0 =	sadd.s32 $0xFFFFF7FF, s7;
	[tilespmem:v3+s9+$0x0] =	vst.idx.msk $0xffff, v2  }
0x4b: {  	v3 =	vor.u32 s0, v1;
	v2 =	vld.idx.msk [tilespmem:v26+s2+$0x0], $0xffff;
	_ =	sdelay $0x4  }
0x4c: {  	s0 =	sadd.s32 $0xFFFFF640, s7;
	[tilespmem:v3+s9+$0x0] =	vst.idx.msk $0xffff, v2  }
0x4d: {  	v3 =	vor.u32 s0, v1;
	v2 =	vld.idx.msk [tilespmem:v27+s2+$0x0], $0xffff;
	_ =	sdelay $0x4  }
0x4e: {  	s0 =	sadd.s32 $0xFFFFF680, s7;
	[tilespmem:v3+s9+$0x0] =	vst.idx.msk $0xffff, v2  }
0x4f: {  	v3 =	vor.u32 s0, v1;
	v2 =	vld.idx.msk [tilespmem:v28+s2+$0x0], $0xffff;
	_ =	sdelay $0x4  }
0x50: {  	s0 =	sadd.s32 $0xFFFFF6C0, s7;
	[tilespmem:v3+s9+$0x0] =	vst.idx.msk $0xffff, v2  }
0x51: {  	v3 =	vor.u32 s0, v1;
	v2 =	vld.idx.msk [tilespmem:v29+s2+$0x0], $0xffff;
	_ =	sdelay $0x4  }
0x52: {  	s0 =	sadd.s32 $0xFFFFF700, s7;
	[tilespmem:v3+s9+$0x0] =	vst.idx.msk $0xffff, v2  }
0x53: {  	v3 =	vor.u32 s0, v1;
	v2 =	vld.idx.msk [tilespmem:v30+s2+$0x0], $0xffff;
	_ =	sdelay $0x4  }
0x54: {  	s0 =	sadd.s32 $0xFFFFF740, s7;
	[tilespmem:v3+s9+$0x0] =	vst.idx.msk $0xffff, v2  }
0x55: {  	v3 =	vor.u32 s0, v1;
	v2 =	vld.idx.msk [tilespmem:v31+s2+$0x0], $0xffff;
	_ =	sdelay $0x4  }
0x56: {  	s0 =	sadd.s32 $0xFFFFF780, s7;
	[tilespmem:v3+s9+$0x0] =	vst.idx.msk $0xffff, v2  }
0x57: {  	v3 =	vor.u32 s0, v1;
	v2 =	vld.idx.msk [tilespmem:v32+s2+$0x0], $0xffff;
	_ =	sdelay $0x4  }
0x58: {  	s0 =	sadd.s32 $0xFFFFF7C0, s7;
	[tilespmem:v3+s9+$0x0] =	vst.idx.msk $0xffff, v2  }
0x59: {  	v3 =	vor.u32 s0, v1;
	v2 =	vld.idx.msk [tilespmem:v33+s2+$0x0], $0xffff;
	_ =	sdelay $0x4  }
0x5a: {  	s0 =	sadd.s32 $0xFFFFF800, s7;
	[tilespmem:v3+s9+$0x0] =	vst.idx.msk $0xffff, v2  }
0x5b: {  	v3 =	vor.u32 s0, v1;
	v2 =	vld.idx.msk [tilespmem:v34+s2+$0x0], $0xffff;
	_ =	sdelay $0x4  }
0x5c: {  	s0 =	sadd.s32 $0xFFFFF83D, s7;
	[tilespmem:v3+s9+$0x0] =	vst.idx.msk $0xffff, v2  }
0x5d: {  	v3 =	vor.u32 s0, v1;
	v2 =	vld.idx.msk [tilespmem:v35+s2+$0x0], $0xffff;
	_ =	sdelay $0x4  }
0x5e: {  	s0 =	sadd.s32 $0xFFFFF87D, s7;
	[tilespmem:v3+s9+$0x0] =	vst.idx.msk $0xffff, v2  }
0x5f: {  	v3 =	vor.u32 s0, v1;
	v2 =	vld.idx.msk [tilespmem:v36+s2+$0x0], $0xffff;
	_ =	sdelay $0x4  }
0x60: {  	s0 =	sadd.s32 $0xFFFFF8BD, s7;
	[tilespmem:v3+s9+$0x0] =	vst.idx.msk $0xffff, v2  }
0x61: {  	v3 =	vor.u32 s0, v1;
	v2 =	vld.idx.msk [tilespmem:v37+s2+$0x0], $0xffff;
	_ =	sdelay $0x4  }
0x62: {  	s0 =	sadd.s32 $0xFFFFF8FD, s7;
	[tilespmem:v3+s9+$0x0] =	vst.idx.msk $0xffff, v2  }
0x63: {  	v3 =	vor.u32 s0, v1;
	v2 =	vld.idx.msk [tilespmem:v38+s2+$0x0], $0xffff;
	_ =	sdelay $0x4  }
0x64: {  	s0 =	sadd.s32 $0xFFFFF93D, s7;
	[tilespmem:v3+s9+$0x0] =	vst.idx.msk $0xffff, v2  }
0x65: {  	v3 =	vor.u32 s0, v1;
	v2 =	vld.idx.msk [tilespmem:v39+s2+$0x0], $0xffff;
	_ =	sdelay $0x4  }
0x66: {  	s0 =	sadd.s32 $0xFFFFF97D, s7;
	[tilespmem:v3+s9+$0x0] =	vst.idx.msk $0xffff, v2  }
0x67: {  	v3 =	vor.u32 s0, v1;
	v2 =	vld.idx.msk [tilespmem:v40+s2+$0x0], $0xffff;
	_ =	sdelay $0x4  }
0x68: {  	s0 =	sadd.s32 $0xFFFFF9BD, s7;
	[tilespmem:v3+s9+$0x0] =	vst.idx.msk $0xffff, v2  }
0x69: {  	v3 =	vor.u32 s0, v1;
	v2 =	vld.idx.msk [tilespmem:v41+s2+$0x0], $0xffff;
	_ =	sdelay $0x4  }
0x6a: {  	s0 =	sadd.s32 $0xFFFFF9FD, s7;
	[tilespmem:v3+s9+$0x0] =	vst.idx.msk $0xffff, v2  }
0x6b: {  	v3 =	vor.u32 s0, v1;
	v2 =	vld.idx.msk [tilespmem:v42+s2+$0x0], $0xffff;
	_ =	sdelay $0x4  }
0x6c: {  	s0 =	sadd.s32 $0xFFFFF83E, s7;
	[tilespmem:v3+s9+$0x0] =	vst.idx.msk $0xffff, v2  }
0x6d: {  	v3 =	vor.u32 s0, v1;
	v2 =	vld.idx.msk [tilespmem:v43+s2+$0x0], $0xffff;
	_ =	sdelay $0x4  }
0x6e: {  	s0 =	sadd.s32 $0xFFFFF87E, s7;
	[tilespmem:v3+s9+$0x0] =	vst.idx.msk $0xffff, v2  }
0x6f: {  	v3 =	vor.u32 s0, v1;
	v2 =	vld.idx.msk [tilespmem:v44+s2+$0x0], $0xffff;
	_ =	sdelay $0x4  }
0x70: {  	s0 =	sadd.s32 $0xFFFFF8BE, s7;
	[tilespmem:v3+s9+$0x0] =	vst.idx.msk $0xffff, v2  }
0x71: {  	v3 =	vor.u32 s0, v1;
	v2 =	vld.idx.msk [tilespmem:v45+s2+$0x0], $0xffff;
	_ =	sdelay $0x4  }
0x72: {  	s0 =	sadd.s32 $0xFFFFF8FE, s7;
	[tilespmem:v3+s9+$0x0] =	vst.idx.msk $0xffff, v2  }
0x73: {  	v3 =	vor.u32 s0, v1;
	v2 =	vld.idx.msk [tilespmem:v46+s2+$0x0], $0xffff;
	_ =	sdelay $0x4  }
0x74: {  	s0 =	sadd.s32 $0xFFFFF93E, s7;
	[tilespmem:v3+s9+$0x0] =	vst.idx.msk $0xffff, v2  }
0x75: {  	v3 =	vor.u32 s0, v1;
	v2 =	vld.idx.msk [tilespmem:v47+s2+$0x0], $0xffff;
	_ =	sdelay $0x4  }
0x76: {  	s0 =	sadd.s32 $0xFFFFF97E, s7;
	[tilespmem:v3+s9+$0x0] =	vst.idx.msk $0xffff, v2  }
0x77: {  	v3 =	vor.u32 s0, v1;
	v2 =	vld.idx.msk [tilespmem:v48+s2+$0x0], $0xffff;
	_ =	sdelay $0x4  }
0x78: {  	s0 =	sadd.s32 $0xFFFFF9BE, s7;
	[tilespmem:v3+s9+$0x0] =	vst.idx.msk $0xffff, v2  }
0x79: {  	v3 =	vor.u32 s0, v1;
	v2 =	vld.idx.msk [tilespmem:v49+s2+$0x0], $0xffff;
	_ =	sdelay $0x4  }
0x7a: {  	s0 =	sadd.s32 $0xFFFFF9FE, s7;
	[tilespmem:v3+s9+$0x0] =	vst.idx.msk $0xffff, v2  }
0x7b: {  	v3 =	vor.u32 s0, v1;
	v2 =	vld.idx.msk [tilespmem:v50+s2+$0x0], $0xffff;
	_ =	sdelay $0x4  }
0x7c: {  	s0 =	sadd.s32 $0xFFFFF83F, s7;
	[tilespmem:v3+s9+$0x0] =	vst.idx.msk $0xffff, v2  }
0x7d: {  	v3 =	vor.u32 s0, v1;
	v2 =	vld.idx.msk [tilespmem:v51+s2+$0x0], $0xffff;
	_ =	sdelay $0x4  }
0x7e: {  	s0 =	sadd.s32 $0xFFFFF87F, s7;
	[tilespmem:v3+s9+$0x0] =	vst.idx.msk $0xffff, v2  }
0x7f: {  	v3 =	vor.u32 s0, v1;
	v2 =	vld.idx.msk [tilespmem:v52+s2+$0x0], $0xffff;
	_ =	sdelay $0x4  }
0x80: {  	s0 =	sadd.s32 $0xFFFFF8BF, s7;
	[tilespmem:v3+s9+$0x0] =	vst.idx.msk $0xffff, v2  }
0x81: {  	v3 =	vor.u32 s0, v1;
	v2 =	vld.idx.msk [tilespmem:v53+s2+$0x0], $0xffff;
	_ =	sdelay $0x4  }
0x82: {  	s0 =	sadd.s32 $0xFFFFF8FF, s7;
	[tilespmem:v3+s9+$0x0] =	vst.idx.msk $0xffff, v2  }
0x83: {  	v3 =	vor.u32 s0, v1;
	v2 =	vld.idx.msk [tilespmem:v54+s2+$0x0], $0xffff;
	_ =	sdelay $0x4  }
0x84: {  	s0 =	sadd.s32 $0xFFFFF93F, s7;
	[tilespmem:v3+s9+$0x0] =	vst.idx.msk $0xffff, v2  }
0x85: {  	v3 =	vor.u32 s0, v1;
	v2 =	vld.idx.msk [tilespmem:v55+s2+$0x0], $0xffff;
	_ =	sdelay $0x4  }
0x86: {  	s0 =	sadd.s32 $0xFFFFF97F, s7;
	[tilespmem:v3+s9+$0x0] =	vst.idx.msk $0xffff, v2  }
0x87: {  	v3 =	vor.u32 s0, v1;
	v2 =	vld.idx.msk [tilespmem:v56+s2+$0x0], $0xffff;
	_ =	sdelay $0x4  }
0x88: {  	s0 =	sadd.s32 $0xFFFFF9BF, s7;
	[tilespmem:v3+s9+$0x0] =	vst.idx.msk $0xffff, v2  }
0x89: {  	v3 =	vor.u32 s0, v1;
	v2 =	vld.idx.msk [tilespmem:v57+s2+$0x0], $0xffff;
	_ =	sdelay $0x4  }
0x8a: {  	s0 =	sadd.s32 $0xFFFFF9FF, s7;
	[tilespmem:v3+s9+$0x0] =	vst.idx.msk $0xffff, v2  }
0x8b: {  	v3 =	vor.u32 s0, v1;
	v2 =	vld.idx.msk [tilespmem:v58+s2+$0x0], $0xffff;
	_ =	sdelay $0x4  }
0x8c: {  	s0 =	sadd.s32 $0xFFFFF840, s7;
	[tilespmem:v3+s9+$0x0] =	vst.idx.msk $0xffff, v2  }
0x8d: {  	v3 =	vor.u32 s0, v1;
	v2 =	vld.idx.msk [tilespmem:v59+s2+$0x0], $0xffff;
	_ =	sdelay $0x4  }
0x8e: {  	s0 =	sadd.s32 $0xFFFFF880, s7;
	[tilespmem:v3+s9+$0x0] =	vst.idx.msk $0xffff, v2  }
0x8f: {  	v3 =	vor.u32 s0, v1;
	v2 =	vld.idx.msk [tilespmem:v60+s2+$0x0], $0xffff;
	_ =	sdelay $0x4  }
0x90: {  	s0 =	sadd.s32 $0xFFFFF8C0, s7;
	[tilespmem:v3+s9+$0x0] =	vst.idx.msk $0xffff, v2  }
0x91: {  	v3 =	vor.u32 s0, v1;
	v2 =	vld.idx.msk [tilespmem:v61+s2+$0x0], $0xffff;
	_ =	sdelay $0x4  }
0x92: {  	s0 =	sadd.s32 $0xFFFFF900, s7;
	[tilespmem:v3+s9+$0x0] =	vst.idx.msk $0xffff, v2  }
0x93: {  	v3 =	vor.u32 s0, v1;
	v2 =	vld.idx.msk [tilespmem:v62+s2+$0x0], $0xffff;
	_ =	sdelay $0x4  }
0x94: {  	s0 =	sadd.s32 $0xFFFFF940, s7;
	[tilespmem:v3+s9+$0x0] =	vst.idx.msk $0xffff, v2  }
0x95: {  	v3 =	vor.u32 s0, v1;
	v2 =	vld.idx.msk [tilespmem:v63+s2+$0x0], $0xffff;
	_ =	sdelay $0x4  }
0x96: {  	[tilespmem:v3+s9+$0x0] =	vst.idx.msk $0xffff, v2;
	v2 =	vld [tilespmem:$0x1FFD0];
	_ =	sdelay $0x6  }
0x97: {  	s0 =	sadd.s32 $0xFFFFF980, s7  }
0x98: {  	v3 =	vor.u32 s0, v1;
	v2 =	vld.idx.msk [tilespmem:v2+s2+$0x0], $0xffff;
	_ =	sdelay $0x1  }
0x99: {  	v63 =	vmov v62  }
0x9a: {  	v62 =	vmovc v61;
	v61 =	vmovc v60;
	v60 =	vmov v59;
	v59 =	vmov v58;
	v58 =	vmov v57  }
0x9b: {  	v57 =	vmovc v56;
	v56 =	vmovc v55;
	v55 =	vmov v54;
	v54 =	vmov v53;
	v53 =	vmov v52  }
0x9c: {  	v52 =	vmovc v51;
	v51 =	vmovc v50;
	v50 =	vmov v49;
	v49 =	vmov v48;
	v48 =	vmov v47;
	[tilespmem:v3+s9+$0x0] =	vst.idx.msk $0xffff, v2;
	v2 =	vld [tilespmem:$0x1FFE0]  }
0x9d: {  	v47 =	vmovc v46;
	v46 =	vmovc v45;
	v45 =	vmov v44;
	v44 =	vmov v43;
	v43 =	vmov v42  }
0x9e: {  	v42 =	vmovc v41;
	v41 =	vmovc v40;
	v40 =	vmov v39;
	v39 =	vmov v38;
	v38 =	vmov v37  }
0x9f: {  	v37 =	vmovc v36;
	v36 =	vmovc v35;
	v35 =	vmov v34;
	v34 =	vmov v33;
	v33 =	vmov v32  }
0xa0: {  	v32 =	vmovc v31;
	v31 =	vmovc v30;
	v30 =	vmov v29;
	v29 =	vmov v28;
	v28 =	vmov v27  }
0xa1: {  	v27 =	vmovc v26;
	v26 =	vmovc v25;
	v25 =	vmov v24;
	v24 =	vmov v23;
	v23 =	vmov v22  }
0xa2: {  	v22 =	vmovc v21;
	v21 =	vmovc v20;
	v20 =	vmov v19;
	v19 =	vmov v18;
	v18 =	vmov v17  }
0xa3: {  	v17 =	vmovc v16;
	v16 =	vmovc v15;
	v15 =	vmov v14;
	v14 =	vmov v13;
	v13 =	vmov v12;
	s0 =	sadd.s32 $0xFFFFF9C0, s7  }
0xa4: {  	v12 =	vmovc v11;
	v11 =	vmovc v10;
	v10 =	vmov v9;
	v9 =	vmov v8;
	v3 =	vor.u32 s0, v1;
	v2 =	vld.idx.msk [tilespmem:v2+s2+$0x0], $0xffff  }
0xa5: {  	v8 =	vmovc v7;
	v7 =	vmovc v6;
	v6 =	vmov v5;
	v5 =	vmov v4;
	v4 =	vor.u32 $0x3F0, v0;
	_ =	sdelay $0x3  }
0xa6: {  	s0 =	sadd.s32 $0xFFFFFA00, s7;
	[tilespmem:v3+s9+$0x0] =	vst.idx.msk $0xffff, v2  }
0xa7: {  	v3 =	vor.u32 s0, v1;
	v2 =	vld.idx.msk [tilespmem:v4+s2+$0x0], $0xffff  }
0xa8: {  	v4 =	vor.u32 $0x400, v0;
	_ =	sdelay $0x3  }
0xa9: {  	s0 =	sadd.s32 $0xFFFFFA3D, s7;
	[tilespmem:v3+s9+$0x0] =	vst.idx.msk $0xffff, v2  }
0xaa: {  	v3 =	vor.u32 s0, v1;
	v2 =	vld.idx.msk [tilespmem:v4+s2+$0x0], $0xffff  }
0xab: {  	v4 =	vor.u32 $0x410, v0;
	_ =	sdelay $0x3  }
0xac: {  	s0 =	sadd.s32 $0xFFFFFA7D, s7;
	[tilespmem:v3+s9+$0x0] =	vst.idx.msk $0xffff, v2  }
0xad: {  	v3 =	vor.u32 s0, v1;
	v2 =	vld.idx.msk [tilespmem:v4+s2+$0x0], $0xffff  }
0xae: {  	v4 =	vor.u32 $0x420, v0;
	_ =	sdelay $0x3  }
0xaf: {  	s0 =	sadd.s32 $0xFFFFFABD, s7;
	[tilespmem:v3+s9+$0x0] =	vst.idx.msk $0xffff, v2  }
0xb0: {  	v3 =	vor.u32 s0, v1;
	v2 =	vld.idx.msk [tilespmem:v4+s2+$0x0], $0xffff  }
0xb1: {  	v4 =	vor.u32 $0x430, v0;
	_ =	sdelay $0x3  }
0xb2: {  	s0 =	sadd.s32 $0xFFFFFAFD, s7;
	[tilespmem:v3+s9+$0x0] =	vst.idx.msk $0xffff, v2  }
0xb3: {  	v3 =	vor.u32 s0, v1;
	v2 =	vld.idx.msk [tilespmem:v4+s2+$0x0], $0xffff  }
0xb4: {  	v4 =	vor.u32 $0x440, v0;
	_ =	sdelay $0x3  }
0xb5: {  	s0 =	sadd.s32 $0xFFFFFB3D, s7;
	[tilespmem:v3+s9+$0x0] =	vst.idx.msk $0xffff, v2  }
0xb6: {  	v3 =	vor.u32 s0, v1;
	v2 =	vld.idx.msk [tilespmem:v4+s2+$0x0], $0xffff  }
0xb7: {  	v4 =	vor.u32 $0x450, v0;
	_ =	sdelay $0x3  }
0xb8: {  	s0 =	sadd.s32 $0xFFFFFB7D, s7;
	[tilespmem:v3+s9+$0x0] =	vst.idx.msk $0xffff, v2  }
0xb9: {  	v3 =	vor.u32 s0, v1;
	v2 =	vld.idx.msk [tilespmem:v4+s2+$0x0], $0xffff  }
0xba: {  	v4 =	vor.u32 $0x460, v0;
	_ =	sdelay $0x3  }
0xbb: {  	s0 =	sadd.s32 $0xFFFFFBBD, s7;
	[tilespmem:v3+s9+$0x0] =	vst.idx.msk $0xffff, v2  }
0xbc: {  	v3 =	vor.u32 s0, v1;
	v2 =	vld.idx.msk [tilespmem:v4+s2+$0x0], $0xffff  }
0xbd: {  	v4 =	vor.u32 $0x470, v0;
	_ =	sdelay $0x3  }
0xbe: {  	s0 =	sadd.s32 $0xFFFFFBFD, s7;
	[tilespmem:v3+s9+$0x0] =	vst.idx.msk $0xffff, v2  }
0xbf: {  	v3 =	vor.u32 s0, v1;
	v2 =	vld.idx.msk [tilespmem:v4+s2+$0x0], $0xffff  }
0xc0: {  	v4 =	vor.u32 $0x480, v0;
	_ =	sdelay $0x3  }
0xc1: {  	s0 =	sadd.s32 $0xFFFFFA3E, s7;
	[tilespmem:v3+s9+$0x0] =	vst.idx.msk $0xffff, v2  }
0xc2: {  	v3 =	vor.u32 s0, v1;
	v2 =	vld.idx.msk [tilespmem:v4+s2+$0x0], $0xffff  }
0xc3: {  	v4 =	vor.u32 $0x490, v0;
	_ =	sdelay $0x3  }
0xc4: {  	s0 =	sadd.s32 $0xFFFFFA7E, s7;
	[tilespmem:v3+s9+$0x0] =	vst.idx.msk $0xffff, v2  }
0xc5: {  	v3 =	vor.u32 s0, v1;
	v2 =	vld.idx.msk [tilespmem:v4+s2+$0x0], $0xffff  }
0xc6: {  	v4 =	vor.u32 $0x4A0, v0;
	_ =	sdelay $0x3  }
0xc7: {  	s0 =	sadd.s32 $0xFFFFFABE, s7;
	[tilespmem:v3+s9+$0x0] =	vst.idx.msk $0xffff, v2  }
0xc8: {  	v3 =	vor.u32 s0, v1;
	v2 =	vld.idx.msk [tilespmem:v4+s2+$0x0], $0xffff  }
0xc9: {  	v4 =	vor.u32 $0x4B0, v0;
	_ =	sdelay $0x3  }
0xca: {  	s0 =	sadd.s32 $0xFFFFFAFE, s7;
	[tilespmem:v3+s9+$0x0] =	vst.idx.msk $0xffff, v2  }
0xcb: {  	v3 =	vor.u32 s0, v1;
	v2 =	vld.idx.msk [tilespmem:v4+s2+$0x0], $0xffff  }
0xcc: {  	v4 =	vor.u32 $0x4C0, v0;
	_ =	sdelay $0x3  }
0xcd: {  	s0 =	sadd.s32 $0xFFFFFB3E, s7;
	[tilespmem:v3+s9+$0x0] =	vst.idx.msk $0xffff, v2  }
0xce: {  	v3 =	vor.u32 s0, v1;
	v2 =	vld.idx.msk [tilespmem:v4+s2+$0x0], $0xffff  }
0xcf: {  	v4 =	vor.u32 $0x4D0, v0;
	_ =	sdelay $0x3  }
0xd0: {  	s0 =	sadd.s32 $0xFFFFFB7E, s7;
	[tilespmem:v3+s9+$0x0] =	vst.idx.msk $0xffff, v2  }
0xd1: {  	v3 =	vor.u32 s0, v1;
	v2 =	vld.idx.msk [tilespmem:v4+s2+$0x0], $0xffff  }
0xd2: {  	v4 =	vor.u32 $0x4E0, v0;
	_ =	sdelay $0x3  }
0xd3: {  	s0 =	sadd.s32 $0xFFFFFBBE, s7;
	[tilespmem:v3+s9+$0x0] =	vst.idx.msk $0xffff, v2  }
0xd4: {  	v3 =	vor.u32 s0, v1;
	v2 =	vld.idx.msk [tilespmem:v4+s2+$0x0], $0xffff  }
0xd5: {  	v4 =	vor.u32 $0x4F0, v0;
	_ =	sdelay $0x3  }
0xd6: {  	s0 =	sadd.s32 $0xFFFFFBFE, s7;
	[tilespmem:v3+s9+$0x0] =	vst.idx.msk $0xffff, v2  }
0xd7: {  	v3 =	vor.u32 s0, v1;
	v2 =	vld.idx.msk [tilespmem:v4+s2+$0x0], $0xffff  }
0xd8: {  	v4 =	vor.u32 $0x500, v0;
	_ =	sdelay $0x3  }
0xd9: {  	s0 =	sadd.s32 $0xFFFFFA3F, s7;
	[tilespmem:v3+s9+$0x0] =	vst.idx.msk $0xffff, v2  }
0xda: {  	v3 =	vor.u32 s0, v1;
	v2 =	vld.idx.msk [tilespmem:v4+s2+$0x0], $0xffff  }
0xdb: {  	v4 =	vor.u32 $0x510, v0;
	_ =	sdelay $0x3  }
0xdc: {  	s0 =	sadd.s32 $0xFFFFFA7F, s7;
	[tilespmem:v3+s9+$0x0] =	vst.idx.msk $0xffff, v2  }
0xdd: {  	v3 =	vor.u32 s0, v1;
	v2 =	vld.idx.msk [tilespmem:v4+s2+$0x0], $0xffff  }
0xde: {  	v4 =	vor.u32 $0x520, v0;
	_ =	sdelay $0x3  }
0xdf: {  	s0 =	sadd.s32 $0xFFFFFABF, s7;
	[tilespmem:v3+s9+$0x0] =	vst.idx.msk $0xffff, v2  }
0xe0: {  	v3 =	vor.u32 s0, v1;
	v2 =	vld.idx.msk [tilespmem:v4+s2+$0x0], $0xffff  }
0xe1: {  	v4 =	vor.u32 $0x530, v0;
	_ =	sdelay $0x3  }
0xe2: {  	s0 =	sadd.s32 $0xFFFFFAFF, s7;
	[tilespmem:v3+s9+$0x0] =	vst.idx.msk $0xffff, v2  }
0xe3: {  	v3 =	vor.u32 s0, v1;
	v2 =	vld.idx.msk [tilespmem:v4+s2+$0x0], $0xffff  }
0xe4: {  	v4 =	vor.u32 $0x540, v0;
	_ =	sdelay $0x3  }
0xe5: {  	s0 =	sadd.s32 $0xFFFFFB3F, s7;
	[tilespmem:v3+s9+$0x0] =	vst.idx.msk $0xffff, v2  }
0xe6: {  	v3 =	vor.u32 s0, v1;
	v2 =	vld.idx.msk [tilespmem:v4+s2+$0x0], $0xffff  }
0xe7: {  	v4 =	vor.u32 $0x550, v0;
	_ =	sdelay $0x3  }
0xe8: {  	s0 =	sadd.s32 $0xFFFFFB7F, s7;
	[tilespmem:v3+s9+$0x0] =	vst.idx.msk $0xffff, v2  }
0xe9: {  	v3 =	vor.u32 s0, v1;
	v2 =	vld.idx.msk [tilespmem:v4+s2+$0x0], $0xffff  }
0xea: {  	v4 =	vor.u32 $0x560, v0;
	_ =	sdelay $0x3  }
0xeb: {  	s0 =	sadd.s32 $0xFFFFFBBF, s7;
	[tilespmem:v3+s9+$0x0] =	vst.idx.msk $0xffff, v2  }
0xec: {  	v3 =	vor.u32 s0, v1;
	v2 =	vld.idx.msk [tilespmem:v4+s2+$0x0], $0xffff  }
0xed: {  	v4 =	vor.u32 $0x570, v0;
	_ =	sdelay $0x3  }
0xee: {  	s0 =	sadd.s32 $0xFFFFFBFF, s7;
	[tilespmem:v3+s9+$0x0] =	vst.idx.msk $0xffff, v2  }
0xef: {  	v3 =	vor.u32 s0, v1;
	v2 =	vld.idx.msk [tilespmem:v4+s2+$0x0], $0xffff  }
0xf0: {  	v4 =	vor.u32 $0x580, v0;
	_ =	sdelay $0x3  }
0xf1: {  	s0 =	sadd.s32 $0xFFFFFA40, s7;
	[tilespmem:v3+s9+$0x0] =	vst.idx.msk $0xffff, v2  }
0xf2: {  	v3 =	vor.u32 s0, v1;
	v2 =	vld.idx.msk [tilespmem:v4+s2+$0x0], $0xffff  }
0xf3: {  	v4 =	vor.u32 $0x590, v0;
	_ =	sdelay $0x3  }
0xf4: {  	s0 =	sadd.s32 $0xFFFFFA80, s7;
	[tilespmem:v3+s9+$0x0] =	vst.idx.msk $0xffff, v2  }
0xf5: {  	v3 =	vor.u32 s0, v1;
	v2 =	vld.idx.msk [tilespmem:v4+s2+$0x0], $0xffff  }
0xf6: {  	v4 =	vor.u32 $0x5A0, v0;
	_ =	sdelay $0x3  }
0xf7: {  	s0 =	sadd.s32 $0xFFFFFAC0, s7;
	[tilespmem:v3+s9+$0x0] =	vst.idx.msk $0xffff, v2  }
0xf8: {  	v3 =	vor.u32 s0, v1;
	v2 =	vld.idx.msk [tilespmem:v4+s2+$0x0], $0xffff  }
0xf9: {  	v4 =	vor.u32 $0x5B0, v0;
	_ =	sdelay $0x3  }
0xfa: {  	s0 =	sadd.s32 $0xFFFFFB00, s7;
	[tilespmem:v3+s9+$0x0] =	vst.idx.msk $0xffff, v2  }
0xfb: {  	v3 =	vor.u32 s0, v1;
	v2 =	vld.idx.msk [tilespmem:v4+s2+$0x0], $0xffff  }
0xfc: {  	v4 =	vor.u32 $0x5C0, v0;
	_ =	sdelay $0x3  }
0xfd: {  	s0 =	sadd.s32 $0xFFFFFB40, s7;
	[tilespmem:v3+s9+$0x0] =	vst.idx.msk $0xffff, v2  }
0xfe: {  	v3 =	vor.u32 s0, v1;
	v2 =	vld.idx.msk [tilespmem:v4+s2+$0x0], $0xffff  }
0xff: {  	v4 =	vor.u32 $0x5D0, v0;
	_ =	sdelay $0x3  }
0x100: {  	s0 =	sadd.s32 $0xFFFFFB80, s7;
	[tilespmem:v3+s9+$0x0] =	vst.idx.msk $0xffff, v2  }
0x101: {  	v3 =	vor.u32 s0, v1;
	v2 =	vld.idx.msk [tilespmem:v4+s2+$0x0], $0xffff  }
0x102: {  	v4 =	vor.u32 $0x5E0, v0;
	_ =	sdelay $0x3  }
0x103: {  	s0 =	sadd.s32 $0xFFFFFBC0, s7;
	[tilespmem:v3+s9+$0x0] =	vst.idx.msk $0xffff, v2  }
0x104: {  	v3 =	vor.u32 s0, v1;
	v2 =	vld.idx.msk [tilespmem:v4+s2+$0x0], $0xffff  }
0x105: {  	v4 =	vor.u32 $0x5F0, v0;
	_ =	sdelay $0x3  }
0x106: {  	s0 =	sadd.s32 $0xFFFFFC00, s7;
	[tilespmem:v3+s9+$0x0] =	vst.idx.msk $0xffff, v2  }
0x107: {  	v3 =	vor.u32 s0, v1;
	v2 =	vld.idx.msk [tilespmem:v4+s2+$0x0], $0xffff  }
0x108: {  	v4 =	vor.u32 $0x600, v0;
	_ =	sdelay $0x3  }
0x109: {  	s0 =	sadd.s32 $0xFFFFFC3D, s7;
	[tilespmem:v3+s9+$0x0] =	vst.idx.msk $0xffff, v2  }
0x10a: {  	v3 =	vor.u32 s0, v1;
	v2 =	vld.idx.msk [tilespmem:v4+s2+$0x0], $0xffff  }
0x10b: {  	v4 =	vor.u32 $0x610, v0;
	_ =	sdelay $0x3  }
0x10c: {  	s0 =	sadd.s32 $0xFFFFFC7D, s7;
	[tilespmem:v3+s9+$0x0] =	vst.idx.msk $0xffff, v2  }
0x10d: {  	v3 =	vor.u32 s0, v1;
	v2 =	vld.idx.msk [tilespmem:v4+s2+$0x0], $0xffff  }
0x10e: {  	v4 =	vor.u32 $0x620, v0;
	_ =	sdelay $0x3  }
0x10f: {  	s0 =	sadd.s32 $0xFFFFFCBD, s7;
	[tilespmem:v3+s9+$0x0] =	vst.idx.msk $0xffff, v2  }
0x110: {  	v3 =	vor.u32 s0, v1;
	v2 =	vld.idx.msk [tilespmem:v4+s2+$0x0], $0xffff  }
0x111: {  	v4 =	vor.u32 $0x630, v0;
	_ =	sdelay $0x3  }
0x112: {  	s0 =	sadd.s32 $0xFFFFFCFD, s7;
	[tilespmem:v3+s9+$0x0] =	vst.idx.msk $0xffff, v2  }
0x113: {  	v3 =	vor.u32 s0, v1;
	v2 =	vld.idx.msk [tilespmem:v4+s2+$0x0], $0xffff  }
0x114: {  	v4 =	vor.u32 $0x640, v0;
	_ =	sdelay $0x3  }
0x115: {  	s0 =	sadd.s32 $0xFFFFFD3D, s7;
	[tilespmem:v3+s9+$0x0] =	vst.idx.msk $0xffff, v2  }
0x116: {  	v3 =	vor.u32 s0, v1;
	v2 =	vld.idx.msk [tilespmem:v4+s2+$0x0], $0xffff  }
0x117: {  	v4 =	vor.u32 $0x650, v0;
	_ =	sdelay $0x3  }
0x118: {  	s0 =	sadd.s32 $0xFFFFFD7D, s7;
	[tilespmem:v3+s9+$0x0] =	vst.idx.msk $0xffff, v2  }
0x119: {  	v3 =	vor.u32 s0, v1;
	v2 =	vld.idx.msk [tilespmem:v4+s2+$0x0], $0xffff  }
0x11a: {  	v4 =	vor.u32 $0x660, v0;
	_ =	sdelay $0x3  }
0x11b: {  	s0 =	sadd.s32 $0xFFFFFDBD, s7;
	[tilespmem:v3+s9+$0x0] =	vst.idx.msk $0xffff, v2  }
0x11c: {  	v3 =	vor.u32 s0, v1;
	v2 =	vld.idx.msk [tilespmem:v4+s2+$0x0], $0xffff  }
0x11d: {  	v4 =	vor.u32 $0x670, v0;
	_ =	sdelay $0x3  }
0x11e: {  	s0 =	sadd.s32 $0xFFFFFDFD, s7;
	[tilespmem:v3+s9+$0x0] =	vst.idx.msk $0xffff, v2  }
0x11f: {  	v3 =	vor.u32 s0, v1;
	v2 =	vld.idx.msk [tilespmem:v4+s2+$0x0], $0xffff  }
0x120: {  	v4 =	vor.u32 $0x680, v0;
	_ =	sdelay $0x3  }
0x121: {  	s0 =	sadd.s32 $0xFFFFFC3E, s7;
	[tilespmem:v3+s9+$0x0] =	vst.idx.msk $0xffff, v2  }
0x122: {  	v3 =	vor.u32 s0, v1;
	v2 =	vld.idx.msk [tilespmem:v4+s2+$0x0], $0xffff  }
0x123: {  	v4 =	vor.u32 $0x690, v0;
	_ =	sdelay $0x3  }
0x124: {  	s0 =	sadd.s32 $0xFFFFFC7E, s7;
	[tilespmem:v3+s9+$0x0] =	vst.idx.msk $0xffff, v2  }
0x125: {  	v3 =	vor.u32 s0, v1;
	v2 =	vld.idx.msk [tilespmem:v4+s2+$0x0], $0xffff  }
0x126: {  	v4 =	vor.u32 $0x6A0, v0;
	_ =	sdelay $0x3  }
0x127: {  	s0 =	sadd.s32 $0xFFFFFCBE, s7;
	[tilespmem:v3+s9+$0x0] =	vst.idx.msk $0xffff, v2  }
0x128: {  	v3 =	vor.u32 s0, v1;
	v2 =	vld.idx.msk [tilespmem:v4+s2+$0x0], $0xffff  }
0x129: {  	v4 =	vor.u32 $0x6B0, v0;
	_ =	sdelay $0x3  }
0x12a: {  	s0 =	sadd.s32 $0xFFFFFCFE, s7;
	[tilespmem:v3+s9+$0x0] =	vst.idx.msk $0xffff, v2  }
0x12b: {  	v3 =	vor.u32 s0, v1;
	v2 =	vld.idx.msk [tilespmem:v4+s2+$0x0], $0xffff  }
0x12c: {  	v4 =	vor.u32 $0x6C0, v0;
	_ =	sdelay $0x3  }
0x12d: {  	s0 =	sadd.s32 $0xFFFFFD3E, s7;
	[tilespmem:v3+s9+$0x0] =	vst.idx.msk $0xffff, v2  }
0x12e: {  	v3 =	vor.u32 s0, v1;
	v2 =	vld.idx.msk [tilespmem:v4+s2+$0x0], $0xffff  }
0x12f: {  	v4 =	vor.u32 $0x6D0, v0;
	_ =	sdelay $0x3  }
0x130: {  	s0 =	sadd.s32 $0xFFFFFD7E, s7;
	[tilespmem:v3+s9+$0x0] =	vst.idx.msk $0xffff, v2  }
0x131: {  	v3 =	vor.u32 s0, v1;
	v2 =	vld.idx.msk [tilespmem:v4+s2+$0x0], $0xffff  }
0x132: {  	v4 =	vor.u32 $0x6E0, v0;
	_ =	sdelay $0x3  }
0x133: {  	s0 =	sadd.s32 $0xFFFFFDBE, s7;
	[tilespmem:v3+s9+$0x0] =	vst.idx.msk $0xffff, v2  }
0x134: {  	v3 =	vor.u32 s0, v1;
	v2 =	vld.idx.msk [tilespmem:v4+s2+$0x0], $0xffff  }
0x135: {  	v4 =	vor.u32 $0x6F0, v0;
	_ =	sdelay $0x3  }
0x136: {  	s0 =	sadd.s32 $0xFFFFFDFE, s7;
	[tilespmem:v3+s9+$0x0] =	vst.idx.msk $0xffff, v2  }
0x137: {  	v3 =	vor.u32 s0, v1;
	v2 =	vld.idx.msk [tilespmem:v4+s2+$0x0], $0xffff  }
0x138: {  	v4 =	vor.u32 $0x700, v0;
	_ =	sdelay $0x3  }
0x139: {  	s0 =	sadd.s32 $0xFFFFFC3F, s7;
	[tilespmem:v3+s9+$0x0] =	vst.idx.msk $0xffff, v2  }
0x13a: {  	v3 =	vor.u32 s0, v1;
	v2 =	vld.idx.msk [tilespmem:v4+s2+$0x0], $0xffff  }
0x13b: {  	v4 =	vor.u32 $0x710, v0;
	_ =	sdelay $0x3  }
0x13c: {  	s0 =	sadd.s32 $0xFFFFFC7F, s7;
	[tilespmem:v3+s9+$0x0] =	vst.idx.msk $0xffff, v2  }
0x13d: {  	v3 =	vor.u32 s0, v1;
	v2 =	vld.idx.msk [tilespmem:v4+s2+$0x0], $0xffff  }
0x13e: {  	v4 =	vor.u32 $0x720, v0;
	_ =	sdelay $0x3  }
0x13f: {  	s0 =	sadd.s32 $0xFFFFFCBF, s7;
	[tilespmem:v3+s9+$0x0] =	vst.idx.msk $0xffff, v2  }
0x140: {  	v3 =	vor.u32 s0, v1;
	v2 =	vld.idx.msk [tilespmem:v4+s2+$0x0], $0xffff  }
0x141: {  	v4 =	vor.u32 $0x730, v0;
	_ =	sdelay $0x3  }
0x142: {  	s0 =	sadd.s32 $0xFFFFFCFF, s7;
	[tilespmem:v3+s9+$0x0] =	vst.idx.msk $0xffff, v2  }
0x143: {  	v3 =	vor.u32 s0, v1;
	v2 =	vld.idx.msk [tilespmem:v4+s2+$0x0], $0xffff  }
0x144: {  	v4 =	vor.u32 $0x740, v0;
	_ =	sdelay $0x3  }
0x145: {  	s0 =	sadd.s32 $0xFFFFFD3F, s7;
	[tilespmem:v3+s9+$0x0] =	vst.idx.msk $0xffff, v2  }
0x146: {  	v3 =	vor.u32 s0, v1;
	v2 =	vld.idx.msk [tilespmem:v4+s2+$0x0], $0xffff  }
0x147: {  	v4 =	vor.u32 $0x750, v0;
	_ =	sdelay $0x3  }
0x148: {  	s0 =	sadd.s32 $0xFFFFFD7F, s7;
	[tilespmem:v3+s9+$0x0] =	vst.idx.msk $0xffff, v2  }
0x149: {  	v3 =	vor.u32 s0, v1;
	v2 =	vld.idx.msk [tilespmem:v4+s2+$0x0], $0xffff  }
0x14a: {  	v4 =	vor.u32 $0x760, v0;
	_ =	sdelay $0x3  }
0x14b: {  	s0 =	sadd.s32 $0xFFFFFDBF, s7;
	[tilespmem:v3+s9+$0x0] =	vst.idx.msk $0xffff, v2  }
0x14c: {  	v3 =	vor.u32 s0, v1;
	v2 =	vld.idx.msk [tilespmem:v4+s2+$0x0], $0xffff  }
0x14d: {  	v4 =	vor.u32 $0x770, v0;
	_ =	sdelay $0x3  }
0x14e: {  	s0 =	sadd.s32 $0xFFFFFDFF, s7;
	[tilespmem:v3+s9+$0x0] =	vst.idx.msk $0xffff, v2  }
0x14f: {  	v3 =	vor.u32 s0, v1;
	v2 =	vld.idx.msk [tilespmem:v4+s2+$0x0], $0xffff  }
0x150: {  	v4 =	vor.u32 $0x780, v0;
	_ =	sdelay $0x3  }
0x151: {  	s0 =	sadd.s32 $0xFFFFFC40, s7;
	[tilespmem:v3+s9+$0x0] =	vst.idx.msk $0xffff, v2  }
0x152: {  	v3 =	vor.u32 s0, v1;
	v2 =	vld.idx.msk [tilespmem:v4+s2+$0x0], $0xffff  }
0x153: {  	v4 =	vor.u32 $0x790, v0;
	_ =	sdelay $0x3  }
0x154: {  	s0 =	sadd.s32 $0xFFFFFC80, s7;
	[tilespmem:v3+s9+$0x0] =	vst.idx.msk $0xffff, v2  }
0x155: {  	v3 =	vor.u32 s0, v1;
	v2 =	vld.idx.msk [tilespmem:v4+s2+$0x0], $0xffff  }
0x156: {  	v4 =	vor.u32 $0x7A0, v0;
	_ =	sdelay $0x3  }
0x157: {  	s0 =	sadd.s32 $0xFFFFFCC0, s7;
	[tilespmem:v3+s9+$0x0] =	vst.idx.msk $0xffff, v2  }
0x158: {  	v3 =	vor.u32 s0, v1;
	v2 =	vld.idx.msk [tilespmem:v4+s2+$0x0], $0xffff  }
0x159: {  	v4 =	vor.u32 $0x7B0, v0;
	_ =	sdelay $0x3  }
0x15a: {  	s0 =	sadd.s32 $0xFFFFFD00, s7;
	[tilespmem:v3+s9+$0x0] =	vst.idx.msk $0xffff, v2  }
0x15b: {  	v3 =	vor.u32 s0, v1;
	v2 =	vld.idx.msk [tilespmem:v4+s2+$0x0], $0xffff  }
0x15c: {  	v4 =	vor.u32 $0x7C0, v0;
	_ =	sdelay $0x3  }
0x15d: {  	s0 =	sadd.s32 $0xFFFFFD40, s7;
	[tilespmem:v3+s9+$0x0] =	vst.idx.msk $0xffff, v2  }
0x15e: {  	v3 =	vor.u32 s0, v1;
	v2 =	vld.idx.msk [tilespmem:v4+s2+$0x0], $0xffff  }
0x15f: {  	v4 =	vor.u32 $0x7D0, v0;
	_ =	sdelay $0x3  }
0x160: {  	s0 =	sadd.s32 $0xFFFFFD80, s7;
	[tilespmem:v3+s9+$0x0] =	vst.idx.msk $0xffff, v2  }
0x161: {  	v3 =	vor.u32 s0, v1;
	v2 =	vld.idx.msk [tilespmem:v4+s2+$0x0], $0xffff  }
0x162: {  	v4 =	vor.u32 $0x7E0, v0;
	_ =	sdelay $0x3  }
0x163: {  	s0 =	sadd.s32 $0xFFFFFDC0, s7;
	[tilespmem:v3+s9+$0x0] =	vst.idx.msk $0xffff, v2  }
0x164: {  	v3 =	vor.u32 s0, v1;
	v2 =	vld.idx.msk [tilespmem:v4+s2+$0x0], $0xffff  }
0x165: {  	v4 =	vor.u32 $0x7F0, v0;
	_ =	sdelay $0x3  }
0x166: {  	s0 =	sadd.s32 $0xFFFFFE00, s7;
	[tilespmem:v3+s9+$0x0] =	vst.idx.msk $0xffff, v2  }
0x167: {  	v3 =	vor.u32 s0, v1;
	v2 =	vld.idx.msk [tilespmem:v4+s2+$0x0], $0xffff  }
0x168: {  	v4 =	vor.u32 $0x800, v0;
	_ =	sdelay $0x3  }
0x169: {  	s0 =	sadd.s32 $0xFFFFFE3D, s7;
	[tilespmem:v3+s9+$0x0] =	vst.idx.msk $0xffff, v2  }
0x16a: {  	v3 =	vor.u32 s0, v1;
	v2 =	vld.idx.msk [tilespmem:v4+s2+$0x0], $0xffff  }
0x16b: {  	v4 =	vor.u32 $0x810, v0;
	_ =	sdelay $0x3  }
0x16c: {  	s0 =	sadd.s32 $0xFFFFFE7D, s7;
	[tilespmem:v3+s9+$0x0] =	vst.idx.msk $0xffff, v2  }
0x16d: {  	v3 =	vor.u32 s0, v1;
	v2 =	vld.idx.msk [tilespmem:v4+s2+$0x0], $0xffff  }
0x16e: {  	v4 =	vor.u32 $0x820, v0;
	_ =	sdelay $0x3  }
0x16f: {  	s0 =	sadd.s32 $0xFFFFFEBD, s7;
	[tilespmem:v3+s9+$0x0] =	vst.idx.msk $0xffff, v2  }
0x170: {  	v3 =	vor.u32 s0, v1;
	v2 =	vld.idx.msk [tilespmem:v4+s2+$0x0], $0xffff  }
0x171: {  	v4 =	vor.u32 $0x830, v0;
	_ =	sdelay $0x3  }
0x172: {  	s0 =	sadd.s32 $0xFFFFFEFD, s7;
	[tilespmem:v3+s9+$0x0] =	vst.idx.msk $0xffff, v2  }
0x173: {  	v3 =	vor.u32 s0, v1;
	v2 =	vld.idx.msk [tilespmem:v4+s2+$0x0], $0xffff  }
0x174: {  	v4 =	vor.u32 $0x840, v0;
	_ =	sdelay $0x3  }
0x175: {  	s0 =	sadd.s32 $0xFFFFFF3D, s7;
	[tilespmem:v3+s9+$0x0] =	vst.idx.msk $0xffff, v2  }
0x176: {  	v3 =	vor.u32 s0, v1;
	v2 =	vld.idx.msk [tilespmem:v4+s2+$0x0], $0xffff  }
0x177: {  	v4 =	vor.u32 $0x850, v0;
	_ =	sdelay $0x3  }
0x178: {  	s0 =	sadd.s32 $0xFFFFFF7D, s7;
	[tilespmem:v3+s9+$0x0] =	vst.idx.msk $0xffff, v2  }
0x179: {  	v3 =	vor.u32 s0, v1;
	v2 =	vld.idx.msk [tilespmem:v4+s2+$0x0], $0xffff  }
0x17a: {  	v4 =	vor.u32 $0x860, v0;
	_ =	sdelay $0x3  }
0x17b: {  	s0 =	sadd.s32 $0xFFFFFFBD, s7;
	[tilespmem:v3+s9+$0x0] =	vst.idx.msk $0xffff, v2  }
0x17c: {  	v3 =	vor.u32 s0, v1;
	v2 =	vld.idx.msk [tilespmem:v4+s2+$0x0], $0xffff  }
0x17d: {  	v4 =	vor.u32 $0x870, v0;
	_ =	sdelay $0x3  }
0x17e: {  	s0 =	sadd.s32 $0xFFFFFFFD, s7;
	[tilespmem:v3+s9+$0x0] =	vst.idx.msk $0xffff, v2  }
0x17f: {  	v3 =	vor.u32 s0, v1;
	v2 =	vld.idx.msk [tilespmem:v4+s2+$0x0], $0xffff  }
0x180: {  	v4 =	vor.u32 $0x880, v0;
	_ =	sdelay $0x3  }
0x181: {  	s0 =	sadd.s32 $0xFFFFFE3E, s7;
	[tilespmem:v3+s9+$0x0] =	vst.idx.msk $0xffff, v2  }
0x182: {  	v3 =	vor.u32 s0, v1;
	v2 =	vld.idx.msk [tilespmem:v4+s2+$0x0], $0xffff  }
0x183: {  	v4 =	vor.u32 $0x890, v0;
	_ =	sdelay $0x3  }
0x184: {  	s0 =	sadd.s32 $0xFFFFFE7E, s7;
	[tilespmem:v3+s9+$0x0] =	vst.idx.msk $0xffff, v2  }
0x185: {  	v3 =	vor.u32 s0, v1;
	v2 =	vld.idx.msk [tilespmem:v4+s2+$0x0], $0xffff  }
0x186: {  	v4 =	vor.u32 $0x8A0, v0;
	_ =	sdelay $0x3  }
0x187: {  	s0 =	sadd.s32 $0xFFFFFEBE, s7;
	[tilespmem:v3+s9+$0x0] =	vst.idx.msk $0xffff, v2  }
0x188: {  	v3 =	vor.u32 s0, v1;
	v2 =	vld.idx.msk [tilespmem:v4+s2+$0x0], $0xffff  }
0x189: {  	v4 =	vor.u32 $0x8B0, v0;
	_ =	sdelay $0x3  }
0x18a: {  	s0 =	sadd.s32 $0xFFFFFEFE, s7;
	[tilespmem:v3+s9+$0x0] =	vst.idx.msk $0xffff, v2  }
0x18b: {  	v3 =	vor.u32 s0, v1;
	v2 =	vld.idx.msk [tilespmem:v4+s2+$0x0], $0xffff  }
0x18c: {  	v4 =	vor.u32 $0x8C0, v0;
	_ =	sdelay $0x3  }
0x18d: {  	s0 =	sadd.s32 $0xFFFFFF3E, s7;
	[tilespmem:v3+s9+$0x0] =	vst.idx.msk $0xffff, v2  }
0x18e: {  	v3 =	vor.u32 s0, v1;
	v2 =	vld.idx.msk [tilespmem:v4+s2+$0x0], $0xffff  }
0x18f: {  	v4 =	vor.u32 $0x8D0, v0;
	_ =	sdelay $0x3  }
0x190: {  	s0 =	sadd.s32 $0xFFFFFF7E, s7;
	[tilespmem:v3+s9+$0x0] =	vst.idx.msk $0xffff, v2  }
0x191: {  	v3 =	vor.u32 s0, v1;
	v2 =	vld.idx.msk [tilespmem:v4+s2+$0x0], $0xffff  }
0x192: {  	v4 =	vor.u32 $0x8E0, v0;
	_ =	sdelay $0x3  }
0x193: {  	s0 =	sadd.s32 $0xFFFFFFBE, s7;
	[tilespmem:v3+s9+$0x0] =	vst.idx.msk $0xffff, v2  }
0x194: {  	v3 =	vor.u32 s0, v1;
	v2 =	vld.idx.msk [tilespmem:v4+s2+$0x0], $0xffff  }
0x195: {  	v4 =	vor.u32 $0x8F0, v0;
	_ =	sdelay $0x3  }
0x196: {  	s0 =	sadd.s32 $0xFFFFFFFE, s7;
	[tilespmem:v3+s9+$0x0] =	vst.idx.msk $0xffff, v2  }
0x197: {  	v3 =	vor.u32 s0, v1;
	v2 =	vld.idx.msk [tilespmem:v4+s2+$0x0], $0xffff  }
0x198: {  	v4 =	vor.u32 $0x900, v0;
	_ =	sdelay $0x3  }
0x199: {  	s0 =	sadd.s32 $0xFFFFFE3F, s7;
	[tilespmem:v3+s9+$0x0] =	vst.idx.msk $0xffff, v2  }
0x19a: {  	v3 =	vor.u32 s0, v1;
	v2 =	vld.idx.msk [tilespmem:v4+s2+$0x0], $0xffff  }
0x19b: {  	v4 =	vor.u32 $0x910, v0;
	_ =	sdelay $0x3  }
0x19c: {  	s0 =	sadd.s32 $0xFFFFFE7F, s7;
	[tilespmem:v3+s9+$0x0] =	vst.idx.msk $0xffff, v2  }
0x19d: {  	v3 =	vor.u32 s0, v1;
	v2 =	vld.idx.msk [tilespmem:v4+s2+$0x0], $0xffff  }
0x19e: {  	v4 =	vor.u32 $0x920, v0;
	_ =	sdelay $0x3  }
0x19f: {  	s0 =	sadd.s32 $0xFFFFFEBF, s7;
	[tilespmem:v3+s9+$0x0] =	vst.idx.msk $0xffff, v2  }
0x1a0: {  	v3 =	vor.u32 s0, v1;
	v2 =	vld.idx.msk [tilespmem:v4+s2+$0x0], $0xffff  }
0x1a1: {  	v4 =	vor.u32 $0x930, v0;
	_ =	sdelay $0x3  }
0x1a2: {  	s0 =	sadd.s32 $0xFFFFFEFF, s7;
	[tilespmem:v3+s9+$0x0] =	vst.idx.msk $0xffff, v2  }
0x1a3: {  	v3 =	vor.u32 s0, v1;
	v2 =	vld.idx.msk [tilespmem:v4+s2+$0x0], $0xffff  }
0x1a4: {  	v4 =	vor.u32 $0x940, v0;
	_ =	sdelay $0x3  }
0x1a5: {  	s0 =	sadd.s32 $0xFFFFFF3F, s7;
	[tilespmem:v3+s9+$0x0] =	vst.idx.msk $0xffff, v2  }
0x1a6: {  	v3 =	vor.u32 s0, v1;
	v2 =	vld.idx.msk [tilespmem:v4+s2+$0x0], $0xffff  }
0x1a7: {  	v4 =	vor.u32 $0x950, v0;
	_ =	sdelay $0x3  }
0x1a8: {  	s0 =	sadd.s32 $0xFFFFFF7F, s7;
	[tilespmem:v3+s9+$0x0] =	vst.idx.msk $0xffff, v2  }
0x1a9: {  	v3 =	vor.u32 s0, v1;
	v2 =	vld.idx.msk [tilespmem:v4+s2+$0x0], $0xffff  }
0x1aa: {  	v4 =	vor.u32 $0x960, v0;
	_ =	sdelay $0x3  }
0x1ab: {  	s0 =	sadd.s32 $0xFFFFFFBF, s7;
	[tilespmem:v3+s9+$0x0] =	vst.idx.msk $0xffff, v2  }
0x1ac: {  	v3 =	vor.u32 s0, v1;
	v2 =	vld.idx.msk [tilespmem:v4+s2+$0x0], $0xffff  }
0x1ad: {  	v4 =	vor.u32 $0x970, v0;
	_ =	sdelay $0x3  }
0x1ae: {  	s0 =	sadd.s32 $0xFFFFFFFF, s7;
	[tilespmem:v3+s9+$0x0] =	vst.idx.msk $0xffff, v2  }
0x1af: {  	v3 =	vor.u32 s0, v1;
	v2 =	vld.idx.msk [tilespmem:v4+s2+$0x0], $0xffff  }
0x1b0: {  	v4 =	vor.u32 $0x980, v0;
	_ =	sdelay $0x3  }
0x1b1: {  	s0 =	sadd.s32 $0xFFFFFE40, s7;
	[tilespmem:v3+s9+$0x0] =	vst.idx.msk $0xffff, v2  }
0x1b2: {  	v3 =	vor.u32 s0, v1;
	v2 =	vld.idx.msk [tilespmem:v4+s2+$0x0], $0xffff  }
0x1b3: {  	v4 =	vor.u32 $0x990, v0;
	_ =	sdelay $0x3  }
0x1b4: {  	s0 =	sadd.s32 $0xFFFFFE80, s7;
	[tilespmem:v3+s9+$0x0] =	vst.idx.msk $0xffff, v2  }
0x1b5: {  	v3 =	vor.u32 s0, v1;
	v2 =	vld.idx.msk [tilespmem:v4+s2+$0x0], $0xffff  }
0x1b6: {  	v4 =	vor.u32 $0x9A0, v0;
	_ =	sdelay $0x3  }
0x1b7: {  	s0 =	sadd.s32 $0xFFFFFEC0, s7;
	[tilespmem:v3+s9+$0x0] =	vst.idx.msk $0xffff, v2  }
0x1b8: {  	v3 =	vor.u32 s0, v1;
	v2 =	vld.idx.msk [tilespmem:v4+s2+$0x0], $0xffff  }
0x1b9: {  	v4 =	vor.u32 $0x9B0, v0;
	_ =	sdelay $0x3  }
0x1ba: {  	s0 =	sadd.s32 $0xFFFFFF00, s7;
	[tilespmem:v3+s9+$0x0] =	vst.idx.msk $0xffff, v2  }
0x1bb: {  	v3 =	vor.u32 s0, v1;
	v2 =	vld.idx.msk [tilespmem:v4+s2+$0x0], $0xffff  }
0x1bc: {  	v4 =	vor.u32 $0x9C0, v0;
	_ =	sdelay $0x3  }
0x1bd: {  	s0 =	sadd.s32 $0xFFFFFF40, s7;
	[tilespmem:v3+s9+$0x0] =	vst.idx.msk $0xffff, v2  }
0x1be: {  	v3 =	vor.u32 s0, v1;
	v2 =	vld.idx.msk [tilespmem:v4+s2+$0x0], $0xffff  }
0x1bf: {  	v4 =	vor.u32 $0x9D0, v0;
	_ =	sdelay $0x3  }
0x1c0: {  	s0 =	sadd.s32 $0xFFFFFF80, s7;
	[tilespmem:v3+s9+$0x0] =	vst.idx.msk $0xffff, v2  }
0x1c1: {  	v3 =	vor.u32 s0, v1;
	v2 =	vld.idx.msk [tilespmem:v4+s2+$0x0], $0xffff  }
0x1c2: {  	v4 =	vor.u32 $0x9E0, v0;
	_ =	sdelay $0x3  }
0x1c3: {  	s0 =	sadd.s32 $0xFFFFFFC0, s7;
	[tilespmem:v3+s9+$0x0] =	vst.idx.msk $0xffff, v2  }
0x1c4: {  	v3 =	vor.u32 s0, v1;
	v2 =	vld.idx.msk [tilespmem:v4+s2+$0x0], $0xffff  }
0x1c5: {  	v4 =	vor.u32 $0x9F0, v0;
	_ =	sdelay $0x3  }
0x1c6: {  	[tilespmem:v3+s9+$0x0] =	vst.idx.msk $0xffff, v2  }
0x1c7: {  	v3 =	vor.u32 s7, v1;
	v2 =	vld.idx.msk [tilespmem:v4+s2+$0x0], $0xffff;
	v4 =	vmovc v5;
	v5 =	vmovc v6;
	v6 =	vmov v7;
	v7 =	vmov v8  }
0x1c8: {  	v8 =	vmovc v9;
	v9 =	vmovc v10;
	v10 =	vmov v11;
	v11 =	vmov v12;
	v12 =	vmov v13  }
0x1c9: {  	v13 =	vmovc v14;
	v14 =	vmovc v15;
	v15 =	vmov v16;
	v16 =	vmov v17;
	v17 =	vmov v18  }
0x1ca: {  	v18 =	vmovc v19;
	v19 =	vmovc v20;
	v20 =	vmov v21;
	v21 =	vmov v22;
	v22 =	vmov v23  }
0x1cb: {  	v23 =	vmovc v24;
	v24 =	vmovc v25;
	v25 =	vmov v26;
	v26 =	vmov v27;
	v27 =	vmov v28  }
0x1cc: {  	v28 =	vmovc v29;
	v29 =	vmovc v30;
	v30 =	vmov v31;
	v31 =	vmov v32;
	v32 =	vmov v33  }
0x1cd: {  	p0 =	sne.s32 s7, $0x63C3;
	v33 =	vmovc v34;
	v34 =	vmovc v35;
	v35 =	vmov v36;
	v36 =	vmov v37;
	v37 =	vmov v38  }
.Ltmp0:
0x1ce: {  	v38 =	vmovc v39;
	v39 =	vmovc v40;
	v40 =	vmov v41;
	v41 =	vmov v42;
	v42 =	vmov v43;
	(pc) =	sbr.rel @p0 .LBB2_2-.Ltmp0, $4  }
0x1cf: {  	v43 =	vmovc v44;
	v44 =	vmovc v45;
	v45 =	vmov v46;
	v46 =	vmov v47;
	v47 =	vmov v48  }
0x1d0: {  	v48 =	vmovc v49;
	v49 =	vmovc v50;
	v50 =	vmov v51;
	v51 =	vmov v52;
	v52 =	vmov v53  }
0x1d1: {  	v53 =	vmovc v54;
	v54 =	vmovc v55;
	v55 =	vmov v56;
	v56 =	vmov v57;
	v57 =	vmov v58  }
0x1d2: {  	s6 =	sadd.s32 $0x140, s6;
	s7 =	sadd.s32 $0xA00, s7;
	v58 =	vmovc v59;
	v59 =	vmovc v60;
	v60 =	vmov v61;
	v61 =	vmov v62;
	v62 =	vmov v63;
	v63 =	vld [tilespmem:$0x1FFF0];
	[tilespmem:v3+s9+$0x0] =	vst.idx.msk $0xffff, v2  }
0x1d3: {  	[tilespmem:s11], [sflag:$0x1] =	stream.indirect.gather [hbm4b:s3+s10], $0x20, s9, s10, $0xb8;
	[tilespmem:$0x1AE00] =	vst v63  }
0x1d4: {  	s6 =	simm.s32 $0xA80  }
0x1d5: {  	[tilespmem:s15], [sflag:$0x1] =	stream.indirect.gather [hbm4b:s3+s10], $0x20, s6, s10, $0xb8;
	[tilespmem:$0x1AE00] =	vst v63  }
0x1d6: {  	s8 =	simm.s32 $0xB00  }
0x1d7: {  	[tilespmem:s17], [sflag:$0x1] =	stream.indirect.gather [hbm4b:s3+s10], $0x20, s8, s10, $0xb8;
	[tilespmem:$0x1AE00] =	vst v63  }
0x1d8: {  	s13 =	simm.s32 $0xB80  }
0x1d9: {  	[tilespmem:s19], [sflag:$0x1] =	stream.indirect.gather [hbm4b:s3+s10], $0x20, s13, s10, $0xb8;
	[tilespmem:$0x1AE00] =	vst v63  }
0x1da: {  	s0 =	simm.s32 $0xC00  }
0x1db: {  	[tilespmem:s21], [sflag:$0x1] =	stream.indirect.gather [hbm4b:s3+s10], $0x20, s0, s10, $0xb8;
	[tilespmem:$0x1AE00] =	vst v63  }
0x1dc: {  	s7 =	simm.s32 $0xC80  }
0x1dd: {  	[tilespmem:s23], [sflag:$0x1] =	stream.indirect.gather [hbm4b:s3+s10], $0x20, s7, s10, $0xb8;
	[tilespmem:$0x1AE00] =	vst v63  }
0x1de: {  	s8 =	simm.s32 $0xD00  }
0x1df: {  	[tilespmem:s25], [sflag:$0x1] =	stream.indirect.gather [hbm4b:s3+s10], $0x20, s8, s10, $0xb8;
	[tilespmem:$0x1AE00] =	vst v63  }
0x1e0: {  	s13 =	simm.s32 $0xD80  }
0x1e1: {  	[tilespmem:s28], [sflag:$0x1] =	stream.indirect.gather [hbm4b:s3+s10], $0x20, s13, s10, $0xb8;
	[tilespmem:$0x1AE00] =	vst v63  }
0x1e2: {  	s0 =	simm.s32 $0xE00  }
0x1e3: {  	[tilespmem:s30], [sflag:$0x1] =	stream.indirect.gather [hbm4b:s3+s10], $0x20, s0, s10, $0xb8;
	[tilespmem:$0x1AE00] =	vst v63  }
0x1e4: {  	s7 =	simm.s32 $0xE80  }
0x1e5: {  	[tilespmem:s12], [sflag:$0x1] =	stream.indirect.gather [hbm4b:s3+s10], $0x20, s7, s10, $0xb8;
	[tilespmem:$0x1AE00] =	vst v63  }
0x1e6: {  	s8 =	simm.s32 $0xF00  }
0x1e7: {  	[tilespmem:s1], [sflag:$0x2] =	stream.indirect.gather [hbm4b:s3+s10], $0x20, s8, s10, $0xb8;
	[tilespmem:$0x1AE00] =	vst v63  }
0x1e8: {  	s13 =	simm.s32 $0xF80  }
0x1e9: {  	[tilespmem:s16], [sflag:$0x2] =	stream.indirect.gather [hbm4b:s3+s10], $0x20, s13, s10, $0xb8;
	[tilespmem:$0x1AE00] =	vst v63  }
0x1ea: {  	s0 =	simm.s32 $0x1000  }
0x1eb: {  	[tilespmem:s20], [sflag:$0x2] =	stream.indirect.gather [hbm4b:s3+s10], $0x20, s0, s10, $0xb8;
	[tilespmem:$0x1AE00] =	vst v63  }
0x1ec: {  	s7 =	simm.s32 $0x1080  }
0x1ed: {  	[tilespmem:s24], [sflag:$0x2] =	stream.indirect.gather [hbm4b:s3+s10], $0x20, s7, s10, $0xb8;
	[tilespmem:$0x1AE00] =	vst v63  }
0x1ee: {  	s8 =	simm.s32 $0x1100  }
0x1ef: {  	[tilespmem:s29], [sflag:$0x2] =	stream.indirect.gather [hbm4b:s3+s10], $0x20, s8, s10, $0xb8;
	[tilespmem:$0x1AE00] =	vst v63  }
0x1f0: {  	s13 =	simm.s32 $0x1180;
	s0 =	simm.s32 $0x15E00  }
0x1f1: {  	[tilespmem:s0], [sflag:$0x2] =	stream.indirect.gather [hbm4b:s3+s10], $0x20, s13, s10, $0xb8;
	[tilespmem:$0x1AE00] =	vst v63  }
0x1f2: {  	s7 =	simm.s32 $0x1200  }
0x1f3: {  	[tilespmem:s18], [sflag:$0x2] =	stream.indirect.gather [hbm4b:s3+s10], $0x20, s7, s10, $0xb8;
	[tilespmem:$0x1AE00] =	vst v63  }
0x1f4: {  	s8 =	simm.s32 $0x1280  }
0x1f5: {  	[tilespmem:s26], [sflag:$0x2] =	stream.indirect.gather [hbm4b:s3+s10], $0x20, s8, s10, $0xb8;
	[tilespmem:$0x1AE00] =	vst v63  }
0x1f6: {  	s13 =	simm.s32 $0x1300  }
0x1f7: {  	[tilespmem:s14], [sflag:$0x2] =	stream.indirect.gather [hbm4b:s3+s10], $0x20, s13, s10, $0xb8;
	[tilespmem:$0x1AE00] =	vst v63  }
0x1f8: {  	s7 =	simm.s32 $0x1380;
	s8 =	simm.s32 $0x19E00  }
0x1f9: {  	[tilespmem:s8], [sflag:$0x2] =	stream.indirect.gather [hbm4b:s3+s10], $0x20, s7, s10, $0xb8;
	[tilespmem:$0x1AE00] =	vst v63  }
0x1fa: {  	_ =	swait.ge [sflag:s22], $0x1000  }
0x1fb: {  	[sflag:s22] =	ssyncset.done $0x0  }
0x1fc: {  	[sflag:s22] =	ssyncadd.s32 $0xFFFFF000  }
0x1fd: {  	_ =	swait.ge [sflag:s22], $0x1000  }
0x1fe: {  	[sflag:s22] =	ssyncset.done $0x0  }
0x1ff: {  	[sflag:s22] =	ssyncadd.s32 $0xFFFFF000  }
0x200: {  	_ =	swait.ge [sflag:s22], $0x1000  }
0x201: {  	[sflag:s22] =	ssyncset.done $0x0  }
0x202: {  	[sflag:s22] =	ssyncadd.s32 $0xFFFFF000  }
0x203: {  	_ =	swait.ge [sflag:s22], $0x1000  }
0x204: {  	[sflag:s22] =	ssyncset.done $0x0  }
0x205: {  	[sflag:s22] =	ssyncadd.s32 $0xFFFFF000  }
0x206: {  	_ =	swait.ge [sflag:s22], $0x1000  }
0x207: {  	[sflag:s22] =	ssyncset.done $0x0  }
0x208: {  	[sflag:s22] =	ssyncadd.s32 $0xFFFFF000  }
0x209: {  	_ =	swait.ge [sflag:s22], $0x1000  }
0x20a: {  	[sflag:s22] =	ssyncset.done $0x0  }
0x20b: {  	[sflag:s22] =	ssyncadd.s32 $0xFFFFF000  }
0x20c: {  	_ =	swait.ge [sflag:s22], $0x1000  }
0x20d: {  	[sflag:s22] =	ssyncset.done $0x0  }
0x20e: {  	[sflag:s22] =	ssyncadd.s32 $0xFFFFF000  }
0x20f: {  	_ =	swait.ge [sflag:s22], $0x1000  }
0x210: {  	[sflag:s22] =	ssyncset.done $0x0  }
0x211: {  	[sflag:s22] =	ssyncadd.s32 $0xFFFFF000  }
0x212: {  	_ =	swait.ge [sflag:s22], $0x1000  }
0x213: {  	[sflag:s22] =	ssyncset.done $0x0  }
0x214: {  	[sflag:s22] =	ssyncadd.s32 $0xFFFFF000  }
0x215: {  	_ =	swait.ge [sflag:s22], $0x1000  }
0x216: {  	s13 =	rddreg [dreg:$0x4];
	[sflag:s22] =	ssyncset.done $0x0  }
0x217: {  	[sflag:s22] =	ssyncadd.s32 $0xFFFFF000;
	s6 =	sadd.s32 $0x0, s13  }
0x218: {  	[hbm4b:s6+s2] =	stream.linear.scatter [tilespmem:s11], [sflag:$0x3], $0xA000, $0x38;
	[tilespmem:$0x1AE00] =	vst v63  }
0x219: {  	_ =	swait.ge [sflag:s31], $0xA000  }
0x21a: {  	[sflag:s31] =	ssyncset.done $0x0  }
0x21b: {  	s7 =	simm.s32 $0x1400;
	[sflag:s31] =	ssyncadd.s32 $0xFFFF6000  }
0x21c: {  	[tilespmem:s11], [sflag:$0x1] =	stream.indirect.gather [hbm4b:s3+s10], $0x20, s7, s10, $0xb8;
	[tilespmem:$0x1AE00] =	vst v63  }
0x21d: {  	s13 =	simm.s32 $0x1480  }
0x21e: {  	[tilespmem:s15], [sflag:$0x1] =	stream.indirect.gather [hbm4b:s3+s10], $0x20, s13, s10, $0xb8;
	[tilespmem:$0x1AE00] =	vst v63  }
0x21f: {  	s7 =	simm.s32 $0x1500  }
0x220: {  	[tilespmem:s17], [sflag:$0x1] =	stream.indirect.gather [hbm4b:s3+s10], $0x20, s7, s10, $0xb8;
	[tilespmem:$0x1AE00] =	vst v63  }
0x221: {  	s13 =	simm.s32 $0x1580  }
0x222: {  	[tilespmem:s19], [sflag:$0x1] =	stream.indirect.gather [hbm4b:s3+s10], $0x20, s13, s10, $0xb8;
	[tilespmem:$0x1AE00] =	vst v63  }
0x223: {  	s7 =	simm.s32 $0x1600  }
0x224: {  	[tilespmem:s21], [sflag:$0x1] =	stream.indirect.gather [hbm4b:s3+s10], $0x20, s7, s10, $0xb8;
	[tilespmem:$0x1AE00] =	vst v63  }
0x225: {  	s13 =	simm.s32 $0x1680  }
0x226: {  	[tilespmem:s23], [sflag:$0x1] =	stream.indirect.gather [hbm4b:s3+s10], $0x20, s13, s10, $0xb8;
	[tilespmem:$0x1AE00] =	vst v63  }
0x227: {  	s7 =	simm.s32 $0x1700  }
0x228: {  	[tilespmem:s25], [sflag:$0x1] =	stream.indirect.gather [hbm4b:s3+s10], $0x20, s7, s10, $0xb8;
	[tilespmem:$0x1AE00] =	vst v63  }
0x229: {  	s13 =	simm.s32 $0x1780  }
0x22a: {  	[tilespmem:s28], [sflag:$0x1] =	stream.indirect.gather [hbm4b:s3+s10], $0x20, s13, s10, $0xb8;
	[tilespmem:$0x1AE00] =	vst v63  }
0x22b: {  	s7 =	simm.s32 $0x1800  }
0x22c: {  	[tilespmem:s30], [sflag:$0x1] =	stream.indirect.gather [hbm4b:s3+s10], $0x20, s7, s10, $0xb8;
	[tilespmem:$0x1AE00] =	vst v63  }
0x22d: {  	s13 =	simm.s32 $0x1880  }
0x22e: {  	[tilespmem:s12], [sflag:$0x1] =	stream.indirect.gather [hbm4b:s3+s10], $0x20, s13, s10, $0xb8;
	[tilespmem:$0x1AE00] =	vst v63  }
0x22f: {  	_ =	swait.ge [sflag:s4], $0x1000  }
0x230: {  	[sflag:s4] =	ssyncset.done $0x0  }
0x231: {  	[sflag:s4] =	ssyncadd.s32 $0xFFFFF000  }
0x232: {  	_ =	swait.ge [sflag:s4], $0x1000  }
0x233: {  	[sflag:s4] =	ssyncset.done $0x0  }
0x234: {  	[sflag:s4] =	ssyncadd.s32 $0xFFFFF000  }
0x235: {  	_ =	swait.ge [sflag:s4], $0x1000  }
0x236: {  	[sflag:s4] =	ssyncset.done $0x0  }
0x237: {  	[sflag:s4] =	ssyncadd.s32 $0xFFFFF000  }
0x238: {  	_ =	swait.ge [sflag:s4], $0x1000  }
0x239: {  	[sflag:s4] =	ssyncset.done $0x0  }
0x23a: {  	[sflag:s4] =	ssyncadd.s32 $0xFFFFF000  }
0x23b: {  	_ =	swait.ge [sflag:s4], $0x1000  }
0x23c: {  	[sflag:s4] =	ssyncset.done $0x0  }
0x23d: {  	[sflag:s4] =	ssyncadd.s32 $0xFFFFF000  }
0x23e: {  	_ =	swait.ge [sflag:s4], $0x1000  }
0x23f: {  	[sflag:s4] =	ssyncset.done $0x0  }
0x240: {  	[sflag:s4] =	ssyncadd.s32 $0xFFFFF000  }
0x241: {  	_ =	swait.ge [sflag:s4], $0x1000  }
0x242: {  	[sflag:s4] =	ssyncset.done $0x0  }
0x243: {  	[sflag:s4] =	ssyncadd.s32 $0xFFFFF000  }
0x244: {  	_ =	swait.ge [sflag:s4], $0x1000  }
0x245: {  	[sflag:s4] =	ssyncset.done $0x0  }
0x246: {  	[sflag:s4] =	ssyncadd.s32 $0xFFFFF000  }
0x247: {  	_ =	swait.ge [sflag:s4], $0x1000  }
0x248: {  	[sflag:s4] =	ssyncset.done $0x0  }
0x249: {  	[sflag:s4] =	ssyncadd.s32 $0xFFFFF000  }
0x24a: {  	_ =	swait.ge [sflag:s4], $0x1000  }
0x24b: {  	s7 =	rddreg [dreg:$0x3];
	[sflag:s4] =	ssyncset.done $0x0  }
0x24c: {  	[sflag:s4] =	ssyncadd.s32 $0xFFFFF000;
	s6 =	sadd.s32 $0x0, s7  }
0x24d: {  	[hbm4b:s6+s2] =	stream.linear.scatter [tilespmem:s1], [sflag:$0x4], $0xA000, $0x38;
	[tilespmem:$0x1AE00] =	vst v63  }
0x24e: {  	_ =	swait.ge [sflag:s5], $0xA000  }
0x24f: {  	[sflag:s5] =	ssyncset.done $0x0  }
0x250: {  	s13 =	simm.s32 $0x1900;
	[sflag:s5] =	ssyncadd.s32 $0xFFFF6000  }
0x251: {  	[tilespmem:s1], [sflag:$0x2] =	stream.indirect.gather [hbm4b:s3+s10], $0x20, s13, s10, $0xb8;
	[tilespmem:$0x1AE00] =	vst v63  }
0x252: {  	s7 =	simm.s32 $0x1980  }
0x253: {  	[tilespmem:s16], [sflag:$0x2] =	stream.indirect.gather [hbm4b:s3+s10], $0x20, s7, s10, $0xb8;
	[tilespmem:$0x1AE00] =	vst v63  }
0x254: {  	s13 =	simm.s32 $0x1A00  }
0x255: {  	[tilespmem:s20], [sflag:$0x2] =	stream.indirect.gather [hbm4b:s3+s10], $0x20, s13, s10, $0xb8;
	[tilespmem:$0x1AE00] =	vst v63  }
0x256: {  	s7 =	simm.s32 $0x1A80  }
0x257: {  	[tilespmem:s24], [sflag:$0x2] =	stream.indirect.gather [hbm4b:s3+s10], $0x20, s7, s10, $0xb8;
	[tilespmem:$0x1AE00] =	vst v63  }
0x258: {  	s13 =	simm.s32 $0x1B00  }
0x259: {  	[tilespmem:s29], [sflag:$0x2] =	stream.indirect.gather [hbm4b:s3+s10], $0x20, s13, s10, $0xb8;
	[tilespmem:$0x1AE00] =	vst v63  }
0x25a: {  	s7 =	simm.s32 $0x1B80  }
0x25b: {  	[tilespmem:s0], [sflag:$0x2] =	stream.indirect.gather [hbm4b:s3+s10], $0x20, s7, s10, $0xb8;
	[tilespmem:$0x1AE00] =	vst v63  }
0x25c: {  	s13 =	simm.s32 $0x1C00  }
0x25d: {  	[tilespmem:s18], [sflag:$0x2] =	stream.indirect.gather [hbm4b:s3+s10], $0x20, s13, s10, $0xb8;
	[tilespmem:$0x1AE00] =	vst v63  }
0x25e: {  	s7 =	simm.s32 $0x1C80  }
0x25f: {  	[tilespmem:s26], [sflag:$0x2] =	stream.indirect.gather [hbm4b:s3+s10], $0x20, s7, s10, $0xb8;
	[tilespmem:$0x1AE00] =	vst v63  }
0x260: {  	s6 =	simm.s32 $0x2800;
	s13 =	simm.s32 $0x1D00;
	s7 =	simm.s32 $0x1D80  }
0x261: {  	[tilespmem:s14], [sflag:$0x2] =	stream.indirect.gather [hbm4b:s3+s10], $0x20, s13, s10, $0xb8;
	[tilespmem:$0x1AE00] =	vst v63  }
.LBB2_4:
0x262: {  	[tilespmem:s8], [sflag:$0x2] =	stream.indirect.gather [hbm4b:s3+s10], $0x20, s7, s10, $0xb8;
	[tilespmem:$0x1AE00] =	vst v63  }
0x263: {  	_ =	swait.ge [sflag:s22], $0x1000  }
0x264: {  	[sflag:s22] =	ssyncset.done $0x0  }
0x265: {  	[sflag:s22] =	ssyncadd.s32 $0xFFFFF000  }
0x266: {  	_ =	swait.ge [sflag:s22], $0x1000  }
0x267: {  	[sflag:s22] =	ssyncset.done $0x0  }
0x268: {  	[sflag:s22] =	ssyncadd.s32 $0xFFFFF000  }
0x269: {  	_ =	swait.ge [sflag:s22], $0x1000  }
0x26a: {  	[sflag:s22] =	ssyncset.done $0x0  }
0x26b: {  	[sflag:s22] =	ssyncadd.s32 $0xFFFFF000  }
0x26c: {  	_ =	swait.ge [sflag:s22], $0x1000  }
0x26d: {  	[sflag:s22] =	ssyncset.done $0x0  }
0x26e: {  	[sflag:s22] =	ssyncadd.s32 $0xFFFFF000  }
0x26f: {  	_ =	swait.ge [sflag:s22], $0x1000  }
0x270: {  	[sflag:s22] =	ssyncset.done $0x0  }
0x271: {  	[sflag:s22] =	ssyncadd.s32 $0xFFFFF000  }
0x272: {  	_ =	swait.ge [sflag:s22], $0x1000  }
0x273: {  	[sflag:s22] =	ssyncset.done $0x0  }
0x274: {  	[sflag:s22] =	ssyncadd.s32 $0xFFFFF000  }
0x275: {  	_ =	swait.ge [sflag:s22], $0x1000  }
0x276: {  	[sflag:s22] =	ssyncset.done $0x0  }
0x277: {  	[sflag:s22] =	ssyncadd.s32 $0xFFFFF000  }
0x278: {  	_ =	swait.ge [sflag:s22], $0x1000  }
0x279: {  	[sflag:s22] =	ssyncset.done $0x0  }
0x27a: {  	[sflag:s22] =	ssyncadd.s32 $0xFFFFF000  }
0x27b: {  	_ =	swait.ge [sflag:s22], $0x1000  }
0x27c: {  	[sflag:s22] =	ssyncset.done $0x0  }
0x27d: {  	[sflag:s22] =	ssyncadd.s32 $0xFFFFF000  }
0x27e: {  	_ =	swait.ge [sflag:s22], $0x1000  }
0x27f: {  	s7 =	smov.u32 s6;
	s13 =	rddreg [dreg:$0x4];
	[sflag:s22] =	ssyncset.done $0x0  }
0x280: {  	[sflag:s22] =	ssyncadd.s32 $0xFFFFF000;
	s8 =	sadd.s32 s7, s13  }
0x281: {  	[hbm4b:s8+s2] =	stream.linear.scatter [tilespmem:s11], [sflag:$0x3], $0xA000, $0x38;
	[tilespmem:$0x1AE00] =	vst v63  }
0x282: {  	_ =	swait.ge [sflag:s31], $0xA000  }
0x283: {  	s8 =	sshra.s32 s7, $0x2;
	[sflag:s31] =	ssyncset.done $0x0  }
0x284: {  	s13 =	sadd.s32 $0x1400, s8;
	[sflag:s31] =	ssyncadd.s32 $0xFFFF6000  }
0x285: {  	[tilespmem:s11], [sflag:$0x1] =	stream.indirect.gather [hbm4b:s3+s10], $0x20, s13, s10, $0xb8;
	[tilespmem:$0x1AE00] =	vst v63  }
0x286: {  	s13 =	sadd.s32 $0x1480, s8  }
0x287: {  	[tilespmem:s15], [sflag:$0x1] =	stream.indirect.gather [hbm4b:s3+s10], $0x20, s13, s10, $0xb8;
	[tilespmem:$0x1AE00] =	vst v63  }
0x288: {  	s13 =	sadd.s32 $0x1500, s8  }
0x289: {  	[tilespmem:s17], [sflag:$0x1] =	stream.indirect.gather [hbm4b:s3+s10], $0x20, s13, s10, $0xb8;
	[tilespmem:$0x1AE00] =	vst v63  }
0x28a: {  	s13 =	sadd.s32 $0x1580, s8  }
0x28b: {  	[tilespmem:s19], [sflag:$0x1] =	stream.indirect.gather [hbm4b:s3+s10], $0x20, s13, s10, $0xb8;
	[tilespmem:$0x1AE00] =	vst v63  }
0x28c: {  	s13 =	sadd.s32 $0x1600, s8  }
0x28d: {  	[tilespmem:s21], [sflag:$0x1] =	stream.indirect.gather [hbm4b:s3+s10], $0x20, s13, s10, $0xb8;
	[tilespmem:$0x1AE00] =	vst v63  }
0x28e: {  	s13 =	sadd.s32 $0x1680, s8  }
0x28f: {  	[tilespmem:s23], [sflag:$0x1] =	stream.indirect.gather [hbm4b:s3+s10], $0x20, s13, s10, $0xb8;
	[tilespmem:$0x1AE00] =	vst v63  }
0x290: {  	s13 =	sadd.s32 $0x1700, s8  }
0x291: {  	[tilespmem:s25], [sflag:$0x1] =	stream.indirect.gather [hbm4b:s3+s10], $0x20, s13, s10, $0xb8;
	[tilespmem:$0x1AE00] =	vst v63  }
0x292: {  	s13 =	sadd.s32 $0x1780, s8  }
0x293: {  	[tilespmem:s28], [sflag:$0x1] =	stream.indirect.gather [hbm4b:s3+s10], $0x20, s13, s10, $0xb8;
	[tilespmem:$0x1AE00] =	vst v63  }
0x294: {  	s13 =	sadd.s32 $0x1800, s8  }
0x295: {  	[tilespmem:s30], [sflag:$0x1] =	stream.indirect.gather [hbm4b:s3+s10], $0x20, s13, s10, $0xb8;
	[tilespmem:$0x1AE00] =	vst v63  }
0x296: {  	s13 =	sadd.s32 $0x1880, s8  }
0x297: {  	[tilespmem:s12], [sflag:$0x1] =	stream.indirect.gather [hbm4b:s3+s10], $0x20, s13, s10, $0xb8;
	[tilespmem:$0x1AE00] =	vst v63  }
0x298: {  	_ =	swait.ge [sflag:s4], $0x1000  }
0x299: {  	[sflag:s4] =	ssyncset.done $0x0  }
0x29a: {  	[sflag:s4] =	ssyncadd.s32 $0xFFFFF000  }
0x29b: {  	_ =	swait.ge [sflag:s4], $0x1000  }
0x29c: {  	[sflag:s4] =	ssyncset.done $0x0  }
0x29d: {  	[sflag:s4] =	ssyncadd.s32 $0xFFFFF000  }
0x29e: {  	_ =	swait.ge [sflag:s4], $0x1000  }
0x29f: {  	[sflag:s4] =	ssyncset.done $0x0  }
0x2a0: {  	[sflag:s4] =	ssyncadd.s32 $0xFFFFF000  }
0x2a1: {  	_ =	swait.ge [sflag:s4], $0x1000  }
0x2a2: {  	[sflag:s4] =	ssyncset.done $0x0  }
0x2a3: {  	[sflag:s4] =	ssyncadd.s32 $0xFFFFF000  }
0x2a4: {  	_ =	swait.ge [sflag:s4], $0x1000  }
0x2a5: {  	[sflag:s4] =	ssyncset.done $0x0  }
0x2a6: {  	[sflag:s4] =	ssyncadd.s32 $0xFFFFF000  }
0x2a7: {  	_ =	swait.ge [sflag:s4], $0x1000  }
0x2a8: {  	[sflag:s4] =	ssyncset.done $0x0  }
0x2a9: {  	[sflag:s4] =	ssyncadd.s32 $0xFFFFF000  }
0x2aa: {  	_ =	swait.ge [sflag:s4], $0x1000  }
0x2ab: {  	[sflag:s4] =	ssyncset.done $0x0  }
0x2ac: {  	[sflag:s4] =	ssyncadd.s32 $0xFFFFF000  }
0x2ad: {  	_ =	swait.ge [sflag:s4], $0x1000  }
0x2ae: {  	[sflag:s4] =	ssyncset.done $0x0  }
0x2af: {  	[sflag:s4] =	ssyncadd.s32 $0xFFFFF000  }
0x2b0: {  	_ =	swait.ge [sflag:s4], $0x1000  }
0x2b1: {  	[sflag:s4] =	ssyncset.done $0x0  }
0x2b2: {  	[sflag:s4] =	ssyncadd.s32 $0xFFFFF000  }
0x2b3: {  	_ =	swait.ge [sflag:s4], $0x1000  }
0x2b4: {  	s13 =	rddreg [dreg:$0x3];
	[sflag:s4] =	ssyncset.done $0x0  }
0x2b5: {  	[sflag:s4] =	ssyncadd.s32 $0xFFFFF000;
	s7 =	sadd.s32 s7, s13  }
0x2b6: {  	[hbm4b:s7+s2] =	stream.linear.scatter [tilespmem:s1], [sflag:$0x4], $0xA000, $0x38;
	[tilespmem:$0x1AE00] =	vst v63  }
0x2b7: {  	_ =	swait.ge [sflag:s5], $0xA000  }
0x2b8: {  	[sflag:s5] =	ssyncset.done $0x0  }
0x2b9: {  	s13 =	sadd.s32 $0x1900, s8;
	[sflag:s5] =	ssyncadd.s32 $0xFFFF6000  }
0x2ba: {  	[tilespmem:s1], [sflag:$0x2] =	stream.indirect.gather [hbm4b:s3+s10], $0x20, s13, s10, $0xb8;
	[tilespmem:$0x1AE00] =	vst v63  }
0x2bb: {  	s13 =	sadd.s32 $0x1980, s8  }
0x2bc: {  	[tilespmem:s16], [sflag:$0x2] =	stream.indirect.gather [hbm4b:s3+s10], $0x20, s13, s10, $0xb8;
	[tilespmem:$0x1AE00] =	vst v63  }
0x2bd: {  	s13 =	sadd.s32 $0x1A00, s8  }
0x2be: {  	[tilespmem:s20], [sflag:$0x2] =	stream.indirect.gather [hbm4b:s3+s10], $0x20, s13, s10, $0xb8;
	[tilespmem:$0x1AE00] =	vst v63  }
0x2bf: {  	s13 =	sadd.s32 $0x1A80, s8  }
0x2c0: {  	[tilespmem:s24], [sflag:$0x2] =	stream.indirect.gather [hbm4b:s3+s10], $0x20, s13, s10, $0xb8;
	[tilespmem:$0x1AE00] =	vst v63  }
0x2c1: {  	s13 =	sadd.s32 $0x1B00, s8  }
0x2c2: {  	[tilespmem:s29], [sflag:$0x2] =	stream.indirect.gather [hbm4b:s3+s10], $0x20, s13, s10, $0xb8;
	[tilespmem:$0x1AE00] =	vst v63  }
0x2c3: {  	s13 =	sadd.s32 $0x1B80, s8  }
0x2c4: {  	[tilespmem:s0], [sflag:$0x2] =	stream.indirect.gather [hbm4b:s3+s10], $0x20, s13, s10, $0xb8;
	[tilespmem:$0x1AE00] =	vst v63  }
0x2c5: {  	p0 =	sne.s32 s6, $0x14000;
	s13 =	sadd.s32 $0x1C00, s8  }
0x2c6: {  	[tilespmem:s18], [sflag:$0x2] =	stream.indirect.gather [hbm4b:s3+s10], $0x20, s13, s10, $0xb8;
	[tilespmem:$0x1AE00] =	vst v63  }
.Ltmp1:
0x2c7: {  	_ = 	snop;
	(pc) =	sbr.rel @p0 .LBB2_4-.Ltmp1, $4  }
0x2c8: {  	s6 =	sadd.s32 $0x2800, s6;
	s13 =	sadd.s32 $0x1C80, s8  }
0x2c9: {  	[tilespmem:s26], [sflag:$0x2] =	stream.indirect.gather [hbm4b:s3+s10], $0x20, s13, s10, $0xb8;
	[tilespmem:$0x1AE00] =	vst v63  }
0x2ca: {  	s7 =	sadd.s32 $0x1D80, s8;
	s13 =	sadd.s32 $0x1D00, s8;
	s8 =	simm.s32 $0x19E00  }
0x2cb: {  	[tilespmem:s14], [sflag:$0x2] =	stream.indirect.gather [hbm4b:s3+s10], $0x20, s13, s10, $0xb8;
	[tilespmem:$0x1AE00] =	vst v63  }
0x2cc: {  	[tilespmem:s8], [sflag:$0x2] =	stream.indirect.gather [hbm4b:s3+s10], $0x20, s7, s10, $0xb8;
	[tilespmem:$0x1AE00] =	vst v63  }
0x2cd: {  	_ =	swait.ge [sflag:s22], $0x1000  }
0x2ce: {  	[sflag:s22] =	ssyncset.done $0x0  }
0x2cf: {  	[sflag:s22] =	ssyncadd.s32 $0xFFFFF000  }
0x2d0: {  	_ =	swait.ge [sflag:s22], $0x1000  }
0x2d1: {  	[sflag:s22] =	ssyncset.done $0x0  }
0x2d2: {  	[sflag:s22] =	ssyncadd.s32 $0xFFFFF000  }
0x2d3: {  	_ =	swait.ge [sflag:s22], $0x1000  }
0x2d4: {  	[sflag:s22] =	ssyncset.done $0x0  }
0x2d5: {  	[sflag:s22] =	ssyncadd.s32 $0xFFFFF000  }
0x2d6: {  	_ =	swait.ge [sflag:s22], $0x1000  }
0x2d7: {  	[sflag:s22] =	ssyncset.done $0x0  }
0x2d8: {  	[sflag:s22] =	ssyncadd.s32 $0xFFFFF000  }
0x2d9: {  	_ =	swait.ge [sflag:s22], $0x1000  }
0x2da: {  	[sflag:s22] =	ssyncset.done $0x0  }
0x2db: {  	[sflag:s22] =	ssyncadd.s32 $0xFFFFF000  }
0x2dc: {  	_ =	swait.ge [sflag:s22], $0x1000  }
0x2dd: {  	[sflag:s22] =	ssyncset.done $0x0  }
0x2de: {  	[sflag:s22] =	ssyncadd.s32 $0xFFFFF000  }
0x2df: {  	_ =	swait.ge [sflag:s22], $0x1000  }
0x2e0: {  	[sflag:s22] =	ssyncset.done $0x0  }
0x2e1: {  	[sflag:s22] =	ssyncadd.s32 $0xFFFFF000  }
0x2e2: {  	_ =	swait.ge [sflag:s22], $0x1000  }
0x2e3: {  	[sflag:s22] =	ssyncset.done $0x0  }
0x2e4: {  	[sflag:s22] =	ssyncadd.s32 $0xFFFFF000  }
0x2e5: {  	_ =	swait.ge [sflag:s22], $0x1000  }
0x2e6: {  	[sflag:s22] =	ssyncset.done $0x0  }
0x2e7: {  	[sflag:s22] =	ssyncadd.s32 $0xFFFFF000  }
0x2e8: {  	_ =	swait.ge [sflag:s22], $0x1000  }
0x2e9: {  	[sflag:s22] =	ssyncset.done $0x0  }
0x2ea: {  	s6 =	rddreg [dreg:$0x5];
	[sflag:s22] =	ssyncadd.s32 $0xFFFFF000  }
0x2eb: {  	[hbm4b:s6+s2] =	stream.linear.scatter [tilespmem:s11], [sflag:$0x3], $0xA000, $0x38;
	[tilespmem:$0x1AE00] =	vst v63  }
0x2ec: {  	_ =	swait.ge [sflag:s4], $0x1000  }
0x2ed: {  	[sflag:s4] =	ssyncset.done $0x0  }
0x2ee: {  	[sflag:s4] =	ssyncadd.s32 $0xFFFFF000  }
0x2ef: {  	_ =	swait.ge [sflag:s4], $0x1000  }
0x2f0: {  	[sflag:s4] =	ssyncset.done $0x0  }
0x2f1: {  	[sflag:s4] =	ssyncadd.s32 $0xFFFFF000  }
0x2f2: {  	_ =	swait.ge [sflag:s4], $0x1000  }
0x2f3: {  	[sflag:s4] =	ssyncset.done $0x0  }
0x2f4: {  	[sflag:s4] =	ssyncadd.s32 $0xFFFFF000  }
0x2f5: {  	_ =	swait.ge [sflag:s4], $0x1000  }
0x2f6: {  	[sflag:s4] =	ssyncset.done $0x0  }
0x2f7: {  	[sflag:s4] =	ssyncadd.s32 $0xFFFFF000  }
0x2f8: {  	_ =	swait.ge [sflag:s4], $0x1000  }
0x2f9: {  	[sflag:s4] =	ssyncset.done $0x0  }
0x2fa: {  	[sflag:s4] =	ssyncadd.s32 $0xFFFFF000  }
0x2fb: {  	_ =	swait.ge [sflag:s4], $0x1000  }
0x2fc: {  	[sflag:s4] =	ssyncset.done $0x0  }
0x2fd: {  	[sflag:s4] =	ssyncadd.s32 $0xFFFFF000  }
0x2fe: {  	_ =	swait.ge [sflag:s4], $0x1000  }
0x2ff: {  	[sflag:s4] =	ssyncset.done $0x0  }
0x300: {  	[sflag:s4] =	ssyncadd.s32 $0xFFFFF000  }
0x301: {  	_ =	swait.ge [sflag:s4], $0x1000  }
0x302: {  	[sflag:s4] =	ssyncset.done $0x0  }
0x303: {  	[sflag:s4] =	ssyncadd.s32 $0xFFFFF000  }
0x304: {  	_ =	swait.ge [sflag:s4], $0x1000  }
0x305: {  	[sflag:s4] =	ssyncset.done $0x0  }
0x306: {  	[sflag:s4] =	ssyncadd.s32 $0xFFFFF000  }
0x307: {  	_ =	swait.ge [sflag:s4], $0x1000  }
0x308: {  	[sflag:s4] =	ssyncset.done $0x0  }
0x309: {  	s8 =	rddreg [dreg:$0x6];
	[sflag:s4] =	ssyncadd.s32 $0xFFFFF000  }
0x30a: {  	[hbm4b:s8+s2] =	stream.linear.scatter [tilespmem:s1], [sflag:$0x4], $0xA000, $0x38;
	[tilespmem:$0x1AE00] =	vst v63  }
0x30b: {  	_ =	swait.ge [sflag:s31], $0xA000  }
0x30c: {  	[sflag:s31] =	ssyncset.done $0x0  }
0x30d: {  	[sflag:s31] =	ssyncadd.s32 $0xFFFF6000  }
0x30e: {  	_ =	swait.ge [sflag:s5], $0xA000  }
0x30f: {  	s0 =	rddreg [dreg:$0x9]  }
0x310: {  	s13 =	rddreg [dreg:$0x7];
	s0 =	sadd.s32 $0x1, s0  }
0x311: {  	p0 =	sne.s32 s0, s13  }
.Ltmp2:
0x312: {  	_ = 	snop;
	(pc) =	sbr.rel @p0 .LBB2_1-.Ltmp2, $3  }
0x313: {  	_ =	sdelay $0x1  }
0x314: {  	[sflag:s5] =	ssyncset.done $0x0  }
0x315: {  	[sflag:s5] =	ssyncadd.s32 $0xFFFF6000;
	s13 =	simm.s32 $0x5  }
0x316: {  	_ =	sfence.sel $0x180000  }
0x317: {  	[bflag:$0x0] =	sbarrier.arrive $0xFFFF  }
0x318: {  	_ =	strace $0x90000047  }
0x319: {  	s0 =	stileid.u32;
	[bflag:$0x2] =	sbarrier.arrive $0xFFFF  }
0x31a: {  	p0 =	sne.s32 s0, $0x0;
	s0 =	rddreg [dreg:$0x2]  }
0x31b: {  	s0 =	sadd.s32 @!p0 $0x100000, s0  }
0x31c: {  	[sflag:s0] =	ssyncadd.tile.s32 @!p0 $0x1;
	_ =	shalt  }
.Lfunc_end2:
_tile_overlayer_lowered:
.L_overlay_start_2:
0x31d: {  	(tag) =	ssettag $0x2  }
0x31e: {  	s0 =	rddreg [dreg:$0x0];
	s2 =	stileid.u32  }
0x31f: {  	s1 =	rddreg [dreg:$0x1];
	p0 =	sne.s32 s2, $0x0  }
0x320: {  	s3 =	rddreg [dreg:$0x2];
	[bflag:$0x3] =	sbarrier.arrive $0xFFFF;
	s2 =	simm.s32 @!p0 $0x1C05  }
0x321: {  	[timem:s3], [sflag:s2] =	dma.local @!p0 [hbm:s0], s1  }
0x322: {  	s0 =	simm.s32 @!p0 $0x5  }
0x323: {  	_ =	swait.ge @!p0 [sflag:s0], s1  }
0x324: {  	s1 =	ssub.s32 @!p0 $0x0, s1;
	[sflag:s0] =	ssyncset.done @!p0 $0x0  }
0x325: {  	[sflag:s0] =	ssyncadd.s32 @!p0 s1  }
0x326: {  	[bflag:$0x3] =	sbarrier.arrive $0xFFFF  }
0x327: {  	_ =	shalt  }

</sc_bundles>
